<compile_context>
chip_gen: v7x
topology: tpu7x:2x2x1
jax: 0.10.2.dev20260603
libtpu: 0.0.44.dev20260713+nightly
codegen_flags: <defaults>
</compile_context>

<pallas_src>
import functools

import jax
import jax.numpy as jnp
from jax import lax
from jax.experimental import pallas as pl
from jax.experimental.pallas import tpu as pltpu
from jax.experimental.pallas import tpu_sc as plsc

_B, _S, _D = 4, 8192, 768
_H = _D // 4
_K = _S // 2

_ROWS = _B * _S
_SCORE_BLK = 2048

_NC, _NS = 2, 16
_NW = _NC * _NS
_GROWS = _B * _K
_B_PER_W = _GROWS // _NW
_CHUNK = 64


def _erfc_f32(z):
    f = jnp.float32
    one = f(1.0)
    w = z * z
    p = w * f(7.85386146e-05) + f(-0.000801019371)
    p = p * w + f(0.00518832775)
    p = p * w + f(-0.0268538129)
    p = p * w + f(0.112835854)
    p = p * w + f(-0.37612626)
    p = p * w + f(1.12837911)
    small_res = one - z * p
    nw = -w
    e = jnp.exp(nw)
    t1 = e * (one / jnp.abs(z))
    r = one / w
    q1 = r * f(0.0232682) + f(-0.138703942)
    q1 = q1 * r + f(0.368742466)
    q1 = q1 * r + f(-0.582473278)
    q1 = q1 * r + f(0.621000469)
    q1 = q1 * r + f(-0.494451523)
    q1 = q1 * r + f(0.340488)
    q1 = q1 * r + f(-0.274112701)
    q1 = q1 * r + f(0.563825965)
    q2 = r * f(-10.477664) + f(12.9772)
    q2 = q2 * r + f(-7.49551868)
    q2 = q2 * r + f(2.92101908)
    q2 = q2 * r + f(-1.01526523)
    q2 = q2 * r + f(0.42184633)
    q2 = q2 * r + f(-0.282076746)
    q2 = q2 * r + f(0.564189494)
    sel_q = jnp.where(jnp.abs(z) < f(2.0), q1, q2)
    t2 = t1 * sel_q
    t3 = jnp.where(nw < f(-88.7228394), f(0.0), t2)
    big = jnp.where(z < f(0.0), f(2.0) - t3, t3)
    return jnp.where(jnp.abs(z) < one, small_res, big)


def _scores_body(x_ref, w1_ref, b1_ref, w2_ref, b2_ref, out_ref):
    f = jnp.float32
    hpre = jnp.dot(x_ref[...], w1_ref[...], preferred_element_type=jnp.float32)
    a = hpre + b1_ref[...]
    z = (-a) * f(0.707106769)
    g = (a * f(0.5)) * _erfc_f32(z)
    s = jnp.dot(g, w2_ref[...], preferred_element_type=jnp.float32)
    out_ref[...] = s + b2_ref[...]


def _mm1_body(x_ref, w1_ref, out_ref):
    out_ref[...] = jnp.dot(
        x_ref[...],
        w1_ref[...],
        preferred_element_type=jnp.float32,
        precision=lax.Precision.HIGHEST,
    )


def _compute_mm1(x2d, W1):
    return pl.pallas_call(
        _mm1_body,
        grid=(_ROWS // _SCORE_BLK,),
        in_specs=[
            pl.BlockSpec((_SCORE_BLK, _D), lambda i: (i, 0)),
            pl.BlockSpec((_D, _H), lambda i: (0, 0)),
        ],
        out_specs=pl.BlockSpec((_SCORE_BLK, _H), lambda i: (i, 0)),
        out_shape=jax.ShapeDtypeStruct((_ROWS, _H), jnp.float32),
    )(x2d, W1)


def _compute_scores(x2d, W1, b1, W2, b2):
    return pl.pallas_call(
        _scores_body,
        grid=(_ROWS // _SCORE_BLK,),
        in_specs=[
            pl.BlockSpec((_SCORE_BLK, _D), lambda i: (i, 0)),
            pl.BlockSpec((_D, _H), lambda i: (0, 0)),
            pl.BlockSpec((1, _H), lambda i: (0, 0)),
            pl.BlockSpec((_H, 1), lambda i: (0, 0)),
            pl.BlockSpec((1, 1), lambda i: (0, 0)),
        ],
        out_specs=pl.BlockSpec((_SCORE_BLK, 1), lambda i: (i, 0)),
        out_shape=jax.ShapeDtypeStruct((_ROWS, 1), jnp.float32),
    )(x2d, W1, b1.reshape(1, _H), W2, b2.reshape(1, 1))


_SR, _SL = 64, 128


def _sort_roll(arr, shift, axis):
    shift = shift % arr.shape[axis]
    if shift == 0:
        return arr
    if axis == 0:
        return jnp.concatenate([arr[-shift:, :], arr[:-shift, :]], axis=0)
    return jnp.concatenate([arr[:, -shift:], arr[:, :-shift]], axis=1)


def _sort_body(scores_ref, topk_ref, gidx_ref):
    b = pl.program_id(0)
    fkey = scores_ref[0]
    row = lax.broadcasted_iota(jnp.int32, (_SR, _SL), 0)
    lane = lax.broadcasted_iota(jnp.int32, (_SR, _SL), 1)
    idx = row * _SL + lane
    bits = jax.lax.bitcast_convert_type(fkey, jnp.int32)
    key = jnp.where(bits < 0, jnp.int32(0x7FFFFFFF) ^ bits, bits)

    def partner(arr, j):
        if j < _SL:
            up = _sort_roll(arr, -j, 1)
            dn = _sort_roll(arr, j, 1)
            upper = (lane & j) != 0
        else:
            jr = j // _SL
            up = _sort_roll(arr, -jr, 0)
            dn = _sort_roll(arr, jr, 0)
            upper = (row & jr) != 0
        return jnp.where(upper, dn, up), upper

    n = _SR * _SL
    ks = 2
    while ks <= n:
        j = ks // 2
        while j >= 1:
            pk, upper = partner(key, j)
            pi, _ = partner(idx, j)
            if ks < _SL:
                dir_desc = (lane & ks) != 0
            elif ks < n:
                dir_desc = (row & (ks // _SL)) != 0
            else:
                dir_desc = jnp.zeros((_SR, _SL), dtype=bool)
            before = (key > pk) | ((key == pk) & (idx < pi))
            keep = before ^ upper ^ dir_desc
            key = jnp.where(keep, key, pk)
            idx = jnp.where(keep, idx, pi)
            j //= 2
        ks *= 2

    topk_ref[0] = idx[: _K // _SL, :]
    gidx_ref[0] = idx[: _K // _SL, :] + b * _S


def _topk_sort(scores):
    scores3 = scores.reshape(_B, _SR, _SL)
    topk, gidx = pl.pallas_call(
        _sort_body,
        grid=(_B,),
        in_specs=[pl.BlockSpec((1, _SR, _SL), lambda b: (b, 0, 0))],
        out_specs=[
            pl.BlockSpec((1, _K // _SL, _SL), lambda b: (b, 0, 0)),
            pl.BlockSpec((1, _K // _SL, _SL), lambda b: (b, 0, 0)),
        ],
        out_shape=[
            jax.ShapeDtypeStruct((_B, _K // _SL, _SL), jnp.int32),
            jax.ShapeDtypeStruct((_B, _K // _SL, _SL), jnp.int32),
        ],
        compiler_params=pltpu.CompilerParams(
            dimension_semantics=("parallel",)
        ),
    )(scores3)
    return topk.reshape(_B, _K), gidx.reshape(_B * _K)


def _gather_selected(x2d, gidx):
    mesh = plsc.VectorSubcoreMesh(core_axis_name="c", subcore_axis_name="s")

    n_chunks = _B_PER_W // _CHUNK

    @functools.partial(
        pl.kernel,
        out_type=jax.ShapeDtypeStruct((_GROWS, _D), jnp.float32),
        mesh=mesh,
        scratch_types=[
            pltpu.VMEM((_B_PER_W,), jnp.int32),
            pltpu.VMEM((_CHUNK, _D), jnp.float32),
            pltpu.VMEM((_CHUNK, _D), jnp.float32),
            pltpu.SemaphoreType.DMA,
            pltpu.SemaphoreType.DMA,
        ],
    )
    def gather_kernel(table_hbm, idx_hbm, out_hbm, idx_v, buf0, buf1, gsem, wsem):
        wid = lax.axis_index("s") * _NC + lax.axis_index("c")
        base = wid * _B_PER_W
        pltpu.sync_copy(idx_hbm.at[pl.ds(base, _B_PER_W)], idx_v)
        bufs = (buf0, buf1)
        hg = [None] * n_chunks
        hw = [None] * n_chunks
        for i in range(n_chunks):
            if i >= 2:
                hw[i - 2].wait()
            hg[i] = pltpu.async_copy(
                table_hbm.at[idx_v.at[pl.ds(i * _CHUNK, _CHUNK)]],
                bufs[i % 2],
                gsem,
            )
            if i >= 1:
                hg[i - 1].wait()
                hw[i - 1] = pltpu.async_copy(
                    bufs[(i - 1) % 2],
                    out_hbm.at[pl.ds(base + (i - 1) * _CHUNK, _CHUNK)],
                    wsem,
                )
        i = n_chunks - 1
        hg[i].wait()
        hw[i] = pltpu.async_copy(
            bufs[i % 2], out_hbm.at[pl.ds(base + i * _CHUNK, _CHUNK)], wsem
        )
        hw[i - 1].wait()
        hw[i].wait()

    return gather_kernel(x2d, gidx)


def kernel(x, W1, b1, W2, b2):
    x2d = x.reshape(_ROWS, _D)
    h = jax.nn.gelu(x @ W1 + b1, approximate=False)
    scores = (h @ W2 + b2)[..., 0]
    topk_idx, gidx = _topk_sort(scores)
    selected = _gather_selected(x2d, gidx).reshape(_B, _K, _D)
    return selected, topk_idx, scores

# --- scband reference (transcript-rebuilt; emitter-appended) ---
"""Pipeline reference for scband-mo-dsegment-router-61615600828933 (READ-ONLY COPY).

The authoritative reference and input builder live on the scoring server;
editing this copy changes nothing except your own understanding.
"""

import jax, jax.numpy as jnp
import numpy as np

B, S, D = 4, 8192, 768
H = D // 4
CAPACITY_RATIO = 0.5

def setup_inputs(seed: int = 0) -> dict:
    key = jax.random.key(seed)
    ks = jax.random.split(key, 5)
    x = jax.random.normal(ks[0], (B, S, D), dtype=jnp.float32)
    # nn.Linear params: weight stored as [out, in] in torch; here use [in, out] matmul form
    W1 = jax.random.normal(ks[1], (D, H), dtype=jnp.float32) * (1.0 / np.sqrt(D))
    b1 = jax.random.uniform(ks[2], (H,), dtype=jnp.float32, minval=-1.0/np.sqrt(D), maxval=1.0/np.sqrt(D))
    W2 = jax.random.normal(ks[3], (H, 1), dtype=jnp.float32) * (1.0 / np.sqrt(H))
    b2 = jax.random.uniform(ks[4], (1,), dtype=jnp.float32, minval=-1.0/np.sqrt(H), maxval=1.0/np.sqrt(H))
    return {"x": x, "W1": W1, "b1": b1, "W2": W2, "b2": b2}

def reference(x, W1, b1, W2, b2):
    Bx, Sx, Dx = x.shape
    # router: Linear -> GELU(exact) -> Linear, squeeze last dim
    h = jax.nn.gelu(x @ W1 + b1, approximate=False)
    scores = (h @ W2 + b2)[..., 0]  # [B, S]
    k = max(1, int(Sx * CAPACITY_RATIO))
    k = min(k, Sx)
    topk_vals, topk_indices = jax.lax.top_k(scores, k)  # [B, k]
    selected = jnp.take_along_axis(x, topk_indices[..., None], axis=1)  # [B, k, D]
    return selected, topk_indices, scores

if __name__ == "__main__":
    import jax
    _d = setup_inputs()
    print(jax.jit(kernel)(*tuple(_d.values())))

</pallas_src>

<mosaic_0001>
#map = affine_map<(d0, d1) -> (0, 0)>
#map1 = affine_map<(d0, d1) -> (0)>
module attributes {stable_mosaic.version = 14 : i64} {
  func.func @gather_kernel(%arg0: i32, %arg1: i32, %arg2: memref<32768x768xf32, #tpu.memory_space<hbm>>, %arg3: memref<16384xi32, #tpu.memory_space<hbm>>, %arg4: memref<16384x768xf32, #tpu.memory_space<hbm>>, %arg5: memref<512xi32, #tpu.memory_space<vmem>>, %arg6: memref<64x768xf32, #tpu.memory_space<vmem>>, %arg7: memref<64x768xf32, #tpu.memory_space<vmem>>, %arg8: memref<!tpu.dma_semaphore, #tpu.memory_space<semaphore_mem>>, %arg9: memref<!tpu.dma_semaphore, #tpu.memory_space<semaphore_mem>>) attributes {dimension_semantics = [#tpu.dimension_semantics<core_parallel>, #tpu.dimension_semantics<subcore_parallel>], iteration_bounds = array<i64: 2, 16>, scalar_prefetch = 0 : i64, scratch_operands = 5 : i64, tpu.core_type = #tpu.core_type<sc_vector_subcore>, window_params = [{transform_indices = #map}, {transform_indices = #map1}, {transform_indices = #map}]} {
    %mul3A = arith.constant 2 : i32
    %mul3A_0 = arith.muli %arg1, %mul3A : i32
    %add3A = arith.addi %mul3A_0, %arg0 : i32
    %mul3A_1 = arith.constant 512 : i32
    %mul3A_2 = arith.muli %add3A, %mul3A_1 : i32
    "tpu.region"() ({
      %run_scoped3A = tpu.sem_alloc : memref<!tpu.dma_semaphore, #tpu.memory_space<semaphore_mem>>
      %dma_start3A_161 = tpu.memref_slice %arg3[%mul3A_2] : memref<16384xi32, #tpu.memory_space<hbm>> -> memref<512xi32, #tpu.memory_space<hbm>>
      %dma_start3A_162 = tpu.memref_slice %arg3[%mul3A_2] : memref<16384xi32, #tpu.memory_space<hbm>> -> memref<512xi32, #tpu.memory_space<hbm>>
      tpu.enqueue_dma source(%dma_start3A_162 : memref<512xi32, #tpu.memory_space<hbm>>) target(%arg5 : memref<512xi32, #tpu.memory_space<vmem>>) target_semaphore(%run_scoped3A : memref<!tpu.dma_semaphore, #tpu.memory_space<semaphore_mem>>)
      %dma_wait3A_163 = tpu.memref_slice %arg3[%mul3A_2] : memref<16384xi32, #tpu.memory_space<hbm>> -> memref<512xi32, #tpu.memory_space<hbm>>
      %dma_wait3A_164 = tpu.memref_slice %arg3[%mul3A_2] : memref<16384xi32, #tpu.memory_space<hbm>> -> memref<512xi32, #tpu.memory_space<hbm>>
      tpu.wait_dma2 semaphore(%run_scoped3A : memref<!tpu.dma_semaphore, #tpu.memory_space<semaphore_mem>>) src(%dma_wait3A_164 : memref<512xi32, #tpu.memory_space<hbm>>) dst(%arg5 : memref<512xi32, #tpu.memory_space<vmem>>)
      tpu.yield
    }) : () -> ()
    %dma_start3A = arith.constant 0 : i32
    %dma_start3A_3 = tpu.memref_slice %arg5[%dma_start3A] : memref<512xi32, #tpu.memory_space<vmem>> -> memref<64xi32, #tpu.memory_space<vmem>>
    %dma_start3A_4 = arith.constant 0 : i32
    %dma_start3A_5 = arith.constant 0 : i32
    %dma_start3A_6 = tpu.memref_slice %arg2[%dma_start3A_4, %dma_start3A_5] : memref<32768x768xf32, #tpu.memory_space<hbm>> -> memref<32768x768xf32, #tpu.memory_space<hbm>>
    tpu.enqueue_indirect_dma source(%dma_start3A_6 : memref<32768x768xf32, #tpu.memory_space<hbm>>) target(%arg6 : memref<64x768xf32, #tpu.memory_space<vmem>>) offsets(%dma_start3A_3 : memref<64xi32, #tpu.memory_space<vmem>>) semaphore(%arg8 : memref<!tpu.dma_semaphore, #tpu.memory_space<semaphore_mem>>)
    %dma_start3A_7 = arith.constant 64 : i32
    %dma_start3A_8 = tpu.memref_slice %arg5[%dma_start3A_7] : memref<512xi32, #tpu.memory_space<vmem>> -> memref<64xi32, #tpu.memory_space<vmem>>
    %dma_start3A_9 = arith.constant 0 : i32
    %dma_start3A_10 = arith.constant 0 : i32
    %dma_start3A_11 = tpu.memref_slice %arg2[%dma_start3A_9, %dma_start3A_10] : memref<32768x768xf32, #tpu.memory_space<hbm>> -> memref<32768x768xf32, #tpu.memory_space<hbm>>
    tpu.enqueue_indirect_dma source(%dma_start3A_11 : memref<32768x768xf32, #tpu.memory_space<hbm>>) target(%arg7 : memref<64x768xf32, #tpu.memory_space<vmem>>) offsets(%dma_start3A_8 : memref<64xi32, #tpu.memory_space<vmem>>) semaphore(%arg8 : memref<!tpu.dma_semaphore, #tpu.memory_space<semaphore_mem>>)
    %dma_wait3A = arith.constant 0 : i32
    %dma_wait3A_12 = tpu.memref_slice %arg5[%dma_wait3A] : memref<512xi32, #tpu.memory_space<vmem>> -> memref<64xi32, #tpu.memory_space<vmem>>
    %dma_wait3A_13 = arith.constant 0 : i32
    %dma_wait3A_14 = arith.constant 0 : i32
    %dma_wait3A_15 = tpu.memref_slice %arg2[%dma_wait3A_13, %dma_wait3A_14] : memref<32768x768xf32, #tpu.memory_space<hbm>> -> memref<32768x768xf32, #tpu.memory_space<hbm>>
    tpu.wait_indirect_dma semaphore(%arg8 : memref<!tpu.dma_semaphore, #tpu.memory_space<semaphore_mem>>) src(%dma_wait3A_15 : memref<32768x768xf32, #tpu.memory_space<hbm>>) dst(%arg6 : memref<64x768xf32, #tpu.memory_space<vmem>>)
    %add3A_16 = arith.constant 0 : i32
    %add3A_17 = arith.addi %mul3A_2, %add3A_16 : i32
    %dma_start3A_18 = arith.constant 0 : i32
    %dma_start3A_19 = tpu.memref_slice %arg4[%add3A_17, %dma_start3A_18] : memref<16384x768xf32, #tpu.memory_space<hbm>> -> memref<64x768xf32, #tpu.memory_space<hbm>>
    %dma_start3A_20 = arith.constant 0 : i32
    %dma_start3A_21 = tpu.memref_slice %arg4[%add3A_17, %dma_start3A_20] : memref<16384x768xf32, #tpu.memory_space<hbm>> -> memref<64x768xf32, #tpu.memory_space<hbm>>
    tpu.enqueue_dma source(%arg6 : memref<64x768xf32, #tpu.memory_space<vmem>>) target(%dma_start3A_21 : memref<64x768xf32, #tpu.memory_space<hbm>>) target_semaphore(%arg9 : memref<!tpu.dma_semaphore, #tpu.memory_space<semaphore_mem>>)
    %dma_wait3A_22 = arith.constant 0 : i32
    %dma_wait3A_23 = tpu.memref_slice %arg4[%add3A_17, %dma_wait3A_22] : memref<16384x768xf32, #tpu.memory_space<hbm>> -> memref<64x768xf32, #tpu.memory_space<hbm>>
    %dma_wait3A_24 = arith.constant 0 : i32
    %dma_wait3A_25 = tpu.memref_slice %arg4[%add3A_17, %dma_wait3A_24] : memref<16384x768xf32, #tpu.memory_space<hbm>> -> memref<64x768xf32, #tpu.memory_space<hbm>>
    tpu.wait_dma2 semaphore(%arg9 : memref<!tpu.dma_semaphore, #tpu.memory_space<semaphore_mem>>) src(%arg6 : memref<64x768xf32, #tpu.memory_space<vmem>>) dst(%dma_wait3A_25 : memref<64x768xf32, #tpu.memory_space<hbm>>)
    %dma_start3A_26 = arith.constant 128 : i32
    %dma_start3A_27 = tpu.memref_slice %arg5[%dma_start3A_26] : memref<512xi32, #tpu.memory_space<vmem>> -> memref<64xi32, #tpu.memory_space<vmem>>
    %dma_start3A_28 = arith.constant 0 : i32
    %dma_start3A_29 = arith.constant 0 : i32
    %dma_start3A_30 = tpu.memref_slice %arg2[%dma_start3A_28, %dma_start3A_29] : memref<32768x768xf32, #tpu.memory_space<hbm>> -> memref<32768x768xf32, #tpu.memory_space<hbm>>
    tpu.enqueue_indirect_dma source(%dma_start3A_30 : memref<32768x768xf32, #tpu.memory_space<hbm>>) target(%arg6 : memref<64x768xf32, #tpu.memory_space<vmem>>) offsets(%dma_start3A_27 : memref<64xi32, #tpu.memory_space<vmem>>) semaphore(%arg8 : memref<!tpu.dma_semaphore, #tpu.memory_space<semaphore_mem>>)
    %dma_wait3A_31 = arith.constant 64 : i32
    %dma_wait3A_32 = tpu.memref_slice %arg5[%dma_wait3A_31] : memref<512xi32, #tpu.memory_space<vmem>> -> memref<64xi32, #tpu.memory_space<vmem>>
    %dma_wait3A_33 = arith.constant 0 : i32
    %dma_wait3A_34 = arith.constant 0 : i32
    %dma_wait3A_35 = tpu.memref_slice %arg2[%dma_wait3A_33, %dma_wait3A_34] : memref<32768x768xf32, #tpu.memory_space<hbm>> -> memref<32768x768xf32, #tpu.memory_space<hbm>>
    tpu.wait_indirect_dma semaphore(%arg8 : memref<!tpu.dma_semaphore, #tpu.memory_space<semaphore_mem>>) src(%dma_wait3A_35 : memref<32768x768xf32, #tpu.memory_space<hbm>>) dst(%arg7 : memref<64x768xf32, #tpu.memory_space<vmem>>)
    %add3A_36 = arith.constant 64 : i32
    %add3A_37 = arith.addi %mul3A_2, %add3A_36 : i32
    %dma_start3A_38 = arith.constant 0 : i32
    %dma_start3A_39 = tpu.memref_slice %arg4[%add3A_37, %dma_start3A_38] : memref<16384x768xf32, #tpu.memory_space<hbm>> -> memref<64x768xf32, #tpu.memory_space<hbm>>
    %dma_start3A_40 = arith.constant 0 : i32
    %dma_start3A_41 = tpu.memref_slice %arg4[%add3A_37, %dma_start3A_40] : memref<16384x768xf32, #tpu.memory_space<hbm>> -> memref<64x768xf32, #tpu.memory_space<hbm>>
    tpu.enqueue_dma source(%arg7 : memref<64x768xf32, #tpu.memory_space<vmem>>) target(%dma_start3A_41 : memref<64x768xf32, #tpu.memory_space<hbm>>) target_semaphore(%arg9 : memref<!tpu.dma_semaphore, #tpu.memory_space<semaphore_mem>>)
    %dma_wait3A_42 = arith.constant 0 : i32
    %dma_wait3A_43 = tpu.memref_slice %arg4[%add3A_37, %dma_wait3A_42] : memref<16384x768xf32, #tpu.memory_space<hbm>> -> memref<64x768xf32, #tpu.memory_space<hbm>>
    %dma_wait3A_44 = arith.constant 0 : i32
    %dma_wait3A_45 = tpu.memref_slice %arg4[%add3A_37, %dma_wait3A_44] : memref<16384x768xf32, #tpu.memory_space<hbm>> -> memref<64x768xf32, #tpu.memory_space<hbm>>
    tpu.wait_dma2 semaphore(%arg9 : memref<!tpu.dma_semaphore, #tpu.memory_space<semaphore_mem>>) src(%arg7 : memref<64x768xf32, #tpu.memory_space<vmem>>) dst(%dma_wait3A_45 : memref<64x768xf32, #tpu.memory_space<hbm>>)
    %dma_start3A_46 = arith.constant 192 : i32
    %dma_start3A_47 = tpu.memref_slice %arg5[%dma_start3A_46] : memref<512xi32, #tpu.memory_space<vmem>> -> memref<64xi32, #tpu.memory_space<vmem>>
    %dma_start3A_48 = arith.constant 0 : i32
    %dma_start3A_49 = arith.constant 0 : i32
    %dma_start3A_50 = tpu.memref_slice %arg2[%dma_start3A_48, %dma_start3A_49] : memref<32768x768xf32, #tpu.memory_space<hbm>> -> memref<32768x768xf32, #tpu.memory_space<hbm>>
    tpu.enqueue_indirect_dma source(%dma_start3A_50 : memref<32768x768xf32, #tpu.memory_space<hbm>>) target(%arg7 : memref<64x768xf32, #tpu.memory_space<vmem>>) offsets(%dma_start3A_47 : memref<64xi32, #tpu.memory_space<vmem>>) semaphore(%arg8 : memref<!tpu.dma_semaphore, #tpu.memory_space<semaphore_mem>>)
    %dma_wait3A_51 = arith.constant 128 : i32
    %dma_wait3A_52 = tpu.memref_slice %arg5[%dma_wait3A_51] : memref<512xi32, #tpu.memory_space<vmem>> -> memref<64xi32, #tpu.memory_space<vmem>>
    %dma_wait3A_53 = arith.constant 0 : i32
    %dma_wait3A_54 = arith.constant 0 : i32
    %dma_wait3A_55 = tpu.memref_slice %arg2[%dma_wait3A_53, %dma_wait3A_54] : memref<32768x768xf32, #tpu.memory_space<hbm>> -> memref<32768x768xf32, #tpu.memory_space<hbm>>
    tpu.wait_indirect_dma semaphore(%arg8 : memref<!tpu.dma_semaphore, #tpu.memory_space<semaphore_mem>>) src(%dma_wait3A_55 : memref<32768x768xf32, #tpu.memory_space<hbm>>) dst(%arg6 : memref<64x768xf32, #tpu.memory_space<vmem>>)
    %add3A_56 = arith.constant 128 : i32
    %add3A_57 = arith.addi %mul3A_2, %add3A_56 : i32
    %dma_start3A_58 = arith.constant 0 : i32
    %dma_start3A_59 = tpu.memref_slice %arg4[%add3A_57, %dma_start3A_58] : memref<16384x768xf32, #tpu.memory_space<hbm>> -> memref<64x768xf32, #tpu.memory_space<hbm>>
    %dma_start3A_60 = arith.constant 0 : i32
    %dma_start3A_61 = tpu.memref_slice %arg4[%add3A_57, %dma_start3A_60] : memref<16384x768xf32, #tpu.memory_space<hbm>> -> memref<64x768xf32, #tpu.memory_space<hbm>>
    tpu.enqueue_dma source(%arg6 : memref<64x768xf32, #tpu.memory_space<vmem>>) target(%dma_start3A_61 : memref<64x768xf32, #tpu.memory_space<hbm>>) target_semaphore(%arg9 : memref<!tpu.dma_semaphore, #tpu.memory_space<semaphore_mem>>)
    %dma_wait3A_62 = arith.constant 0 : i32
    %dma_wait3A_63 = tpu.memref_slice %arg4[%add3A_57, %dma_wait3A_62] : memref<16384x768xf32, #tpu.memory_space<hbm>> -> memref<64x768xf32, #tpu.memory_space<hbm>>
    %dma_wait3A_64 = arith.constant 0 : i32
    %dma_wait3A_65 = tpu.memref_slice %arg4[%add3A_57, %dma_wait3A_64] : memref<16384x768xf32, #tpu.memory_space<hbm>> -> memref<64x768xf32, #tpu.memory_space<hbm>>
    tpu.wait_dma2 semaphore(%arg9 : memref<!tpu.dma_semaphore, #tpu.memory_space<semaphore_mem>>) src(%arg6 : memref<64x768xf32, #tpu.memory_space<vmem>>) dst(%dma_wait3A_65 : memref<64x768xf32, #tpu.memory_space<hbm>>)
    %dma_start3A_66 = arith.constant 256 : i32
    %dma_start3A_67 = tpu.memref_slice %arg5[%dma_start3A_66] : memref<512xi32, #tpu.memory_space<vmem>> -> memref<64xi32, #tpu.memory_space<vmem>>
    %dma_start3A_68 = arith.constant 0 : i32
    %dma_start3A_69 = arith.constant 0 : i32
    %dma_start3A_70 = tpu.memref_slice %arg2[%dma_start3A_68, %dma_start3A_69] : memref<32768x768xf32, #tpu.memory_space<hbm>> -> memref<32768x768xf32, #tpu.memory_space<hbm>>
    tpu.enqueue_indirect_dma source(%dma_start3A_70 : memref<32768x768xf32, #tpu.memory_space<hbm>>) target(%arg6 : memref<64x768xf32, #tpu.memory_space<vmem>>) offsets(%dma_start3A_67 : memref<64xi32, #tpu.memory_space<vmem>>) semaphore(%arg8 : memref<!tpu.dma_semaphore, #tpu.memory_space<semaphore_mem>>)
    %dma_wait3A_71 = arith.constant 192 : i32
    %dma_wait3A_72 = tpu.memref_slice %arg5[%dma_wait3A_71] : memref<512xi32, #tpu.memory_space<vmem>> -> memref<64xi32, #tpu.memory_space<vmem>>
    %dma_wait3A_73 = arith.constant 0 : i32
    %dma_wait3A_74 = arith.constant 0 : i32
    %dma_wait3A_75 = tpu.memref_slice %arg2[%dma_wait3A_73, %dma_wait3A_74] : memref<32768x768xf32, #tpu.memory_space<hbm>> -> memref<32768x768xf32, #tpu.memory_space<hbm>>
    tpu.wait_indirect_dma semaphore(%arg8 : memref<!tpu.dma_semaphore, #tpu.memory_space<semaphore_mem>>) src(%dma_wait3A_75 : memref<32768x768xf32, #tpu.memory_space<hbm>>) dst(%arg7 : memref<64x768xf32, #tpu.memory_space<vmem>>)
    %add3A_76 = arith.constant 192 : i32
    %add3A_77 = arith.addi %mul3A_2, %add3A_76 : i32
    %dma_start3A_78 = arith.constant 0 : i32
    %dma_start3A_79 = tpu.memref_slice %arg4[%add3A_77, %dma_start3A_78] : memref<16384x768xf32, #tpu.memory_space<hbm>> -> memref<64x768xf32, #tpu.memory_space<hbm>>
    %dma_start3A_80 = arith.constant 0 : i32
    %dma_start3A_81 = tpu.memref_slice %arg4[%add3A_77, %dma_start3A_80] : memref<16384x768xf32, #tpu.memory_space<hbm>> -> memref<64x768xf32, #tpu.memory_space<hbm>>
    tpu.enqueue_dma source(%arg7 : memref<64x768xf32, #tpu.memory_space<vmem>>) target(%dma_start3A_81 : memref<64x768xf32, #tpu.memory_space<hbm>>) target_semaphore(%arg9 : memref<!tpu.dma_semaphore, #tpu.memory_space<semaphore_mem>>)
    %dma_wait3A_82 = arith.constant 0 : i32
    %dma_wait3A_83 = tpu.memref_slice %arg4[%add3A_77, %dma_wait3A_82] : memref<16384x768xf32, #tpu.memory_space<hbm>> -> memref<64x768xf32, #tpu.memory_space<hbm>>
    %dma_wait3A_84 = arith.constant 0 : i32
    %dma_wait3A_85 = tpu.memref_slice %arg4[%add3A_77, %dma_wait3A_84] : memref<16384x768xf32, #tpu.memory_space<hbm>> -> memref<64x768xf32, #tpu.memory_space<hbm>>
    tpu.wait_dma2 semaphore(%arg9 : memref<!tpu.dma_semaphore, #tpu.memory_space<semaphore_mem>>) src(%arg7 : memref<64x768xf32, #tpu.memory_space<vmem>>) dst(%dma_wait3A_85 : memref<64x768xf32, #tpu.memory_space<hbm>>)
    %dma_start3A_86 = arith.constant 320 : i32
    %dma_start3A_87 = tpu.memref_slice %arg5[%dma_start3A_86] : memref<512xi32, #tpu.memory_space<vmem>> -> memref<64xi32, #tpu.memory_space<vmem>>
    %dma_start3A_88 = arith.constant 0 : i32
    %dma_start3A_89 = arith.constant 0 : i32
    %dma_start3A_90 = tpu.memref_slice %arg2[%dma_start3A_88, %dma_start3A_89] : memref<32768x768xf32, #tpu.memory_space<hbm>> -> memref<32768x768xf32, #tpu.memory_space<hbm>>
    tpu.enqueue_indirect_dma source(%dma_start3A_90 : memref<32768x768xf32, #tpu.memory_space<hbm>>) target(%arg7 : memref<64x768xf32, #tpu.memory_space<vmem>>) offsets(%dma_start3A_87 : memref<64xi32, #tpu.memory_space<vmem>>) semaphore(%arg8 : memref<!tpu.dma_semaphore, #tpu.memory_space<semaphore_mem>>)
    %dma_wait3A_91 = arith.constant 256 : i32
    %dma_wait3A_92 = tpu.memref_slice %arg5[%dma_wait3A_91] : memref<512xi32, #tpu.memory_space<vmem>> -> memref<64xi32, #tpu.memory_space<vmem>>
    %dma_wait3A_93 = arith.constant 0 : i32
    %dma_wait3A_94 = arith.constant 0 : i32
    %dma_wait3A_95 = tpu.memref_slice %arg2[%dma_wait3A_93, %dma_wait3A_94] : memref<32768x768xf32, #tpu.memory_space<hbm>> -> memref<32768x768xf32, #tpu.memory_space<hbm>>
    tpu.wait_indirect_dma semaphore(%arg8 : memref<!tpu.dma_semaphore, #tpu.memory_space<semaphore_mem>>) src(%dma_wait3A_95 : memref<32768x768xf32, #tpu.memory_space<hbm>>) dst(%arg6 : memref<64x768xf32, #tpu.memory_space<vmem>>)
    %add3A_96 = arith.constant 256 : i32
    %add3A_97 = arith.addi %mul3A_2, %add3A_96 : i32
    %dma_start3A_98 = arith.constant 0 : i32
    %dma_start3A_99 = tpu.memref_slice %arg4[%add3A_97, %dma_start3A_98] : memref<16384x768xf32, #tpu.memory_space<hbm>> -> memref<64x768xf32, #tpu.memory_space<hbm>>
    %dma_start3A_100 = arith.constant 0 : i32
    %dma_start3A_101 = tpu.memref_slice %arg4[%add3A_97, %dma_start3A_100] : memref<16384x768xf32, #tpu.memory_space<hbm>> -> memref<64x768xf32, #tpu.memory_space<hbm>>
    tpu.enqueue_dma source(%arg6 : memref<64x768xf32, #tpu.memory_space<vmem>>) target(%dma_start3A_101 : memref<64x768xf32, #tpu.memory_space<hbm>>) target_semaphore(%arg9 : memref<!tpu.dma_semaphore, #tpu.memory_space<semaphore_mem>>)
    %dma_wait3A_102 = arith.constant 0 : i32
    %dma_wait3A_103 = tpu.memref_slice %arg4[%add3A_97, %dma_wait3A_102] : memref<16384x768xf32, #tpu.memory_space<hbm>> -> memref<64x768xf32, #tpu.memory_space<hbm>>
    %dma_wait3A_104 = arith.constant 0 : i32
    %dma_wait3A_105 = tpu.memref_slice %arg4[%add3A_97, %dma_wait3A_104] : memref<16384x768xf32, #tpu.memory_space<hbm>> -> memref<64x768xf32, #tpu.memory_space<hbm>>
    tpu.wait_dma2 semaphore(%arg9 : memref<!tpu.dma_semaphore, #tpu.memory_space<semaphore_mem>>) src(%arg6 : memref<64x768xf32, #tpu.memory_space<vmem>>) dst(%dma_wait3A_105 : memref<64x768xf32, #tpu.memory_space<hbm>>)
    %dma_start3A_106 = arith.constant 384 : i32
    %dma_start3A_107 = tpu.memref_slice %arg5[%dma_start3A_106] : memref<512xi32, #tpu.memory_space<vmem>> -> memref<64xi32, #tpu.memory_space<vmem>>
    %dma_start3A_108 = arith.constant 0 : i32
    %dma_start3A_109 = arith.constant 0 : i32
    %dma_start3A_110 = tpu.memref_slice %arg2[%dma_start3A_108, %dma_start3A_109] : memref<32768x768xf32, #tpu.memory_space<hbm>> -> memref<32768x768xf32, #tpu.memory_space<hbm>>
    tpu.enqueue_indirect_dma source(%dma_start3A_110 : memref<32768x768xf32, #tpu.memory_space<hbm>>) target(%arg6 : memref<64x768xf32, #tpu.memory_space<vmem>>) offsets(%dma_start3A_107 : memref<64xi32, #tpu.memory_space<vmem>>) semaphore(%arg8 : memref<!tpu.dma_semaphore, #tpu.memory_space<semaphore_mem>>)
    %dma_wait3A_111 = arith.constant 320 : i32
    %dma_wait3A_112 = tpu.memref_slice %arg5[%dma_wait3A_111] : memref<512xi32, #tpu.memory_space<vmem>> -> memref<64xi32, #tpu.memory_space<vmem>>
    %dma_wait3A_113 = arith.constant 0 : i32
    %dma_wait3A_114 = arith.constant 0 : i32
    %dma_wait3A_115 = tpu.memref_slice %arg2[%dma_wait3A_113, %dma_wait3A_114] : memref<32768x768xf32, #tpu.memory_space<hbm>> -> memref<32768x768xf32, #tpu.memory_space<hbm>>
    tpu.wait_indirect_dma semaphore(%arg8 : memref<!tpu.dma_semaphore, #tpu.memory_space<semaphore_mem>>) src(%dma_wait3A_115 : memref<32768x768xf32, #tpu.memory_space<hbm>>) dst(%arg7 : memref<64x768xf32, #tpu.memory_space<vmem>>)
    %add3A_116 = arith.constant 320 : i32
    %add3A_117 = arith.addi %mul3A_2, %add3A_116 : i32
    %dma_start3A_118 = arith.constant 0 : i32
    %dma_start3A_119 = tpu.memref_slice %arg4[%add3A_117, %dma_start3A_118] : memref<16384x768xf32, #tpu.memory_space<hbm>> -> memref<64x768xf32, #tpu.memory_space<hbm>>
    %dma_start3A_120 = arith.constant 0 : i32
    %dma_start3A_121 = tpu.memref_slice %arg4[%add3A_117, %dma_start3A_120] : memref<16384x768xf32, #tpu.memory_space<hbm>> -> memref<64x768xf32, #tpu.memory_space<hbm>>
    tpu.enqueue_dma source(%arg7 : memref<64x768xf32, #tpu.memory_space<vmem>>) target(%dma_start3A_121 : memref<64x768xf32, #tpu.memory_space<hbm>>) target_semaphore(%arg9 : memref<!tpu.dma_semaphore, #tpu.memory_space<semaphore_mem>>)
    %dma_wait3A_122 = arith.constant 0 : i32
    %dma_wait3A_123 = tpu.memref_slice %arg4[%add3A_117, %dma_wait3A_122] : memref<16384x768xf32, #tpu.memory_space<hbm>> -> memref<64x768xf32, #tpu.memory_space<hbm>>
    %dma_wait3A_124 = arith.constant 0 : i32
    %dma_wait3A_125 = tpu.memref_slice %arg4[%add3A_117, %dma_wait3A_124] : memref<16384x768xf32, #tpu.memory_space<hbm>> -> memref<64x768xf32, #tpu.memory_space<hbm>>
    tpu.wait_dma2 semaphore(%arg9 : memref<!tpu.dma_semaphore, #tpu.memory_space<semaphore_mem>>) src(%arg7 : memref<64x768xf32, #tpu.memory_space<vmem>>) dst(%dma_wait3A_125 : memref<64x768xf32, #tpu.memory_space<hbm>>)
    %dma_start3A_126 = arith.constant 448 : i32
    %dma_start3A_127 = tpu.memref_slice %arg5[%dma_start3A_126] : memref<512xi32, #tpu.memory_space<vmem>> -> memref<64xi32, #tpu.memory_space<vmem>>
    %dma_start3A_128 = arith.constant 0 : i32
    %dma_start3A_129 = arith.constant 0 : i32
    %dma_start3A_130 = tpu.memref_slice %arg2[%dma_start3A_128, %dma_start3A_129] : memref<32768x768xf32, #tpu.memory_space<hbm>> -> memref<32768x768xf32, #tpu.memory_space<hbm>>
    tpu.enqueue_indirect_dma source(%dma_start3A_130 : memref<32768x768xf32, #tpu.memory_space<hbm>>) target(%arg7 : memref<64x768xf32, #tpu.memory_space<vmem>>) offsets(%dma_start3A_127 : memref<64xi32, #tpu.memory_space<vmem>>) semaphore(%arg8 : memref<!tpu.dma_semaphore, #tpu.memory_space<semaphore_mem>>)
    %dma_wait3A_131 = arith.constant 384 : i32
    %dma_wait3A_132 = tpu.memref_slice %arg5[%dma_wait3A_131] : memref<512xi32, #tpu.memory_space<vmem>> -> memref<64xi32, #tpu.memory_space<vmem>>
    %dma_wait3A_133 = arith.constant 0 : i32
    %dma_wait3A_134 = arith.constant 0 : i32
    %dma_wait3A_135 = tpu.memref_slice %arg2[%dma_wait3A_133, %dma_wait3A_134] : memref<32768x768xf32, #tpu.memory_space<hbm>> -> memref<32768x768xf32, #tpu.memory_space<hbm>>
    tpu.wait_indirect_dma semaphore(%arg8 : memref<!tpu.dma_semaphore, #tpu.memory_space<semaphore_mem>>) src(%dma_wait3A_135 : memref<32768x768xf32, #tpu.memory_space<hbm>>) dst(%arg6 : memref<64x768xf32, #tpu.memory_space<vmem>>)
    %add3A_136 = arith.constant 384 : i32
    %add3A_137 = arith.addi %mul3A_2, %add3A_136 : i32
    %dma_start3A_138 = arith.constant 0 : i32
    %dma_start3A_139 = tpu.memref_slice %arg4[%add3A_137, %dma_start3A_138] : memref<16384x768xf32, #tpu.memory_space<hbm>> -> memref<64x768xf32, #tpu.memory_space<hbm>>
    %dma_start3A_140 = arith.constant 0 : i32
    %dma_start3A_141 = tpu.memref_slice %arg4[%add3A_137, %dma_start3A_140] : memref<16384x768xf32, #tpu.memory_space<hbm>> -> memref<64x768xf32, #tpu.memory_space<hbm>>
    tpu.enqueue_dma source(%arg6 : memref<64x768xf32, #tpu.memory_space<vmem>>) target(%dma_start3A_141 : memref<64x768xf32, #tpu.memory_space<hbm>>) target_semaphore(%arg9 : memref<!tpu.dma_semaphore, #tpu.memory_space<semaphore_mem>>)
    %dma_wait3A_142 = arith.constant 448 : i32
    %dma_wait3A_143 = tpu.memref_slice %arg5[%dma_wait3A_142] : memref<512xi32, #tpu.memory_space<vmem>> -> memref<64xi32, #tpu.memory_space<vmem>>
    %dma_wait3A_144 = arith.constant 0 : i32
    %dma_wait3A_145 = arith.constant 0 : i32
    %dma_wait3A_146 = tpu.memref_slice %arg2[%dma_wait3A_144, %dma_wait3A_145] : memref<32768x768xf32, #tpu.memory_space<hbm>> -> memref<32768x768xf32, #tpu.memory_space<hbm>>
    tpu.wait_indirect_dma semaphore(%arg8 : memref<!tpu.dma_semaphore, #tpu.memory_space<semaphore_mem>>) src(%dma_wait3A_146 : memref<32768x768xf32, #tpu.memory_space<hbm>>) dst(%arg7 : memref<64x768xf32, #tpu.memory_space<vmem>>)
    %add3A_147 = arith.constant 448 : i32
    %add3A_148 = arith.addi %mul3A_2, %add3A_147 : i32
    %dma_start3A_149 = arith.constant 0 : i32
    %dma_start3A_150 = tpu.memref_slice %arg4[%add3A_148, %dma_start3A_149] : memref<16384x768xf32, #tpu.memory_space<hbm>> -> memref<64x768xf32, #tpu.memory_space<hbm>>
    %dma_start3A_151 = arith.constant 0 : i32
    %dma_start3A_152 = tpu.memref_slice %arg4[%add3A_148, %dma_start3A_151] : memref<16384x768xf32, #tpu.memory_space<hbm>> -> memref<64x768xf32, #tpu.memory_space<hbm>>
    tpu.enqueue_dma source(%arg7 : memref<64x768xf32, #tpu.memory_space<vmem>>) target(%dma_start3A_152 : memref<64x768xf32, #tpu.memory_space<hbm>>) target_semaphore(%arg9 : memref<!tpu.dma_semaphore, #tpu.memory_space<semaphore_mem>>)
    %dma_wait3A_153 = arith.constant 0 : i32
    %dma_wait3A_154 = tpu.memref_slice %arg4[%add3A_137, %dma_wait3A_153] : memref<16384x768xf32, #tpu.memory_space<hbm>> -> memref<64x768xf32, #tpu.memory_space<hbm>>
    %dma_wait3A_155 = arith.constant 0 : i32
    %dma_wait3A_156 = tpu.memref_slice %arg4[%add3A_137, %dma_wait3A_155] : memref<16384x768xf32, #tpu.memory_space<hbm>> -> memref<64x768xf32, #tpu.memory_space<hbm>>
    tpu.wait_dma2 semaphore(%arg9 : memref<!tpu.dma_semaphore, #tpu.memory_space<semaphore_mem>>) src(%arg6 : memref<64x768xf32, #tpu.memory_space<vmem>>) dst(%dma_wait3A_156 : memref<64x768xf32, #tpu.memory_space<hbm>>)
    %dma_wait3A_157 = arith.constant 0 : i32
    %dma_wait3A_158 = tpu.memref_slice %arg4[%add3A_148, %dma_wait3A_157] : memref<16384x768xf32, #tpu.memory_space<hbm>> -> memref<64x768xf32, #tpu.memory_space<hbm>>
    %dma_wait3A_159 = arith.constant 0 : i32
    %dma_wait3A_160 = tpu.memref_slice %arg4[%add3A_148, %dma_wait3A_159] : memref<16384x768xf32, #tpu.memory_space<hbm>> -> memref<64x768xf32, #tpu.memory_space<hbm>>
    tpu.wait_dma2 semaphore(%arg9 : memref<!tpu.dma_semaphore, #tpu.memory_space<semaphore_mem>>) src(%arg7 : memref<64x768xf32, #tpu.memory_space<vmem>>) dst(%dma_wait3A_160 : memref<64x768xf32, #tpu.memory_space<hbm>>)
    return
  }
}

module attributes {stable_mosaic.version = 14 : i64} {
  func.func @_sort_body(%arg0: i32, %arg1: memref<1x64x128xf32, #tpu.memory_space<vmem>>, %arg2: memref<1x32x128xi32, #tpu.memory_space<vmem>>, %arg3: memref<1x32x128xi32, #tpu.memory_space<vmem>>) attributes {dimension_semantics = [#tpu.dimension_semantics<parallel>], iteration_bounds = array<i64: 4>, scalar_prefetch = 0 : i64, scratch_operands = 0 : i64, tpu.core_type = #tpu.core_type<tc>, window_params = [{transform_indices = @transform_0, window_bounds = array<i64: 1, 64, 128>}, {transform_indices = @transform_1, window_bounds = array<i64: 1, 32, 128>}, {transform_indices = @transform_2, window_bounds = array<i64: 1, 32, 128>}]} {
    %get3A = arith.constant 0 : index
    %get3A_0 = arith.constant 0 : index
    %get3A_1 = arith.constant 0 : index
    %get3A_2 = vector.load %arg1[%get3A, %get3A_0, %get3A_1] : memref<1x64x128xf32, #tpu.memory_space<vmem>>, vector<1x64x128xf32>
    %get3A_3 = vector.shape_cast %get3A_2 : vector<1x64x128xf32> to vector<64x128xf32>
    %iota3A = tpu.iota {dimensions = array<i32: 0>} : vector<64x128xi32>
    %iota3A_4 = tpu.iota {dimensions = array<i32: 1>} : vector<64x128xi32>
    %mul3A = arith.constant 128 : i32
    %mul3A_5 = vector.broadcast %mul3A : i32 to vector<64x128xi32>
    %mul3A_6 = arith.muli %iota3A, %mul3A_5 : vector<64x128xi32>
    %add3A = arith.addi %mul3A_6, %iota3A_4 : vector<64x128xi32>
    %bitcast_convert_type3A = tpu.bitcast %get3A_3 : vector<64x128xf32> -> vector<64x128xi32>
    %lt3A = arith.constant 0 : i32
    %lt3A_7 = vector.broadcast %lt3A : i32 to vector<64x128xi32>
    %lt3A_8 = arith.cmpi slt, %bitcast_convert_type3A, %lt3A_7 : vector<64x128xi32>
    %xor3A = arith.constant 2147483647 : i32
    %xor3A_9 = vector.broadcast %xor3A : i32 to vector<64x128xi32>
    %xor3A_10 = arith.xori %xor3A_9, %bitcast_convert_type3A : vector<64x128xi32>
    %select_n3A = arith.select %lt3A_8, %xor3A_10, %bitcast_convert_type3A : vector<64x128xi1>, vector<64x128xi32>
    %slice3A = vector.extract_strided_slice %select_n3A {offsets = [0, 1], sizes = [64, 127], strides = [1, 1]} : vector<64x128xi32> to vector<64x127xi32>
    %slice3A_11 = vector.extract_strided_slice %select_n3A {offsets = [0, 0], sizes = [64, 1], strides = [1, 1]} : vector<64x128xi32> to vector<64x1xi32>
    %concatenate3A = tpu.concatenate %slice3A, %slice3A_11 in 1 : vector<64x127xi32>, vector<64x1xi32> -> vector<64x128xi32>
    %slice3A_12 = vector.extract_strided_slice %select_n3A {offsets = [0, 127], sizes = [64, 1], strides = [1, 1]} : vector<64x128xi32> to vector<64x1xi32>
    %slice3A_13 = vector.extract_strided_slice %select_n3A {offsets = [0, 0], sizes = [64, 127], strides = [1, 1]} : vector<64x128xi32> to vector<64x127xi32>
    %concatenate3A_14 = tpu.concatenate %slice3A_12, %slice3A_13 in 1 : vector<64x1xi32>, vector<64x127xi32> -> vector<64x128xi32>
    %and3A = arith.constant 1 : i32
    %and3A_15 = vector.broadcast %and3A : i32 to vector<64x128xi32>
    %and3A_16 = arith.andi %iota3A_4, %and3A_15 : vector<64x128xi32>
    %ne3A = arith.constant 0 : i32
    %ne3A_17 = vector.broadcast %ne3A : i32 to vector<64x128xi32>
    %ne3A_18 = arith.cmpi ne, %and3A_16, %ne3A_17 : vector<64x128xi32>
    %select_n3A_19 = arith.select %ne3A_18, %concatenate3A_14, %concatenate3A : vector<64x128xi1>, vector<64x128xi32>
    %slice3A_20 = vector.extract_strided_slice %add3A {offsets = [0, 1], sizes = [64, 127], strides = [1, 1]} : vector<64x128xi32> to vector<64x127xi32>
    %slice3A_21 = vector.extract_strided_slice %add3A {offsets = [0, 0], sizes = [64, 1], strides = [1, 1]} : vector<64x128xi32> to vector<64x1xi32>
    %concatenate3A_22 = tpu.concatenate %slice3A_20, %slice3A_21 in 1 : vector<64x127xi32>, vector<64x1xi32> -> vector<64x128xi32>
    %slice3A_23 = vector.extract_strided_slice %add3A {offsets = [0, 127], sizes = [64, 1], strides = [1, 1]} : vector<64x128xi32> to vector<64x1xi32>
    %slice3A_24 = vector.extract_strided_slice %add3A {offsets = [0, 0], sizes = [64, 127], strides = [1, 1]} : vector<64x128xi32> to vector<64x127xi32>
    %concatenate3A_25 = tpu.concatenate %slice3A_23, %slice3A_24 in 1 : vector<64x1xi32>, vector<64x127xi32> -> vector<64x128xi32>
    %and3A_26 = arith.constant 1 : i32
    %and3A_27 = vector.broadcast %and3A_26 : i32 to vector<64x128xi32>
    %and3A_28 = arith.andi %iota3A_4, %and3A_27 : vector<64x128xi32>
    %ne3A_29 = arith.constant 0 : i32
    %ne3A_30 = vector.broadcast %ne3A_29 : i32 to vector<64x128xi32>
    %ne3A_31 = arith.cmpi ne, %and3A_28, %ne3A_30 : vector<64x128xi32>
    %select_n3A_32 = arith.select %ne3A_31, %concatenate3A_25, %concatenate3A_22 : vector<64x128xi1>, vector<64x128xi32>
    %and3A_33 = arith.constant 2 : i32
    %and3A_34 = vector.broadcast %and3A_33 : i32 to vector<64x128xi32>
    %and3A_35 = arith.andi %iota3A_4, %and3A_34 : vector<64x128xi32>
    %ne3A_36 = arith.constant 0 : i32
    %ne3A_37 = vector.broadcast %ne3A_36 : i32 to vector<64x128xi32>
    %ne3A_38 = arith.cmpi ne, %and3A_35, %ne3A_37 : vector<64x128xi32>
    %gt3A = arith.cmpi sgt, %select_n3A, %select_n3A_19 : vector<64x128xi32>
    %eq3A = arith.cmpi eq, %select_n3A, %select_n3A_19 : vector<64x128xi32>
    %lt3A_39 = arith.cmpi slt, %add3A, %select_n3A_32 : vector<64x128xi32>
    %and3A_40 = arith.andi %eq3A, %lt3A_39 : vector<64x128xi1>
    %or3A = arith.ori %gt3A, %and3A_40 : vector<64x128xi1>
    %xor3A_41 = arith.xori %or3A, %ne3A_18 : vector<64x128xi1>
    %xor3A_42 = arith.xori %xor3A_41, %ne3A_38 : vector<64x128xi1>
    %select_n3A_43 = arith.select %xor3A_42, %select_n3A, %select_n3A_19 : vector<64x128xi1>, vector<64x128xi32>
    %select_n3A_44 = arith.select %xor3A_42, %add3A, %select_n3A_32 : vector<64x128xi1>, vector<64x128xi32>
    %slice3A_45 = vector.extract_strided_slice %select_n3A_43 {offsets = [0, 2], sizes = [64, 126], strides = [1, 1]} : vector<64x128xi32> to vector<64x126xi32>
    %slice3A_46 = vector.extract_strided_slice %select_n3A_43 {offsets = [0, 0], sizes = [64, 2], strides = [1, 1]} : vector<64x128xi32> to vector<64x2xi32>
    %concatenate3A_47 = tpu.concatenate %slice3A_45, %slice3A_46 in 1 : vector<64x126xi32>, vector<64x2xi32> -> vector<64x128xi32>
    %slice3A_48 = vector.extract_strided_slice %select_n3A_43 {offsets = [0, 126], sizes = [64, 2], strides = [1, 1]} : vector<64x128xi32> to vector<64x2xi32>
    %slice3A_49 = vector.extract_strided_slice %select_n3A_43 {offsets = [0, 0], sizes = [64, 126], strides = [1, 1]} : vector<64x128xi32> to vector<64x126xi32>
    %concatenate3A_50 = tpu.concatenate %slice3A_48, %slice3A_49 in 1 : vector<64x2xi32>, vector<64x126xi32> -> vector<64x128xi32>
    %and3A_51 = arith.constant 2 : i32
    %and3A_52 = vector.broadcast %and3A_51 : i32 to vector<64x128xi32>
    %and3A_53 = arith.andi %iota3A_4, %and3A_52 : vector<64x128xi32>
    %ne3A_54 = arith.constant 0 : i32
    %ne3A_55 = vector.broadcast %ne3A_54 : i32 to vector<64x128xi32>
    %ne3A_56 = arith.cmpi ne, %and3A_53, %ne3A_55 : vector<64x128xi32>
    %select_n3A_57 = arith.select %ne3A_56, %concatenate3A_50, %concatenate3A_47 : vector<64x128xi1>, vector<64x128xi32>
    %slice3A_58 = vector.extract_strided_slice %select_n3A_44 {offsets = [0, 2], sizes = [64, 126], strides = [1, 1]} : vector<64x128xi32> to vector<64x126xi32>
    %slice3A_59 = vector.extract_strided_slice %select_n3A_44 {offsets = [0, 0], sizes = [64, 2], strides = [1, 1]} : vector<64x128xi32> to vector<64x2xi32>
    %concatenate3A_60 = tpu.concatenate %slice3A_58, %slice3A_59 in 1 : vector<64x126xi32>, vector<64x2xi32> -> vector<64x128xi32>
    %slice3A_61 = vector.extract_strided_slice %select_n3A_44 {offsets = [0, 126], sizes = [64, 2], strides = [1, 1]} : vector<64x128xi32> to vector<64x2xi32>
    %slice3A_62 = vector.extract_strided_slice %select_n3A_44 {offsets = [0, 0], sizes = [64, 126], strides = [1, 1]} : vector<64x128xi32> to vector<64x126xi32>
    %concatenate3A_63 = tpu.concatenate %slice3A_61, %slice3A_62 in 1 : vector<64x2xi32>, vector<64x126xi32> -> vector<64x128xi32>
    %and3A_64 = arith.constant 2 : i32
    %and3A_65 = vector.broadcast %and3A_64 : i32 to vector<64x128xi32>
    %and3A_66 = arith.andi %iota3A_4, %and3A_65 : vector<64x128xi32>
    %ne3A_67 = arith.constant 0 : i32
    %ne3A_68 = vector.broadcast %ne3A_67 : i32 to vector<64x128xi32>
    %ne3A_69 = arith.cmpi ne, %and3A_66, %ne3A_68 : vector<64x128xi32>
    %select_n3A_70 = arith.select %ne3A_69, %concatenate3A_63, %concatenate3A_60 : vector<64x128xi1>, vector<64x128xi32>
    %and3A_71 = arith.constant 4 : i32
    %and3A_72 = vector.broadcast %and3A_71 : i32 to vector<64x128xi32>
    %and3A_73 = arith.andi %iota3A_4, %and3A_72 : vector<64x128xi32>
    %ne3A_74 = arith.constant 0 : i32
    %ne3A_75 = vector.broadcast %ne3A_74 : i32 to vector<64x128xi32>
    %ne3A_76 = arith.cmpi ne, %and3A_73, %ne3A_75 : vector<64x128xi32>
    %gt3A_77 = arith.cmpi sgt, %select_n3A_43, %select_n3A_57 : vector<64x128xi32>
    %eq3A_78 = arith.cmpi eq, %select_n3A_43, %select_n3A_57 : vector<64x128xi32>
    %lt3A_79 = arith.cmpi slt, %select_n3A_44, %select_n3A_70 : vector<64x128xi32>
    %and3A_80 = arith.andi %eq3A_78, %lt3A_79 : vector<64x128xi1>
    %or3A_81 = arith.ori %gt3A_77, %and3A_80 : vector<64x128xi1>
    %xor3A_82 = arith.xori %or3A_81, %ne3A_56 : vector<64x128xi1>
    %xor3A_83 = arith.xori %xor3A_82, %ne3A_76 : vector<64x128xi1>
    %select_n3A_84 = arith.select %xor3A_83, %select_n3A_43, %select_n3A_57 : vector<64x128xi1>, vector<64x128xi32>
    %select_n3A_85 = arith.select %xor3A_83, %select_n3A_44, %select_n3A_70 : vector<64x128xi1>, vector<64x128xi32>
    %slice3A_86 = vector.extract_strided_slice %select_n3A_84 {offsets = [0, 1], sizes = [64, 127], strides = [1, 1]} : vector<64x128xi32> to vector<64x127xi32>
    %slice3A_87 = vector.extract_strided_slice %select_n3A_84 {offsets = [0, 0], sizes = [64, 1], strides = [1, 1]} : vector<64x128xi32> to vector<64x1xi32>
    %concatenate3A_88 = tpu.concatenate %slice3A_86, %slice3A_87 in 1 : vector<64x127xi32>, vector<64x1xi32> -> vector<64x128xi32>
    %slice3A_89 = vector.extract_strided_slice %select_n3A_84 {offsets = [0, 127], sizes = [64, 1], strides = [1, 1]} : vector<64x128xi32> to vector<64x1xi32>
    %slice3A_90 = vector.extract_strided_slice %select_n3A_84 {offsets = [0, 0], sizes = [64, 127], strides = [1, 1]} : vector<64x128xi32> to vector<64x127xi32>
    %concatenate3A_91 = tpu.concatenate %slice3A_89, %slice3A_90 in 1 : vector<64x1xi32>, vector<64x127xi32> -> vector<64x128xi32>
    %and3A_92 = arith.constant 1 : i32
    %and3A_93 = vector.broadcast %and3A_92 : i32 to vector<64x128xi32>
    %and3A_94 = arith.andi %iota3A_4, %and3A_93 : vector<64x128xi32>
    %ne3A_95 = arith.constant 0 : i32
    %ne3A_96 = vector.broadcast %ne3A_95 : i32 to vector<64x128xi32>
    %ne3A_97 = arith.cmpi ne, %and3A_94, %ne3A_96 : vector<64x128xi32>
    %select_n3A_98 = arith.select %ne3A_97, %concatenate3A_91, %concatenate3A_88 : vector<64x128xi1>, vector<64x128xi32>
    %slice3A_99 = vector.extract_strided_slice %select_n3A_85 {offsets = [0, 1], sizes = [64, 127], strides = [1, 1]} : vector<64x128xi32> to vector<64x127xi32>
    %slice3A_100 = vector.extract_strided_slice %select_n3A_85 {offsets = [0, 0], sizes = [64, 1], strides = [1, 1]} : vector<64x128xi32> to vector<64x1xi32>
    %concatenate3A_101 = tpu.concatenate %slice3A_99, %slice3A_100 in 1 : vector<64x127xi32>, vector<64x1xi32> -> vector<64x128xi32>
    %slice3A_102 = vector.extract_strided_slice %select_n3A_85 {offsets = [0, 127], sizes = [64, 1], strides = [1, 1]} : vector<64x128xi32> to vector<64x1xi32>
    %slice3A_103 = vector.extract_strided_slice %select_n3A_85 {offsets = [0, 0], sizes = [64, 127], strides = [1, 1]} : vector<64x128xi32> to vector<64x127xi32>
    %concatenate3A_104 = tpu.concatenate %slice3A_102, %slice3A_103 in 1 : vector<64x1xi32>, vector<64x127xi32> -> vector<64x128xi32>
    %and3A_105 = arith.constant 1 : i32
    %and3A_106 = vector.broadcast %and3A_105 : i32 to vector<64x128xi32>
    %and3A_107 = arith.andi %iota3A_4, %and3A_106 : vector<64x128xi32>
    %ne3A_108 = arith.constant 0 : i32
    %ne3A_109 = vector.broadcast %ne3A_108 : i32 to vector<64x128xi32>
    %ne3A_110 = arith.cmpi ne, %and3A_107, %ne3A_109 : vector<64x128xi32>
    %select_n3A_111 = arith.select %ne3A_110, %concatenate3A_104, %concatenate3A_101 : vector<64x128xi1>, vector<64x128xi32>
    %and3A_112 = arith.constant 4 : i32
    %and3A_113 = vector.broadcast %and3A_112 : i32 to vector<64x128xi32>
    %and3A_114 = arith.andi %iota3A_4, %and3A_113 : vector<64x128xi32>
    %ne3A_115 = arith.constant 0 : i32
    %ne3A_116 = vector.broadcast %ne3A_115 : i32 to vector<64x128xi32>
    %ne3A_117 = arith.cmpi ne, %and3A_114, %ne3A_116 : vector<64x128xi32>
    %gt3A_118 = arith.cmpi sgt, %select_n3A_84, %select_n3A_98 : vector<64x128xi32>
    %eq3A_119 = arith.cmpi eq, %select_n3A_84, %select_n3A_98 : vector<64x128xi32>
    %lt3A_120 = arith.cmpi slt, %select_n3A_85, %select_n3A_111 : vector<64x128xi32>
    %and3A_121 = arith.andi %eq3A_119, %lt3A_120 : vector<64x128xi1>
    %or3A_122 = arith.ori %gt3A_118, %and3A_121 : vector<64x128xi1>
    %xor3A_123 = arith.xori %or3A_122, %ne3A_97 : vector<64x128xi1>
    %xor3A_124 = arith.xori %xor3A_123, %ne3A_117 : vector<64x128xi1>
    %select_n3A_125 = arith.select %xor3A_124, %select_n3A_84, %select_n3A_98 : vector<64x128xi1>, vector<64x128xi32>
    %select_n3A_126 = arith.select %xor3A_124, %select_n3A_85, %select_n3A_111 : vector<64x128xi1>, vector<64x128xi32>
    %slice3A_127 = vector.extract_strided_slice %select_n3A_125 {offsets = [0, 4], sizes = [64, 124], strides = [1, 1]} : vector<64x128xi32> to vector<64x124xi32>
    %slice3A_128 = vector.extract_strided_slice %select_n3A_125 {offsets = [0, 0], sizes = [64, 4], strides = [1, 1]} : vector<64x128xi32> to vector<64x4xi32>
    %concatenate3A_129 = tpu.concatenate %slice3A_127, %slice3A_128 in 1 : vector<64x124xi32>, vector<64x4xi32> -> vector<64x128xi32>
    %slice3A_130 = vector.extract_strided_slice %select_n3A_125 {offsets = [0, 124], sizes = [64, 4], strides = [1, 1]} : vector<64x128xi32> to vector<64x4xi32>
    %slice3A_131 = vector.extract_strided_slice %select_n3A_125 {offsets = [0, 0], sizes = [64, 124], strides = [1, 1]} : vector<64x128xi32> to vector<64x124xi32>
    %concatenate3A_132 = tpu.concatenate %slice3A_130, %slice3A_131 in 1 : vector<64x4xi32>, vector<64x124xi32> -> vector<64x128xi32>
    %and3A_133 = arith.constant 4 : i32
    %and3A_134 = vector.broadcast %and3A_133 : i32 to vector<64x128xi32>
    %and3A_135 = arith.andi %iota3A_4, %and3A_134 : vector<64x128xi32>
    %ne3A_136 = arith.constant 0 : i32
    %ne3A_137 = vector.broadcast %ne3A_136 : i32 to vector<64x128xi32>
    %ne3A_138 = arith.cmpi ne, %and3A_135, %ne3A_137 : vector<64x128xi32>
    %select_n3A_139 = arith.select %ne3A_138, %concatenate3A_132, %concatenate3A_129 : vector<64x128xi1>, vector<64x128xi32>
    %slice3A_140 = vector.extract_strided_slice %select_n3A_126 {offsets = [0, 4], sizes = [64, 124], strides = [1, 1]} : vector<64x128xi32> to vector<64x124xi32>
    %slice3A_141 = vector.extract_strided_slice %select_n3A_126 {offsets = [0, 0], sizes = [64, 4], strides = [1, 1]} : vector<64x128xi32> to vector<64x4xi32>
    %concatenate3A_142 = tpu.concatenate %slice3A_140, %slice3A_141 in 1 : vector<64x124xi32>, vector<64x4xi32> -> vector<64x128xi32>
    %slice3A_143 = vector.extract_strided_slice %select_n3A_126 {offsets = [0, 124], sizes = [64, 4], strides = [1, 1]} : vector<64x128xi32> to vector<64x4xi32>
    %slice3A_144 = vector.extract_strided_slice %select_n3A_126 {offsets = [0, 0], sizes = [64, 124], strides = [1, 1]} : vector<64x128xi32> to vector<64x124xi32>
    %concatenate3A_145 = tpu.concatenate %slice3A_143, %slice3A_144 in 1 : vector<64x4xi32>, vector<64x124xi32> -> vector<64x128xi32>
    %and3A_146 = arith.constant 4 : i32
    %and3A_147 = vector.broadcast %and3A_146 : i32 to vector<64x128xi32>
    %and3A_148 = arith.andi %iota3A_4, %and3A_147 : vector<64x128xi32>
    %ne3A_149 = arith.constant 0 : i32
    %ne3A_150 = vector.broadcast %ne3A_149 : i32 to vector<64x128xi32>
    %ne3A_151 = arith.cmpi ne, %and3A_148, %ne3A_150 : vector<64x128xi32>
    %select_n3A_152 = arith.select %ne3A_151, %concatenate3A_145, %concatenate3A_142 : vector<64x128xi1>, vector<64x128xi32>
    %and3A_153 = arith.constant 8 : i32
    %and3A_154 = vector.broadcast %and3A_153 : i32 to vector<64x128xi32>
    %and3A_155 = arith.andi %iota3A_4, %and3A_154 : vector<64x128xi32>
    %ne3A_156 = arith.constant 0 : i32
    %ne3A_157 = vector.broadcast %ne3A_156 : i32 to vector<64x128xi32>
    %ne3A_158 = arith.cmpi ne, %and3A_155, %ne3A_157 : vector<64x128xi32>
    %gt3A_159 = arith.cmpi sgt, %select_n3A_125, %select_n3A_139 : vector<64x128xi32>
    %eq3A_160 = arith.cmpi eq, %select_n3A_125, %select_n3A_139 : vector<64x128xi32>
    %lt3A_161 = arith.cmpi slt, %select_n3A_126, %select_n3A_152 : vector<64x128xi32>
    %and3A_162 = arith.andi %eq3A_160, %lt3A_161 : vector<64x128xi1>
    %or3A_163 = arith.ori %gt3A_159, %and3A_162 : vector<64x128xi1>
    %xor3A_164 = arith.xori %or3A_163, %ne3A_138 : vector<64x128xi1>
    %xor3A_165 = arith.xori %xor3A_164, %ne3A_158 : vector<64x128xi1>
    %select_n3A_166 = arith.select %xor3A_165, %select_n3A_125, %select_n3A_139 : vector<64x128xi1>, vector<64x128xi32>
    %select_n3A_167 = arith.select %xor3A_165, %select_n3A_126, %select_n3A_152 : vector<64x128xi1>, vector<64x128xi32>
    %slice3A_168 = vector.extract_strided_slice %select_n3A_166 {offsets = [0, 2], sizes = [64, 126], strides = [1, 1]} : vector<64x128xi32> to vector<64x126xi32>
    %slice3A_169 = vector.extract_strided_slice %select_n3A_166 {offsets = [0, 0], sizes = [64, 2], strides = [1, 1]} : vector<64x128xi32> to vector<64x2xi32>
    %concatenate3A_170 = tpu.concatenate %slice3A_168, %slice3A_169 in 1 : vector<64x126xi32>, vector<64x2xi32> -> vector<64x128xi32>
    %slice3A_171 = vector.extract_strided_slice %select_n3A_166 {offsets = [0, 126], sizes = [64, 2], strides = [1, 1]} : vector<64x128xi32> to vector<64x2xi32>
    %slice3A_172 = vector.extract_strided_slice %select_n3A_166 {offsets = [0, 0], sizes = [64, 126], strides = [1, 1]} : vector<64x128xi32> to vector<64x126xi32>
    %concatenate3A_173 = tpu.concatenate %slice3A_171, %slice3A_172 in 1 : vector<64x2xi32>, vector<64x126xi32> -> vector<64x128xi32>
    %and3A_174 = arith.constant 2 : i32
    %and3A_175 = vector.broadcast %and3A_174 : i32 to vector<64x128xi32>
    %and3A_176 = arith.andi %iota3A_4, %and3A_175 : vector<64x128xi32>
    %ne3A_177 = arith.constant 0 : i32
    %ne3A_178 = vector.broadcast %ne3A_177 : i32 to vector<64x128xi32>
    %ne3A_179 = arith.cmpi ne, %and3A_176, %ne3A_178 : vector<64x128xi32>
    %select_n3A_180 = arith.select %ne3A_179, %concatenate3A_173, %concatenate3A_170 : vector<64x128xi1>, vector<64x128xi32>
    %slice3A_181 = vector.extract_strided_slice %select_n3A_167 {offsets = [0, 2], sizes = [64, 126], strides = [1, 1]} : vector<64x128xi32> to vector<64x126xi32>
    %slice3A_182 = vector.extract_strided_slice %select_n3A_167 {offsets = [0, 0], sizes = [64, 2], strides = [1, 1]} : vector<64x128xi32> to vector<64x2xi32>
    %concatenate3A_183 = tpu.concatenate %slice3A_181, %slice3A_182 in 1 : vector<64x126xi32>, vector<64x2xi32> -> vector<64x128xi32>
    %slice3A_184 = vector.extract_strided_slice %select_n3A_167 {offsets = [0, 126], sizes = [64, 2], strides = [1, 1]} : vector<64x128xi32> to vector<64x2xi32>
    %slice3A_185 = vector.extract_strided_slice %select_n3A_167 {offsets = [0, 0], sizes = [64, 126], strides = [1, 1]} : vector<64x128xi32> to vector<64x126xi32>
    %concatenate3A_186 = tpu.concatenate %slice3A_184, %slice3A_185 in 1 : vector<64x2xi32>, vector<64x126xi32> -> vector<64x128xi32>
    %and3A_187 = arith.constant 2 : i32
    %and3A_188 = vector.broadcast %and3A_187 : i32 to vector<64x128xi32>
    %and3A_189 = arith.andi %iota3A_4, %and3A_188 : vector<64x128xi32>
    %ne3A_190 = arith.constant 0 : i32
    %ne3A_191 = vector.broadcast %ne3A_190 : i32 to vector<64x128xi32>
    %ne3A_192 = arith.cmpi ne, %and3A_189, %ne3A_191 : vector<64x128xi32>
    %select_n3A_193 = arith.select %ne3A_192, %concatenate3A_186, %concatenate3A_183 : vector<64x128xi1>, vector<64x128xi32>
    %and3A_194 = arith.constant 8 : i32
    %and3A_195 = vector.broadcast %and3A_194 : i32 to vector<64x128xi32>
    %and3A_196 = arith.andi %iota3A_4, %and3A_195 : vector<64x128xi32>
    %ne3A_197 = arith.constant 0 : i32
    %ne3A_198 = vector.broadcast %ne3A_197 : i32 to vector<64x128xi32>
    %ne3A_199 = arith.cmpi ne, %and3A_196, %ne3A_198 : vector<64x128xi32>
    %gt3A_200 = arith.cmpi sgt, %select_n3A_166, %select_n3A_180 : vector<64x128xi32>
    %eq3A_201 = arith.cmpi eq, %select_n3A_166, %select_n3A_180 : vector<64x128xi32>
    %lt3A_202 = arith.cmpi slt, %select_n3A_167, %select_n3A_193 : vector<64x128xi32>
    %and3A_203 = arith.andi %eq3A_201, %lt3A_202 : vector<64x128xi1>
    %or3A_204 = arith.ori %gt3A_200, %and3A_203 : vector<64x128xi1>
    %xor3A_205 = arith.xori %or3A_204, %ne3A_179 : vector<64x128xi1>
    %xor3A_206 = arith.xori %xor3A_205, %ne3A_199 : vector<64x128xi1>
    %select_n3A_207 = arith.select %xor3A_206, %select_n3A_166, %select_n3A_180 : vector<64x128xi1>, vector<64x128xi32>
    %select_n3A_208 = arith.select %xor3A_206, %select_n3A_167, %select_n3A_193 : vector<64x128xi1>, vector<64x128xi32>
    %slice3A_209 = vector.extract_strided_slice %select_n3A_207 {offsets = [0, 1], sizes = [64, 127], strides = [1, 1]} : vector<64x128xi32> to vector<64x127xi32>
    %slice3A_210 = vector.extract_strided_slice %select_n3A_207 {offsets = [0, 0], sizes = [64, 1], strides = [1, 1]} : vector<64x128xi32> to vector<64x1xi32>
    %concatenate3A_211 = tpu.concatenate %slice3A_209, %slice3A_210 in 1 : vector<64x127xi32>, vector<64x1xi32> -> vector<64x128xi32>
    %slice3A_212 = vector.extract_strided_slice %select_n3A_207 {offsets = [0, 127], sizes = [64, 1], strides = [1, 1]} : vector<64x128xi32> to vector<64x1xi32>
    %slice3A_213 = vector.extract_strided_slice %select_n3A_207 {offsets = [0, 0], sizes = [64, 127], strides = [1, 1]} : vector<64x128xi32> to vector<64x127xi32>
    %concatenate3A_214 = tpu.concatenate %slice3A_212, %slice3A_213 in 1 : vector<64x1xi32>, vector<64x127xi32> -> vector<64x128xi32>
    %and3A_215 = arith.constant 1 : i32
    %and3A_216 = vector.broadcast %and3A_215 : i32 to vector<64x128xi32>
    %and3A_217 = arith.andi %iota3A_4, %and3A_216 : vector<64x128xi32>
    %ne3A_218 = arith.constant 0 : i32
    %ne3A_219 = vector.broadcast %ne3A_218 : i32 to vector<64x128xi32>
    %ne3A_220 = arith.cmpi ne, %and3A_217, %ne3A_219 : vector<64x128xi32>
    %select_n3A_221 = arith.select %ne3A_220, %concatenate3A_214, %concatenate3A_211 : vector<64x128xi1>, vector<64x128xi32>
    %slice3A_222 = vector.extract_strided_slice %select_n3A_208 {offsets = [0, 1], sizes = [64, 127], strides = [1, 1]} : vector<64x128xi32> to vector<64x127xi32>
    %slice3A_223 = vector.extract_strided_slice %select_n3A_208 {offsets = [0, 0], sizes = [64, 1], strides = [1, 1]} : vector<64x128xi32> to vector<64x1xi32>
    %concatenate3A_224 = tpu.concatenate %slice3A_222, %slice3A_223 in 1 : vector<64x127xi32>, vector<64x1xi32> -> vector<64x128xi32>
    %slice3A_225 = vector.extract_strided_slice %select_n3A_208 {offsets = [0, 127], sizes = [64, 1], strides = [1, 1]} : vector<64x128xi32> to vector<64x1xi32>
    %slice3A_226 = vector.extract_strided_slice %select_n3A_208 {offsets = [0, 0], sizes = [64, 127], strides = [1, 1]} : vector<64x128xi32> to vector<64x127xi32>
    %concatenate3A_227 = tpu.concatenate %slice3A_225, %slice3A_226 in 1 : vector<64x1xi32>, vector<64x127xi32> -> vector<64x128xi32>
    %and3A_228 = arith.constant 1 : i32
    %and3A_229 = vector.broadcast %and3A_228 : i32 to vector<64x128xi32>
    %and3A_230 = arith.andi %iota3A_4, %and3A_229 : vector<64x128xi32>
    %ne3A_231 = arith.constant 0 : i32
    %ne3A_232 = vector.broadcast %ne3A_231 : i32 to vector<64x128xi32>
    %ne3A_233 = arith.cmpi ne, %and3A_230, %ne3A_232 : vector<64x128xi32>
    %select_n3A_234 = arith.select %ne3A_233, %concatenate3A_227, %concatenate3A_224 : vector<64x128xi1>, vector<64x128xi32>
    %and3A_235 = arith.constant 8 : i32
    %and3A_236 = vector.broadcast %and3A_235 : i32 to vector<64x128xi32>
    %and3A_237 = arith.andi %iota3A_4, %and3A_236 : vector<64x128xi32>
    %ne3A_238 = arith.constant 0 : i32
    %ne3A_239 = vector.broadcast %ne3A_238 : i32 to vector<64x128xi32>
    %ne3A_240 = arith.cmpi ne, %and3A_237, %ne3A_239 : vector<64x128xi32>
    %gt3A_241 = arith.cmpi sgt, %select_n3A_207, %select_n3A_221 : vector<64x128xi32>
    %eq3A_242 = arith.cmpi eq, %select_n3A_207, %select_n3A_221 : vector<64x128xi32>
    %lt3A_243 = arith.cmpi slt, %select_n3A_208, %select_n3A_234 : vector<64x128xi32>
    %and3A_244 = arith.andi %eq3A_242, %lt3A_243 : vector<64x128xi1>
    %or3A_245 = arith.ori %gt3A_241, %and3A_244 : vector<64x128xi1>
    %xor3A_246 = arith.xori %or3A_245, %ne3A_220 : vector<64x128xi1>
    %xor3A_247 = arith.xori %xor3A_246, %ne3A_240 : vector<64x128xi1>
    %select_n3A_248 = arith.select %xor3A_247, %select_n3A_207, %select_n3A_221 : vector<64x128xi1>, vector<64x128xi32>
    %select_n3A_249 = arith.select %xor3A_247, %select_n3A_208, %select_n3A_234 : vector<64x128xi1>, vector<64x128xi32>
    %slice3A_250 = vector.extract_strided_slice %select_n3A_248 {offsets = [0, 8], sizes = [64, 120], strides = [1, 1]} : vector<64x128xi32> to vector<64x120xi32>
    %slice3A_251 = vector.extract_strided_slice %select_n3A_248 {offsets = [0, 0], sizes = [64, 8], strides = [1, 1]} : vector<64x128xi32> to vector<64x8xi32>
    %concatenate3A_252 = tpu.concatenate %slice3A_250, %slice3A_251 in 1 : vector<64x120xi32>, vector<64x8xi32> -> vector<64x128xi32>
    %slice3A_253 = vector.extract_strided_slice %select_n3A_248 {offsets = [0, 120], sizes = [64, 8], strides = [1, 1]} : vector<64x128xi32> to vector<64x8xi32>
    %slice3A_254 = vector.extract_strided_slice %select_n3A_248 {offsets = [0, 0], sizes = [64, 120], strides = [1, 1]} : vector<64x128xi32> to vector<64x120xi32>
    %concatenate3A_255 = tpu.concatenate %slice3A_253, %slice3A_254 in 1 : vector<64x8xi32>, vector<64x120xi32> -> vector<64x128xi32>
    %and3A_256 = arith.constant 8 : i32
    %and3A_257 = vector.broadcast %and3A_256 : i32 to vector<64x128xi32>
    %and3A_258 = arith.andi %iota3A_4, %and3A_257 : vector<64x128xi32>
    %ne3A_259 = arith.constant 0 : i32
    %ne3A_260 = vector.broadcast %ne3A_259 : i32 to vector<64x128xi32>
    %ne3A_261 = arith.cmpi ne, %and3A_258, %ne3A_260 : vector<64x128xi32>
    %select_n3A_262 = arith.select %ne3A_261, %concatenate3A_255, %concatenate3A_252 : vector<64x128xi1>, vector<64x128xi32>
    %slice3A_263 = vector.extract_strided_slice %select_n3A_249 {offsets = [0, 8], sizes = [64, 120], strides = [1, 1]} : vector<64x128xi32> to vector<64x120xi32>
    %slice3A_264 = vector.extract_strided_slice %select_n3A_249 {offsets = [0, 0], sizes = [64, 8], strides = [1, 1]} : vector<64x128xi32> to vector<64x8xi32>
    %concatenate3A_265 = tpu.concatenate %slice3A_263, %slice3A_264 in 1 : vector<64x120xi32>, vector<64x8xi32> -> vector<64x128xi32>
    %slice3A_266 = vector.extract_strided_slice %select_n3A_249 {offsets = [0, 120], sizes = [64, 8], strides = [1, 1]} : vector<64x128xi32> to vector<64x8xi32>
    %slice3A_267 = vector.extract_strided_slice %select_n3A_249 {offsets = [0, 0], sizes = [64, 120], strides = [1, 1]} : vector<64x128xi32> to vector<64x120xi32>
    %concatenate3A_268 = tpu.concatenate %slice3A_266, %slice3A_267 in 1 : vector<64x8xi32>, vector<64x120xi32> -> vector<64x128xi32>
    %and3A_269 = arith.constant 8 : i32
    %and3A_270 = vector.broadcast %and3A_269 : i32 to vector<64x128xi32>
    %and3A_271 = arith.andi %iota3A_4, %and3A_270 : vector<64x128xi32>
    %ne3A_272 = arith.constant 0 : i32
    %ne3A_273 = vector.broadcast %ne3A_272 : i32 to vector<64x128xi32>
    %ne3A_274 = arith.cmpi ne, %and3A_271, %ne3A_273 : vector<64x128xi32>
    %select_n3A_275 = arith.select %ne3A_274, %concatenate3A_268, %concatenate3A_265 : vector<64x128xi1>, vector<64x128xi32>
    %and3A_276 = arith.constant 16 : i32
    %and3A_277 = vector.broadcast %and3A_276 : i32 to vector<64x128xi32>
    %and3A_278 = arith.andi %iota3A_4, %and3A_277 : vector<64x128xi32>
    %ne3A_279 = arith.constant 0 : i32
    %ne3A_280 = vector.broadcast %ne3A_279 : i32 to vector<64x128xi32>
    %ne3A_281 = arith.cmpi ne, %and3A_278, %ne3A_280 : vector<64x128xi32>
    %gt3A_282 = arith.cmpi sgt, %select_n3A_248, %select_n3A_262 : vector<64x128xi32>
    %eq3A_283 = arith.cmpi eq, %select_n3A_248, %select_n3A_262 : vector<64x128xi32>
    %lt3A_284 = arith.cmpi slt, %select_n3A_249, %select_n3A_275 : vector<64x128xi32>
    %and3A_285 = arith.andi %eq3A_283, %lt3A_284 : vector<64x128xi1>
    %or3A_286 = arith.ori %gt3A_282, %and3A_285 : vector<64x128xi1>
    %xor3A_287 = arith.xori %or3A_286, %ne3A_261 : vector<64x128xi1>
    %xor3A_288 = arith.xori %xor3A_287, %ne3A_281 : vector<64x128xi1>
    %select_n3A_289 = arith.select %xor3A_288, %select_n3A_248, %select_n3A_262 : vector<64x128xi1>, vector<64x128xi32>
    %select_n3A_290 = arith.select %xor3A_288, %select_n3A_249, %select_n3A_275 : vector<64x128xi1>, vector<64x128xi32>
    %slice3A_291 = vector.extract_strided_slice %select_n3A_289 {offsets = [0, 4], sizes = [64, 124], strides = [1, 1]} : vector<64x128xi32> to vector<64x124xi32>
    %slice3A_292 = vector.extract_strided_slice %select_n3A_289 {offsets = [0, 0], sizes = [64, 4], strides = [1, 1]} : vector<64x128xi32> to vector<64x4xi32>
    %concatenate3A_293 = tpu.concatenate %slice3A_291, %slice3A_292 in 1 : vector<64x124xi32>, vector<64x4xi32> -> vector<64x128xi32>
    %slice3A_294 = vector.extract_strided_slice %select_n3A_289 {offsets = [0, 124], sizes = [64, 4], strides = [1, 1]} : vector<64x128xi32> to vector<64x4xi32>
    %slice3A_295 = vector.extract_strided_slice %select_n3A_289 {offsets = [0, 0], sizes = [64, 124], strides = [1, 1]} : vector<64x128xi32> to vector<64x124xi32>
    %concatenate3A_296 = tpu.concatenate %slice3A_294, %slice3A_295 in 1 : vector<64x4xi32>, vector<64x124xi32> -> vector<64x128xi32>
    %and3A_297 = arith.constant 4 : i32
    %and3A_298 = vector.broadcast %and3A_297 : i32 to vector<64x128xi32>
    %and3A_299 = arith.andi %iota3A_4, %and3A_298 : vector<64x128xi32>
    %ne3A_300 = arith.constant 0 : i32
    %ne3A_301 = vector.broadcast %ne3A_300 : i32 to vector<64x128xi32>
    %ne3A_302 = arith.cmpi ne, %and3A_299, %ne3A_301 : vector<64x128xi32>
    %select_n3A_303 = arith.select %ne3A_302, %concatenate3A_296, %concatenate3A_293 : vector<64x128xi1>, vector<64x128xi32>
    %slice3A_304 = vector.extract_strided_slice %select_n3A_290 {offsets = [0, 4], sizes = [64, 124], strides = [1, 1]} : vector<64x128xi32> to vector<64x124xi32>
    %slice3A_305 = vector.extract_strided_slice %select_n3A_290 {offsets = [0, 0], sizes = [64, 4], strides = [1, 1]} : vector<64x128xi32> to vector<64x4xi32>
    %concatenate3A_306 = tpu.concatenate %slice3A_304, %slice3A_305 in 1 : vector<64x124xi32>, vector<64x4xi32> -> vector<64x128xi32>
    %slice3A_307 = vector.extract_strided_slice %select_n3A_290 {offsets = [0, 124], sizes = [64, 4], strides = [1, 1]} : vector<64x128xi32> to vector<64x4xi32>
    %slice3A_308 = vector.extract_strided_slice %select_n3A_290 {offsets = [0, 0], sizes = [64, 124], strides = [1, 1]} : vector<64x128xi32> to vector<64x124xi32>
    %concatenate3A_309 = tpu.concatenate %slice3A_307, %slice3A_308 in 1 : vector<64x4xi32>, vector<64x124xi32> -> vector<64x128xi32>
    %and3A_310 = arith.constant 4 : i32
    %and3A_311 = vector.broadcast %and3A_310 : i32 to vector<64x128xi32>
    %and3A_312 = arith.andi %iota3A_4, %and3A_311 : vector<64x128xi32>
    %ne3A_313 = arith.constant 0 : i32
    %ne3A_314 = vector.broadcast %ne3A_313 : i32 to vector<64x128xi32>
    %ne3A_315 = arith.cmpi ne, %and3A_312, %ne3A_314 : vector<64x128xi32>
    %select_n3A_316 = arith.select %ne3A_315, %concatenate3A_309, %concatenate3A_306 : vector<64x128xi1>, vector<64x128xi32>
    %and3A_317 = arith.constant 16 : i32
    %and3A_318 = vector.broadcast %and3A_317 : i32 to vector<64x128xi32>
    %and3A_319 = arith.andi %iota3A_4, %and3A_318 : vector<64x128xi32>
    %ne3A_320 = arith.constant 0 : i32
    %ne3A_321 = vector.broadcast %ne3A_320 : i32 to vector<64x128xi32>
    %ne3A_322 = arith.cmpi ne, %and3A_319, %ne3A_321 : vector<64x128xi32>
    %gt3A_323 = arith.cmpi sgt, %select_n3A_289, %select_n3A_303 : vector<64x128xi32>
    %eq3A_324 = arith.cmpi eq, %select_n3A_289, %select_n3A_303 : vector<64x128xi32>
    %lt3A_325 = arith.cmpi slt, %select_n3A_290, %select_n3A_316 : vector<64x128xi32>
    %and3A_326 = arith.andi %eq3A_324, %lt3A_325 : vector<64x128xi1>
    %or3A_327 = arith.ori %gt3A_323, %and3A_326 : vector<64x128xi1>
    %xor3A_328 = arith.xori %or3A_327, %ne3A_302 : vector<64x128xi1>
    %xor3A_329 = arith.xori %xor3A_328, %ne3A_322 : vector<64x128xi1>
    %select_n3A_330 = arith.select %xor3A_329, %select_n3A_289, %select_n3A_303 : vector<64x128xi1>, vector<64x128xi32>
    %select_n3A_331 = arith.select %xor3A_329, %select_n3A_290, %select_n3A_316 : vector<64x128xi1>, vector<64x128xi32>
    %slice3A_332 = vector.extract_strided_slice %select_n3A_330 {offsets = [0, 2], sizes = [64, 126], strides = [1, 1]} : vector<64x128xi32> to vector<64x126xi32>
    %slice3A_333 = vector.extract_strided_slice %select_n3A_330 {offsets = [0, 0], sizes = [64, 2], strides = [1, 1]} : vector<64x128xi32> to vector<64x2xi32>
    %concatenate3A_334 = tpu.concatenate %slice3A_332, %slice3A_333 in 1 : vector<64x126xi32>, vector<64x2xi32> -> vector<64x128xi32>
    %slice3A_335 = vector.extract_strided_slice %select_n3A_330 {offsets = [0, 126], sizes = [64, 2], strides = [1, 1]} : vector<64x128xi32> to vector<64x2xi32>
    %slice3A_336 = vector.extract_strided_slice %select_n3A_330 {offsets = [0, 0], sizes = [64, 126], strides = [1, 1]} : vector<64x128xi32> to vector<64x126xi32>
    %concatenate3A_337 = tpu.concatenate %slice3A_335, %slice3A_336 in 1 : vector<64x2xi32>, vector<64x126xi32> -> vector<64x128xi32>
    %and3A_338 = arith.constant 2 : i32
    %and3A_339 = vector.broadcast %and3A_338 : i32 to vector<64x128xi32>
    %and3A_340 = arith.andi %iota3A_4, %and3A_339 : vector<64x128xi32>
    %ne3A_341 = arith.constant 0 : i32
    %ne3A_342 = vector.broadcast %ne3A_341 : i32 to vector<64x128xi32>
    %ne3A_343 = arith.cmpi ne, %and3A_340, %ne3A_342 : vector<64x128xi32>
    %select_n3A_344 = arith.select %ne3A_343, %concatenate3A_337, %concatenate3A_334 : vector<64x128xi1>, vector<64x128xi32>
    %slice3A_345 = vector.extract_strided_slice %select_n3A_331 {offsets = [0, 2], sizes = [64, 126], strides = [1, 1]} : vector<64x128xi32> to vector<64x126xi32>
    %slice3A_346 = vector.extract_strided_slice %select_n3A_331 {offsets = [0, 0], sizes = [64, 2], strides = [1, 1]} : vector<64x128xi32> to vector<64x2xi32>
    %concatenate3A_347 = tpu.concatenate %slice3A_345, %slice3A_346 in 1 : vector<64x126xi32>, vector<64x2xi32> -> vector<64x128xi32>
    %slice3A_348 = vector.extract_strided_slice %select_n3A_331 {offsets = [0, 126], sizes = [64, 2], strides = [1, 1]} : vector<64x128xi32> to vector<64x2xi32>
    %slice3A_349 = vector.extract_strided_slice %select_n3A_331 {offsets = [0, 0], sizes = [64, 126], strides = [1, 1]} : vector<64x128xi32> to vector<64x126xi32>
    %concatenate3A_350 = tpu.concatenate %slice3A_348, %slice3A_349 in 1 : vector<64x2xi32>, vector<64x126xi32> -> vector<64x128xi32>
    %and3A_351 = arith.constant 2 : i32
    %and3A_352 = vector.broadcast %and3A_351 : i32 to vector<64x128xi32>
    %and3A_353 = arith.andi %iota3A_4, %and3A_352 : vector<64x128xi32>
    %ne3A_354 = arith.constant 0 : i32
    %ne3A_355 = vector.broadcast %ne3A_354 : i32 to vector<64x128xi32>
    %ne3A_356 = arith.cmpi ne, %and3A_353, %ne3A_355 : vector<64x128xi32>
    %select_n3A_357 = arith.select %ne3A_356, %concatenate3A_350, %concatenate3A_347 : vector<64x128xi1>, vector<64x128xi32>
    %and3A_358 = arith.constant 16 : i32
    %and3A_359 = vector.broadcast %and3A_358 : i32 to vector<64x128xi32>
    %and3A_360 = arith.andi %iota3A_4, %and3A_359 : vector<64x128xi32>
    %ne3A_361 = arith.constant 0 : i32
    %ne3A_362 = vector.broadcast %ne3A_361 : i32 to vector<64x128xi32>
    %ne3A_363 = arith.cmpi ne, %and3A_360, %ne3A_362 : vector<64x128xi32>
    %gt3A_364 = arith.cmpi sgt, %select_n3A_330, %select_n3A_344 : vector<64x128xi32>
    %eq3A_365 = arith.cmpi eq, %select_n3A_330, %select_n3A_344 : vector<64x128xi32>
    %lt3A_366 = arith.cmpi slt, %select_n3A_331, %select_n3A_357 : vector<64x128xi32>
    %and3A_367 = arith.andi %eq3A_365, %lt3A_366 : vector<64x128xi1>
    %or3A_368 = arith.ori %gt3A_364, %and3A_367 : vector<64x128xi1>
    %xor3A_369 = arith.xori %or3A_368, %ne3A_343 : vector<64x128xi1>
    %xor3A_370 = arith.xori %xor3A_369, %ne3A_363 : vector<64x128xi1>
    %select_n3A_371 = arith.select %xor3A_370, %select_n3A_330, %select_n3A_344 : vector<64x128xi1>, vector<64x128xi32>
    %select_n3A_372 = arith.select %xor3A_370, %select_n3A_331, %select_n3A_357 : vector<64x128xi1>, vector<64x128xi32>
    %slice3A_373 = vector.extract_strided_slice %select_n3A_371 {offsets = [0, 1], sizes = [64, 127], strides = [1, 1]} : vector<64x128xi32> to vector<64x127xi32>
    %slice3A_374 = vector.extract_strided_slice %select_n3A_371 {offsets = [0, 0], sizes = [64, 1], strides = [1, 1]} : vector<64x128xi32> to vector<64x1xi32>
    %concatenate3A_375 = tpu.concatenate %slice3A_373, %slice3A_374 in 1 : vector<64x127xi32>, vector<64x1xi32> -> vector<64x128xi32>
    %slice3A_376 = vector.extract_strided_slice %select_n3A_371 {offsets = [0, 127], sizes = [64, 1], strides = [1, 1]} : vector<64x128xi32> to vector<64x1xi32>
    %slice3A_377 = vector.extract_strided_slice %select_n3A_371 {offsets = [0, 0], sizes = [64, 127], strides = [1, 1]} : vector<64x128xi32> to vector<64x127xi32>
    %concatenate3A_378 = tpu.concatenate %slice3A_376, %slice3A_377 in 1 : vector<64x1xi32>, vector<64x127xi32> -> vector<64x128xi32>
    %and3A_379 = arith.constant 1 : i32
    %and3A_380 = vector.broadcast %and3A_379 : i32 to vector<64x128xi32>
    %and3A_381 = arith.andi %iota3A_4, %and3A_380 : vector<64x128xi32>
    %ne3A_382 = arith.constant 0 : i32
    %ne3A_383 = vector.broadcast %ne3A_382 : i32 to vector<64x128xi32>
    %ne3A_384 = arith.cmpi ne, %and3A_381, %ne3A_383 : vector<64x128xi32>
    %select_n3A_385 = arith.select %ne3A_384, %concatenate3A_378, %concatenate3A_375 : vector<64x128xi1>, vector<64x128xi32>
    %slice3A_386 = vector.extract_strided_slice %select_n3A_372 {offsets = [0, 1], sizes = [64, 127], strides = [1, 1]} : vector<64x128xi32> to vector<64x127xi32>
    %slice3A_387 = vector.extract_strided_slice %select_n3A_372 {offsets = [0, 0], sizes = [64, 1], strides = [1, 1]} : vector<64x128xi32> to vector<64x1xi32>
    %concatenate3A_388 = tpu.concatenate %slice3A_386, %slice3A_387 in 1 : vector<64x127xi32>, vector<64x1xi32> -> vector<64x128xi32>
    %slice3A_389 = vector.extract_strided_slice %select_n3A_372 {offsets = [0, 127], sizes = [64, 1], strides = [1, 1]} : vector<64x128xi32> to vector<64x1xi32>
    %slice3A_390 = vector.extract_strided_slice %select_n3A_372 {offsets = [0, 0], sizes = [64, 127], strides = [1, 1]} : vector<64x128xi32> to vector<64x127xi32>
    %concatenate3A_391 = tpu.concatenate %slice3A_389, %slice3A_390 in 1 : vector<64x1xi32>, vector<64x127xi32> -> vector<64x128xi32>
    %and3A_392 = arith.constant 1 : i32
    %and3A_393 = vector.broadcast %and3A_392 : i32 to vector<64x128xi32>
    %and3A_394 = arith.andi %iota3A_4, %and3A_393 : vector<64x128xi32>
    %ne3A_395 = arith.constant 0 : i32
    %ne3A_396 = vector.broadcast %ne3A_395 : i32 to vector<64x128xi32>
    %ne3A_397 = arith.cmpi ne, %and3A_394, %ne3A_396 : vector<64x128xi32>
    %select_n3A_398 = arith.select %ne3A_397, %concatenate3A_391, %concatenate3A_388 : vector<64x128xi1>, vector<64x128xi32>
    %and3A_399 = arith.constant 16 : i32
    %and3A_400 = vector.broadcast %and3A_399 : i32 to vector<64x128xi32>
    %and3A_401 = arith.andi %iota3A_4, %and3A_400 : vector<64x128xi32>
    %ne3A_402 = arith.constant 0 : i32
    %ne3A_403 = vector.broadcast %ne3A_402 : i32 to vector<64x128xi32>
    %ne3A_404 = arith.cmpi ne, %and3A_401, %ne3A_403 : vector<64x128xi32>
    %gt3A_405 = arith.cmpi sgt, %select_n3A_371, %select_n3A_385 : vector<64x128xi32>
    %eq3A_406 = arith.cmpi eq, %select_n3A_371, %select_n3A_385 : vector<64x128xi32>
    %lt3A_407 = arith.cmpi slt, %select_n3A_372, %select_n3A_398 : vector<64x128xi32>
    %and3A_408 = arith.andi %eq3A_406, %lt3A_407 : vector<64x128xi1>
    %or3A_409 = arith.ori %gt3A_405, %and3A_408 : vector<64x128xi1>
    %xor3A_410 = arith.xori %or3A_409, %ne3A_384 : vector<64x128xi1>
    %xor3A_411 = arith.xori %xor3A_410, %ne3A_404 : vector<64x128xi1>
    %select_n3A_412 = arith.select %xor3A_411, %select_n3A_371, %select_n3A_385 : vector<64x128xi1>, vector<64x128xi32>
    %select_n3A_413 = arith.select %xor3A_411, %select_n3A_372, %select_n3A_398 : vector<64x128xi1>, vector<64x128xi32>
    %slice3A_414 = vector.extract_strided_slice %select_n3A_412 {offsets = [0, 16], sizes = [64, 112], strides = [1, 1]} : vector<64x128xi32> to vector<64x112xi32>
    %slice3A_415 = vector.extract_strided_slice %select_n3A_412 {offsets = [0, 0], sizes = [64, 16], strides = [1, 1]} : vector<64x128xi32> to vector<64x16xi32>
    %concatenate3A_416 = tpu.concatenate %slice3A_414, %slice3A_415 in 1 : vector<64x112xi32>, vector<64x16xi32> -> vector<64x128xi32>
    %slice3A_417 = vector.extract_strided_slice %select_n3A_412 {offsets = [0, 112], sizes = [64, 16], strides = [1, 1]} : vector<64x128xi32> to vector<64x16xi32>
    %slice3A_418 = vector.extract_strided_slice %select_n3A_412 {offsets = [0, 0], sizes = [64, 112], strides = [1, 1]} : vector<64x128xi32> to vector<64x112xi32>
    %concatenate3A_419 = tpu.concatenate %slice3A_417, %slice3A_418 in 1 : vector<64x16xi32>, vector<64x112xi32> -> vector<64x128xi32>
    %and3A_420 = arith.constant 16 : i32
    %and3A_421 = vector.broadcast %and3A_420 : i32 to vector<64x128xi32>
    %and3A_422 = arith.andi %iota3A_4, %and3A_421 : vector<64x128xi32>
    %ne3A_423 = arith.constant 0 : i32
    %ne3A_424 = vector.broadcast %ne3A_423 : i32 to vector<64x128xi32>
    %ne3A_425 = arith.cmpi ne, %and3A_422, %ne3A_424 : vector<64x128xi32>
    %select_n3A_426 = arith.select %ne3A_425, %concatenate3A_419, %concatenate3A_416 : vector<64x128xi1>, vector<64x128xi32>
    %slice3A_427 = vector.extract_strided_slice %select_n3A_413 {offsets = [0, 16], sizes = [64, 112], strides = [1, 1]} : vector<64x128xi32> to vector<64x112xi32>
    %slice3A_428 = vector.extract_strided_slice %select_n3A_413 {offsets = [0, 0], sizes = [64, 16], strides = [1, 1]} : vector<64x128xi32> to vector<64x16xi32>
    %concatenate3A_429 = tpu.concatenate %slice3A_427, %slice3A_428 in 1 : vector<64x112xi32>, vector<64x16xi32> -> vector<64x128xi32>
    %slice3A_430 = vector.extract_strided_slice %select_n3A_413 {offsets = [0, 112], sizes = [64, 16], strides = [1, 1]} : vector<64x128xi32> to vector<64x16xi32>
    %slice3A_431 = vector.extract_strided_slice %select_n3A_413 {offsets = [0, 0], sizes = [64, 112], strides = [1, 1]} : vector<64x128xi32> to vector<64x112xi32>
    %concatenate3A_432 = tpu.concatenate %slice3A_430, %slice3A_431 in 1 : vector<64x16xi32>, vector<64x112xi32> -> vector<64x128xi32>
    %and3A_433 = arith.constant 16 : i32
    %and3A_434 = vector.broadcast %and3A_433 : i32 to vector<64x128xi32>
    %and3A_435 = arith.andi %iota3A_4, %and3A_434 : vector<64x128xi32>
    %ne3A_436 = arith.constant 0 : i32
    %ne3A_437 = vector.broadcast %ne3A_436 : i32 to vector<64x128xi32>
    %ne3A_438 = arith.cmpi ne, %and3A_435, %ne3A_437 : vector<64x128xi32>
    %select_n3A_439 = arith.select %ne3A_438, %concatenate3A_432, %concatenate3A_429 : vector<64x128xi1>, vector<64x128xi32>
    %and3A_440 = arith.constant 32 : i32
    %and3A_441 = vector.broadcast %and3A_440 : i32 to vector<64x128xi32>
    %and3A_442 = arith.andi %iota3A_4, %and3A_441 : vector<64x128xi32>
    %ne3A_443 = arith.constant 0 : i32
    %ne3A_444 = vector.broadcast %ne3A_443 : i32 to vector<64x128xi32>
    %ne3A_445 = arith.cmpi ne, %and3A_442, %ne3A_444 : vector<64x128xi32>
    %gt3A_446 = arith.cmpi sgt, %select_n3A_412, %select_n3A_426 : vector<64x128xi32>
    %eq3A_447 = arith.cmpi eq, %select_n3A_412, %select_n3A_426 : vector<64x128xi32>
    %lt3A_448 = arith.cmpi slt, %select_n3A_413, %select_n3A_439 : vector<64x128xi32>
    %and3A_449 = arith.andi %eq3A_447, %lt3A_448 : vector<64x128xi1>
    %or3A_450 = arith.ori %gt3A_446, %and3A_449 : vector<64x128xi1>
    %xor3A_451 = arith.xori %or3A_450, %ne3A_425 : vector<64x128xi1>
    %xor3A_452 = arith.xori %xor3A_451, %ne3A_445 : vector<64x128xi1>
    %select_n3A_453 = arith.select %xor3A_452, %select_n3A_412, %select_n3A_426 : vector<64x128xi1>, vector<64x128xi32>
    %select_n3A_454 = arith.select %xor3A_452, %select_n3A_413, %select_n3A_439 : vector<64x128xi1>, vector<64x128xi32>
    %slice3A_455 = vector.extract_strided_slice %select_n3A_453 {offsets = [0, 8], sizes = [64, 120], strides = [1, 1]} : vector<64x128xi32> to vector<64x120xi32>
    %slice3A_456 = vector.extract_strided_slice %select_n3A_453 {offsets = [0, 0], sizes = [64, 8], strides = [1, 1]} : vector<64x128xi32> to vector<64x8xi32>
    %concatenate3A_457 = tpu.concatenate %slice3A_455, %slice3A_456 in 1 : vector<64x120xi32>, vector<64x8xi32> -> vector<64x128xi32>
    %slice3A_458 = vector.extract_strided_slice %select_n3A_453 {offsets = [0, 120], sizes = [64, 8], strides = [1, 1]} : vector<64x128xi32> to vector<64x8xi32>
    %slice3A_459 = vector.extract_strided_slice %select_n3A_453 {offsets = [0, 0], sizes = [64, 120], strides = [1, 1]} : vector<64x128xi32> to vector<64x120xi32>
    %concatenate3A_460 = tpu.concatenate %slice3A_458, %slice3A_459 in 1 : vector<64x8xi32>, vector<64x120xi32> -> vector<64x128xi32>
    %and3A_461 = arith.constant 8 : i32
    %and3A_462 = vector.broadcast %and3A_461 : i32 to vector<64x128xi32>
    %and3A_463 = arith.andi %iota3A_4, %and3A_462 : vector<64x128xi32>
    %ne3A_464 = arith.constant 0 : i32
    %ne3A_465 = vector.broadcast %ne3A_464 : i32 to vector<64x128xi32>
    %ne3A_466 = arith.cmpi ne, %and3A_463, %ne3A_465 : vector<64x128xi32>
    %select_n3A_467 = arith.select %ne3A_466, %concatenate3A_460, %concatenate3A_457 : vector<64x128xi1>, vector<64x128xi32>
    %slice3A_468 = vector.extract_strided_slice %select_n3A_454 {offsets = [0, 8], sizes = [64, 120], strides = [1, 1]} : vector<64x128xi32> to vector<64x120xi32>
    %slice3A_469 = vector.extract_strided_slice %select_n3A_454 {offsets = [0, 0], sizes = [64, 8], strides = [1, 1]} : vector<64x128xi32> to vector<64x8xi32>
    %concatenate3A_470 = tpu.concatenate %slice3A_468, %slice3A_469 in 1 : vector<64x120xi32>, vector<64x8xi32> -> vector<64x128xi32>
    %slice3A_471 = vector.extract_strided_slice %select_n3A_454 {offsets = [0, 120], sizes = [64, 8], strides = [1, 1]} : vector<64x128xi32> to vector<64x8xi32>
    %slice3A_472 = vector.extract_strided_slice %select_n3A_454 {offsets = [0, 0], sizes = [64, 120], strides = [1, 1]} : vector<64x128xi32> to vector<64x120xi32>
    %concatenate3A_473 = tpu.concatenate %slice3A_471, %slice3A_472 in 1 : vector<64x8xi32>, vector<64x120xi32> -> vector<64x128xi32>
    %and3A_474 = arith.constant 8 : i32
    %and3A_475 = vector.broadcast %and3A_474 : i32 to vector<64x128xi32>
    %and3A_476 = arith.andi %iota3A_4, %and3A_475 : vector<64x128xi32>
    %ne3A_477 = arith.constant 0 : i32
    %ne3A_478 = vector.broadcast %ne3A_477 : i32 to vector<64x128xi32>
    %ne3A_479 = arith.cmpi ne, %and3A_476, %ne3A_478 : vector<64x128xi32>
    %select_n3A_480 = arith.select %ne3A_479, %concatenate3A_473, %concatenate3A_470 : vector<64x128xi1>, vector<64x128xi32>
    %and3A_481 = arith.constant 32 : i32
    %and3A_482 = vector.broadcast %and3A_481 : i32 to vector<64x128xi32>
    %and3A_483 = arith.andi %iota3A_4, %and3A_482 : vector<64x128xi32>
    %ne3A_484 = arith.constant 0 : i32
    %ne3A_485 = vector.broadcast %ne3A_484 : i32 to vector<64x128xi32>
    %ne3A_486 = arith.cmpi ne, %and3A_483, %ne3A_485 : vector<64x128xi32>
    %gt3A_487 = arith.cmpi sgt, %select_n3A_453, %select_n3A_467 : vector<64x128xi32>
    %eq3A_488 = arith.cmpi eq, %select_n3A_453, %select_n3A_467 : vector<64x128xi32>
    %lt3A_489 = arith.cmpi slt, %select_n3A_454, %select_n3A_480 : vector<64x128xi32>
    %and3A_490 = arith.andi %eq3A_488, %lt3A_489 : vector<64x128xi1>
    %or3A_491 = arith.ori %gt3A_487, %and3A_490 : vector<64x128xi1>
    %xor3A_492 = arith.xori %or3A_491, %ne3A_466 : vector<64x128xi1>
    %xor3A_493 = arith.xori %xor3A_492, %ne3A_486 : vector<64x128xi1>
    %select_n3A_494 = arith.select %xor3A_493, %select_n3A_453, %select_n3A_467 : vector<64x128xi1>, vector<64x128xi32>
    %select_n3A_495 = arith.select %xor3A_493, %select_n3A_454, %select_n3A_480 : vector<64x128xi1>, vector<64x128xi32>
    %slice3A_496 = vector.extract_strided_slice %select_n3A_494 {offsets = [0, 4], sizes = [64, 124], strides = [1, 1]} : vector<64x128xi32> to vector<64x124xi32>
    %slice3A_497 = vector.extract_strided_slice %select_n3A_494 {offsets = [0, 0], sizes = [64, 4], strides = [1, 1]} : vector<64x128xi32> to vector<64x4xi32>
    %concatenate3A_498 = tpu.concatenate %slice3A_496, %slice3A_497 in 1 : vector<64x124xi32>, vector<64x4xi32> -> vector<64x128xi32>
    %slice3A_499 = vector.extract_strided_slice %select_n3A_494 {offsets = [0, 124], sizes = [64, 4], strides = [1, 1]} : vector<64x128xi32> to vector<64x4xi32>
    %slice3A_500 = vector.extract_strided_slice %select_n3A_494 {offsets = [0, 0], sizes = [64, 124], strides = [1, 1]} : vector<64x128xi32> to vector<64x124xi32>
    %concatenate3A_501 = tpu.concatenate %slice3A_499, %slice3A_500 in 1 : vector<64x4xi32>, vector<64x124xi32> -> vector<64x128xi32>
    %and3A_502 = arith.constant 4 : i32
    %and3A_503 = vector.broadcast %and3A_502 : i32 to vector<64x128xi32>
    %and3A_504 = arith.andi %iota3A_4, %and3A_503 : vector<64x128xi32>
    %ne3A_505 = arith.constant 0 : i32
    %ne3A_506 = vector.broadcast %ne3A_505 : i32 to vector<64x128xi32>
    %ne3A_507 = arith.cmpi ne, %and3A_504, %ne3A_506 : vector<64x128xi32>
    %select_n3A_508 = arith.select %ne3A_507, %concatenate3A_501, %concatenate3A_498 : vector<64x128xi1>, vector<64x128xi32>
    %slice3A_509 = vector.extract_strided_slice %select_n3A_495 {offsets = [0, 4], sizes = [64, 124], strides = [1, 1]} : vector<64x128xi32> to vector<64x124xi32>
    %slice3A_510 = vector.extract_strided_slice %select_n3A_495 {offsets = [0, 0], sizes = [64, 4], strides = [1, 1]} : vector<64x128xi32> to vector<64x4xi32>
    %concatenate3A_511 = tpu.concatenate %slice3A_509, %slice3A_510 in 1 : vector<64x124xi32>, vector<64x4xi32> -> vector<64x128xi32>
    %slice3A_512 = vector.extract_strided_slice %select_n3A_495 {offsets = [0, 124], sizes = [64, 4], strides = [1, 1]} : vector<64x128xi32> to vector<64x4xi32>
    %slice3A_513 = vector.extract_strided_slice %select_n3A_495 {offsets = [0, 0], sizes = [64, 124], strides = [1, 1]} : vector<64x128xi32> to vector<64x124xi32>
    %concatenate3A_514 = tpu.concatenate %slice3A_512, %slice3A_513 in 1 : vector<64x4xi32>, vector<64x124xi32> -> vector<64x128xi32>
    %and3A_515 = arith.constant 4 : i32
    %and3A_516 = vector.broadcast %and3A_515 : i32 to vector<64x128xi32>
    %and3A_517 = arith.andi %iota3A_4, %and3A_516 : vector<64x128xi32>
    %ne3A_518 = arith.constant 0 : i32
    %ne3A_519 = vector.broadcast %ne3A_518 : i32 to vector<64x128xi32>
    %ne3A_520 = arith.cmpi ne, %and3A_517, %ne3A_519 : vector<64x128xi32>
    %select_n3A_521 = arith.select %ne3A_520, %concatenate3A_514, %concatenate3A_511 : vector<64x128xi1>, vector<64x128xi32>
    %and3A_522 = arith.constant 32 : i32
    %and3A_523 = vector.broadcast %and3A_522 : i32 to vector<64x128xi32>
    %and3A_524 = arith.andi %iota3A_4, %and3A_523 : vector<64x128xi32>
    %ne3A_525 = arith.constant 0 : i32
    %ne3A_526 = vector.broadcast %ne3A_525 : i32 to vector<64x128xi32>
    %ne3A_527 = arith.cmpi ne, %and3A_524, %ne3A_526 : vector<64x128xi32>
    %gt3A_528 = arith.cmpi sgt, %select_n3A_494, %select_n3A_508 : vector<64x128xi32>
    %eq3A_529 = arith.cmpi eq, %select_n3A_494, %select_n3A_508 : vector<64x128xi32>
    %lt3A_530 = arith.cmpi slt, %select_n3A_495, %select_n3A_521 : vector<64x128xi32>
    %and3A_531 = arith.andi %eq3A_529, %lt3A_530 : vector<64x128xi1>
    %or3A_532 = arith.ori %gt3A_528, %and3A_531 : vector<64x128xi1>
    %xor3A_533 = arith.xori %or3A_532, %ne3A_507 : vector<64x128xi1>
    %xor3A_534 = arith.xori %xor3A_533, %ne3A_527 : vector<64x128xi1>
    %select_n3A_535 = arith.select %xor3A_534, %select_n3A_494, %select_n3A_508 : vector<64x128xi1>, vector<64x128xi32>
    %select_n3A_536 = arith.select %xor3A_534, %select_n3A_495, %select_n3A_521 : vector<64x128xi1>, vector<64x128xi32>
    %slice3A_537 = vector.extract_strided_slice %select_n3A_535 {offsets = [0, 2], sizes = [64, 126], strides = [1, 1]} : vector<64x128xi32> to vector<64x126xi32>
    %slice3A_538 = vector.extract_strided_slice %select_n3A_535 {offsets = [0, 0], sizes = [64, 2], strides = [1, 1]} : vector<64x128xi32> to vector<64x2xi32>
    %concatenate3A_539 = tpu.concatenate %slice3A_537, %slice3A_538 in 1 : vector<64x126xi32>, vector<64x2xi32> -> vector<64x128xi32>
    %slice3A_540 = vector.extract_strided_slice %select_n3A_535 {offsets = [0, 126], sizes = [64, 2], strides = [1, 1]} : vector<64x128xi32> to vector<64x2xi32>
    %slice3A_541 = vector.extract_strided_slice %select_n3A_535 {offsets = [0, 0], sizes = [64, 126], strides = [1, 1]} : vector<64x128xi32> to vector<64x126xi32>
    %concatenate3A_542 = tpu.concatenate %slice3A_540, %slice3A_541 in 1 : vector<64x2xi32>, vector<64x126xi32> -> vector<64x128xi32>
    %and3A_543 = arith.constant 2 : i32
    %and3A_544 = vector.broadcast %and3A_543 : i32 to vector<64x128xi32>
    %and3A_545 = arith.andi %iota3A_4, %and3A_544 : vector<64x128xi32>
    %ne3A_546 = arith.constant 0 : i32
    %ne3A_547 = vector.broadcast %ne3A_546 : i32 to vector<64x128xi32>
    %ne3A_548 = arith.cmpi ne, %and3A_545, %ne3A_547 : vector<64x128xi32>
    %select_n3A_549 = arith.select %ne3A_548, %concatenate3A_542, %concatenate3A_539 : vector<64x128xi1>, vector<64x128xi32>
    %slice3A_550 = vector.extract_strided_slice %select_n3A_536 {offsets = [0, 2], sizes = [64, 126], strides = [1, 1]} : vector<64x128xi32> to vector<64x126xi32>
    %slice3A_551 = vector.extract_strided_slice %select_n3A_536 {offsets = [0, 0], sizes = [64, 2], strides = [1, 1]} : vector<64x128xi32> to vector<64x2xi32>
    %concatenate3A_552 = tpu.concatenate %slice3A_550, %slice3A_551 in 1 : vector<64x126xi32>, vector<64x2xi32> -> vector<64x128xi32>
    %slice3A_553 = vector.extract_strided_slice %select_n3A_536 {offsets = [0, 126], sizes = [64, 2], strides = [1, 1]} : vector<64x128xi32> to vector<64x2xi32>
    %slice3A_554 = vector.extract_strided_slice %select_n3A_536 {offsets = [0, 0], sizes = [64, 126], strides = [1, 1]} : vector<64x128xi32> to vector<64x126xi32>
    %concatenate3A_555 = tpu.concatenate %slice3A_553, %slice3A_554 in 1 : vector<64x2xi32>, vector<64x126xi32> -> vector<64x128xi32>
    %and3A_556 = arith.constant 2 : i32
    %and3A_557 = vector.broadcast %and3A_556 : i32 to vector<64x128xi32>
    %and3A_558 = arith.andi %iota3A_4, %and3A_557 : vector<64x128xi32>
    %ne3A_559 = arith.constant 0 : i32
    %ne3A_560 = vector.broadcast %ne3A_559 : i32 to vector<64x128xi32>
    %ne3A_561 = arith.cmpi ne, %and3A_558, %ne3A_560 : vector<64x128xi32>
    %select_n3A_562 = arith.select %ne3A_561, %concatenate3A_555, %concatenate3A_552 : vector<64x128xi1>, vector<64x128xi32>
    %and3A_563 = arith.constant 32 : i32
    %and3A_564 = vector.broadcast %and3A_563 : i32 to vector<64x128xi32>
    %and3A_565 = arith.andi %iota3A_4, %and3A_564 : vector<64x128xi32>
    %ne3A_566 = arith.constant 0 : i32
    %ne3A_567 = vector.broadcast %ne3A_566 : i32 to vector<64x128xi32>
    %ne3A_568 = arith.cmpi ne, %and3A_565, %ne3A_567 : vector<64x128xi32>
    %gt3A_569 = arith.cmpi sgt, %select_n3A_535, %select_n3A_549 : vector<64x128xi32>
    %eq3A_570 = arith.cmpi eq, %select_n3A_535, %select_n3A_549 : vector<64x128xi32>
    %lt3A_571 = arith.cmpi slt, %select_n3A_536, %select_n3A_562 : vector<64x128xi32>
    %and3A_572 = arith.andi %eq3A_570, %lt3A_571 : vector<64x128xi1>
    %or3A_573 = arith.ori %gt3A_569, %and3A_572 : vector<64x128xi1>
    %xor3A_574 = arith.xori %or3A_573, %ne3A_548 : vector<64x128xi1>
    %xor3A_575 = arith.xori %xor3A_574, %ne3A_568 : vector<64x128xi1>
    %select_n3A_576 = arith.select %xor3A_575, %select_n3A_535, %select_n3A_549 : vector<64x128xi1>, vector<64x128xi32>
    %select_n3A_577 = arith.select %xor3A_575, %select_n3A_536, %select_n3A_562 : vector<64x128xi1>, vector<64x128xi32>
    %slice3A_578 = vector.extract_strided_slice %select_n3A_576 {offsets = [0, 1], sizes = [64, 127], strides = [1, 1]} : vector<64x128xi32> to vector<64x127xi32>
    %slice3A_579 = vector.extract_strided_slice %select_n3A_576 {offsets = [0, 0], sizes = [64, 1], strides = [1, 1]} : vector<64x128xi32> to vector<64x1xi32>
    %concatenate3A_580 = tpu.concatenate %slice3A_578, %slice3A_579 in 1 : vector<64x127xi32>, vector<64x1xi32> -> vector<64x128xi32>
    %slice3A_581 = vector.extract_strided_slice %select_n3A_576 {offsets = [0, 127], sizes = [64, 1], strides = [1, 1]} : vector<64x128xi32> to vector<64x1xi32>
    %slice3A_582 = vector.extract_strided_slice %select_n3A_576 {offsets = [0, 0], sizes = [64, 127], strides = [1, 1]} : vector<64x128xi32> to vector<64x127xi32>
    %concatenate3A_583 = tpu.concatenate %slice3A_581, %slice3A_582 in 1 : vector<64x1xi32>, vector<64x127xi32> -> vector<64x128xi32>
    %and3A_584 = arith.constant 1 : i32
    %and3A_585 = vector.broadcast %and3A_584 : i32 to vector<64x128xi32>
    %and3A_586 = arith.andi %iota3A_4, %and3A_585 : vector<64x128xi32>
    %ne3A_587 = arith.constant 0 : i32
    %ne3A_588 = vector.broadcast %ne3A_587 : i32 to vector<64x128xi32>
    %ne3A_589 = arith.cmpi ne, %and3A_586, %ne3A_588 : vector<64x128xi32>
    %select_n3A_590 = arith.select %ne3A_589, %concatenate3A_583, %concatenate3A_580 : vector<64x128xi1>, vector<64x128xi32>
    %slice3A_591 = vector.extract_strided_slice %select_n3A_577 {offsets = [0, 1], sizes = [64, 127], strides = [1, 1]} : vector<64x128xi32> to vector<64x127xi32>
    %slice3A_592 = vector.extract_strided_slice %select_n3A_577 {offsets = [0, 0], sizes = [64, 1], strides = [1, 1]} : vector<64x128xi32> to vector<64x1xi32>
    %concatenate3A_593 = tpu.concatenate %slice3A_591, %slice3A_592 in 1 : vector<64x127xi32>, vector<64x1xi32> -> vector<64x128xi32>
    %slice3A_594 = vector.extract_strided_slice %select_n3A_577 {offsets = [0, 127], sizes = [64, 1], strides = [1, 1]} : vector<64x128xi32> to vector<64x1xi32>
    %slice3A_595 = vector.extract_strided_slice %select_n3A_577 {offsets = [0, 0], sizes = [64, 127], strides = [1, 1]} : vector<64x128xi32> to vector<64x127xi32>
    %concatenate3A_596 = tpu.concatenate %slice3A_594, %slice3A_595 in 1 : vector<64x1xi32>, vector<64x127xi32> -> vector<64x128xi32>
    %and3A_597 = arith.constant 1 : i32
    %and3A_598 = vector.broadcast %and3A_597 : i32 to vector<64x128xi32>
    %and3A_599 = arith.andi %iota3A_4, %and3A_598 : vector<64x128xi32>
    %ne3A_600 = arith.constant 0 : i32
    %ne3A_601 = vector.broadcast %ne3A_600 : i32 to vector<64x128xi32>
    %ne3A_602 = arith.cmpi ne, %and3A_599, %ne3A_601 : vector<64x128xi32>
    %select_n3A_603 = arith.select %ne3A_602, %concatenate3A_596, %concatenate3A_593 : vector<64x128xi1>, vector<64x128xi32>
    %and3A_604 = arith.constant 32 : i32
    %and3A_605 = vector.broadcast %and3A_604 : i32 to vector<64x128xi32>
    %and3A_606 = arith.andi %iota3A_4, %and3A_605 : vector<64x128xi32>
    %ne3A_607 = arith.constant 0 : i32
    %ne3A_608 = vector.broadcast %ne3A_607 : i32 to vector<64x128xi32>
    %ne3A_609 = arith.cmpi ne, %and3A_606, %ne3A_608 : vector<64x128xi32>
    %gt3A_610 = arith.cmpi sgt, %select_n3A_576, %select_n3A_590 : vector<64x128xi32>
    %eq3A_611 = arith.cmpi eq, %select_n3A_576, %select_n3A_590 : vector<64x128xi32>
    %lt3A_612 = arith.cmpi slt, %select_n3A_577, %select_n3A_603 : vector<64x128xi32>
    %and3A_613 = arith.andi %eq3A_611, %lt3A_612 : vector<64x128xi1>
    %or3A_614 = arith.ori %gt3A_610, %and3A_613 : vector<64x128xi1>
    %xor3A_615 = arith.xori %or3A_614, %ne3A_589 : vector<64x128xi1>
    %xor3A_616 = arith.xori %xor3A_615, %ne3A_609 : vector<64x128xi1>
    %select_n3A_617 = arith.select %xor3A_616, %select_n3A_576, %select_n3A_590 : vector<64x128xi1>, vector<64x128xi32>
    %select_n3A_618 = arith.select %xor3A_616, %select_n3A_577, %select_n3A_603 : vector<64x128xi1>, vector<64x128xi32>
    %slice3A_619 = vector.extract_strided_slice %select_n3A_617 {offsets = [0, 32], sizes = [64, 96], strides = [1, 1]} : vector<64x128xi32> to vector<64x96xi32>
    %slice3A_620 = vector.extract_strided_slice %select_n3A_617 {offsets = [0, 0], sizes = [64, 32], strides = [1, 1]} : vector<64x128xi32> to vector<64x32xi32>
    %concatenate3A_621 = tpu.concatenate %slice3A_619, %slice3A_620 in 1 : vector<64x96xi32>, vector<64x32xi32> -> vector<64x128xi32>
    %slice3A_622 = vector.extract_strided_slice %select_n3A_617 {offsets = [0, 96], sizes = [64, 32], strides = [1, 1]} : vector<64x128xi32> to vector<64x32xi32>
    %slice3A_623 = vector.extract_strided_slice %select_n3A_617 {offsets = [0, 0], sizes = [64, 96], strides = [1, 1]} : vector<64x128xi32> to vector<64x96xi32>
    %concatenate3A_624 = tpu.concatenate %slice3A_622, %slice3A_623 in 1 : vector<64x32xi32>, vector<64x96xi32> -> vector<64x128xi32>
    %and3A_625 = arith.constant 32 : i32
    %and3A_626 = vector.broadcast %and3A_625 : i32 to vector<64x128xi32>
    %and3A_627 = arith.andi %iota3A_4, %and3A_626 : vector<64x128xi32>
    %ne3A_628 = arith.constant 0 : i32
    %ne3A_629 = vector.broadcast %ne3A_628 : i32 to vector<64x128xi32>
    %ne3A_630 = arith.cmpi ne, %and3A_627, %ne3A_629 : vector<64x128xi32>
    %select_n3A_631 = arith.select %ne3A_630, %concatenate3A_624, %concatenate3A_621 : vector<64x128xi1>, vector<64x128xi32>
    %slice3A_632 = vector.extract_strided_slice %select_n3A_618 {offsets = [0, 32], sizes = [64, 96], strides = [1, 1]} : vector<64x128xi32> to vector<64x96xi32>
    %slice3A_633 = vector.extract_strided_slice %select_n3A_618 {offsets = [0, 0], sizes = [64, 32], strides = [1, 1]} : vector<64x128xi32> to vector<64x32xi32>
    %concatenate3A_634 = tpu.concatenate %slice3A_632, %slice3A_633 in 1 : vector<64x96xi32>, vector<64x32xi32> -> vector<64x128xi32>
    %slice3A_635 = vector.extract_strided_slice %select_n3A_618 {offsets = [0, 96], sizes = [64, 32], strides = [1, 1]} : vector<64x128xi32> to vector<64x32xi32>
    %slice3A_636 = vector.extract_strided_slice %select_n3A_618 {offsets = [0, 0], sizes = [64, 96], strides = [1, 1]} : vector<64x128xi32> to vector<64x96xi32>
    %concatenate3A_637 = tpu.concatenate %slice3A_635, %slice3A_636 in 1 : vector<64x32xi32>, vector<64x96xi32> -> vector<64x128xi32>
    %and3A_638 = arith.constant 32 : i32
    %and3A_639 = vector.broadcast %and3A_638 : i32 to vector<64x128xi32>
    %and3A_640 = arith.andi %iota3A_4, %and3A_639 : vector<64x128xi32>
    %ne3A_641 = arith.constant 0 : i32
    %ne3A_642 = vector.broadcast %ne3A_641 : i32 to vector<64x128xi32>
    %ne3A_643 = arith.cmpi ne, %and3A_640, %ne3A_642 : vector<64x128xi32>
    %select_n3A_644 = arith.select %ne3A_643, %concatenate3A_637, %concatenate3A_634 : vector<64x128xi1>, vector<64x128xi32>
    %and3A_645 = arith.constant 64 : i32
    %and3A_646 = vector.broadcast %and3A_645 : i32 to vector<64x128xi32>
    %and3A_647 = arith.andi %iota3A_4, %and3A_646 : vector<64x128xi32>
    %ne3A_648 = arith.constant 0 : i32
    %ne3A_649 = vector.broadcast %ne3A_648 : i32 to vector<64x128xi32>
    %ne3A_650 = arith.cmpi ne, %and3A_647, %ne3A_649 : vector<64x128xi32>
    %gt3A_651 = arith.cmpi sgt, %select_n3A_617, %select_n3A_631 : vector<64x128xi32>
    %eq3A_652 = arith.cmpi eq, %select_n3A_617, %select_n3A_631 : vector<64x128xi32>
    %lt3A_653 = arith.cmpi slt, %select_n3A_618, %select_n3A_644 : vector<64x128xi32>
    %and3A_654 = arith.andi %eq3A_652, %lt3A_653 : vector<64x128xi1>
    %or3A_655 = arith.ori %gt3A_651, %and3A_654 : vector<64x128xi1>
    %xor3A_656 = arith.xori %or3A_655, %ne3A_630 : vector<64x128xi1>
    %xor3A_657 = arith.xori %xor3A_656, %ne3A_650 : vector<64x128xi1>
    %select_n3A_658 = arith.select %xor3A_657, %select_n3A_617, %select_n3A_631 : vector<64x128xi1>, vector<64x128xi32>
    %select_n3A_659 = arith.select %xor3A_657, %select_n3A_618, %select_n3A_644 : vector<64x128xi1>, vector<64x128xi32>
    %slice3A_660 = vector.extract_strided_slice %select_n3A_658 {offsets = [0, 16], sizes = [64, 112], strides = [1, 1]} : vector<64x128xi32> to vector<64x112xi32>
    %slice3A_661 = vector.extract_strided_slice %select_n3A_658 {offsets = [0, 0], sizes = [64, 16], strides = [1, 1]} : vector<64x128xi32> to vector<64x16xi32>
    %concatenate3A_662 = tpu.concatenate %slice3A_660, %slice3A_661 in 1 : vector<64x112xi32>, vector<64x16xi32> -> vector<64x128xi32>
    %slice3A_663 = vector.extract_strided_slice %select_n3A_658 {offsets = [0, 112], sizes = [64, 16], strides = [1, 1]} : vector<64x128xi32> to vector<64x16xi32>
    %slice3A_664 = vector.extract_strided_slice %select_n3A_658 {offsets = [0, 0], sizes = [64, 112], strides = [1, 1]} : vector<64x128xi32> to vector<64x112xi32>
    %concatenate3A_665 = tpu.concatenate %slice3A_663, %slice3A_664 in 1 : vector<64x16xi32>, vector<64x112xi32> -> vector<64x128xi32>
    %and3A_666 = arith.constant 16 : i32
    %and3A_667 = vector.broadcast %and3A_666 : i32 to vector<64x128xi32>
    %and3A_668 = arith.andi %iota3A_4, %and3A_667 : vector<64x128xi32>
    %ne3A_669 = arith.constant 0 : i32
    %ne3A_670 = vector.broadcast %ne3A_669 : i32 to vector<64x128xi32>
    %ne3A_671 = arith.cmpi ne, %and3A_668, %ne3A_670 : vector<64x128xi32>
    %select_n3A_672 = arith.select %ne3A_671, %concatenate3A_665, %concatenate3A_662 : vector<64x128xi1>, vector<64x128xi32>
    %slice3A_673 = vector.extract_strided_slice %select_n3A_659 {offsets = [0, 16], sizes = [64, 112], strides = [1, 1]} : vector<64x128xi32> to vector<64x112xi32>
    %slice3A_674 = vector.extract_strided_slice %select_n3A_659 {offsets = [0, 0], sizes = [64, 16], strides = [1, 1]} : vector<64x128xi32> to vector<64x16xi32>
    %concatenate3A_675 = tpu.concatenate %slice3A_673, %slice3A_674 in 1 : vector<64x112xi32>, vector<64x16xi32> -> vector<64x128xi32>
    %slice3A_676 = vector.extract_strided_slice %select_n3A_659 {offsets = [0, 112], sizes = [64, 16], strides = [1, 1]} : vector<64x128xi32> to vector<64x16xi32>
    %slice3A_677 = vector.extract_strided_slice %select_n3A_659 {offsets = [0, 0], sizes = [64, 112], strides = [1, 1]} : vector<64x128xi32> to vector<64x112xi32>
    %concatenate3A_678 = tpu.concatenate %slice3A_676, %slice3A_677 in 1 : vector<64x16xi32>, vector<64x112xi32> -> vector<64x128xi32>
    %and3A_679 = arith.constant 16 : i32
    %and3A_680 = vector.broadcast %and3A_679 : i32 to vector<64x128xi32>
    %and3A_681 = arith.andi %iota3A_4, %and3A_680 : vector<64x128xi32>
    %ne3A_682 = arith.constant 0 : i32
    %ne3A_683 = vector.broadcast %ne3A_682 : i32 to vector<64x128xi32>
    %ne3A_684 = arith.cmpi ne, %and3A_681, %ne3A_683 : vector<64x128xi32>
    %select_n3A_685 = arith.select %ne3A_684, %concatenate3A_678, %concatenate3A_675 : vector<64x128xi1>, vector<64x128xi32>
    %and3A_686 = arith.constant 64 : i32
    %and3A_687 = vector.broadcast %and3A_686 : i32 to vector<64x128xi32>
    %and3A_688 = arith.andi %iota3A_4, %and3A_687 : vector<64x128xi32>
    %ne3A_689 = arith.constant 0 : i32
    %ne3A_690 = vector.broadcast %ne3A_689 : i32 to vector<64x128xi32>
    %ne3A_691 = arith.cmpi ne, %and3A_688, %ne3A_690 : vector<64x128xi32>
    %gt3A_692 = arith.cmpi sgt, %select_n3A_658, %select_n3A_672 : vector<64x128xi32>
    %eq3A_693 = arith.cmpi eq, %select_n3A_658, %select_n3A_672 : vector<64x128xi32>
    %lt3A_694 = arith.cmpi slt, %select_n3A_659, %select_n3A_685 : vector<64x128xi32>
    %and3A_695 = arith.andi %eq3A_693, %lt3A_694 : vector<64x128xi1>
    %or3A_696 = arith.ori %gt3A_692, %and3A_695 : vector<64x128xi1>
    %xor3A_697 = arith.xori %or3A_696, %ne3A_671 : vector<64x128xi1>
    %xor3A_698 = arith.xori %xor3A_697, %ne3A_691 : vector<64x128xi1>
    %select_n3A_699 = arith.select %xor3A_698, %select_n3A_658, %select_n3A_672 : vector<64x128xi1>, vector<64x128xi32>
    %select_n3A_700 = arith.select %xor3A_698, %select_n3A_659, %select_n3A_685 : vector<64x128xi1>, vector<64x128xi32>
    %slice3A_701 = vector.extract_strided_slice %select_n3A_699 {offsets = [0, 8], sizes = [64, 120], strides = [1, 1]} : vector<64x128xi32> to vector<64x120xi32>
    %slice3A_702 = vector.extract_strided_slice %select_n3A_699 {offsets = [0, 0], sizes = [64, 8], strides = [1, 1]} : vector<64x128xi32> to vector<64x8xi32>
    %concatenate3A_703 = tpu.concatenate %slice3A_701, %slice3A_702 in 1 : vector<64x120xi32>, vector<64x8xi32> -> vector<64x128xi32>
    %slice3A_704 = vector.extract_strided_slice %select_n3A_699 {offsets = [0, 120], sizes = [64, 8], strides = [1, 1]} : vector<64x128xi32> to vector<64x8xi32>
    %slice3A_705 = vector.extract_strided_slice %select_n3A_699 {offsets = [0, 0], sizes = [64, 120], strides = [1, 1]} : vector<64x128xi32> to vector<64x120xi32>
    %concatenate3A_706 = tpu.concatenate %slice3A_704, %slice3A_705 in 1 : vector<64x8xi32>, vector<64x120xi32> -> vector<64x128xi32>
    %and3A_707 = arith.constant 8 : i32
    %and3A_708 = vector.broadcast %and3A_707 : i32 to vector<64x128xi32>
    %and3A_709 = arith.andi %iota3A_4, %and3A_708 : vector<64x128xi32>
    %ne3A_710 = arith.constant 0 : i32
    %ne3A_711 = vector.broadcast %ne3A_710 : i32 to vector<64x128xi32>
    %ne3A_712 = arith.cmpi ne, %and3A_709, %ne3A_711 : vector<64x128xi32>
    %select_n3A_713 = arith.select %ne3A_712, %concatenate3A_706, %concatenate3A_703 : vector<64x128xi1>, vector<64x128xi32>
    %slice3A_714 = vector.extract_strided_slice %select_n3A_700 {offsets = [0, 8], sizes = [64, 120], strides = [1, 1]} : vector<64x128xi32> to vector<64x120xi32>
    %slice3A_715 = vector.extract_strided_slice %select_n3A_700 {offsets = [0, 0], sizes = [64, 8], strides = [1, 1]} : vector<64x128xi32> to vector<64x8xi32>
    %concatenate3A_716 = tpu.concatenate %slice3A_714, %slice3A_715 in 1 : vector<64x120xi32>, vector<64x8xi32> -> vector<64x128xi32>
    %slice3A_717 = vector.extract_strided_slice %select_n3A_700 {offsets = [0, 120], sizes = [64, 8], strides = [1, 1]} : vector<64x128xi32> to vector<64x8xi32>
    %slice3A_718 = vector.extract_strided_slice %select_n3A_700 {offsets = [0, 0], sizes = [64, 120], strides = [1, 1]} : vector<64x128xi32> to vector<64x120xi32>
    %concatenate3A_719 = tpu.concatenate %slice3A_717, %slice3A_718 in 1 : vector<64x8xi32>, vector<64x120xi32> -> vector<64x128xi32>
    %and3A_720 = arith.constant 8 : i32
    %and3A_721 = vector.broadcast %and3A_720 : i32 to vector<64x128xi32>
    %and3A_722 = arith.andi %iota3A_4, %and3A_721 : vector<64x128xi32>
    %ne3A_723 = arith.constant 0 : i32
    %ne3A_724 = vector.broadcast %ne3A_723 : i32 to vector<64x128xi32>
    %ne3A_725 = arith.cmpi ne, %and3A_722, %ne3A_724 : vector<64x128xi32>
    %select_n3A_726 = arith.select %ne3A_725, %concatenate3A_719, %concatenate3A_716 : vector<64x128xi1>, vector<64x128xi32>
    %and3A_727 = arith.constant 64 : i32
    %and3A_728 = vector.broadcast %and3A_727 : i32 to vector<64x128xi32>
    %and3A_729 = arith.andi %iota3A_4, %and3A_728 : vector<64x128xi32>
    %ne3A_730 = arith.constant 0 : i32
    %ne3A_731 = vector.broadcast %ne3A_730 : i32 to vector<64x128xi32>
    %ne3A_732 = arith.cmpi ne, %and3A_729, %ne3A_731 : vector<64x128xi32>
    %gt3A_733 = arith.cmpi sgt, %select_n3A_699, %select_n3A_713 : vector<64x128xi32>
    %eq3A_734 = arith.cmpi eq, %select_n3A_699, %select_n3A_713 : vector<64x128xi32>
    %lt3A_735 = arith.cmpi slt, %select_n3A_700, %select_n3A_726 : vector<64x128xi32>
    %and3A_736 = arith.andi %eq3A_734, %lt3A_735 : vector<64x128xi1>
    %or3A_737 = arith.ori %gt3A_733, %and3A_736 : vector<64x128xi1>
    %xor3A_738 = arith.xori %or3A_737, %ne3A_712 : vector<64x128xi1>
    %xor3A_739 = arith.xori %xor3A_738, %ne3A_732 : vector<64x128xi1>
    %select_n3A_740 = arith.select %xor3A_739, %select_n3A_699, %select_n3A_713 : vector<64x128xi1>, vector<64x128xi32>
    %select_n3A_741 = arith.select %xor3A_739, %select_n3A_700, %select_n3A_726 : vector<64x128xi1>, vector<64x128xi32>
    %slice3A_742 = vector.extract_strided_slice %select_n3A_740 {offsets = [0, 4], sizes = [64, 124], strides = [1, 1]} : vector<64x128xi32> to vector<64x124xi32>
    %slice3A_743 = vector.extract_strided_slice %select_n3A_740 {offsets = [0, 0], sizes = [64, 4], strides = [1, 1]} : vector<64x128xi32> to vector<64x4xi32>
    %concatenate3A_744 = tpu.concatenate %slice3A_742, %slice3A_743 in 1 : vector<64x124xi32>, vector<64x4xi32> -> vector<64x128xi32>
    %slice3A_745 = vector.extract_strided_slice %select_n3A_740 {offsets = [0, 124], sizes = [64, 4], strides = [1, 1]} : vector<64x128xi32> to vector<64x4xi32>
    %slice3A_746 = vector.extract_strided_slice %select_n3A_740 {offsets = [0, 0], sizes = [64, 124], strides = [1, 1]} : vector<64x128xi32> to vector<64x124xi32>
    %concatenate3A_747 = tpu.concatenate %slice3A_745, %slice3A_746 in 1 : vector<64x4xi32>, vector<64x124xi32> -> vector<64x128xi32>
    %and3A_748 = arith.constant 4 : i32
    %and3A_749 = vector.broadcast %and3A_748 : i32 to vector<64x128xi32>
    %and3A_750 = arith.andi %iota3A_4, %and3A_749 : vector<64x128xi32>
    %ne3A_751 = arith.constant 0 : i32
    %ne3A_752 = vector.broadcast %ne3A_751 : i32 to vector<64x128xi32>
    %ne3A_753 = arith.cmpi ne, %and3A_750, %ne3A_752 : vector<64x128xi32>
    %select_n3A_754 = arith.select %ne3A_753, %concatenate3A_747, %concatenate3A_744 : vector<64x128xi1>, vector<64x128xi32>
    %slice3A_755 = vector.extract_strided_slice %select_n3A_741 {offsets = [0, 4], sizes = [64, 124], strides = [1, 1]} : vector<64x128xi32> to vector<64x124xi32>
    %slice3A_756 = vector.extract_strided_slice %select_n3A_741 {offsets = [0, 0], sizes = [64, 4], strides = [1, 1]} : vector<64x128xi32> to vector<64x4xi32>
    %concatenate3A_757 = tpu.concatenate %slice3A_755, %slice3A_756 in 1 : vector<64x124xi32>, vector<64x4xi32> -> vector<64x128xi32>
    %slice3A_758 = vector.extract_strided_slice %select_n3A_741 {offsets = [0, 124], sizes = [64, 4], strides = [1, 1]} : vector<64x128xi32> to vector<64x4xi32>
    %slice3A_759 = vector.extract_strided_slice %select_n3A_741 {offsets = [0, 0], sizes = [64, 124], strides = [1, 1]} : vector<64x128xi32> to vector<64x124xi32>
    %concatenate3A_760 = tpu.concatenate %slice3A_758, %slice3A_759 in 1 : vector<64x4xi32>, vector<64x124xi32> -> vector<64x128xi32>
    %and3A_761 = arith.constant 4 : i32
    %and3A_762 = vector.broadcast %and3A_761 : i32 to vector<64x128xi32>
    %and3A_763 = arith.andi %iota3A_4, %and3A_762 : vector<64x128xi32>
    %ne3A_764 = arith.constant 0 : i32
    %ne3A_765 = vector.broadcast %ne3A_764 : i32 to vector<64x128xi32>
    %ne3A_766 = arith.cmpi ne, %and3A_763, %ne3A_765 : vector<64x128xi32>
    %select_n3A_767 = arith.select %ne3A_766, %concatenate3A_760, %concatenate3A_757 : vector<64x128xi1>, vector<64x128xi32>
    %and3A_768 = arith.constant 64 : i32
    %and3A_769 = vector.broadcast %and3A_768 : i32 to vector<64x128xi32>
    %and3A_770 = arith.andi %iota3A_4, %and3A_769 : vector<64x128xi32>
    %ne3A_771 = arith.constant 0 : i32
    %ne3A_772 = vector.broadcast %ne3A_771 : i32 to vector<64x128xi32>
    %ne3A_773 = arith.cmpi ne, %and3A_770, %ne3A_772 : vector<64x128xi32>
    %gt3A_774 = arith.cmpi sgt, %select_n3A_740, %select_n3A_754 : vector<64x128xi32>
    %eq3A_775 = arith.cmpi eq, %select_n3A_740, %select_n3A_754 : vector<64x128xi32>
    %lt3A_776 = arith.cmpi slt, %select_n3A_741, %select_n3A_767 : vector<64x128xi32>
    %and3A_777 = arith.andi %eq3A_775, %lt3A_776 : vector<64x128xi1>
    %or3A_778 = arith.ori %gt3A_774, %and3A_777 : vector<64x128xi1>
    %xor3A_779 = arith.xori %or3A_778, %ne3A_753 : vector<64x128xi1>
    %xor3A_780 = arith.xori %xor3A_779, %ne3A_773 : vector<64x128xi1>
    %select_n3A_781 = arith.select %xor3A_780, %select_n3A_740, %select_n3A_754 : vector<64x128xi1>, vector<64x128xi32>
    %select_n3A_782 = arith.select %xor3A_780, %select_n3A_741, %select_n3A_767 : vector<64x128xi1>, vector<64x128xi32>
    %slice3A_783 = vector.extract_strided_slice %select_n3A_781 {offsets = [0, 2], sizes = [64, 126], strides = [1, 1]} : vector<64x128xi32> to vector<64x126xi32>
    %slice3A_784 = vector.extract_strided_slice %select_n3A_781 {offsets = [0, 0], sizes = [64, 2], strides = [1, 1]} : vector<64x128xi32> to vector<64x2xi32>
    %concatenate3A_785 = tpu.concatenate %slice3A_783, %slice3A_784 in 1 : vector<64x126xi32>, vector<64x2xi32> -> vector<64x128xi32>
    %slice3A_786 = vector.extract_strided_slice %select_n3A_781 {offsets = [0, 126], sizes = [64, 2], strides = [1, 1]} : vector<64x128xi32> to vector<64x2xi32>
    %slice3A_787 = vector.extract_strided_slice %select_n3A_781 {offsets = [0, 0], sizes = [64, 126], strides = [1, 1]} : vector<64x128xi32> to vector<64x126xi32>
    %concatenate3A_788 = tpu.concatenate %slice3A_786, %slice3A_787 in 1 : vector<64x2xi32>, vector<64x126xi32> -> vector<64x128xi32>
    %and3A_789 = arith.constant 2 : i32
    %and3A_790 = vector.broadcast %and3A_789 : i32 to vector<64x128xi32>
    %and3A_791 = arith.andi %iota3A_4, %and3A_790 : vector<64x128xi32>
    %ne3A_792 = arith.constant 0 : i32
    %ne3A_793 = vector.broadcast %ne3A_792 : i32 to vector<64x128xi32>
    %ne3A_794 = arith.cmpi ne, %and3A_791, %ne3A_793 : vector<64x128xi32>
    %select_n3A_795 = arith.select %ne3A_794, %concatenate3A_788, %concatenate3A_785 : vector<64x128xi1>, vector<64x128xi32>
    %slice3A_796 = vector.extract_strided_slice %select_n3A_782 {offsets = [0, 2], sizes = [64, 126], strides = [1, 1]} : vector<64x128xi32> to vector<64x126xi32>
    %slice3A_797 = vector.extract_strided_slice %select_n3A_782 {offsets = [0, 0], sizes = [64, 2], strides = [1, 1]} : vector<64x128xi32> to vector<64x2xi32>
    %concatenate3A_798 = tpu.concatenate %slice3A_796, %slice3A_797 in 1 : vector<64x126xi32>, vector<64x2xi32> -> vector<64x128xi32>
    %slice3A_799 = vector.extract_strided_slice %select_n3A_782 {offsets = [0, 126], sizes = [64, 2], strides = [1, 1]} : vector<64x128xi32> to vector<64x2xi32>
    %slice3A_800 = vector.extract_strided_slice %select_n3A_782 {offsets = [0, 0], sizes = [64, 126], strides = [1, 1]} : vector<64x128xi32> to vector<64x126xi32>
    %concatenate3A_801 = tpu.concatenate %slice3A_799, %slice3A_800 in 1 : vector<64x2xi32>, vector<64x126xi32> -> vector<64x128xi32>
    %and3A_802 = arith.constant 2 : i32
    %and3A_803 = vector.broadcast %and3A_802 : i32 to vector<64x128xi32>
    %and3A_804 = arith.andi %iota3A_4, %and3A_803 : vector<64x128xi32>
    %ne3A_805 = arith.constant 0 : i32
    %ne3A_806 = vector.broadcast %ne3A_805 : i32 to vector<64x128xi32>
    %ne3A_807 = arith.cmpi ne, %and3A_804, %ne3A_806 : vector<64x128xi32>
    %select_n3A_808 = arith.select %ne3A_807, %concatenate3A_801, %concatenate3A_798 : vector<64x128xi1>, vector<64x128xi32>
    %and3A_809 = arith.constant 64 : i32
    %and3A_810 = vector.broadcast %and3A_809 : i32 to vector<64x128xi32>
    %and3A_811 = arith.andi %iota3A_4, %and3A_810 : vector<64x128xi32>
    %ne3A_812 = arith.constant 0 : i32
    %ne3A_813 = vector.broadcast %ne3A_812 : i32 to vector<64x128xi32>
    %ne3A_814 = arith.cmpi ne, %and3A_811, %ne3A_813 : vector<64x128xi32>
    %gt3A_815 = arith.cmpi sgt, %select_n3A_781, %select_n3A_795 : vector<64x128xi32>
    %eq3A_816 = arith.cmpi eq, %select_n3A_781, %select_n3A_795 : vector<64x128xi32>
    %lt3A_817 = arith.cmpi slt, %select_n3A_782, %select_n3A_808 : vector<64x128xi32>
    %and3A_818 = arith.andi %eq3A_816, %lt3A_817 : vector<64x128xi1>
    %or3A_819 = arith.ori %gt3A_815, %and3A_818 : vector<64x128xi1>
    %xor3A_820 = arith.xori %or3A_819, %ne3A_794 : vector<64x128xi1>
    %xor3A_821 = arith.xori %xor3A_820, %ne3A_814 : vector<64x128xi1>
    %select_n3A_822 = arith.select %xor3A_821, %select_n3A_781, %select_n3A_795 : vector<64x128xi1>, vector<64x128xi32>
    %select_n3A_823 = arith.select %xor3A_821, %select_n3A_782, %select_n3A_808 : vector<64x128xi1>, vector<64x128xi32>
    %slice3A_824 = vector.extract_strided_slice %select_n3A_822 {offsets = [0, 1], sizes = [64, 127], strides = [1, 1]} : vector<64x128xi32> to vector<64x127xi32>
    %slice3A_825 = vector.extract_strided_slice %select_n3A_822 {offsets = [0, 0], sizes = [64, 1], strides = [1, 1]} : vector<64x128xi32> to vector<64x1xi32>
    %concatenate3A_826 = tpu.concatenate %slice3A_824, %slice3A_825 in 1 : vector<64x127xi32>, vector<64x1xi32> -> vector<64x128xi32>
    %slice3A_827 = vector.extract_strided_slice %select_n3A_822 {offsets = [0, 127], sizes = [64, 1], strides = [1, 1]} : vector<64x128xi32> to vector<64x1xi32>
    %slice3A_828 = vector.extract_strided_slice %select_n3A_822 {offsets = [0, 0], sizes = [64, 127], strides = [1, 1]} : vector<64x128xi32> to vector<64x127xi32>
    %concatenate3A_829 = tpu.concatenate %slice3A_827, %slice3A_828 in 1 : vector<64x1xi32>, vector<64x127xi32> -> vector<64x128xi32>
    %and3A_830 = arith.constant 1 : i32
    %and3A_831 = vector.broadcast %and3A_830 : i32 to vector<64x128xi32>
    %and3A_832 = arith.andi %iota3A_4, %and3A_831 : vector<64x128xi32>
    %ne3A_833 = arith.constant 0 : i32
    %ne3A_834 = vector.broadcast %ne3A_833 : i32 to vector<64x128xi32>
    %ne3A_835 = arith.cmpi ne, %and3A_832, %ne3A_834 : vector<64x128xi32>
    %select_n3A_836 = arith.select %ne3A_835, %concatenate3A_829, %concatenate3A_826 : vector<64x128xi1>, vector<64x128xi32>
    %slice3A_837 = vector.extract_strided_slice %select_n3A_823 {offsets = [0, 1], sizes = [64, 127], strides = [1, 1]} : vector<64x128xi32> to vector<64x127xi32>
    %slice3A_838 = vector.extract_strided_slice %select_n3A_823 {offsets = [0, 0], sizes = [64, 1], strides = [1, 1]} : vector<64x128xi32> to vector<64x1xi32>
    %concatenate3A_839 = tpu.concatenate %slice3A_837, %slice3A_838 in 1 : vector<64x127xi32>, vector<64x1xi32> -> vector<64x128xi32>
    %slice3A_840 = vector.extract_strided_slice %select_n3A_823 {offsets = [0, 127], sizes = [64, 1], strides = [1, 1]} : vector<64x128xi32> to vector<64x1xi32>
    %slice3A_841 = vector.extract_strided_slice %select_n3A_823 {offsets = [0, 0], sizes = [64, 127], strides = [1, 1]} : vector<64x128xi32> to vector<64x127xi32>
    %concatenate3A_842 = tpu.concatenate %slice3A_840, %slice3A_841 in 1 : vector<64x1xi32>, vector<64x127xi32> -> vector<64x128xi32>
    %and3A_843 = arith.constant 1 : i32
    %and3A_844 = vector.broadcast %and3A_843 : i32 to vector<64x128xi32>
    %and3A_845 = arith.andi %iota3A_4, %and3A_844 : vector<64x128xi32>
    %ne3A_846 = arith.constant 0 : i32
    %ne3A_847 = vector.broadcast %ne3A_846 : i32 to vector<64x128xi32>
    %ne3A_848 = arith.cmpi ne, %and3A_845, %ne3A_847 : vector<64x128xi32>
    %select_n3A_849 = arith.select %ne3A_848, %concatenate3A_842, %concatenate3A_839 : vector<64x128xi1>, vector<64x128xi32>
    %and3A_850 = arith.constant 64 : i32
    %and3A_851 = vector.broadcast %and3A_850 : i32 to vector<64x128xi32>
    %and3A_852 = arith.andi %iota3A_4, %and3A_851 : vector<64x128xi32>
    %ne3A_853 = arith.constant 0 : i32
    %ne3A_854 = vector.broadcast %ne3A_853 : i32 to vector<64x128xi32>
    %ne3A_855 = arith.cmpi ne, %and3A_852, %ne3A_854 : vector<64x128xi32>
    %gt3A_856 = arith.cmpi sgt, %select_n3A_822, %select_n3A_836 : vector<64x128xi32>
    %eq3A_857 = arith.cmpi eq, %select_n3A_822, %select_n3A_836 : vector<64x128xi32>
    %lt3A_858 = arith.cmpi slt, %select_n3A_823, %select_n3A_849 : vector<64x128xi32>
    %and3A_859 = arith.andi %eq3A_857, %lt3A_858 : vector<64x128xi1>
    %or3A_860 = arith.ori %gt3A_856, %and3A_859 : vector<64x128xi1>
    %xor3A_861 = arith.xori %or3A_860, %ne3A_835 : vector<64x128xi1>
    %xor3A_862 = arith.xori %xor3A_861, %ne3A_855 : vector<64x128xi1>
    %select_n3A_863 = arith.select %xor3A_862, %select_n3A_822, %select_n3A_836 : vector<64x128xi1>, vector<64x128xi32>
    %select_n3A_864 = arith.select %xor3A_862, %select_n3A_823, %select_n3A_849 : vector<64x128xi1>, vector<64x128xi32>
    %slice3A_865 = vector.extract_strided_slice %select_n3A_863 {offsets = [0, 64], sizes = [64, 64], strides = [1, 1]} : vector<64x128xi32> to vector<64x64xi32>
    %slice3A_866 = vector.extract_strided_slice %select_n3A_863 {offsets = [0, 0], sizes = [64, 64], strides = [1, 1]} : vector<64x128xi32> to vector<64x64xi32>
    %concatenate3A_867 = tpu.concatenate %slice3A_865, %slice3A_866 in 1 : vector<64x64xi32>, vector<64x64xi32> -> vector<64x128xi32>
    %slice3A_868 = vector.extract_strided_slice %select_n3A_863 {offsets = [0, 64], sizes = [64, 64], strides = [1, 1]} : vector<64x128xi32> to vector<64x64xi32>
    %slice3A_869 = vector.extract_strided_slice %select_n3A_863 {offsets = [0, 0], sizes = [64, 64], strides = [1, 1]} : vector<64x128xi32> to vector<64x64xi32>
    %concatenate3A_870 = tpu.concatenate %slice3A_868, %slice3A_869 in 1 : vector<64x64xi32>, vector<64x64xi32> -> vector<64x128xi32>
    %and3A_871 = arith.constant 64 : i32
    %and3A_872 = vector.broadcast %and3A_871 : i32 to vector<64x128xi32>
    %and3A_873 = arith.andi %iota3A_4, %and3A_872 : vector<64x128xi32>
    %ne3A_874 = arith.constant 0 : i32
    %ne3A_875 = vector.broadcast %ne3A_874 : i32 to vector<64x128xi32>
    %ne3A_876 = arith.cmpi ne, %and3A_873, %ne3A_875 : vector<64x128xi32>
    %select_n3A_877 = arith.select %ne3A_876, %concatenate3A_870, %concatenate3A_867 : vector<64x128xi1>, vector<64x128xi32>
    %slice3A_878 = vector.extract_strided_slice %select_n3A_864 {offsets = [0, 64], sizes = [64, 64], strides = [1, 1]} : vector<64x128xi32> to vector<64x64xi32>
    %slice3A_879 = vector.extract_strided_slice %select_n3A_864 {offsets = [0, 0], sizes = [64, 64], strides = [1, 1]} : vector<64x128xi32> to vector<64x64xi32>
    %concatenate3A_880 = tpu.concatenate %slice3A_878, %slice3A_879 in 1 : vector<64x64xi32>, vector<64x64xi32> -> vector<64x128xi32>
    %slice3A_881 = vector.extract_strided_slice %select_n3A_864 {offsets = [0, 64], sizes = [64, 64], strides = [1, 1]} : vector<64x128xi32> to vector<64x64xi32>
    %slice3A_882 = vector.extract_strided_slice %select_n3A_864 {offsets = [0, 0], sizes = [64, 64], strides = [1, 1]} : vector<64x128xi32> to vector<64x64xi32>
    %concatenate3A_883 = tpu.concatenate %slice3A_881, %slice3A_882 in 1 : vector<64x64xi32>, vector<64x64xi32> -> vector<64x128xi32>
    %and3A_884 = arith.constant 64 : i32
    %and3A_885 = vector.broadcast %and3A_884 : i32 to vector<64x128xi32>
    %and3A_886 = arith.andi %iota3A_4, %and3A_885 : vector<64x128xi32>
    %ne3A_887 = arith.constant 0 : i32
    %ne3A_888 = vector.broadcast %ne3A_887 : i32 to vector<64x128xi32>
    %ne3A_889 = arith.cmpi ne, %and3A_886, %ne3A_888 : vector<64x128xi32>
    %select_n3A_890 = arith.select %ne3A_889, %concatenate3A_883, %concatenate3A_880 : vector<64x128xi1>, vector<64x128xi32>
    %and3A_891 = arith.constant 1 : i32
    %and3A_892 = vector.broadcast %and3A_891 : i32 to vector<64x128xi32>
    %and3A_893 = arith.andi %iota3A, %and3A_892 : vector<64x128xi32>
    %ne3A_894 = arith.constant 0 : i32
    %ne3A_895 = vector.broadcast %ne3A_894 : i32 to vector<64x128xi32>
    %ne3A_896 = arith.cmpi ne, %and3A_893, %ne3A_895 : vector<64x128xi32>
    %gt3A_897 = arith.cmpi sgt, %select_n3A_863, %select_n3A_877 : vector<64x128xi32>
    %eq3A_898 = arith.cmpi eq, %select_n3A_863, %select_n3A_877 : vector<64x128xi32>
    %lt3A_899 = arith.cmpi slt, %select_n3A_864, %select_n3A_890 : vector<64x128xi32>
    %and3A_900 = arith.andi %eq3A_898, %lt3A_899 : vector<64x128xi1>
    %or3A_901 = arith.ori %gt3A_897, %and3A_900 : vector<64x128xi1>
    %xor3A_902 = arith.xori %or3A_901, %ne3A_876 : vector<64x128xi1>
    %xor3A_903 = arith.xori %xor3A_902, %ne3A_896 : vector<64x128xi1>
    %select_n3A_904 = arith.select %xor3A_903, %select_n3A_863, %select_n3A_877 : vector<64x128xi1>, vector<64x128xi32>
    %select_n3A_905 = arith.select %xor3A_903, %select_n3A_864, %select_n3A_890 : vector<64x128xi1>, vector<64x128xi32>
    %slice3A_906 = vector.extract_strided_slice %select_n3A_904 {offsets = [0, 32], sizes = [64, 96], strides = [1, 1]} : vector<64x128xi32> to vector<64x96xi32>
    %slice3A_907 = vector.extract_strided_slice %select_n3A_904 {offsets = [0, 0], sizes = [64, 32], strides = [1, 1]} : vector<64x128xi32> to vector<64x32xi32>
    %concatenate3A_908 = tpu.concatenate %slice3A_906, %slice3A_907 in 1 : vector<64x96xi32>, vector<64x32xi32> -> vector<64x128xi32>
    %slice3A_909 = vector.extract_strided_slice %select_n3A_904 {offsets = [0, 96], sizes = [64, 32], strides = [1, 1]} : vector<64x128xi32> to vector<64x32xi32>
    %slice3A_910 = vector.extract_strided_slice %select_n3A_904 {offsets = [0, 0], sizes = [64, 96], strides = [1, 1]} : vector<64x128xi32> to vector<64x96xi32>
    %concatenate3A_911 = tpu.concatenate %slice3A_909, %slice3A_910 in 1 : vector<64x32xi32>, vector<64x96xi32> -> vector<64x128xi32>
    %and3A_912 = arith.constant 32 : i32
    %and3A_913 = vector.broadcast %and3A_912 : i32 to vector<64x128xi32>
    %and3A_914 = arith.andi %iota3A_4, %and3A_913 : vector<64x128xi32>
    %ne3A_915 = arith.constant 0 : i32
    %ne3A_916 = vector.broadcast %ne3A_915 : i32 to vector<64x128xi32>
    %ne3A_917 = arith.cmpi ne, %and3A_914, %ne3A_916 : vector<64x128xi32>
    %select_n3A_918 = arith.select %ne3A_917, %concatenate3A_911, %concatenate3A_908 : vector<64x128xi1>, vector<64x128xi32>
    %slice3A_919 = vector.extract_strided_slice %select_n3A_905 {offsets = [0, 32], sizes = [64, 96], strides = [1, 1]} : vector<64x128xi32> to vector<64x96xi32>
    %slice3A_920 = vector.extract_strided_slice %select_n3A_905 {offsets = [0, 0], sizes = [64, 32], strides = [1, 1]} : vector<64x128xi32> to vector<64x32xi32>
    %concatenate3A_921 = tpu.concatenate %slice3A_919, %slice3A_920 in 1 : vector<64x96xi32>, vector<64x32xi32> -> vector<64x128xi32>
    %slice3A_922 = vector.extract_strided_slice %select_n3A_905 {offsets = [0, 96], sizes = [64, 32], strides = [1, 1]} : vector<64x128xi32> to vector<64x32xi32>
    %slice3A_923 = vector.extract_strided_slice %select_n3A_905 {offsets = [0, 0], sizes = [64, 96], strides = [1, 1]} : vector<64x128xi32> to vector<64x96xi32>
    %concatenate3A_924 = tpu.concatenate %slice3A_922, %slice3A_923 in 1 : vector<64x32xi32>, vector<64x96xi32> -> vector<64x128xi32>
    %and3A_925 = arith.constant 32 : i32
    %and3A_926 = vector.broadcast %and3A_925 : i32 to vector<64x128xi32>
    %and3A_927 = arith.andi %iota3A_4, %and3A_926 : vector<64x128xi32>
    %ne3A_928 = arith.constant 0 : i32
    %ne3A_929 = vector.broadcast %ne3A_928 : i32 to vector<64x128xi32>
    %ne3A_930 = arith.cmpi ne, %and3A_927, %ne3A_929 : vector<64x128xi32>
    %select_n3A_931 = arith.select %ne3A_930, %concatenate3A_924, %concatenate3A_921 : vector<64x128xi1>, vector<64x128xi32>
    %and3A_932 = arith.constant 1 : i32
    %and3A_933 = vector.broadcast %and3A_932 : i32 to vector<64x128xi32>
    %and3A_934 = arith.andi %iota3A, %and3A_933 : vector<64x128xi32>
    %ne3A_935 = arith.constant 0 : i32
    %ne3A_936 = vector.broadcast %ne3A_935 : i32 to vector<64x128xi32>
    %ne3A_937 = arith.cmpi ne, %and3A_934, %ne3A_936 : vector<64x128xi32>
    %gt3A_938 = arith.cmpi sgt, %select_n3A_904, %select_n3A_918 : vector<64x128xi32>
    %eq3A_939 = arith.cmpi eq, %select_n3A_904, %select_n3A_918 : vector<64x128xi32>
    %lt3A_940 = arith.cmpi slt, %select_n3A_905, %select_n3A_931 : vector<64x128xi32>
    %and3A_941 = arith.andi %eq3A_939, %lt3A_940 : vector<64x128xi1>
    %or3A_942 = arith.ori %gt3A_938, %and3A_941 : vector<64x128xi1>
    %xor3A_943 = arith.xori %or3A_942, %ne3A_917 : vector<64x128xi1>
    %xor3A_944 = arith.xori %xor3A_943, %ne3A_937 : vector<64x128xi1>
    %select_n3A_945 = arith.select %xor3A_944, %select_n3A_904, %select_n3A_918 : vector<64x128xi1>, vector<64x128xi32>
    %select_n3A_946 = arith.select %xor3A_944, %select_n3A_905, %select_n3A_931 : vector<64x128xi1>, vector<64x128xi32>
    %slice3A_947 = vector.extract_strided_slice %select_n3A_945 {offsets = [0, 16], sizes = [64, 112], strides = [1, 1]} : vector<64x128xi32> to vector<64x112xi32>
    %slice3A_948 = vector.extract_strided_slice %select_n3A_945 {offsets = [0, 0], sizes = [64, 16], strides = [1, 1]} : vector<64x128xi32> to vector<64x16xi32>
    %concatenate3A_949 = tpu.concatenate %slice3A_947, %slice3A_948 in 1 : vector<64x112xi32>, vector<64x16xi32> -> vector<64x128xi32>
    %slice3A_950 = vector.extract_strided_slice %select_n3A_945 {offsets = [0, 112], sizes = [64, 16], strides = [1, 1]} : vector<64x128xi32> to vector<64x16xi32>
    %slice3A_951 = vector.extract_strided_slice %select_n3A_945 {offsets = [0, 0], sizes = [64, 112], strides = [1, 1]} : vector<64x128xi32> to vector<64x112xi32>
    %concatenate3A_952 = tpu.concatenate %slice3A_950, %slice3A_951 in 1 : vector<64x16xi32>, vector<64x112xi32> -> vector<64x128xi32>
    %and3A_953 = arith.constant 16 : i32
    %and3A_954 = vector.broadcast %and3A_953 : i32 to vector<64x128xi32>
    %and3A_955 = arith.andi %iota3A_4, %and3A_954 : vector<64x128xi32>
    %ne3A_956 = arith.constant 0 : i32
    %ne3A_957 = vector.broadcast %ne3A_956 : i32 to vector<64x128xi32>
    %ne3A_958 = arith.cmpi ne, %and3A_955, %ne3A_957 : vector<64x128xi32>
    %select_n3A_959 = arith.select %ne3A_958, %concatenate3A_952, %concatenate3A_949 : vector<64x128xi1>, vector<64x128xi32>
    %slice3A_960 = vector.extract_strided_slice %select_n3A_946 {offsets = [0, 16], sizes = [64, 112], strides = [1, 1]} : vector<64x128xi32> to vector<64x112xi32>
    %slice3A_961 = vector.extract_strided_slice %select_n3A_946 {offsets = [0, 0], sizes = [64, 16], strides = [1, 1]} : vector<64x128xi32> to vector<64x16xi32>
    %concatenate3A_962 = tpu.concatenate %slice3A_960, %slice3A_961 in 1 : vector<64x112xi32>, vector<64x16xi32> -> vector<64x128xi32>
    %slice3A_963 = vector.extract_strided_slice %select_n3A_946 {offsets = [0, 112], sizes = [64, 16], strides = [1, 1]} : vector<64x128xi32> to vector<64x16xi32>
    %slice3A_964 = vector.extract_strided_slice %select_n3A_946 {offsets = [0, 0], sizes = [64, 112], strides = [1, 1]} : vector<64x128xi32> to vector<64x112xi32>
    %concatenate3A_965 = tpu.concatenate %slice3A_963, %slice3A_964 in 1 : vector<64x16xi32>, vector<64x112xi32> -> vector<64x128xi32>
    %and3A_966 = arith.constant 16 : i32
    %and3A_967 = vector.broadcast %and3A_966 : i32 to vector<64x128xi32>
    %and3A_968 = arith.andi %iota3A_4, %and3A_967 : vector<64x128xi32>
    %ne3A_969 = arith.constant 0 : i32
    %ne3A_970 = vector.broadcast %ne3A_969 : i32 to vector<64x128xi32>
    %ne3A_971 = arith.cmpi ne, %and3A_968, %ne3A_970 : vector<64x128xi32>
    %select_n3A_972 = arith.select %ne3A_971, %concatenate3A_965, %concatenate3A_962 : vector<64x128xi1>, vector<64x128xi32>
    %and3A_973 = arith.constant 1 : i32
    %and3A_974 = vector.broadcast %and3A_973 : i32 to vector<64x128xi32>
    %and3A_975 = arith.andi %iota3A, %and3A_974 : vector<64x128xi32>
    %ne3A_976 = arith.constant 0 : i32
    %ne3A_977 = vector.broadcast %ne3A_976 : i32 to vector<64x128xi32>
    %ne3A_978 = arith.cmpi ne, %and3A_975, %ne3A_977 : vector<64x128xi32>
    %gt3A_979 = arith.cmpi sgt, %select_n3A_945, %select_n3A_959 : vector<64x128xi32>
    %eq3A_980 = arith.cmpi eq, %select_n3A_945, %select_n3A_959 : vector<64x128xi32>
    %lt3A_981 = arith.cmpi slt, %select_n3A_946, %select_n3A_972 : vector<64x128xi32>
    %and3A_982 = arith.andi %eq3A_980, %lt3A_981 : vector<64x128xi1>
    %or3A_983 = arith.ori %gt3A_979, %and3A_982 : vector<64x128xi1>
    %xor3A_984 = arith.xori %or3A_983, %ne3A_958 : vector<64x128xi1>
    %xor3A_985 = arith.xori %xor3A_984, %ne3A_978 : vector<64x128xi1>
    %select_n3A_986 = arith.select %xor3A_985, %select_n3A_945, %select_n3A_959 : vector<64x128xi1>, vector<64x128xi32>
    %select_n3A_987 = arith.select %xor3A_985, %select_n3A_946, %select_n3A_972 : vector<64x128xi1>, vector<64x128xi32>
    %slice3A_988 = vector.extract_strided_slice %select_n3A_986 {offsets = [0, 8], sizes = [64, 120], strides = [1, 1]} : vector<64x128xi32> to vector<64x120xi32>
    %slice3A_989 = vector.extract_strided_slice %select_n3A_986 {offsets = [0, 0], sizes = [64, 8], strides = [1, 1]} : vector<64x128xi32> to vector<64x8xi32>
    %concatenate3A_990 = tpu.concatenate %slice3A_988, %slice3A_989 in 1 : vector<64x120xi32>, vector<64x8xi32> -> vector<64x128xi32>
    %slice3A_991 = vector.extract_strided_slice %select_n3A_986 {offsets = [0, 120], sizes = [64, 8], strides = [1, 1]} : vector<64x128xi32> to vector<64x8xi32>
    %slice3A_992 = vector.extract_strided_slice %select_n3A_986 {offsets = [0, 0], sizes = [64, 120], strides = [1, 1]} : vector<64x128xi32> to vector<64x120xi32>
    %concatenate3A_993 = tpu.concatenate %slice3A_991, %slice3A_992 in 1 : vector<64x8xi32>, vector<64x120xi32> -> vector<64x128xi32>
    %and3A_994 = arith.constant 8 : i32
    %and3A_995 = vector.broadcast %and3A_994 : i32 to vector<64x128xi32>
    %and3A_996 = arith.andi %iota3A_4, %and3A_995 : vector<64x128xi32>
    %ne3A_997 = arith.constant 0 : i32
    %ne3A_998 = vector.broadcast %ne3A_997 : i32 to vector<64x128xi32>
    %ne3A_999 = arith.cmpi ne, %and3A_996, %ne3A_998 : vector<64x128xi32>
    %select_n3A_1000 = arith.select %ne3A_999, %concatenate3A_993, %concatenate3A_990 : vector<64x128xi1>, vector<64x128xi32>
    %slice3A_1001 = vector.extract_strided_slice %select_n3A_987 {offsets = [0, 8], sizes = [64, 120], strides = [1, 1]} : vector<64x128xi32> to vector<64x120xi32>
    %slice3A_1002 = vector.extract_strided_slice %select_n3A_987 {offsets = [0, 0], sizes = [64, 8], strides = [1, 1]} : vector<64x128xi32> to vector<64x8xi32>
    %concatenate3A_1003 = tpu.concatenate %slice3A_1001, %slice3A_1002 in 1 : vector<64x120xi32>, vector<64x8xi32> -> vector<64x128xi32>
    %slice3A_1004 = vector.extract_strided_slice %select_n3A_987 {offsets = [0, 120], sizes = [64, 8], strides = [1, 1]} : vector<64x128xi32> to vector<64x8xi32>
    %slice3A_1005 = vector.extract_strided_slice %select_n3A_987 {offsets = [0, 0], sizes = [64, 120], strides = [1, 1]} : vector<64x128xi32> to vector<64x120xi32>
    %concatenate3A_1006 = tpu.concatenate %slice3A_1004, %slice3A_1005 in 1 : vector<64x8xi32>, vector<64x120xi32> -> vector<64x128xi32>
    %and3A_1007 = arith.constant 8 : i32
    %and3A_1008 = vector.broadcast %and3A_1007 : i32 to vector<64x128xi32>
    %and3A_1009 = arith.andi %iota3A_4, %and3A_1008 : vector<64x128xi32>
    %ne3A_1010 = arith.constant 0 : i32
    %ne3A_1011 = vector.broadcast %ne3A_1010 : i32 to vector<64x128xi32>
    %ne3A_1012 = arith.cmpi ne, %and3A_1009, %ne3A_1011 : vector<64x128xi32>
    %select_n3A_1013 = arith.select %ne3A_1012, %concatenate3A_1006, %concatenate3A_1003 : vector<64x128xi1>, vector<64x128xi32>
    %and3A_1014 = arith.constant 1 : i32
    %and3A_1015 = vector.broadcast %and3A_1014 : i32 to vector<64x128xi32>
    %and3A_1016 = arith.andi %iota3A, %and3A_1015 : vector<64x128xi32>
    %ne3A_1017 = arith.constant 0 : i32
    %ne3A_1018 = vector.broadcast %ne3A_1017 : i32 to vector<64x128xi32>
    %ne3A_1019 = arith.cmpi ne, %and3A_1016, %ne3A_1018 : vector<64x128xi32>
    %gt3A_1020 = arith.cmpi sgt, %select_n3A_986, %select_n3A_1000 : vector<64x128xi32>
    %eq3A_1021 = arith.cmpi eq, %select_n3A_986, %select_n3A_1000 : vector<64x128xi32>
    %lt3A_1022 = arith.cmpi slt, %select_n3A_987, %select_n3A_1013 : vector<64x128xi32>
    %and3A_1023 = arith.andi %eq3A_1021, %lt3A_1022 : vector<64x128xi1>
    %or3A_1024 = arith.ori %gt3A_1020, %and3A_1023 : vector<64x128xi1>
    %xor3A_1025 = arith.xori %or3A_1024, %ne3A_999 : vector<64x128xi1>
    %xor3A_1026 = arith.xori %xor3A_1025, %ne3A_1019 : vector<64x128xi1>
    %select_n3A_1027 = arith.select %xor3A_1026, %select_n3A_986, %select_n3A_1000 : vector<64x128xi1>, vector<64x128xi32>
    %select_n3A_1028 = arith.select %xor3A_1026, %select_n3A_987, %select_n3A_1013 : vector<64x128xi1>, vector<64x128xi32>
    %slice3A_1029 = vector.extract_strided_slice %select_n3A_1027 {offsets = [0, 4], sizes = [64, 124], strides = [1, 1]} : vector<64x128xi32> to vector<64x124xi32>
    %slice3A_1030 = vector.extract_strided_slice %select_n3A_1027 {offsets = [0, 0], sizes = [64, 4], strides = [1, 1]} : vector<64x128xi32> to vector<64x4xi32>
    %concatenate3A_1031 = tpu.concatenate %slice3A_1029, %slice3A_1030 in 1 : vector<64x124xi32>, vector<64x4xi32> -> vector<64x128xi32>
    %slice3A_1032 = vector.extract_strided_slice %select_n3A_1027 {offsets = [0, 124], sizes = [64, 4], strides = [1, 1]} : vector<64x128xi32> to vector<64x4xi32>
    %slice3A_1033 = vector.extract_strided_slice %select_n3A_1027 {offsets = [0, 0], sizes = [64, 124], strides = [1, 1]} : vector<64x128xi32> to vector<64x124xi32>
    %concatenate3A_1034 = tpu.concatenate %slice3A_1032, %slice3A_1033 in 1 : vector<64x4xi32>, vector<64x124xi32> -> vector<64x128xi32>
    %and3A_1035 = arith.constant 4 : i32
    %and3A_1036 = vector.broadcast %and3A_1035 : i32 to vector<64x128xi32>
    %and3A_1037 = arith.andi %iota3A_4, %and3A_1036 : vector<64x128xi32>
    %ne3A_1038 = arith.constant 0 : i32
    %ne3A_1039 = vector.broadcast %ne3A_1038 : i32 to vector<64x128xi32>
    %ne3A_1040 = arith.cmpi ne, %and3A_1037, %ne3A_1039 : vector<64x128xi32>
    %select_n3A_1041 = arith.select %ne3A_1040, %concatenate3A_1034, %concatenate3A_1031 : vector<64x128xi1>, vector<64x128xi32>
    %slice3A_1042 = vector.extract_strided_slice %select_n3A_1028 {offsets = [0, 4], sizes = [64, 124], strides = [1, 1]} : vector<64x128xi32> to vector<64x124xi32>
    %slice3A_1043 = vector.extract_strided_slice %select_n3A_1028 {offsets = [0, 0], sizes = [64, 4], strides = [1, 1]} : vector<64x128xi32> to vector<64x4xi32>
    %concatenate3A_1044 = tpu.concatenate %slice3A_1042, %slice3A_1043 in 1 : vector<64x124xi32>, vector<64x4xi32> -> vector<64x128xi32>
    %slice3A_1045 = vector.extract_strided_slice %select_n3A_1028 {offsets = [0, 124], sizes = [64, 4], strides = [1, 1]} : vector<64x128xi32> to vector<64x4xi32>
    %slice3A_1046 = vector.extract_strided_slice %select_n3A_1028 {offsets = [0, 0], sizes = [64, 124], strides = [1, 1]} : vector<64x128xi32> to vector<64x124xi32>
    %concatenate3A_1047 = tpu.concatenate %slice3A_1045, %slice3A_1046 in 1 : vector<64x4xi32>, vector<64x124xi32> -> vector<64x128xi32>
    %and3A_1048 = arith.constant 4 : i32
    %and3A_1049 = vector.broadcast %and3A_1048 : i32 to vector<64x128xi32>
    %and3A_1050 = arith.andi %iota3A_4, %and3A_1049 : vector<64x128xi32>
    %ne3A_1051 = arith.constant 0 : i32
    %ne3A_1052 = vector.broadcast %ne3A_1051 : i32 to vector<64x128xi32>
    %ne3A_1053 = arith.cmpi ne, %and3A_1050, %ne3A_1052 : vector<64x128xi32>
    %select_n3A_1054 = arith.select %ne3A_1053, %concatenate3A_1047, %concatenate3A_1044 : vector<64x128xi1>, vector<64x128xi32>
    %and3A_1055 = arith.constant 1 : i32
    %and3A_1056 = vector.broadcast %and3A_1055 : i32 to vector<64x128xi32>
    %and3A_1057 = arith.andi %iota3A, %and3A_1056 : vector<64x128xi32>
    %ne3A_1058 = arith.constant 0 : i32
    %ne3A_1059 = vector.broadcast %ne3A_1058 : i32 to vector<64x128xi32>
    %ne3A_1060 = arith.cmpi ne, %and3A_1057, %ne3A_1059 : vector<64x128xi32>
    %gt3A_1061 = arith.cmpi sgt, %select_n3A_1027, %select_n3A_1041 : vector<64x128xi32>
    %eq3A_1062 = arith.cmpi eq, %select_n3A_1027, %select_n3A_1041 : vector<64x128xi32>
    %lt3A_1063 = arith.cmpi slt, %select_n3A_1028, %select_n3A_1054 : vector<64x128xi32>
    %and3A_1064 = arith.andi %eq3A_1062, %lt3A_1063 : vector<64x128xi1>
    %or3A_1065 = arith.ori %gt3A_1061, %and3A_1064 : vector<64x128xi1>
    %xor3A_1066 = arith.xori %or3A_1065, %ne3A_1040 : vector<64x128xi1>
    %xor3A_1067 = arith.xori %xor3A_1066, %ne3A_1060 : vector<64x128xi1>
    %select_n3A_1068 = arith.select %xor3A_1067, %select_n3A_1027, %select_n3A_1041 : vector<64x128xi1>, vector<64x128xi32>
    %select_n3A_1069 = arith.select %xor3A_1067, %select_n3A_1028, %select_n3A_1054 : vector<64x128xi1>, vector<64x128xi32>
    %slice3A_1070 = vector.extract_strided_slice %select_n3A_1068 {offsets = [0, 2], sizes = [64, 126], strides = [1, 1]} : vector<64x128xi32> to vector<64x126xi32>
    %slice3A_1071 = vector.extract_strided_slice %select_n3A_1068 {offsets = [0, 0], sizes = [64, 2], strides = [1, 1]} : vector<64x128xi32> to vector<64x2xi32>
    %concatenate3A_1072 = tpu.concatenate %slice3A_1070, %slice3A_1071 in 1 : vector<64x126xi32>, vector<64x2xi32> -> vector<64x128xi32>
    %slice3A_1073 = vector.extract_strided_slice %select_n3A_1068 {offsets = [0, 126], sizes = [64, 2], strides = [1, 1]} : vector<64x128xi32> to vector<64x2xi32>
    %slice3A_1074 = vector.extract_strided_slice %select_n3A_1068 {offsets = [0, 0], sizes = [64, 126], strides = [1, 1]} : vector<64x128xi32> to vector<64x126xi32>
    %concatenate3A_1075 = tpu.concatenate %slice3A_1073, %slice3A_1074 in 1 : vector<64x2xi32>, vector<64x126xi32> -> vector<64x128xi32>
    %and3A_1076 = arith.constant 2 : i32
    %and3A_1077 = vector.broadcast %and3A_1076 : i32 to vector<64x128xi32>
    %and3A_1078 = arith.andi %iota3A_4, %and3A_1077 : vector<64x128xi32>
    %ne3A_1079 = arith.constant 0 : i32
    %ne3A_1080 = vector.broadcast %ne3A_1079 : i32 to vector<64x128xi32>
    %ne3A_1081 = arith.cmpi ne, %and3A_1078, %ne3A_1080 : vector<64x128xi32>
    %select_n3A_1082 = arith.select %ne3A_1081, %concatenate3A_1075, %concatenate3A_1072 : vector<64x128xi1>, vector<64x128xi32>
    %slice3A_1083 = vector.extract_strided_slice %select_n3A_1069 {offsets = [0, 2], sizes = [64, 126], strides = [1, 1]} : vector<64x128xi32> to vector<64x126xi32>
    %slice3A_1084 = vector.extract_strided_slice %select_n3A_1069 {offsets = [0, 0], sizes = [64, 2], strides = [1, 1]} : vector<64x128xi32> to vector<64x2xi32>
    %concatenate3A_1085 = tpu.concatenate %slice3A_1083, %slice3A_1084 in 1 : vector<64x126xi32>, vector<64x2xi32> -> vector<64x128xi32>
    %slice3A_1086 = vector.extract_strided_slice %select_n3A_1069 {offsets = [0, 126], sizes = [64, 2], strides = [1, 1]} : vector<64x128xi32> to vector<64x2xi32>
    %slice3A_1087 = vector.extract_strided_slice %select_n3A_1069 {offsets = [0, 0], sizes = [64, 126], strides = [1, 1]} : vector<64x128xi32> to vector<64x126xi32>
    %concatenate3A_1088 = tpu.concatenate %slice3A_1086, %slice3A_1087 in 1 : vector<64x2xi32>, vector<64x126xi32> -> vector<64x128xi32>
    %and3A_1089 = arith.constant 2 : i32
    %and3A_1090 = vector.broadcast %and3A_1089 : i32 to vector<64x128xi32>
    %and3A_1091 = arith.andi %iota3A_4, %and3A_1090 : vector<64x128xi32>
    %ne3A_1092 = arith.constant 0 : i32
    %ne3A_1093 = vector.broadcast %ne3A_1092 : i32 to vector<64x128xi32>
    %ne3A_1094 = arith.cmpi ne, %and3A_1091, %ne3A_1093 : vector<64x128xi32>
    %select_n3A_1095 = arith.select %ne3A_1094, %concatenate3A_1088, %concatenate3A_1085 : vector<64x128xi1>, vector<64x128xi32>
    %and3A_1096 = arith.constant 1 : i32
    %and3A_1097 = vector.broadcast %and3A_1096 : i32 to vector<64x128xi32>
    %and3A_1098 = arith.andi %iota3A, %and3A_1097 : vector<64x128xi32>
    %ne3A_1099 = arith.constant 0 : i32
    %ne3A_1100 = vector.broadcast %ne3A_1099 : i32 to vector<64x128xi32>
    %ne3A_1101 = arith.cmpi ne, %and3A_1098, %ne3A_1100 : vector<64x128xi32>
    %gt3A_1102 = arith.cmpi sgt, %select_n3A_1068, %select_n3A_1082 : vector<64x128xi32>
    %eq3A_1103 = arith.cmpi eq, %select_n3A_1068, %select_n3A_1082 : vector<64x128xi32>
    %lt3A_1104 = arith.cmpi slt, %select_n3A_1069, %select_n3A_1095 : vector<64x128xi32>
    %and3A_1105 = arith.andi %eq3A_1103, %lt3A_1104 : vector<64x128xi1>
    %or3A_1106 = arith.ori %gt3A_1102, %and3A_1105 : vector<64x128xi1>
    %xor3A_1107 = arith.xori %or3A_1106, %ne3A_1081 : vector<64x128xi1>
    %xor3A_1108 = arith.xori %xor3A_1107, %ne3A_1101 : vector<64x128xi1>
    %select_n3A_1109 = arith.select %xor3A_1108, %select_n3A_1068, %select_n3A_1082 : vector<64x128xi1>, vector<64x128xi32>
    %select_n3A_1110 = arith.select %xor3A_1108, %select_n3A_1069, %select_n3A_1095 : vector<64x128xi1>, vector<64x128xi32>
    %slice3A_1111 = vector.extract_strided_slice %select_n3A_1109 {offsets = [0, 1], sizes = [64, 127], strides = [1, 1]} : vector<64x128xi32> to vector<64x127xi32>
    %slice3A_1112 = vector.extract_strided_slice %select_n3A_1109 {offsets = [0, 0], sizes = [64, 1], strides = [1, 1]} : vector<64x128xi32> to vector<64x1xi32>
    %concatenate3A_1113 = tpu.concatenate %slice3A_1111, %slice3A_1112 in 1 : vector<64x127xi32>, vector<64x1xi32> -> vector<64x128xi32>
    %slice3A_1114 = vector.extract_strided_slice %select_n3A_1109 {offsets = [0, 127], sizes = [64, 1], strides = [1, 1]} : vector<64x128xi32> to vector<64x1xi32>
    %slice3A_1115 = vector.extract_strided_slice %select_n3A_1109 {offsets = [0, 0], sizes = [64, 127], strides = [1, 1]} : vector<64x128xi32> to vector<64x127xi32>
    %concatenate3A_1116 = tpu.concatenate %slice3A_1114, %slice3A_1115 in 1 : vector<64x1xi32>, vector<64x127xi32> -> vector<64x128xi32>
    %and3A_1117 = arith.constant 1 : i32
    %and3A_1118 = vector.broadcast %and3A_1117 : i32 to vector<64x128xi32>
    %and3A_1119 = arith.andi %iota3A_4, %and3A_1118 : vector<64x128xi32>
    %ne3A_1120 = arith.constant 0 : i32
    %ne3A_1121 = vector.broadcast %ne3A_1120 : i32 to vector<64x128xi32>
    %ne3A_1122 = arith.cmpi ne, %and3A_1119, %ne3A_1121 : vector<64x128xi32>
    %select_n3A_1123 = arith.select %ne3A_1122, %concatenate3A_1116, %concatenate3A_1113 : vector<64x128xi1>, vector<64x128xi32>
    %slice3A_1124 = vector.extract_strided_slice %select_n3A_1110 {offsets = [0, 1], sizes = [64, 127], strides = [1, 1]} : vector<64x128xi32> to vector<64x127xi32>
    %slice3A_1125 = vector.extract_strided_slice %select_n3A_1110 {offsets = [0, 0], sizes = [64, 1], strides = [1, 1]} : vector<64x128xi32> to vector<64x1xi32>
    %concatenate3A_1126 = tpu.concatenate %slice3A_1124, %slice3A_1125 in 1 : vector<64x127xi32>, vector<64x1xi32> -> vector<64x128xi32>
    %slice3A_1127 = vector.extract_strided_slice %select_n3A_1110 {offsets = [0, 127], sizes = [64, 1], strides = [1, 1]} : vector<64x128xi32> to vector<64x1xi32>
    %slice3A_1128 = vector.extract_strided_slice %select_n3A_1110 {offsets = [0, 0], sizes = [64, 127], strides = [1, 1]} : vector<64x128xi32> to vector<64x127xi32>
    %concatenate3A_1129 = tpu.concatenate %slice3A_1127, %slice3A_1128 in 1 : vector<64x1xi32>, vector<64x127xi32> -> vector<64x128xi32>
    %and3A_1130 = arith.constant 1 : i32
    %and3A_1131 = vector.broadcast %and3A_1130 : i32 to vector<64x128xi32>
    %and3A_1132 = arith.andi %iota3A_4, %and3A_1131 : vector<64x128xi32>
    %ne3A_1133 = arith.constant 0 : i32
    %ne3A_1134 = vector.broadcast %ne3A_1133 : i32 to vector<64x128xi32>
    %ne3A_1135 = arith.cmpi ne, %and3A_1132, %ne3A_1134 : vector<64x128xi32>
    %select_n3A_1136 = arith.select %ne3A_1135, %concatenate3A_1129, %concatenate3A_1126 : vector<64x128xi1>, vector<64x128xi32>
    %and3A_1137 = arith.constant 1 : i32
    %and3A_1138 = vector.broadcast %and3A_1137 : i32 to vector<64x128xi32>
    %and3A_1139 = arith.andi %iota3A, %and3A_1138 : vector<64x128xi32>
    %ne3A_1140 = arith.constant 0 : i32
    %ne3A_1141 = vector.broadcast %ne3A_1140 : i32 to vector<64x128xi32>
    %ne3A_1142 = arith.cmpi ne, %and3A_1139, %ne3A_1141 : vector<64x128xi32>
    %gt3A_1143 = arith.cmpi sgt, %select_n3A_1109, %select_n3A_1123 : vector<64x128xi32>
    %eq3A_1144 = arith.cmpi eq, %select_n3A_1109, %select_n3A_1123 : vector<64x128xi32>
    %lt3A_1145 = arith.cmpi slt, %select_n3A_1110, %select_n3A_1136 : vector<64x128xi32>
    %and3A_1146 = arith.andi %eq3A_1144, %lt3A_1145 : vector<64x128xi1>
    %or3A_1147 = arith.ori %gt3A_1143, %and3A_1146 : vector<64x128xi1>
    %xor3A_1148 = arith.xori %or3A_1147, %ne3A_1122 : vector<64x128xi1>
    %xor3A_1149 = arith.xori %xor3A_1148, %ne3A_1142 : vector<64x128xi1>
    %select_n3A_1150 = arith.select %xor3A_1149, %select_n3A_1109, %select_n3A_1123 : vector<64x128xi1>, vector<64x128xi32>
    %select_n3A_1151 = arith.select %xor3A_1149, %select_n3A_1110, %select_n3A_1136 : vector<64x128xi1>, vector<64x128xi32>
    %slice3A_1152 = vector.extract_strided_slice %select_n3A_1150 {offsets = [1, 0], sizes = [63, 128], strides = [1, 1]} : vector<64x128xi32> to vector<63x128xi32>
    %slice3A_1153 = vector.extract_strided_slice %select_n3A_1150 {offsets = [0, 0], sizes = [1, 128], strides = [1, 1]} : vector<64x128xi32> to vector<1x128xi32>
    %concatenate3A_1154 = tpu.concatenate %slice3A_1152, %slice3A_1153 in 0 : vector<63x128xi32>, vector<1x128xi32> -> vector<64x128xi32>
    %slice3A_1155 = vector.extract_strided_slice %select_n3A_1150 {offsets = [63, 0], sizes = [1, 128], strides = [1, 1]} : vector<64x128xi32> to vector<1x128xi32>
    %slice3A_1156 = vector.extract_strided_slice %select_n3A_1150 {offsets = [0, 0], sizes = [63, 128], strides = [1, 1]} : vector<64x128xi32> to vector<63x128xi32>
    %concatenate3A_1157 = tpu.concatenate %slice3A_1155, %slice3A_1156 in 0 : vector<1x128xi32>, vector<63x128xi32> -> vector<64x128xi32>
    %and3A_1158 = arith.constant 1 : i32
    %and3A_1159 = vector.broadcast %and3A_1158 : i32 to vector<64x128xi32>
    %and3A_1160 = arith.andi %iota3A, %and3A_1159 : vector<64x128xi32>
    %ne3A_1161 = arith.constant 0 : i32
    %ne3A_1162 = vector.broadcast %ne3A_1161 : i32 to vector<64x128xi32>
    %ne3A_1163 = arith.cmpi ne, %and3A_1160, %ne3A_1162 : vector<64x128xi32>
    %select_n3A_1164 = arith.select %ne3A_1163, %concatenate3A_1157, %concatenate3A_1154 : vector<64x128xi1>, vector<64x128xi32>
    %slice3A_1165 = vector.extract_strided_slice %select_n3A_1151 {offsets = [1, 0], sizes = [63, 128], strides = [1, 1]} : vector<64x128xi32> to vector<63x128xi32>
    %slice3A_1166 = vector.extract_strided_slice %select_n3A_1151 {offsets = [0, 0], sizes = [1, 128], strides = [1, 1]} : vector<64x128xi32> to vector<1x128xi32>
    %concatenate3A_1167 = tpu.concatenate %slice3A_1165, %slice3A_1166 in 0 : vector<63x128xi32>, vector<1x128xi32> -> vector<64x128xi32>
    %slice3A_1168 = vector.extract_strided_slice %select_n3A_1151 {offsets = [63, 0], sizes = [1, 128], strides = [1, 1]} : vector<64x128xi32> to vector<1x128xi32>
    %slice3A_1169 = vector.extract_strided_slice %select_n3A_1151 {offsets = [0, 0], sizes = [63, 128], strides = [1, 1]} : vector<64x128xi32> to vector<63x128xi32>
    %concatenate3A_1170 = tpu.concatenate %slice3A_1168, %slice3A_1169 in 0 : vector<1x128xi32>, vector<63x128xi32> -> vector<64x128xi32>
    %and3A_1171 = arith.constant 1 : i32
    %and3A_1172 = vector.broadcast %and3A_1171 : i32 to vector<64x128xi32>
    %and3A_1173 = arith.andi %iota3A, %and3A_1172 : vector<64x128xi32>
    %ne3A_1174 = arith.constant 0 : i32
    %ne3A_1175 = vector.broadcast %ne3A_1174 : i32 to vector<64x128xi32>
    %ne3A_1176 = arith.cmpi ne, %and3A_1173, %ne3A_1175 : vector<64x128xi32>
    %select_n3A_1177 = arith.select %ne3A_1176, %concatenate3A_1170, %concatenate3A_1167 : vector<64x128xi1>, vector<64x128xi32>
    %and3A_1178 = arith.constant 2 : i32
    %and3A_1179 = vector.broadcast %and3A_1178 : i32 to vector<64x128xi32>
    %and3A_1180 = arith.andi %iota3A, %and3A_1179 : vector<64x128xi32>
    %ne3A_1181 = arith.constant 0 : i32
    %ne3A_1182 = vector.broadcast %ne3A_1181 : i32 to vector<64x128xi32>
    %ne3A_1183 = arith.cmpi ne, %and3A_1180, %ne3A_1182 : vector<64x128xi32>
    %gt3A_1184 = arith.cmpi sgt, %select_n3A_1150, %select_n3A_1164 : vector<64x128xi32>
    %eq3A_1185 = arith.cmpi eq, %select_n3A_1150, %select_n3A_1164 : vector<64x128xi32>
    %lt3A_1186 = arith.cmpi slt, %select_n3A_1151, %select_n3A_1177 : vector<64x128xi32>
    %and3A_1187 = arith.andi %eq3A_1185, %lt3A_1186 : vector<64x128xi1>
    %or3A_1188 = arith.ori %gt3A_1184, %and3A_1187 : vector<64x128xi1>
    %xor3A_1189 = arith.xori %or3A_1188, %ne3A_1163 : vector<64x128xi1>
    %xor3A_1190 = arith.xori %xor3A_1189, %ne3A_1183 : vector<64x128xi1>
    %select_n3A_1191 = arith.select %xor3A_1190, %select_n3A_1150, %select_n3A_1164 : vector<64x128xi1>, vector<64x128xi32>
    %select_n3A_1192 = arith.select %xor3A_1190, %select_n3A_1151, %select_n3A_1177 : vector<64x128xi1>, vector<64x128xi32>
    %slice3A_1193 = vector.extract_strided_slice %select_n3A_1191 {offsets = [0, 64], sizes = [64, 64], strides = [1, 1]} : vector<64x128xi32> to vector<64x64xi32>
    %slice3A_1194 = vector.extract_strided_slice %select_n3A_1191 {offsets = [0, 0], sizes = [64, 64], strides = [1, 1]} : vector<64x128xi32> to vector<64x64xi32>
    %concatenate3A_1195 = tpu.concatenate %slice3A_1193, %slice3A_1194 in 1 : vector<64x64xi32>, vector<64x64xi32> -> vector<64x128xi32>
    %slice3A_1196 = vector.extract_strided_slice %select_n3A_1191 {offsets = [0, 64], sizes = [64, 64], strides = [1, 1]} : vector<64x128xi32> to vector<64x64xi32>
    %slice3A_1197 = vector.extract_strided_slice %select_n3A_1191 {offsets = [0, 0], sizes = [64, 64], strides = [1, 1]} : vector<64x128xi32> to vector<64x64xi32>
    %concatenate3A_1198 = tpu.concatenate %slice3A_1196, %slice3A_1197 in 1 : vector<64x64xi32>, vector<64x64xi32> -> vector<64x128xi32>
    %and3A_1199 = arith.constant 64 : i32
    %and3A_1200 = vector.broadcast %and3A_1199 : i32 to vector<64x128xi32>
    %and3A_1201 = arith.andi %iota3A_4, %and3A_1200 : vector<64x128xi32>
    %ne3A_1202 = arith.constant 0 : i32
    %ne3A_1203 = vector.broadcast %ne3A_1202 : i32 to vector<64x128xi32>
    %ne3A_1204 = arith.cmpi ne, %and3A_1201, %ne3A_1203 : vector<64x128xi32>
    %select_n3A_1205 = arith.select %ne3A_1204, %concatenate3A_1198, %concatenate3A_1195 : vector<64x128xi1>, vector<64x128xi32>
    %slice3A_1206 = vector.extract_strided_slice %select_n3A_1192 {offsets = [0, 64], sizes = [64, 64], strides = [1, 1]} : vector<64x128xi32> to vector<64x64xi32>
    %slice3A_1207 = vector.extract_strided_slice %select_n3A_1192 {offsets = [0, 0], sizes = [64, 64], strides = [1, 1]} : vector<64x128xi32> to vector<64x64xi32>
    %concatenate3A_1208 = tpu.concatenate %slice3A_1206, %slice3A_1207 in 1 : vector<64x64xi32>, vector<64x64xi32> -> vector<64x128xi32>
    %slice3A_1209 = vector.extract_strided_slice %select_n3A_1192 {offsets = [0, 64], sizes = [64, 64], strides = [1, 1]} : vector<64x128xi32> to vector<64x64xi32>
    %slice3A_1210 = vector.extract_strided_slice %select_n3A_1192 {offsets = [0, 0], sizes = [64, 64], strides = [1, 1]} : vector<64x128xi32> to vector<64x64xi32>
    %concatenate3A_1211 = tpu.concatenate %slice3A_1209, %slice3A_1210 in 1 : vector<64x64xi32>, vector<64x64xi32> -> vector<64x128xi32>
    %and3A_1212 = arith.constant 64 : i32
    %and3A_1213 = vector.broadcast %and3A_1212 : i32 to vector<64x128xi32>
    %and3A_1214 = arith.andi %iota3A_4, %and3A_1213 : vector<64x128xi32>
    %ne3A_1215 = arith.constant 0 : i32
    %ne3A_1216 = vector.broadcast %ne3A_1215 : i32 to vector<64x128xi32>
    %ne3A_1217 = arith.cmpi ne, %and3A_1214, %ne3A_1216 : vector<64x128xi32>
    %select_n3A_1218 = arith.select %ne3A_1217, %concatenate3A_1211, %concatenate3A_1208 : vector<64x128xi1>, vector<64x128xi32>
    %and3A_1219 = arith.constant 2 : i32
    %and3A_1220 = vector.broadcast %and3A_1219 : i32 to vector<64x128xi32>
    %and3A_1221 = arith.andi %iota3A, %and3A_1220 : vector<64x128xi32>
    %ne3A_1222 = arith.constant 0 : i32
    %ne3A_1223 = vector.broadcast %ne3A_1222 : i32 to vector<64x128xi32>
    %ne3A_1224 = arith.cmpi ne, %and3A_1221, %ne3A_1223 : vector<64x128xi32>
    %gt3A_1225 = arith.cmpi sgt, %select_n3A_1191, %select_n3A_1205 : vector<64x128xi32>
    %eq3A_1226 = arith.cmpi eq, %select_n3A_1191, %select_n3A_1205 : vector<64x128xi32>
    %lt3A_1227 = arith.cmpi slt, %select_n3A_1192, %select_n3A_1218 : vector<64x128xi32>
    %and3A_1228 = arith.andi %eq3A_1226, %lt3A_1227 : vector<64x128xi1>
    %or3A_1229 = arith.ori %gt3A_1225, %and3A_1228 : vector<64x128xi1>
    %xor3A_1230 = arith.xori %or3A_1229, %ne3A_1204 : vector<64x128xi1>
    %xor3A_1231 = arith.xori %xor3A_1230, %ne3A_1224 : vector<64x128xi1>
    %select_n3A_1232 = arith.select %xor3A_1231, %select_n3A_1191, %select_n3A_1205 : vector<64x128xi1>, vector<64x128xi32>
    %select_n3A_1233 = arith.select %xor3A_1231, %select_n3A_1192, %select_n3A_1218 : vector<64x128xi1>, vector<64x128xi32>
    %slice3A_1234 = vector.extract_strided_slice %select_n3A_1232 {offsets = [0, 32], sizes = [64, 96], strides = [1, 1]} : vector<64x128xi32> to vector<64x96xi32>
    %slice3A_1235 = vector.extract_strided_slice %select_n3A_1232 {offsets = [0, 0], sizes = [64, 32], strides = [1, 1]} : vector<64x128xi32> to vector<64x32xi32>
    %concatenate3A_1236 = tpu.concatenate %slice3A_1234, %slice3A_1235 in 1 : vector<64x96xi32>, vector<64x32xi32> -> vector<64x128xi32>
    %slice3A_1237 = vector.extract_strided_slice %select_n3A_1232 {offsets = [0, 96], sizes = [64, 32], strides = [1, 1]} : vector<64x128xi32> to vector<64x32xi32>
    %slice3A_1238 = vector.extract_strided_slice %select_n3A_1232 {offsets = [0, 0], sizes = [64, 96], strides = [1, 1]} : vector<64x128xi32> to vector<64x96xi32>
    %concatenate3A_1239 = tpu.concatenate %slice3A_1237, %slice3A_1238 in 1 : vector<64x32xi32>, vector<64x96xi32> -> vector<64x128xi32>
    %and3A_1240 = arith.constant 32 : i32
    %and3A_1241 = vector.broadcast %and3A_1240 : i32 to vector<64x128xi32>
    %and3A_1242 = arith.andi %iota3A_4, %and3A_1241 : vector<64x128xi32>
    %ne3A_1243 = arith.constant 0 : i32
    %ne3A_1244 = vector.broadcast %ne3A_1243 : i32 to vector<64x128xi32>
    %ne3A_1245 = arith.cmpi ne, %and3A_1242, %ne3A_1244 : vector<64x128xi32>
    %select_n3A_1246 = arith.select %ne3A_1245, %concatenate3A_1239, %concatenate3A_1236 : vector<64x128xi1>, vector<64x128xi32>
    %slice3A_1247 = vector.extract_strided_slice %select_n3A_1233 {offsets = [0, 32], sizes = [64, 96], strides = [1, 1]} : vector<64x128xi32> to vector<64x96xi32>
    %slice3A_1248 = vector.extract_strided_slice %select_n3A_1233 {offsets = [0, 0], sizes = [64, 32], strides = [1, 1]} : vector<64x128xi32> to vector<64x32xi32>
    %concatenate3A_1249 = tpu.concatenate %slice3A_1247, %slice3A_1248 in 1 : vector<64x96xi32>, vector<64x32xi32> -> vector<64x128xi32>
    %slice3A_1250 = vector.extract_strided_slice %select_n3A_1233 {offsets = [0, 96], sizes = [64, 32], strides = [1, 1]} : vector<64x128xi32> to vector<64x32xi32>
    %slice3A_1251 = vector.extract_strided_slice %select_n3A_1233 {offsets = [0, 0], sizes = [64, 96], strides = [1, 1]} : vector<64x128xi32> to vector<64x96xi32>
    %concatenate3A_1252 = tpu.concatenate %slice3A_1250, %slice3A_1251 in 1 : vector<64x32xi32>, vector<64x96xi32> -> vector<64x128xi32>
    %and3A_1253 = arith.constant 32 : i32
    %and3A_1254 = vector.broadcast %and3A_1253 : i32 to vector<64x128xi32>
    %and3A_1255 = arith.andi %iota3A_4, %and3A_1254 : vector<64x128xi32>
    %ne3A_1256 = arith.constant 0 : i32
    %ne3A_1257 = vector.broadcast %ne3A_1256 : i32 to vector<64x128xi32>
    %ne3A_1258 = arith.cmpi ne, %and3A_1255, %ne3A_1257 : vector<64x128xi32>
    %select_n3A_1259 = arith.select %ne3A_1258, %concatenate3A_1252, %concatenate3A_1249 : vector<64x128xi1>, vector<64x128xi32>
    %and3A_1260 = arith.constant 2 : i32
    %and3A_1261 = vector.broadcast %and3A_1260 : i32 to vector<64x128xi32>
    %and3A_1262 = arith.andi %iota3A, %and3A_1261 : vector<64x128xi32>
    %ne3A_1263 = arith.constant 0 : i32
    %ne3A_1264 = vector.broadcast %ne3A_1263 : i32 to vector<64x128xi32>
    %ne3A_1265 = arith.cmpi ne, %and3A_1262, %ne3A_1264 : vector<64x128xi32>
    %gt3A_1266 = arith.cmpi sgt, %select_n3A_1232, %select_n3A_1246 : vector<64x128xi32>
    %eq3A_1267 = arith.cmpi eq, %select_n3A_1232, %select_n3A_1246 : vector<64x128xi32>
    %lt3A_1268 = arith.cmpi slt, %select_n3A_1233, %select_n3A_1259 : vector<64x128xi32>
    %and3A_1269 = arith.andi %eq3A_1267, %lt3A_1268 : vector<64x128xi1>
    %or3A_1270 = arith.ori %gt3A_1266, %and3A_1269 : vector<64x128xi1>
    %xor3A_1271 = arith.xori %or3A_1270, %ne3A_1245 : vector<64x128xi1>
    %xor3A_1272 = arith.xori %xor3A_1271, %ne3A_1265 : vector<64x128xi1>
    %select_n3A_1273 = arith.select %xor3A_1272, %select_n3A_1232, %select_n3A_1246 : vector<64x128xi1>, vector<64x128xi32>
    %select_n3A_1274 = arith.select %xor3A_1272, %select_n3A_1233, %select_n3A_1259 : vector<64x128xi1>, vector<64x128xi32>
    %slice3A_1275 = vector.extract_strided_slice %select_n3A_1273 {offsets = [0, 16], sizes = [64, 112], strides = [1, 1]} : vector<64x128xi32> to vector<64x112xi32>
    %slice3A_1276 = vector.extract_strided_slice %select_n3A_1273 {offsets = [0, 0], sizes = [64, 16], strides = [1, 1]} : vector<64x128xi32> to vector<64x16xi32>
    %concatenate3A_1277 = tpu.concatenate %slice3A_1275, %slice3A_1276 in 1 : vector<64x112xi32>, vector<64x16xi32> -> vector<64x128xi32>
    %slice3A_1278 = vector.extract_strided_slice %select_n3A_1273 {offsets = [0, 112], sizes = [64, 16], strides = [1, 1]} : vector<64x128xi32> to vector<64x16xi32>
    %slice3A_1279 = vector.extract_strided_slice %select_n3A_1273 {offsets = [0, 0], sizes = [64, 112], strides = [1, 1]} : vector<64x128xi32> to vector<64x112xi32>
    %concatenate3A_1280 = tpu.concatenate %slice3A_1278, %slice3A_1279 in 1 : vector<64x16xi32>, vector<64x112xi32> -> vector<64x128xi32>
    %and3A_1281 = arith.constant 16 : i32
    %and3A_1282 = vector.broadcast %and3A_1281 : i32 to vector<64x128xi32>
    %and3A_1283 = arith.andi %iota3A_4, %and3A_1282 : vector<64x128xi32>
    %ne3A_1284 = arith.constant 0 : i32
    %ne3A_1285 = vector.broadcast %ne3A_1284 : i32 to vector<64x128xi32>
    %ne3A_1286 = arith.cmpi ne, %and3A_1283, %ne3A_1285 : vector<64x128xi32>
    %select_n3A_1287 = arith.select %ne3A_1286, %concatenate3A_1280, %concatenate3A_1277 : vector<64x128xi1>, vector<64x128xi32>
    %slice3A_1288 = vector.extract_strided_slice %select_n3A_1274 {offsets = [0, 16], sizes = [64, 112], strides = [1, 1]} : vector<64x128xi32> to vector<64x112xi32>
    %slice3A_1289 = vector.extract_strided_slice %select_n3A_1274 {offsets = [0, 0], sizes = [64, 16], strides = [1, 1]} : vector<64x128xi32> to vector<64x16xi32>
    %concatenate3A_1290 = tpu.concatenate %slice3A_1288, %slice3A_1289 in 1 : vector<64x112xi32>, vector<64x16xi32> -> vector<64x128xi32>
    %slice3A_1291 = vector.extract_strided_slice %select_n3A_1274 {offsets = [0, 112], sizes = [64, 16], strides = [1, 1]} : vector<64x128xi32> to vector<64x16xi32>
    %slice3A_1292 = vector.extract_strided_slice %select_n3A_1274 {offsets = [0, 0], sizes = [64, 112], strides = [1, 1]} : vector<64x128xi32> to vector<64x112xi32>
    %concatenate3A_1293 = tpu.concatenate %slice3A_1291, %slice3A_1292 in 1 : vector<64x16xi32>, vector<64x112xi32> -> vector<64x128xi32>
    %and3A_1294 = arith.constant 16 : i32
    %and3A_1295 = vector.broadcast %and3A_1294 : i32 to vector<64x128xi32>
    %and3A_1296 = arith.andi %iota3A_4, %and3A_1295 : vector<64x128xi32>
    %ne3A_1297 = arith.constant 0 : i32
    %ne3A_1298 = vector.broadcast %ne3A_1297 : i32 to vector<64x128xi32>
    %ne3A_1299 = arith.cmpi ne, %and3A_1296, %ne3A_1298 : vector<64x128xi32>
    %select_n3A_1300 = arith.select %ne3A_1299, %concatenate3A_1293, %concatenate3A_1290 : vector<64x128xi1>, vector<64x128xi32>
    %and3A_1301 = arith.constant 2 : i32
    %and3A_1302 = vector.broadcast %and3A_1301 : i32 to vector<64x128xi32>
    %and3A_1303 = arith.andi %iota3A, %and3A_1302 : vector<64x128xi32>
    %ne3A_1304 = arith.constant 0 : i32
    %ne3A_1305 = vector.broadcast %ne3A_1304 : i32 to vector<64x128xi32>
    %ne3A_1306 = arith.cmpi ne, %and3A_1303, %ne3A_1305 : vector<64x128xi32>
    %gt3A_1307 = arith.cmpi sgt, %select_n3A_1273, %select_n3A_1287 : vector<64x128xi32>
    %eq3A_1308 = arith.cmpi eq, %select_n3A_1273, %select_n3A_1287 : vector<64x128xi32>
    %lt3A_1309 = arith.cmpi slt, %select_n3A_1274, %select_n3A_1300 : vector<64x128xi32>
    %and3A_1310 = arith.andi %eq3A_1308, %lt3A_1309 : vector<64x128xi1>
    %or3A_1311 = arith.ori %gt3A_1307, %and3A_1310 : vector<64x128xi1>
    %xor3A_1312 = arith.xori %or3A_1311, %ne3A_1286 : vector<64x128xi1>
    %xor3A_1313 = arith.xori %xor3A_1312, %ne3A_1306 : vector<64x128xi1>
    %select_n3A_1314 = arith.select %xor3A_1313, %select_n3A_1273, %select_n3A_1287 : vector<64x128xi1>, vector<64x128xi32>
    %select_n3A_1315 = arith.select %xor3A_1313, %select_n3A_1274, %select_n3A_1300 : vector<64x128xi1>, vector<64x128xi32>
    %slice3A_1316 = vector.extract_strided_slice %select_n3A_1314 {offsets = [0, 8], sizes = [64, 120], strides = [1, 1]} : vector<64x128xi32> to vector<64x120xi32>
    %slice3A_1317 = vector.extract_strided_slice %select_n3A_1314 {offsets = [0, 0], sizes = [64, 8], strides = [1, 1]} : vector<64x128xi32> to vector<64x8xi32>
    %concatenate3A_1318 = tpu.concatenate %slice3A_1316, %slice3A_1317 in 1 : vector<64x120xi32>, vector<64x8xi32> -> vector<64x128xi32>
    %slice3A_1319 = vector.extract_strided_slice %select_n3A_1314 {offsets = [0, 120], sizes = [64, 8], strides = [1, 1]} : vector<64x128xi32> to vector<64x8xi32>
    %slice3A_1320 = vector.extract_strided_slice %select_n3A_1314 {offsets = [0, 0], sizes = [64, 120], strides = [1, 1]} : vector<64x128xi32> to vector<64x120xi32>
    %concatenate3A_1321 = tpu.concatenate %slice3A_1319, %slice3A_1320 in 1 : vector<64x8xi32>, vector<64x120xi32> -> vector<64x128xi32>
    %and3A_1322 = arith.constant 8 : i32
    %and3A_1323 = vector.broadcast %and3A_1322 : i32 to vector<64x128xi32>
    %and3A_1324 = arith.andi %iota3A_4, %and3A_1323 : vector<64x128xi32>
    %ne3A_1325 = arith.constant 0 : i32
    %ne3A_1326 = vector.broadcast %ne3A_1325 : i32 to vector<64x128xi32>
    %ne3A_1327 = arith.cmpi ne, %and3A_1324, %ne3A_1326 : vector<64x128xi32>
    %select_n3A_1328 = arith.select %ne3A_1327, %concatenate3A_1321, %concatenate3A_1318 : vector<64x128xi1>, vector<64x128xi32>
    %slice3A_1329 = vector.extract_strided_slice %select_n3A_1315 {offsets = [0, 8], sizes = [64, 120], strides = [1, 1]} : vector<64x128xi32> to vector<64x120xi32>
    %slice3A_1330 = vector.extract_strided_slice %select_n3A_1315 {offsets = [0, 0], sizes = [64, 8], strides = [1, 1]} : vector<64x128xi32> to vector<64x8xi32>
    %concatenate3A_1331 = tpu.concatenate %slice3A_1329, %slice3A_1330 in 1 : vector<64x120xi32>, vector<64x8xi32> -> vector<64x128xi32>
    %slice3A_1332 = vector.extract_strided_slice %select_n3A_1315 {offsets = [0, 120], sizes = [64, 8], strides = [1, 1]} : vector<64x128xi32> to vector<64x8xi32>
    %slice3A_1333 = vector.extract_strided_slice %select_n3A_1315 {offsets = [0, 0], sizes = [64, 120], strides = [1, 1]} : vector<64x128xi32> to vector<64x120xi32>
    %concatenate3A_1334 = tpu.concatenate %slice3A_1332, %slice3A_1333 in 1 : vector<64x8xi32>, vector<64x120xi32> -> vector<64x128xi32>
    %and3A_1335 = arith.constant 8 : i32
    %and3A_1336 = vector.broadcast %and3A_1335 : i32 to vector<64x128xi32>
    %and3A_1337 = arith.andi %iota3A_4, %and3A_1336 : vector<64x128xi32>
    %ne3A_1338 = arith.constant 0 : i32
    %ne3A_1339 = vector.broadcast %ne3A_1338 : i32 to vector<64x128xi32>
    %ne3A_1340 = arith.cmpi ne, %and3A_1337, %ne3A_1339 : vector<64x128xi32>
    %select_n3A_1341 = arith.select %ne3A_1340, %concatenate3A_1334, %concatenate3A_1331 : vector<64x128xi1>, vector<64x128xi32>
    %and3A_1342 = arith.constant 2 : i32
    %and3A_1343 = vector.broadcast %and3A_1342 : i32 to vector<64x128xi32>
    %and3A_1344 = arith.andi %iota3A, %and3A_1343 : vector<64x128xi32>
    %ne3A_1345 = arith.constant 0 : i32
    %ne3A_1346 = vector.broadcast %ne3A_1345 : i32 to vector<64x128xi32>
    %ne3A_1347 = arith.cmpi ne, %and3A_1344, %ne3A_1346 : vector<64x128xi32>
    %gt3A_1348 = arith.cmpi sgt, %select_n3A_1314, %select_n3A_1328 : vector<64x128xi32>
    %eq3A_1349 = arith.cmpi eq, %select_n3A_1314, %select_n3A_1328 : vector<64x128xi32>
    %lt3A_1350 = arith.cmpi slt, %select_n3A_1315, %select_n3A_1341 : vector<64x128xi32>
    %and3A_1351 = arith.andi %eq3A_1349, %lt3A_1350 : vector<64x128xi1>
    %or3A_1352 = arith.ori %gt3A_1348, %and3A_1351 : vector<64x128xi1>
    %xor3A_1353 = arith.xori %or3A_1352, %ne3A_1327 : vector<64x128xi1>
    %xor3A_1354 = arith.xori %xor3A_1353, %ne3A_1347 : vector<64x128xi1>
    %select_n3A_1355 = arith.select %xor3A_1354, %select_n3A_1314, %select_n3A_1328 : vector<64x128xi1>, vector<64x128xi32>
    %select_n3A_1356 = arith.select %xor3A_1354, %select_n3A_1315, %select_n3A_1341 : vector<64x128xi1>, vector<64x128xi32>
    %slice3A_1357 = vector.extract_strided_slice %select_n3A_1355 {offsets = [0, 4], sizes = [64, 124], strides = [1, 1]} : vector<64x128xi32> to vector<64x124xi32>
    %slice3A_1358 = vector.extract_strided_slice %select_n3A_1355 {offsets = [0, 0], sizes = [64, 4], strides = [1, 1]} : vector<64x128xi32> to vector<64x4xi32>
    %concatenate3A_1359 = tpu.concatenate %slice3A_1357, %slice3A_1358 in 1 : vector<64x124xi32>, vector<64x4xi32> -> vector<64x128xi32>
    %slice3A_1360 = vector.extract_strided_slice %select_n3A_1355 {offsets = [0, 124], sizes = [64, 4], strides = [1, 1]} : vector<64x128xi32> to vector<64x4xi32>
    %slice3A_1361 = vector.extract_strided_slice %select_n3A_1355 {offsets = [0, 0], sizes = [64, 124], strides = [1, 1]} : vector<64x128xi32> to vector<64x124xi32>
    %concatenate3A_1362 = tpu.concatenate %slice3A_1360, %slice3A_1361 in 1 : vector<64x4xi32>, vector<64x124xi32> -> vector<64x128xi32>
    %and3A_1363 = arith.constant 4 : i32
    %and3A_1364 = vector.broadcast %and3A_1363 : i32 to vector<64x128xi32>
    %and3A_1365 = arith.andi %iota3A_4, %and3A_1364 : vector<64x128xi32>
    %ne3A_1366 = arith.constant 0 : i32
    %ne3A_1367 = vector.broadcast %ne3A_1366 : i32 to vector<64x128xi32>
    %ne3A_1368 = arith.cmpi ne, %and3A_1365, %ne3A_1367 : vector<64x128xi32>
    %select_n3A_1369 = arith.select %ne3A_1368, %concatenate3A_1362, %concatenate3A_1359 : vector<64x128xi1>, vector<64x128xi32>
    %slice3A_1370 = vector.extract_strided_slice %select_n3A_1356 {offsets = [0, 4], sizes = [64, 124], strides = [1, 1]} : vector<64x128xi32> to vector<64x124xi32>
    %slice3A_1371 = vector.extract_strided_slice %select_n3A_1356 {offsets = [0, 0], sizes = [64, 4], strides = [1, 1]} : vector<64x128xi32> to vector<64x4xi32>
    %concatenate3A_1372 = tpu.concatenate %slice3A_1370, %slice3A_1371 in 1 : vector<64x124xi32>, vector<64x4xi32> -> vector<64x128xi32>
    %slice3A_1373 = vector.extract_strided_slice %select_n3A_1356 {offsets = [0, 124], sizes = [64, 4], strides = [1, 1]} : vector<64x128xi32> to vector<64x4xi32>
    %slice3A_1374 = vector.extract_strided_slice %select_n3A_1356 {offsets = [0, 0], sizes = [64, 124], strides = [1, 1]} : vector<64x128xi32> to vector<64x124xi32>
    %concatenate3A_1375 = tpu.concatenate %slice3A_1373, %slice3A_1374 in 1 : vector<64x4xi32>, vector<64x124xi32> -> vector<64x128xi32>
    %and3A_1376 = arith.constant 4 : i32
    %and3A_1377 = vector.broadcast %and3A_1376 : i32 to vector<64x128xi32>
    %and3A_1378 = arith.andi %iota3A_4, %and3A_1377 : vector<64x128xi32>
    %ne3A_1379 = arith.constant 0 : i32
    %ne3A_1380 = vector.broadcast %ne3A_1379 : i32 to vector<64x128xi32>
    %ne3A_1381 = arith.cmpi ne, %and3A_1378, %ne3A_1380 : vector<64x128xi32>
    %select_n3A_1382 = arith.select %ne3A_1381, %concatenate3A_1375, %concatenate3A_1372 : vector<64x128xi1>, vector<64x128xi32>
    %and3A_1383 = arith.constant 2 : i32
    %and3A_1384 = vector.broadcast %and3A_1383 : i32 to vector<64x128xi32>
    %and3A_1385 = arith.andi %iota3A, %and3A_1384 : vector<64x128xi32>
    %ne3A_1386 = arith.constant 0 : i32
    %ne3A_1387 = vector.broadcast %ne3A_1386 : i32 to vector<64x128xi32>
    %ne3A_1388 = arith.cmpi ne, %and3A_1385, %ne3A_1387 : vector<64x128xi32>
    %gt3A_1389 = arith.cmpi sgt, %select_n3A_1355, %select_n3A_1369 : vector<64x128xi32>
    %eq3A_1390 = arith.cmpi eq, %select_n3A_1355, %select_n3A_1369 : vector<64x128xi32>
    %lt3A_1391 = arith.cmpi slt, %select_n3A_1356, %select_n3A_1382 : vector<64x128xi32>
    %and3A_1392 = arith.andi %eq3A_1390, %lt3A_1391 : vector<64x128xi1>
    %or3A_1393 = arith.ori %gt3A_1389, %and3A_1392 : vector<64x128xi1>
    %xor3A_1394 = arith.xori %or3A_1393, %ne3A_1368 : vector<64x128xi1>
    %xor3A_1395 = arith.xori %xor3A_1394, %ne3A_1388 : vector<64x128xi1>
    %select_n3A_1396 = arith.select %xor3A_1395, %select_n3A_1355, %select_n3A_1369 : vector<64x128xi1>, vector<64x128xi32>
    %select_n3A_1397 = arith.select %xor3A_1395, %select_n3A_1356, %select_n3A_1382 : vector<64x128xi1>, vector<64x128xi32>
    %slice3A_1398 = vector.extract_strided_slice %select_n3A_1396 {offsets = [0, 2], sizes = [64, 126], strides = [1, 1]} : vector<64x128xi32> to vector<64x126xi32>
    %slice3A_1399 = vector.extract_strided_slice %select_n3A_1396 {offsets = [0, 0], sizes = [64, 2], strides = [1, 1]} : vector<64x128xi32> to vector<64x2xi32>
    %concatenate3A_1400 = tpu.concatenate %slice3A_1398, %slice3A_1399 in 1 : vector<64x126xi32>, vector<64x2xi32> -> vector<64x128xi32>
    %slice3A_1401 = vector.extract_strided_slice %select_n3A_1396 {offsets = [0, 126], sizes = [64, 2], strides = [1, 1]} : vector<64x128xi32> to vector<64x2xi32>
    %slice3A_1402 = vector.extract_strided_slice %select_n3A_1396 {offsets = [0, 0], sizes = [64, 126], strides = [1, 1]} : vector<64x128xi32> to vector<64x126xi32>
    %concatenate3A_1403 = tpu.concatenate %slice3A_1401, %slice3A_1402 in 1 : vector<64x2xi32>, vector<64x126xi32> -> vector<64x128xi32>
    %and3A_1404 = arith.constant 2 : i32
    %and3A_1405 = vector.broadcast %and3A_1404 : i32 to vector<64x128xi32>
    %and3A_1406 = arith.andi %iota3A_4, %and3A_1405 : vector<64x128xi32>
    %ne3A_1407 = arith.constant 0 : i32
    %ne3A_1408 = vector.broadcast %ne3A_1407 : i32 to vector<64x128xi32>
    %ne3A_1409 = arith.cmpi ne, %and3A_1406, %ne3A_1408 : vector<64x128xi32>
    %select_n3A_1410 = arith.select %ne3A_1409, %concatenate3A_1403, %concatenate3A_1400 : vector<64x128xi1>, vector<64x128xi32>
    %slice3A_1411 = vector.extract_strided_slice %select_n3A_1397 {offsets = [0, 2], sizes = [64, 126], strides = [1, 1]} : vector<64x128xi32> to vector<64x126xi32>
    %slice3A_1412 = vector.extract_strided_slice %select_n3A_1397 {offsets = [0, 0], sizes = [64, 2], strides = [1, 1]} : vector<64x128xi32> to vector<64x2xi32>
    %concatenate3A_1413 = tpu.concatenate %slice3A_1411, %slice3A_1412 in 1 : vector<64x126xi32>, vector<64x2xi32> -> vector<64x128xi32>
    %slice3A_1414 = vector.extract_strided_slice %select_n3A_1397 {offsets = [0, 126], sizes = [64, 2], strides = [1, 1]} : vector<64x128xi32> to vector<64x2xi32>
    %slice3A_1415 = vector.extract_strided_slice %select_n3A_1397 {offsets = [0, 0], sizes = [64, 126], strides = [1, 1]} : vector<64x128xi32> to vector<64x126xi32>
    %concatenate3A_1416 = tpu.concatenate %slice3A_1414, %slice3A_1415 in 1 : vector<64x2xi32>, vector<64x126xi32> -> vector<64x128xi32>
    %and3A_1417 = arith.constant 2 : i32
    %and3A_1418 = vector.broadcast %and3A_1417 : i32 to vector<64x128xi32>
    %and3A_1419 = arith.andi %iota3A_4, %and3A_1418 : vector<64x128xi32>
    %ne3A_1420 = arith.constant 0 : i32
    %ne3A_1421 = vector.broadcast %ne3A_1420 : i32 to vector<64x128xi32>
    %ne3A_1422 = arith.cmpi ne, %and3A_1419, %ne3A_1421 : vector<64x128xi32>
    %select_n3A_1423 = arith.select %ne3A_1422, %concatenate3A_1416, %concatenate3A_1413 : vector<64x128xi1>, vector<64x128xi32>
    %and3A_1424 = arith.constant 2 : i32
    %and3A_1425 = vector.broadcast %and3A_1424 : i32 to vector<64x128xi32>
    %and3A_1426 = arith.andi %iota3A, %and3A_1425 : vector<64x128xi32>
    %ne3A_1427 = arith.constant 0 : i32
    %ne3A_1428 = vector.broadcast %ne3A_1427 : i32 to vector<64x128xi32>
    %ne3A_1429 = arith.cmpi ne, %and3A_1426, %ne3A_1428 : vector<64x128xi32>
    %gt3A_1430 = arith.cmpi sgt, %select_n3A_1396, %select_n3A_1410 : vector<64x128xi32>
    %eq3A_1431 = arith.cmpi eq, %select_n3A_1396, %select_n3A_1410 : vector<64x128xi32>
    %lt3A_1432 = arith.cmpi slt, %select_n3A_1397, %select_n3A_1423 : vector<64x128xi32>
    %and3A_1433 = arith.andi %eq3A_1431, %lt3A_1432 : vector<64x128xi1>
    %or3A_1434 = arith.ori %gt3A_1430, %and3A_1433 : vector<64x128xi1>
    %xor3A_1435 = arith.xori %or3A_1434, %ne3A_1409 : vector<64x128xi1>
    %xor3A_1436 = arith.xori %xor3A_1435, %ne3A_1429 : vector<64x128xi1>
    %select_n3A_1437 = arith.select %xor3A_1436, %select_n3A_1396, %select_n3A_1410 : vector<64x128xi1>, vector<64x128xi32>
    %select_n3A_1438 = arith.select %xor3A_1436, %select_n3A_1397, %select_n3A_1423 : vector<64x128xi1>, vector<64x128xi32>
    %slice3A_1439 = vector.extract_strided_slice %select_n3A_1437 {offsets = [0, 1], sizes = [64, 127], strides = [1, 1]} : vector<64x128xi32> to vector<64x127xi32>
    %slice3A_1440 = vector.extract_strided_slice %select_n3A_1437 {offsets = [0, 0], sizes = [64, 1], strides = [1, 1]} : vector<64x128xi32> to vector<64x1xi32>
    %concatenate3A_1441 = tpu.concatenate %slice3A_1439, %slice3A_1440 in 1 : vector<64x127xi32>, vector<64x1xi32> -> vector<64x128xi32>
    %slice3A_1442 = vector.extract_strided_slice %select_n3A_1437 {offsets = [0, 127], sizes = [64, 1], strides = [1, 1]} : vector<64x128xi32> to vector<64x1xi32>
    %slice3A_1443 = vector.extract_strided_slice %select_n3A_1437 {offsets = [0, 0], sizes = [64, 127], strides = [1, 1]} : vector<64x128xi32> to vector<64x127xi32>
    %concatenate3A_1444 = tpu.concatenate %slice3A_1442, %slice3A_1443 in 1 : vector<64x1xi32>, vector<64x127xi32> -> vector<64x128xi32>
    %and3A_1445 = arith.constant 1 : i32
    %and3A_1446 = vector.broadcast %and3A_1445 : i32 to vector<64x128xi32>
    %and3A_1447 = arith.andi %iota3A_4, %and3A_1446 : vector<64x128xi32>
    %ne3A_1448 = arith.constant 0 : i32
    %ne3A_1449 = vector.broadcast %ne3A_1448 : i32 to vector<64x128xi32>
    %ne3A_1450 = arith.cmpi ne, %and3A_1447, %ne3A_1449 : vector<64x128xi32>
    %select_n3A_1451 = arith.select %ne3A_1450, %concatenate3A_1444, %concatenate3A_1441 : vector<64x128xi1>, vector<64x128xi32>
    %slice3A_1452 = vector.extract_strided_slice %select_n3A_1438 {offsets = [0, 1], sizes = [64, 127], strides = [1, 1]} : vector<64x128xi32> to vector<64x127xi32>
    %slice3A_1453 = vector.extract_strided_slice %select_n3A_1438 {offsets = [0, 0], sizes = [64, 1], strides = [1, 1]} : vector<64x128xi32> to vector<64x1xi32>
    %concatenate3A_1454 = tpu.concatenate %slice3A_1452, %slice3A_1453 in 1 : vector<64x127xi32>, vector<64x1xi32> -> vector<64x128xi32>
    %slice3A_1455 = vector.extract_strided_slice %select_n3A_1438 {offsets = [0, 127], sizes = [64, 1], strides = [1, 1]} : vector<64x128xi32> to vector<64x1xi32>
    %slice3A_1456 = vector.extract_strided_slice %select_n3A_1438 {offsets = [0, 0], sizes = [64, 127], strides = [1, 1]} : vector<64x128xi32> to vector<64x127xi32>
    %concatenate3A_1457 = tpu.concatenate %slice3A_1455, %slice3A_1456 in 1 : vector<64x1xi32>, vector<64x127xi32> -> vector<64x128xi32>
    %and3A_1458 = arith.constant 1 : i32
    %and3A_1459 = vector.broadcast %and3A_1458 : i32 to vector<64x128xi32>
    %and3A_1460 = arith.andi %iota3A_4, %and3A_1459 : vector<64x128xi32>
    %ne3A_1461 = arith.constant 0 : i32
    %ne3A_1462 = vector.broadcast %ne3A_1461 : i32 to vector<64x128xi32>
    %ne3A_1463 = arith.cmpi ne, %and3A_1460, %ne3A_1462 : vector<64x128xi32>
    %select_n3A_1464 = arith.select %ne3A_1463, %concatenate3A_1457, %concatenate3A_1454 : vector<64x128xi1>, vector<64x128xi32>
    %and3A_1465 = arith.constant 2 : i32
    %and3A_1466 = vector.broadcast %and3A_1465 : i32 to vector<64x128xi32>
    %and3A_1467 = arith.andi %iota3A, %and3A_1466 : vector<64x128xi32>
    %ne3A_1468 = arith.constant 0 : i32
    %ne3A_1469 = vector.broadcast %ne3A_1468 : i32 to vector<64x128xi32>
    %ne3A_1470 = arith.cmpi ne, %and3A_1467, %ne3A_1469 : vector<64x128xi32>
    %gt3A_1471 = arith.cmpi sgt, %select_n3A_1437, %select_n3A_1451 : vector<64x128xi32>
    %eq3A_1472 = arith.cmpi eq, %select_n3A_1437, %select_n3A_1451 : vector<64x128xi32>
    %lt3A_1473 = arith.cmpi slt, %select_n3A_1438, %select_n3A_1464 : vector<64x128xi32>
    %and3A_1474 = arith.andi %eq3A_1472, %lt3A_1473 : vector<64x128xi1>
    %or3A_1475 = arith.ori %gt3A_1471, %and3A_1474 : vector<64x128xi1>
    %xor3A_1476 = arith.xori %or3A_1475, %ne3A_1450 : vector<64x128xi1>
    %xor3A_1477 = arith.xori %xor3A_1476, %ne3A_1470 : vector<64x128xi1>
    %select_n3A_1478 = arith.select %xor3A_1477, %select_n3A_1437, %select_n3A_1451 : vector<64x128xi1>, vector<64x128xi32>
    %select_n3A_1479 = arith.select %xor3A_1477, %select_n3A_1438, %select_n3A_1464 : vector<64x128xi1>, vector<64x128xi32>
    %slice3A_1480 = vector.extract_strided_slice %select_n3A_1478 {offsets = [2, 0], sizes = [62, 128], strides = [1, 1]} : vector<64x128xi32> to vector<62x128xi32>
    %slice3A_1481 = vector.extract_strided_slice %select_n3A_1478 {offsets = [0, 0], sizes = [2, 128], strides = [1, 1]} : vector<64x128xi32> to vector<2x128xi32>
    %concatenate3A_1482 = tpu.concatenate %slice3A_1480, %slice3A_1481 in 0 : vector<62x128xi32>, vector<2x128xi32> -> vector<64x128xi32>
    %slice3A_1483 = vector.extract_strided_slice %select_n3A_1478 {offsets = [62, 0], sizes = [2, 128], strides = [1, 1]} : vector<64x128xi32> to vector<2x128xi32>
    %slice3A_1484 = vector.extract_strided_slice %select_n3A_1478 {offsets = [0, 0], sizes = [62, 128], strides = [1, 1]} : vector<64x128xi32> to vector<62x128xi32>
    %concatenate3A_1485 = tpu.concatenate %slice3A_1483, %slice3A_1484 in 0 : vector<2x128xi32>, vector<62x128xi32> -> vector<64x128xi32>
    %and3A_1486 = arith.constant 2 : i32
    %and3A_1487 = vector.broadcast %and3A_1486 : i32 to vector<64x128xi32>
    %and3A_1488 = arith.andi %iota3A, %and3A_1487 : vector<64x128xi32>
    %ne3A_1489 = arith.constant 0 : i32
    %ne3A_1490 = vector.broadcast %ne3A_1489 : i32 to vector<64x128xi32>
    %ne3A_1491 = arith.cmpi ne, %and3A_1488, %ne3A_1490 : vector<64x128xi32>
    %select_n3A_1492 = arith.select %ne3A_1491, %concatenate3A_1485, %concatenate3A_1482 : vector<64x128xi1>, vector<64x128xi32>
    %slice3A_1493 = vector.extract_strided_slice %select_n3A_1479 {offsets = [2, 0], sizes = [62, 128], strides = [1, 1]} : vector<64x128xi32> to vector<62x128xi32>
    %slice3A_1494 = vector.extract_strided_slice %select_n3A_1479 {offsets = [0, 0], sizes = [2, 128], strides = [1, 1]} : vector<64x128xi32> to vector<2x128xi32>
    %concatenate3A_1495 = tpu.concatenate %slice3A_1493, %slice3A_1494 in 0 : vector<62x128xi32>, vector<2x128xi32> -> vector<64x128xi32>
    %slice3A_1496 = vector.extract_strided_slice %select_n3A_1479 {offsets = [62, 0], sizes = [2, 128], strides = [1, 1]} : vector<64x128xi32> to vector<2x128xi32>
    %slice3A_1497 = vector.extract_strided_slice %select_n3A_1479 {offsets = [0, 0], sizes = [62, 128], strides = [1, 1]} : vector<64x128xi32> to vector<62x128xi32>
    %concatenate3A_1498 = tpu.concatenate %slice3A_1496, %slice3A_1497 in 0 : vector<2x128xi32>, vector<62x128xi32> -> vector<64x128xi32>
    %and3A_1499 = arith.constant 2 : i32
    %and3A_1500 = vector.broadcast %and3A_1499 : i32 to vector<64x128xi32>
    %and3A_1501 = arith.andi %iota3A, %and3A_1500 : vector<64x128xi32>
    %ne3A_1502 = arith.constant 0 : i32
    %ne3A_1503 = vector.broadcast %ne3A_1502 : i32 to vector<64x128xi32>
    %ne3A_1504 = arith.cmpi ne, %and3A_1501, %ne3A_1503 : vector<64x128xi32>
    %select_n3A_1505 = arith.select %ne3A_1504, %concatenate3A_1498, %concatenate3A_1495 : vector<64x128xi1>, vector<64x128xi32>
    %and3A_1506 = arith.constant 4 : i32
    %and3A_1507 = vector.broadcast %and3A_1506 : i32 to vector<64x128xi32>
    %and3A_1508 = arith.andi %iota3A, %and3A_1507 : vector<64x128xi32>
    %ne3A_1509 = arith.constant 0 : i32
    %ne3A_1510 = vector.broadcast %ne3A_1509 : i32 to vector<64x128xi32>
    %ne3A_1511 = arith.cmpi ne, %and3A_1508, %ne3A_1510 : vector<64x128xi32>
    %gt3A_1512 = arith.cmpi sgt, %select_n3A_1478, %select_n3A_1492 : vector<64x128xi32>
    %eq3A_1513 = arith.cmpi eq, %select_n3A_1478, %select_n3A_1492 : vector<64x128xi32>
    %lt3A_1514 = arith.cmpi slt, %select_n3A_1479, %select_n3A_1505 : vector<64x128xi32>
    %and3A_1515 = arith.andi %eq3A_1513, %lt3A_1514 : vector<64x128xi1>
    %or3A_1516 = arith.ori %gt3A_1512, %and3A_1515 : vector<64x128xi1>
    %xor3A_1517 = arith.xori %or3A_1516, %ne3A_1491 : vector<64x128xi1>
    %xor3A_1518 = arith.xori %xor3A_1517, %ne3A_1511 : vector<64x128xi1>
    %select_n3A_1519 = arith.select %xor3A_1518, %select_n3A_1478, %select_n3A_1492 : vector<64x128xi1>, vector<64x128xi32>
    %select_n3A_1520 = arith.select %xor3A_1518, %select_n3A_1479, %select_n3A_1505 : vector<64x128xi1>, vector<64x128xi32>
    %slice3A_1521 = vector.extract_strided_slice %select_n3A_1519 {offsets = [1, 0], sizes = [63, 128], strides = [1, 1]} : vector<64x128xi32> to vector<63x128xi32>
    %slice3A_1522 = vector.extract_strided_slice %select_n3A_1519 {offsets = [0, 0], sizes = [1, 128], strides = [1, 1]} : vector<64x128xi32> to vector<1x128xi32>
    %concatenate3A_1523 = tpu.concatenate %slice3A_1521, %slice3A_1522 in 0 : vector<63x128xi32>, vector<1x128xi32> -> vector<64x128xi32>
    %slice3A_1524 = vector.extract_strided_slice %select_n3A_1519 {offsets = [63, 0], sizes = [1, 128], strides = [1, 1]} : vector<64x128xi32> to vector<1x128xi32>
    %slice3A_1525 = vector.extract_strided_slice %select_n3A_1519 {offsets = [0, 0], sizes = [63, 128], strides = [1, 1]} : vector<64x128xi32> to vector<63x128xi32>
    %concatenate3A_1526 = tpu.concatenate %slice3A_1524, %slice3A_1525 in 0 : vector<1x128xi32>, vector<63x128xi32> -> vector<64x128xi32>
    %and3A_1527 = arith.constant 1 : i32
    %and3A_1528 = vector.broadcast %and3A_1527 : i32 to vector<64x128xi32>
    %and3A_1529 = arith.andi %iota3A, %and3A_1528 : vector<64x128xi32>
    %ne3A_1530 = arith.constant 0 : i32
    %ne3A_1531 = vector.broadcast %ne3A_1530 : i32 to vector<64x128xi32>
    %ne3A_1532 = arith.cmpi ne, %and3A_1529, %ne3A_1531 : vector<64x128xi32>
    %select_n3A_1533 = arith.select %ne3A_1532, %concatenate3A_1526, %concatenate3A_1523 : vector<64x128xi1>, vector<64x128xi32>
    %slice3A_1534 = vector.extract_strided_slice %select_n3A_1520 {offsets = [1, 0], sizes = [63, 128], strides = [1, 1]} : vector<64x128xi32> to vector<63x128xi32>
    %slice3A_1535 = vector.extract_strided_slice %select_n3A_1520 {offsets = [0, 0], sizes = [1, 128], strides = [1, 1]} : vector<64x128xi32> to vector<1x128xi32>
    %concatenate3A_1536 = tpu.concatenate %slice3A_1534, %slice3A_1535 in 0 : vector<63x128xi32>, vector<1x128xi32> -> vector<64x128xi32>
    %slice3A_1537 = vector.extract_strided_slice %select_n3A_1520 {offsets = [63, 0], sizes = [1, 128], strides = [1, 1]} : vector<64x128xi32> to vector<1x128xi32>
    %slice3A_1538 = vector.extract_strided_slice %select_n3A_1520 {offsets = [0, 0], sizes = [63, 128], strides = [1, 1]} : vector<64x128xi32> to vector<63x128xi32>
    %concatenate3A_1539 = tpu.concatenate %slice3A_1537, %slice3A_1538 in 0 : vector<1x128xi32>, vector<63x128xi32> -> vector<64x128xi32>
    %and3A_1540 = arith.constant 1 : i32
    %and3A_1541 = vector.broadcast %and3A_1540 : i32 to vector<64x128xi32>
    %and3A_1542 = arith.andi %iota3A, %and3A_1541 : vector<64x128xi32>
    %ne3A_1543 = arith.constant 0 : i32
    %ne3A_1544 = vector.broadcast %ne3A_1543 : i32 to vector<64x128xi32>
    %ne3A_1545 = arith.cmpi ne, %and3A_1542, %ne3A_1544 : vector<64x128xi32>
    %select_n3A_1546 = arith.select %ne3A_1545, %concatenate3A_1539, %concatenate3A_1536 : vector<64x128xi1>, vector<64x128xi32>
    %and3A_1547 = arith.constant 4 : i32
    %and3A_1548 = vector.broadcast %and3A_1547 : i32 to vector<64x128xi32>
    %and3A_1549 = arith.andi %iota3A, %and3A_1548 : vector<64x128xi32>
    %ne3A_1550 = arith.constant 0 : i32
    %ne3A_1551 = vector.broadcast %ne3A_1550 : i32 to vector<64x128xi32>
    %ne3A_1552 = arith.cmpi ne, %and3A_1549, %ne3A_1551 : vector<64x128xi32>
    %gt3A_1553 = arith.cmpi sgt, %select_n3A_1519, %select_n3A_1533 : vector<64x128xi32>
    %eq3A_1554 = arith.cmpi eq, %select_n3A_1519, %select_n3A_1533 : vector<64x128xi32>
    %lt3A_1555 = arith.cmpi slt, %select_n3A_1520, %select_n3A_1546 : vector<64x128xi32>
    %and3A_1556 = arith.andi %eq3A_1554, %lt3A_1555 : vector<64x128xi1>
    %or3A_1557 = arith.ori %gt3A_1553, %and3A_1556 : vector<64x128xi1>
    %xor3A_1558 = arith.xori %or3A_1557, %ne3A_1532 : vector<64x128xi1>
    %xor3A_1559 = arith.xori %xor3A_1558, %ne3A_1552 : vector<64x128xi1>
    %select_n3A_1560 = arith.select %xor3A_1559, %select_n3A_1519, %select_n3A_1533 : vector<64x128xi1>, vector<64x128xi32>
    %select_n3A_1561 = arith.select %xor3A_1559, %select_n3A_1520, %select_n3A_1546 : vector<64x128xi1>, vector<64x128xi32>
    %slice3A_1562 = vector.extract_strided_slice %select_n3A_1560 {offsets = [0, 64], sizes = [64, 64], strides = [1, 1]} : vector<64x128xi32> to vector<64x64xi32>
    %slice3A_1563 = vector.extract_strided_slice %select_n3A_1560 {offsets = [0, 0], sizes = [64, 64], strides = [1, 1]} : vector<64x128xi32> to vector<64x64xi32>
    %concatenate3A_1564 = tpu.concatenate %slice3A_1562, %slice3A_1563 in 1 : vector<64x64xi32>, vector<64x64xi32> -> vector<64x128xi32>
    %slice3A_1565 = vector.extract_strided_slice %select_n3A_1560 {offsets = [0, 64], sizes = [64, 64], strides = [1, 1]} : vector<64x128xi32> to vector<64x64xi32>
    %slice3A_1566 = vector.extract_strided_slice %select_n3A_1560 {offsets = [0, 0], sizes = [64, 64], strides = [1, 1]} : vector<64x128xi32> to vector<64x64xi32>
    %concatenate3A_1567 = tpu.concatenate %slice3A_1565, %slice3A_1566 in 1 : vector<64x64xi32>, vector<64x64xi32> -> vector<64x128xi32>
    %and3A_1568 = arith.constant 64 : i32
    %and3A_1569 = vector.broadcast %and3A_1568 : i32 to vector<64x128xi32>
    %and3A_1570 = arith.andi %iota3A_4, %and3A_1569 : vector<64x128xi32>
    %ne3A_1571 = arith.constant 0 : i32
    %ne3A_1572 = vector.broadcast %ne3A_1571 : i32 to vector<64x128xi32>
    %ne3A_1573 = arith.cmpi ne, %and3A_1570, %ne3A_1572 : vector<64x128xi32>
    %select_n3A_1574 = arith.select %ne3A_1573, %concatenate3A_1567, %concatenate3A_1564 : vector<64x128xi1>, vector<64x128xi32>
    %slice3A_1575 = vector.extract_strided_slice %select_n3A_1561 {offsets = [0, 64], sizes = [64, 64], strides = [1, 1]} : vector<64x128xi32> to vector<64x64xi32>
    %slice3A_1576 = vector.extract_strided_slice %select_n3A_1561 {offsets = [0, 0], sizes = [64, 64], strides = [1, 1]} : vector<64x128xi32> to vector<64x64xi32>
    %concatenate3A_1577 = tpu.concatenate %slice3A_1575, %slice3A_1576 in 1 : vector<64x64xi32>, vector<64x64xi32> -> vector<64x128xi32>
    %slice3A_1578 = vector.extract_strided_slice %select_n3A_1561 {offsets = [0, 64], sizes = [64, 64], strides = [1, 1]} : vector<64x128xi32> to vector<64x64xi32>
    %slice3A_1579 = vector.extract_strided_slice %select_n3A_1561 {offsets = [0, 0], sizes = [64, 64], strides = [1, 1]} : vector<64x128xi32> to vector<64x64xi32>
    %concatenate3A_1580 = tpu.concatenate %slice3A_1578, %slice3A_1579 in 1 : vector<64x64xi32>, vector<64x64xi32> -> vector<64x128xi32>
    %and3A_1581 = arith.constant 64 : i32
    %and3A_1582 = vector.broadcast %and3A_1581 : i32 to vector<64x128xi32>
    %and3A_1583 = arith.andi %iota3A_4, %and3A_1582 : vector<64x128xi32>
    %ne3A_1584 = arith.constant 0 : i32
    %ne3A_1585 = vector.broadcast %ne3A_1584 : i32 to vector<64x128xi32>
    %ne3A_1586 = arith.cmpi ne, %and3A_1583, %ne3A_1585 : vector<64x128xi32>
    %select_n3A_1587 = arith.select %ne3A_1586, %concatenate3A_1580, %concatenate3A_1577 : vector<64x128xi1>, vector<64x128xi32>
    %and3A_1588 = arith.constant 4 : i32
    %and3A_1589 = vector.broadcast %and3A_1588 : i32 to vector<64x128xi32>
    %and3A_1590 = arith.andi %iota3A, %and3A_1589 : vector<64x128xi32>
    %ne3A_1591 = arith.constant 0 : i32
    %ne3A_1592 = vector.broadcast %ne3A_1591 : i32 to vector<64x128xi32>
    %ne3A_1593 = arith.cmpi ne, %and3A_1590, %ne3A_1592 : vector<64x128xi32>
    %gt3A_1594 = arith.cmpi sgt, %select_n3A_1560, %select_n3A_1574 : vector<64x128xi32>
    %eq3A_1595 = arith.cmpi eq, %select_n3A_1560, %select_n3A_1574 : vector<64x128xi32>
    %lt3A_1596 = arith.cmpi slt, %select_n3A_1561, %select_n3A_1587 : vector<64x128xi32>
    %and3A_1597 = arith.andi %eq3A_1595, %lt3A_1596 : vector<64x128xi1>
    %or3A_1598 = arith.ori %gt3A_1594, %and3A_1597 : vector<64x128xi1>
    %xor3A_1599 = arith.xori %or3A_1598, %ne3A_1573 : vector<64x128xi1>
    %xor3A_1600 = arith.xori %xor3A_1599, %ne3A_1593 : vector<64x128xi1>
    %select_n3A_1601 = arith.select %xor3A_1600, %select_n3A_1560, %select_n3A_1574 : vector<64x128xi1>, vector<64x128xi32>
    %select_n3A_1602 = arith.select %xor3A_1600, %select_n3A_1561, %select_n3A_1587 : vector<64x128xi1>, vector<64x128xi32>
    %slice3A_1603 = vector.extract_strided_slice %select_n3A_1601 {offsets = [0, 32], sizes = [64, 96], strides = [1, 1]} : vector<64x128xi32> to vector<64x96xi32>
    %slice3A_1604 = vector.extract_strided_slice %select_n3A_1601 {offsets = [0, 0], sizes = [64, 32], strides = [1, 1]} : vector<64x128xi32> to vector<64x32xi32>
    %concatenate3A_1605 = tpu.concatenate %slice3A_1603, %slice3A_1604 in 1 : vector<64x96xi32>, vector<64x32xi32> -> vector<64x128xi32>
    %slice3A_1606 = vector.extract_strided_slice %select_n3A_1601 {offsets = [0, 96], sizes = [64, 32], strides = [1, 1]} : vector<64x128xi32> to vector<64x32xi32>
    %slice3A_1607 = vector.extract_strided_slice %select_n3A_1601 {offsets = [0, 0], sizes = [64, 96], strides = [1, 1]} : vector<64x128xi32> to vector<64x96xi32>
    %concatenate3A_1608 = tpu.concatenate %slice3A_1606, %slice3A_1607 in 1 : vector<64x32xi32>, vector<64x96xi32> -> vector<64x128xi32>
    %and3A_1609 = arith.constant 32 : i32
    %and3A_1610 = vector.broadcast %and3A_1609 : i32 to vector<64x128xi32>
    %and3A_1611 = arith.andi %iota3A_4, %and3A_1610 : vector<64x128xi32>
    %ne3A_1612 = arith.constant 0 : i32
    %ne3A_1613 = vector.broadcast %ne3A_1612 : i32 to vector<64x128xi32>
    %ne3A_1614 = arith.cmpi ne, %and3A_1611, %ne3A_1613 : vector<64x128xi32>
    %select_n3A_1615 = arith.select %ne3A_1614, %concatenate3A_1608, %concatenate3A_1605 : vector<64x128xi1>, vector<64x128xi32>
    %slice3A_1616 = vector.extract_strided_slice %select_n3A_1602 {offsets = [0, 32], sizes = [64, 96], strides = [1, 1]} : vector<64x128xi32> to vector<64x96xi32>
    %slice3A_1617 = vector.extract_strided_slice %select_n3A_1602 {offsets = [0, 0], sizes = [64, 32], strides = [1, 1]} : vector<64x128xi32> to vector<64x32xi32>
    %concatenate3A_1618 = tpu.concatenate %slice3A_1616, %slice3A_1617 in 1 : vector<64x96xi32>, vector<64x32xi32> -> vector<64x128xi32>
    %slice3A_1619 = vector.extract_strided_slice %select_n3A_1602 {offsets = [0, 96], sizes = [64, 32], strides = [1, 1]} : vector<64x128xi32> to vector<64x32xi32>
    %slice3A_1620 = vector.extract_strided_slice %select_n3A_1602 {offsets = [0, 0], sizes = [64, 96], strides = [1, 1]} : vector<64x128xi32> to vector<64x96xi32>
    %concatenate3A_1621 = tpu.concatenate %slice3A_1619, %slice3A_1620 in 1 : vector<64x32xi32>, vector<64x96xi32> -> vector<64x128xi32>
    %and3A_1622 = arith.constant 32 : i32
    %and3A_1623 = vector.broadcast %and3A_1622 : i32 to vector<64x128xi32>
    %and3A_1624 = arith.andi %iota3A_4, %and3A_1623 : vector<64x128xi32>
    %ne3A_1625 = arith.constant 0 : i32
    %ne3A_1626 = vector.broadcast %ne3A_1625 : i32 to vector<64x128xi32>
    %ne3A_1627 = arith.cmpi ne, %and3A_1624, %ne3A_1626 : vector<64x128xi32>
    %select_n3A_1628 = arith.select %ne3A_1627, %concatenate3A_1621, %concatenate3A_1618 : vector<64x128xi1>, vector<64x128xi32>
    %and3A_1629 = arith.constant 4 : i32
    %and3A_1630 = vector.broadcast %and3A_1629 : i32 to vector<64x128xi32>
    %and3A_1631 = arith.andi %iota3A, %and3A_1630 : vector<64x128xi32>
    %ne3A_1632 = arith.constant 0 : i32
    %ne3A_1633 = vector.broadcast %ne3A_1632 : i32 to vector<64x128xi32>
    %ne3A_1634 = arith.cmpi ne, %and3A_1631, %ne3A_1633 : vector<64x128xi32>
    %gt3A_1635 = arith.cmpi sgt, %select_n3A_1601, %select_n3A_1615 : vector<64x128xi32>
    %eq3A_1636 = arith.cmpi eq, %select_n3A_1601, %select_n3A_1615 : vector<64x128xi32>
    %lt3A_1637 = arith.cmpi slt, %select_n3A_1602, %select_n3A_1628 : vector<64x128xi32>
    %and3A_1638 = arith.andi %eq3A_1636, %lt3A_1637 : vector<64x128xi1>
    %or3A_1639 = arith.ori %gt3A_1635, %and3A_1638 : vector<64x128xi1>
    %xor3A_1640 = arith.xori %or3A_1639, %ne3A_1614 : vector<64x128xi1>
    %xor3A_1641 = arith.xori %xor3A_1640, %ne3A_1634 : vector<64x128xi1>
    %select_n3A_1642 = arith.select %xor3A_1641, %select_n3A_1601, %select_n3A_1615 : vector<64x128xi1>, vector<64x128xi32>
    %select_n3A_1643 = arith.select %xor3A_1641, %select_n3A_1602, %select_n3A_1628 : vector<64x128xi1>, vector<64x128xi32>
    %slice3A_1644 = vector.extract_strided_slice %select_n3A_1642 {offsets = [0, 16], sizes = [64, 112], strides = [1, 1]} : vector<64x128xi32> to vector<64x112xi32>
    %slice3A_1645 = vector.extract_strided_slice %select_n3A_1642 {offsets = [0, 0], sizes = [64, 16], strides = [1, 1]} : vector<64x128xi32> to vector<64x16xi32>
    %concatenate3A_1646 = tpu.concatenate %slice3A_1644, %slice3A_1645 in 1 : vector<64x112xi32>, vector<64x16xi32> -> vector<64x128xi32>
    %slice3A_1647 = vector.extract_strided_slice %select_n3A_1642 {offsets = [0, 112], sizes = [64, 16], strides = [1, 1]} : vector<64x128xi32> to vector<64x16xi32>
    %slice3A_1648 = vector.extract_strided_slice %select_n3A_1642 {offsets = [0, 0], sizes = [64, 112], strides = [1, 1]} : vector<64x128xi32> to vector<64x112xi32>
    %concatenate3A_1649 = tpu.concatenate %slice3A_1647, %slice3A_1648 in 1 : vector<64x16xi32>, vector<64x112xi32> -> vector<64x128xi32>
    %and3A_1650 = arith.constant 16 : i32
    %and3A_1651 = vector.broadcast %and3A_1650 : i32 to vector<64x128xi32>
    %and3A_1652 = arith.andi %iota3A_4, %and3A_1651 : vector<64x128xi32>
    %ne3A_1653 = arith.constant 0 : i32
    %ne3A_1654 = vector.broadcast %ne3A_1653 : i32 to vector<64x128xi32>
    %ne3A_1655 = arith.cmpi ne, %and3A_1652, %ne3A_1654 : vector<64x128xi32>
    %select_n3A_1656 = arith.select %ne3A_1655, %concatenate3A_1649, %concatenate3A_1646 : vector<64x128xi1>, vector<64x128xi32>
    %slice3A_1657 = vector.extract_strided_slice %select_n3A_1643 {offsets = [0, 16], sizes = [64, 112], strides = [1, 1]} : vector<64x128xi32> to vector<64x112xi32>
    %slice3A_1658 = vector.extract_strided_slice %select_n3A_1643 {offsets = [0, 0], sizes = [64, 16], strides = [1, 1]} : vector<64x128xi32> to vector<64x16xi32>
    %concatenate3A_1659 = tpu.concatenate %slice3A_1657, %slice3A_1658 in 1 : vector<64x112xi32>, vector<64x16xi32> -> vector<64x128xi32>
    %slice3A_1660 = vector.extract_strided_slice %select_n3A_1643 {offsets = [0, 112], sizes = [64, 16], strides = [1, 1]} : vector<64x128xi32> to vector<64x16xi32>
    %slice3A_1661 = vector.extract_strided_slice %select_n3A_1643 {offsets = [0, 0], sizes = [64, 112], strides = [1, 1]} : vector<64x128xi32> to vector<64x112xi32>
    %concatenate3A_1662 = tpu.concatenate %slice3A_1660, %slice3A_1661 in 1 : vector<64x16xi32>, vector<64x112xi32> -> vector<64x128xi32>
    %and3A_1663 = arith.constant 16 : i32
    %and3A_1664 = vector.broadcast %and3A_1663 : i32 to vector<64x128xi32>
    %and3A_1665 = arith.andi %iota3A_4, %and3A_1664 : vector<64x128xi32>
    %ne3A_1666 = arith.constant 0 : i32
    %ne3A_1667 = vector.broadcast %ne3A_1666 : i32 to vector<64x128xi32>
    %ne3A_1668 = arith.cmpi ne, %and3A_1665, %ne3A_1667 : vector<64x128xi32>
    %select_n3A_1669 = arith.select %ne3A_1668, %concatenate3A_1662, %concatenate3A_1659 : vector<64x128xi1>, vector<64x128xi32>
    %and3A_1670 = arith.constant 4 : i32
    %and3A_1671 = vector.broadcast %and3A_1670 : i32 to vector<64x128xi32>
    %and3A_1672 = arith.andi %iota3A, %and3A_1671 : vector<64x128xi32>
    %ne3A_1673 = arith.constant 0 : i32
    %ne3A_1674 = vector.broadcast %ne3A_1673 : i32 to vector<64x128xi32>
    %ne3A_1675 = arith.cmpi ne, %and3A_1672, %ne3A_1674 : vector<64x128xi32>
    %gt3A_1676 = arith.cmpi sgt, %select_n3A_1642, %select_n3A_1656 : vector<64x128xi32>
    %eq3A_1677 = arith.cmpi eq, %select_n3A_1642, %select_n3A_1656 : vector<64x128xi32>
    %lt3A_1678 = arith.cmpi slt, %select_n3A_1643, %select_n3A_1669 : vector<64x128xi32>
    %and3A_1679 = arith.andi %eq3A_1677, %lt3A_1678 : vector<64x128xi1>
    %or3A_1680 = arith.ori %gt3A_1676, %and3A_1679 : vector<64x128xi1>
    %xor3A_1681 = arith.xori %or3A_1680, %ne3A_1655 : vector<64x128xi1>
    %xor3A_1682 = arith.xori %xor3A_1681, %ne3A_1675 : vector<64x128xi1>
    %select_n3A_1683 = arith.select %xor3A_1682, %select_n3A_1642, %select_n3A_1656 : vector<64x128xi1>, vector<64x128xi32>
    %select_n3A_1684 = arith.select %xor3A_1682, %select_n3A_1643, %select_n3A_1669 : vector<64x128xi1>, vector<64x128xi32>
    %slice3A_1685 = vector.extract_strided_slice %select_n3A_1683 {offsets = [0, 8], sizes = [64, 120], strides = [1, 1]} : vector<64x128xi32> to vector<64x120xi32>
    %slice3A_1686 = vector.extract_strided_slice %select_n3A_1683 {offsets = [0, 0], sizes = [64, 8], strides = [1, 1]} : vector<64x128xi32> to vector<64x8xi32>
    %concatenate3A_1687 = tpu.concatenate %slice3A_1685, %slice3A_1686 in 1 : vector<64x120xi32>, vector<64x8xi32> -> vector<64x128xi32>
    %slice3A_1688 = vector.extract_strided_slice %select_n3A_1683 {offsets = [0, 120], sizes = [64, 8], strides = [1, 1]} : vector<64x128xi32> to vector<64x8xi32>
    %slice3A_1689 = vector.extract_strided_slice %select_n3A_1683 {offsets = [0, 0], sizes = [64, 120], strides = [1, 1]} : vector<64x128xi32> to vector<64x120xi32>
    %concatenate3A_1690 = tpu.concatenate %slice3A_1688, %slice3A_1689 in 1 : vector<64x8xi32>, vector<64x120xi32> -> vector<64x128xi32>
    %and3A_1691 = arith.constant 8 : i32
    %and3A_1692 = vector.broadcast %and3A_1691 : i32 to vector<64x128xi32>
    %and3A_1693 = arith.andi %iota3A_4, %and3A_1692 : vector<64x128xi32>
    %ne3A_1694 = arith.constant 0 : i32
    %ne3A_1695 = vector.broadcast %ne3A_1694 : i32 to vector<64x128xi32>
    %ne3A_1696 = arith.cmpi ne, %and3A_1693, %ne3A_1695 : vector<64x128xi32>
    %select_n3A_1697 = arith.select %ne3A_1696, %concatenate3A_1690, %concatenate3A_1687 : vector<64x128xi1>, vector<64x128xi32>
    %slice3A_1698 = vector.extract_strided_slice %select_n3A_1684 {offsets = [0, 8], sizes = [64, 120], strides = [1, 1]} : vector<64x128xi32> to vector<64x120xi32>
    %slice3A_1699 = vector.extract_strided_slice %select_n3A_1684 {offsets = [0, 0], sizes = [64, 8], strides = [1, 1]} : vector<64x128xi32> to vector<64x8xi32>
    %concatenate3A_1700 = tpu.concatenate %slice3A_1698, %slice3A_1699 in 1 : vector<64x120xi32>, vector<64x8xi32> -> vector<64x128xi32>
    %slice3A_1701 = vector.extract_strided_slice %select_n3A_1684 {offsets = [0, 120], sizes = [64, 8], strides = [1, 1]} : vector<64x128xi32> to vector<64x8xi32>
    %slice3A_1702 = vector.extract_strided_slice %select_n3A_1684 {offsets = [0, 0], sizes = [64, 120], strides = [1, 1]} : vector<64x128xi32> to vector<64x120xi32>
    %concatenate3A_1703 = tpu.concatenate %slice3A_1701, %slice3A_1702 in 1 : vector<64x8xi32>, vector<64x120xi32> -> vector<64x128xi32>
    %and3A_1704 = arith.constant 8 : i32
    %and3A_1705 = vector.broadcast %and3A_1704 : i32 to vector<64x128xi32>
    %and3A_1706 = arith.andi %iota3A_4, %and3A_1705 : vector<64x128xi32>
    %ne3A_1707 = arith.constant 0 : i32
    %ne3A_1708 = vector.broadcast %ne3A_1707 : i32 to vector<64x128xi32>
    %ne3A_1709 = arith.cmpi ne, %and3A_1706, %ne3A_1708 : vector<64x128xi32>
    %select_n3A_1710 = arith.select %ne3A_1709, %concatenate3A_1703, %concatenate3A_1700 : vector<64x128xi1>, vector<64x128xi32>
    %and3A_1711 = arith.constant 4 : i32
    %and3A_1712 = vector.broadcast %and3A_1711 : i32 to vector<64x128xi32>
    %and3A_1713 = arith.andi %iota3A, %and3A_1712 : vector<64x128xi32>
    %ne3A_1714 = arith.constant 0 : i32
    %ne3A_1715 = vector.broadcast %ne3A_1714 : i32 to vector<64x128xi32>
    %ne3A_1716 = arith.cmpi ne, %and3A_1713, %ne3A_1715 : vector<64x128xi32>
    %gt3A_1717 = arith.cmpi sgt, %select_n3A_1683, %select_n3A_1697 : vector<64x128xi32>
    %eq3A_1718 = arith.cmpi eq, %select_n3A_1683, %select_n3A_1697 : vector<64x128xi32>
    %lt3A_1719 = arith.cmpi slt, %select_n3A_1684, %select_n3A_1710 : vector<64x128xi32>
    %and3A_1720 = arith.andi %eq3A_1718, %lt3A_1719 : vector<64x128xi1>
    %or3A_1721 = arith.ori %gt3A_1717, %and3A_1720 : vector<64x128xi1>
    %xor3A_1722 = arith.xori %or3A_1721, %ne3A_1696 : vector<64x128xi1>
    %xor3A_1723 = arith.xori %xor3A_1722, %ne3A_1716 : vector<64x128xi1>
    %select_n3A_1724 = arith.select %xor3A_1723, %select_n3A_1683, %select_n3A_1697 : vector<64x128xi1>, vector<64x128xi32>
    %select_n3A_1725 = arith.select %xor3A_1723, %select_n3A_1684, %select_n3A_1710 : vector<64x128xi1>, vector<64x128xi32>
    %slice3A_1726 = vector.extract_strided_slice %select_n3A_1724 {offsets = [0, 4], sizes = [64, 124], strides = [1, 1]} : vector<64x128xi32> to vector<64x124xi32>
    %slice3A_1727 = vector.extract_strided_slice %select_n3A_1724 {offsets = [0, 0], sizes = [64, 4], strides = [1, 1]} : vector<64x128xi32> to vector<64x4xi32>
    %concatenate3A_1728 = tpu.concatenate %slice3A_1726, %slice3A_1727 in 1 : vector<64x124xi32>, vector<64x4xi32> -> vector<64x128xi32>
    %slice3A_1729 = vector.extract_strided_slice %select_n3A_1724 {offsets = [0, 124], sizes = [64, 4], strides = [1, 1]} : vector<64x128xi32> to vector<64x4xi32>
    %slice3A_1730 = vector.extract_strided_slice %select_n3A_1724 {offsets = [0, 0], sizes = [64, 124], strides = [1, 1]} : vector<64x128xi32> to vector<64x124xi32>
    %concatenate3A_1731 = tpu.concatenate %slice3A_1729, %slice3A_1730 in 1 : vector<64x4xi32>, vector<64x124xi32> -> vector<64x128xi32>
    %and3A_1732 = arith.constant 4 : i32
    %and3A_1733 = vector.broadcast %and3A_1732 : i32 to vector<64x128xi32>
    %and3A_1734 = arith.andi %iota3A_4, %and3A_1733 : vector<64x128xi32>
    %ne3A_1735 = arith.constant 0 : i32
    %ne3A_1736 = vector.broadcast %ne3A_1735 : i32 to vector<64x128xi32>
    %ne3A_1737 = arith.cmpi ne, %and3A_1734, %ne3A_1736 : vector<64x128xi32>
    %select_n3A_1738 = arith.select %ne3A_1737, %concatenate3A_1731, %concatenate3A_1728 : vector<64x128xi1>, vector<64x128xi32>
    %slice3A_1739 = vector.extract_strided_slice %select_n3A_1725 {offsets = [0, 4], sizes = [64, 124], strides = [1, 1]} : vector<64x128xi32> to vector<64x124xi32>
    %slice3A_1740 = vector.extract_strided_slice %select_n3A_1725 {offsets = [0, 0], sizes = [64, 4], strides = [1, 1]} : vector<64x128xi32> to vector<64x4xi32>
    %concatenate3A_1741 = tpu.concatenate %slice3A_1739, %slice3A_1740 in 1 : vector<64x124xi32>, vector<64x4xi32> -> vector<64x128xi32>
    %slice3A_1742 = vector.extract_strided_slice %select_n3A_1725 {offsets = [0, 124], sizes = [64, 4], strides = [1, 1]} : vector<64x128xi32> to vector<64x4xi32>
    %slice3A_1743 = vector.extract_strided_slice %select_n3A_1725 {offsets = [0, 0], sizes = [64, 124], strides = [1, 1]} : vector<64x128xi32> to vector<64x124xi32>
    %concatenate3A_1744 = tpu.concatenate %slice3A_1742, %slice3A_1743 in 1 : vector<64x4xi32>, vector<64x124xi32> -> vector<64x128xi32>
    %and3A_1745 = arith.constant 4 : i32
    %and3A_1746 = vector.broadcast %and3A_1745 : i32 to vector<64x128xi32>
    %and3A_1747 = arith.andi %iota3A_4, %and3A_1746 : vector<64x128xi32>
    %ne3A_1748 = arith.constant 0 : i32
    %ne3A_1749 = vector.broadcast %ne3A_1748 : i32 to vector<64x128xi32>
    %ne3A_1750 = arith.cmpi ne, %and3A_1747, %ne3A_1749 : vector<64x128xi32>
    %select_n3A_1751 = arith.select %ne3A_1750, %concatenate3A_1744, %concatenate3A_1741 : vector<64x128xi1>, vector<64x128xi32>
    %and3A_1752 = arith.constant 4 : i32
    %and3A_1753 = vector.broadcast %and3A_1752 : i32 to vector<64x128xi32>
    %and3A_1754 = arith.andi %iota3A, %and3A_1753 : vector<64x128xi32>
    %ne3A_1755 = arith.constant 0 : i32
    %ne3A_1756 = vector.broadcast %ne3A_1755 : i32 to vector<64x128xi32>
    %ne3A_1757 = arith.cmpi ne, %and3A_1754, %ne3A_1756 : vector<64x128xi32>
    %gt3A_1758 = arith.cmpi sgt, %select_n3A_1724, %select_n3A_1738 : vector<64x128xi32>
    %eq3A_1759 = arith.cmpi eq, %select_n3A_1724, %select_n3A_1738 : vector<64x128xi32>
    %lt3A_1760 = arith.cmpi slt, %select_n3A_1725, %select_n3A_1751 : vector<64x128xi32>
    %and3A_1761 = arith.andi %eq3A_1759, %lt3A_1760 : vector<64x128xi1>
    %or3A_1762 = arith.ori %gt3A_1758, %and3A_1761 : vector<64x128xi1>
    %xor3A_1763 = arith.xori %or3A_1762, %ne3A_1737 : vector<64x128xi1>
    %xor3A_1764 = arith.xori %xor3A_1763, %ne3A_1757 : vector<64x128xi1>
    %select_n3A_1765 = arith.select %xor3A_1764, %select_n3A_1724, %select_n3A_1738 : vector<64x128xi1>, vector<64x128xi32>
    %select_n3A_1766 = arith.select %xor3A_1764, %select_n3A_1725, %select_n3A_1751 : vector<64x128xi1>, vector<64x128xi32>
    %slice3A_1767 = vector.extract_strided_slice %select_n3A_1765 {offsets = [0, 2], sizes = [64, 126], strides = [1, 1]} : vector<64x128xi32> to vector<64x126xi32>
    %slice3A_1768 = vector.extract_strided_slice %select_n3A_1765 {offsets = [0, 0], sizes = [64, 2], strides = [1, 1]} : vector<64x128xi32> to vector<64x2xi32>
    %concatenate3A_1769 = tpu.concatenate %slice3A_1767, %slice3A_1768 in 1 : vector<64x126xi32>, vector<64x2xi32> -> vector<64x128xi32>
    %slice3A_1770 = vector.extract_strided_slice %select_n3A_1765 {offsets = [0, 126], sizes = [64, 2], strides = [1, 1]} : vector<64x128xi32> to vector<64x2xi32>
    %slice3A_1771 = vector.extract_strided_slice %select_n3A_1765 {offsets = [0, 0], sizes = [64, 126], strides = [1, 1]} : vector<64x128xi32> to vector<64x126xi32>
    %concatenate3A_1772 = tpu.concatenate %slice3A_1770, %slice3A_1771 in 1 : vector<64x2xi32>, vector<64x126xi32> -> vector<64x128xi32>
    %and3A_1773 = arith.constant 2 : i32
    %and3A_1774 = vector.broadcast %and3A_1773 : i32 to vector<64x128xi32>
    %and3A_1775 = arith.andi %iota3A_4, %and3A_1774 : vector<64x128xi32>
    %ne3A_1776 = arith.constant 0 : i32
    %ne3A_1777 = vector.broadcast %ne3A_1776 : i32 to vector<64x128xi32>
    %ne3A_1778 = arith.cmpi ne, %and3A_1775, %ne3A_1777 : vector<64x128xi32>
    %select_n3A_1779 = arith.select %ne3A_1778, %concatenate3A_1772, %concatenate3A_1769 : vector<64x128xi1>, vector<64x128xi32>
    %slice3A_1780 = vector.extract_strided_slice %select_n3A_1766 {offsets = [0, 2], sizes = [64, 126], strides = [1, 1]} : vector<64x128xi32> to vector<64x126xi32>
    %slice3A_1781 = vector.extract_strided_slice %select_n3A_1766 {offsets = [0, 0], sizes = [64, 2], strides = [1, 1]} : vector<64x128xi32> to vector<64x2xi32>
    %concatenate3A_1782 = tpu.concatenate %slice3A_1780, %slice3A_1781 in 1 : vector<64x126xi32>, vector<64x2xi32> -> vector<64x128xi32>
    %slice3A_1783 = vector.extract_strided_slice %select_n3A_1766 {offsets = [0, 126], sizes = [64, 2], strides = [1, 1]} : vector<64x128xi32> to vector<64x2xi32>
    %slice3A_1784 = vector.extract_strided_slice %select_n3A_1766 {offsets = [0, 0], sizes = [64, 126], strides = [1, 1]} : vector<64x128xi32> to vector<64x126xi32>
    %concatenate3A_1785 = tpu.concatenate %slice3A_1783, %slice3A_1784 in 1 : vector<64x2xi32>, vector<64x126xi32> -> vector<64x128xi32>
    %and3A_1786 = arith.constant 2 : i32
    %and3A_1787 = vector.broadcast %and3A_1786 : i32 to vector<64x128xi32>
    %and3A_1788 = arith.andi %iota3A_4, %and3A_1787 : vector<64x128xi32>
    %ne3A_1789 = arith.constant 0 : i32
    %ne3A_1790 = vector.broadcast %ne3A_1789 : i32 to vector<64x128xi32>
    %ne3A_1791 = arith.cmpi ne, %and3A_1788, %ne3A_1790 : vector<64x128xi32>
    %select_n3A_1792 = arith.select %ne3A_1791, %concatenate3A_1785, %concatenate3A_1782 : vector<64x128xi1>, vector<64x128xi32>
    %and3A_1793 = arith.constant 4 : i32
    %and3A_1794 = vector.broadcast %and3A_1793 : i32 to vector<64x128xi32>
    %and3A_1795 = arith.andi %iota3A, %and3A_1794 : vector<64x128xi32>
    %ne3A_1796 = arith.constant 0 : i32
    %ne3A_1797 = vector.broadcast %ne3A_1796 : i32 to vector<64x128xi32>
    %ne3A_1798 = arith.cmpi ne, %and3A_1795, %ne3A_1797 : vector<64x128xi32>
    %gt3A_1799 = arith.cmpi sgt, %select_n3A_1765, %select_n3A_1779 : vector<64x128xi32>
    %eq3A_1800 = arith.cmpi eq, %select_n3A_1765, %select_n3A_1779 : vector<64x128xi32>
    %lt3A_1801 = arith.cmpi slt, %select_n3A_1766, %select_n3A_1792 : vector<64x128xi32>
    %and3A_1802 = arith.andi %eq3A_1800, %lt3A_1801 : vector<64x128xi1>
    %or3A_1803 = arith.ori %gt3A_1799, %and3A_1802 : vector<64x128xi1>
    %xor3A_1804 = arith.xori %or3A_1803, %ne3A_1778 : vector<64x128xi1>
    %xor3A_1805 = arith.xori %xor3A_1804, %ne3A_1798 : vector<64x128xi1>
    %select_n3A_1806 = arith.select %xor3A_1805, %select_n3A_1765, %select_n3A_1779 : vector<64x128xi1>, vector<64x128xi32>
    %select_n3A_1807 = arith.select %xor3A_1805, %select_n3A_1766, %select_n3A_1792 : vector<64x128xi1>, vector<64x128xi32>
    %slice3A_1808 = vector.extract_strided_slice %select_n3A_1806 {offsets = [0, 1], sizes = [64, 127], strides = [1, 1]} : vector<64x128xi32> to vector<64x127xi32>
    %slice3A_1809 = vector.extract_strided_slice %select_n3A_1806 {offsets = [0, 0], sizes = [64, 1], strides = [1, 1]} : vector<64x128xi32> to vector<64x1xi32>
    %concatenate3A_1810 = tpu.concatenate %slice3A_1808, %slice3A_1809 in 1 : vector<64x127xi32>, vector<64x1xi32> -> vector<64x128xi32>
    %slice3A_1811 = vector.extract_strided_slice %select_n3A_1806 {offsets = [0, 127], sizes = [64, 1], strides = [1, 1]} : vector<64x128xi32> to vector<64x1xi32>
    %slice3A_1812 = vector.extract_strided_slice %select_n3A_1806 {offsets = [0, 0], sizes = [64, 127], strides = [1, 1]} : vector<64x128xi32> to vector<64x127xi32>
    %concatenate3A_1813 = tpu.concatenate %slice3A_1811, %slice3A_1812 in 1 : vector<64x1xi32>, vector<64x127xi32> -> vector<64x128xi32>
    %and3A_1814 = arith.constant 1 : i32
    %and3A_1815 = vector.broadcast %and3A_1814 : i32 to vector<64x128xi32>
    %and3A_1816 = arith.andi %iota3A_4, %and3A_1815 : vector<64x128xi32>
    %ne3A_1817 = arith.constant 0 : i32
    %ne3A_1818 = vector.broadcast %ne3A_1817 : i32 to vector<64x128xi32>
    %ne3A_1819 = arith.cmpi ne, %and3A_1816, %ne3A_1818 : vector<64x128xi32>
    %select_n3A_1820 = arith.select %ne3A_1819, %concatenate3A_1813, %concatenate3A_1810 : vector<64x128xi1>, vector<64x128xi32>
    %slice3A_1821 = vector.extract_strided_slice %select_n3A_1807 {offsets = [0, 1], sizes = [64, 127], strides = [1, 1]} : vector<64x128xi32> to vector<64x127xi32>
    %slice3A_1822 = vector.extract_strided_slice %select_n3A_1807 {offsets = [0, 0], sizes = [64, 1], strides = [1, 1]} : vector<64x128xi32> to vector<64x1xi32>
    %concatenate3A_1823 = tpu.concatenate %slice3A_1821, %slice3A_1822 in 1 : vector<64x127xi32>, vector<64x1xi32> -> vector<64x128xi32>
    %slice3A_1824 = vector.extract_strided_slice %select_n3A_1807 {offsets = [0, 127], sizes = [64, 1], strides = [1, 1]} : vector<64x128xi32> to vector<64x1xi32>
    %slice3A_1825 = vector.extract_strided_slice %select_n3A_1807 {offsets = [0, 0], sizes = [64, 127], strides = [1, 1]} : vector<64x128xi32> to vector<64x127xi32>
    %concatenate3A_1826 = tpu.concatenate %slice3A_1824, %slice3A_1825 in 1 : vector<64x1xi32>, vector<64x127xi32> -> vector<64x128xi32>
    %and3A_1827 = arith.constant 1 : i32
    %and3A_1828 = vector.broadcast %and3A_1827 : i32 to vector<64x128xi32>
    %and3A_1829 = arith.andi %iota3A_4, %and3A_1828 : vector<64x128xi32>
    %ne3A_1830 = arith.constant 0 : i32
    %ne3A_1831 = vector.broadcast %ne3A_1830 : i32 to vector<64x128xi32>
    %ne3A_1832 = arith.cmpi ne, %and3A_1829, %ne3A_1831 : vector<64x128xi32>
    %select_n3A_1833 = arith.select %ne3A_1832, %concatenate3A_1826, %concatenate3A_1823 : vector<64x128xi1>, vector<64x128xi32>
    %and3A_1834 = arith.constant 4 : i32
    %and3A_1835 = vector.broadcast %and3A_1834 : i32 to vector<64x128xi32>
    %and3A_1836 = arith.andi %iota3A, %and3A_1835 : vector<64x128xi32>
    %ne3A_1837 = arith.constant 0 : i32
    %ne3A_1838 = vector.broadcast %ne3A_1837 : i32 to vector<64x128xi32>
    %ne3A_1839 = arith.cmpi ne, %and3A_1836, %ne3A_1838 : vector<64x128xi32>
    %gt3A_1840 = arith.cmpi sgt, %select_n3A_1806, %select_n3A_1820 : vector<64x128xi32>
    %eq3A_1841 = arith.cmpi eq, %select_n3A_1806, %select_n3A_1820 : vector<64x128xi32>
    %lt3A_1842 = arith.cmpi slt, %select_n3A_1807, %select_n3A_1833 : vector<64x128xi32>
    %and3A_1843 = arith.andi %eq3A_1841, %lt3A_1842 : vector<64x128xi1>
    %or3A_1844 = arith.ori %gt3A_1840, %and3A_1843 : vector<64x128xi1>
    %xor3A_1845 = arith.xori %or3A_1844, %ne3A_1819 : vector<64x128xi1>
    %xor3A_1846 = arith.xori %xor3A_1845, %ne3A_1839 : vector<64x128xi1>
    %select_n3A_1847 = arith.select %xor3A_1846, %select_n3A_1806, %select_n3A_1820 : vector<64x128xi1>, vector<64x128xi32>
    %select_n3A_1848 = arith.select %xor3A_1846, %select_n3A_1807, %select_n3A_1833 : vector<64x128xi1>, vector<64x128xi32>
    %slice3A_1849 = vector.extract_strided_slice %select_n3A_1847 {offsets = [4, 0], sizes = [60, 128], strides = [1, 1]} : vector<64x128xi32> to vector<60x128xi32>
    %slice3A_1850 = vector.extract_strided_slice %select_n3A_1847 {offsets = [0, 0], sizes = [4, 128], strides = [1, 1]} : vector<64x128xi32> to vector<4x128xi32>
    %concatenate3A_1851 = tpu.concatenate %slice3A_1849, %slice3A_1850 in 0 : vector<60x128xi32>, vector<4x128xi32> -> vector<64x128xi32>
    %slice3A_1852 = vector.extract_strided_slice %select_n3A_1847 {offsets = [60, 0], sizes = [4, 128], strides = [1, 1]} : vector<64x128xi32> to vector<4x128xi32>
    %slice3A_1853 = vector.extract_strided_slice %select_n3A_1847 {offsets = [0, 0], sizes = [60, 128], strides = [1, 1]} : vector<64x128xi32> to vector<60x128xi32>
    %concatenate3A_1854 = tpu.concatenate %slice3A_1852, %slice3A_1853 in 0 : vector<4x128xi32>, vector<60x128xi32> -> vector<64x128xi32>
    %and3A_1855 = arith.constant 4 : i32
    %and3A_1856 = vector.broadcast %and3A_1855 : i32 to vector<64x128xi32>
    %and3A_1857 = arith.andi %iota3A, %and3A_1856 : vector<64x128xi32>
    %ne3A_1858 = arith.constant 0 : i32
    %ne3A_1859 = vector.broadcast %ne3A_1858 : i32 to vector<64x128xi32>
    %ne3A_1860 = arith.cmpi ne, %and3A_1857, %ne3A_1859 : vector<64x128xi32>
    %select_n3A_1861 = arith.select %ne3A_1860, %concatenate3A_1854, %concatenate3A_1851 : vector<64x128xi1>, vector<64x128xi32>
    %slice3A_1862 = vector.extract_strided_slice %select_n3A_1848 {offsets = [4, 0], sizes = [60, 128], strides = [1, 1]} : vector<64x128xi32> to vector<60x128xi32>
    %slice3A_1863 = vector.extract_strided_slice %select_n3A_1848 {offsets = [0, 0], sizes = [4, 128], strides = [1, 1]} : vector<64x128xi32> to vector<4x128xi32>
    %concatenate3A_1864 = tpu.concatenate %slice3A_1862, %slice3A_1863 in 0 : vector<60x128xi32>, vector<4x128xi32> -> vector<64x128xi32>
    %slice3A_1865 = vector.extract_strided_slice %select_n3A_1848 {offsets = [60, 0], sizes = [4, 128], strides = [1, 1]} : vector<64x128xi32> to vector<4x128xi32>
    %slice3A_1866 = vector.extract_strided_slice %select_n3A_1848 {offsets = [0, 0], sizes = [60, 128], strides = [1, 1]} : vector<64x128xi32> to vector<60x128xi32>
    %concatenate3A_1867 = tpu.concatenate %slice3A_1865, %slice3A_1866 in 0 : vector<4x128xi32>, vector<60x128xi32> -> vector<64x128xi32>
    %and3A_1868 = arith.constant 4 : i32
    %and3A_1869 = vector.broadcast %and3A_1868 : i32 to vector<64x128xi32>
    %and3A_1870 = arith.andi %iota3A, %and3A_1869 : vector<64x128xi32>
    %ne3A_1871 = arith.constant 0 : i32
    %ne3A_1872 = vector.broadcast %ne3A_1871 : i32 to vector<64x128xi32>
    %ne3A_1873 = arith.cmpi ne, %and3A_1870, %ne3A_1872 : vector<64x128xi32>
    %select_n3A_1874 = arith.select %ne3A_1873, %concatenate3A_1867, %concatenate3A_1864 : vector<64x128xi1>, vector<64x128xi32>
    %and3A_1875 = arith.constant 8 : i32
    %and3A_1876 = vector.broadcast %and3A_1875 : i32 to vector<64x128xi32>
    %and3A_1877 = arith.andi %iota3A, %and3A_1876 : vector<64x128xi32>
    %ne3A_1878 = arith.constant 0 : i32
    %ne3A_1879 = vector.broadcast %ne3A_1878 : i32 to vector<64x128xi32>
    %ne3A_1880 = arith.cmpi ne, %and3A_1877, %ne3A_1879 : vector<64x128xi32>
    %gt3A_1881 = arith.cmpi sgt, %select_n3A_1847, %select_n3A_1861 : vector<64x128xi32>
    %eq3A_1882 = arith.cmpi eq, %select_n3A_1847, %select_n3A_1861 : vector<64x128xi32>
    %lt3A_1883 = arith.cmpi slt, %select_n3A_1848, %select_n3A_1874 : vector<64x128xi32>
    %and3A_1884 = arith.andi %eq3A_1882, %lt3A_1883 : vector<64x128xi1>
    %or3A_1885 = arith.ori %gt3A_1881, %and3A_1884 : vector<64x128xi1>
    %xor3A_1886 = arith.xori %or3A_1885, %ne3A_1860 : vector<64x128xi1>
    %xor3A_1887 = arith.xori %xor3A_1886, %ne3A_1880 : vector<64x128xi1>
    %select_n3A_1888 = arith.select %xor3A_1887, %select_n3A_1847, %select_n3A_1861 : vector<64x128xi1>, vector<64x128xi32>
    %select_n3A_1889 = arith.select %xor3A_1887, %select_n3A_1848, %select_n3A_1874 : vector<64x128xi1>, vector<64x128xi32>
    %slice3A_1890 = vector.extract_strided_slice %select_n3A_1888 {offsets = [2, 0], sizes = [62, 128], strides = [1, 1]} : vector<64x128xi32> to vector<62x128xi32>
    %slice3A_1891 = vector.extract_strided_slice %select_n3A_1888 {offsets = [0, 0], sizes = [2, 128], strides = [1, 1]} : vector<64x128xi32> to vector<2x128xi32>
    %concatenate3A_1892 = tpu.concatenate %slice3A_1890, %slice3A_1891 in 0 : vector<62x128xi32>, vector<2x128xi32> -> vector<64x128xi32>
    %slice3A_1893 = vector.extract_strided_slice %select_n3A_1888 {offsets = [62, 0], sizes = [2, 128], strides = [1, 1]} : vector<64x128xi32> to vector<2x128xi32>
    %slice3A_1894 = vector.extract_strided_slice %select_n3A_1888 {offsets = [0, 0], sizes = [62, 128], strides = [1, 1]} : vector<64x128xi32> to vector<62x128xi32>
    %concatenate3A_1895 = tpu.concatenate %slice3A_1893, %slice3A_1894 in 0 : vector<2x128xi32>, vector<62x128xi32> -> vector<64x128xi32>
    %and3A_1896 = arith.constant 2 : i32
    %and3A_1897 = vector.broadcast %and3A_1896 : i32 to vector<64x128xi32>
    %and3A_1898 = arith.andi %iota3A, %and3A_1897 : vector<64x128xi32>
    %ne3A_1899 = arith.constant 0 : i32
    %ne3A_1900 = vector.broadcast %ne3A_1899 : i32 to vector<64x128xi32>
    %ne3A_1901 = arith.cmpi ne, %and3A_1898, %ne3A_1900 : vector<64x128xi32>
    %select_n3A_1902 = arith.select %ne3A_1901, %concatenate3A_1895, %concatenate3A_1892 : vector<64x128xi1>, vector<64x128xi32>
    %slice3A_1903 = vector.extract_strided_slice %select_n3A_1889 {offsets = [2, 0], sizes = [62, 128], strides = [1, 1]} : vector<64x128xi32> to vector<62x128xi32>
    %slice3A_1904 = vector.extract_strided_slice %select_n3A_1889 {offsets = [0, 0], sizes = [2, 128], strides = [1, 1]} : vector<64x128xi32> to vector<2x128xi32>
    %concatenate3A_1905 = tpu.concatenate %slice3A_1903, %slice3A_1904 in 0 : vector<62x128xi32>, vector<2x128xi32> -> vector<64x128xi32>
    %slice3A_1906 = vector.extract_strided_slice %select_n3A_1889 {offsets = [62, 0], sizes = [2, 128], strides = [1, 1]} : vector<64x128xi32> to vector<2x128xi32>
    %slice3A_1907 = vector.extract_strided_slice %select_n3A_1889 {offsets = [0, 0], sizes = [62, 128], strides = [1, 1]} : vector<64x128xi32> to vector<62x128xi32>
    %concatenate3A_1908 = tpu.concatenate %slice3A_1906, %slice3A_1907 in 0 : vector<2x128xi32>, vector<62x128xi32> -> vector<64x128xi32>
    %and3A_1909 = arith.constant 2 : i32
    %and3A_1910 = vector.broadcast %and3A_1909 : i32 to vector<64x128xi32>
    %and3A_1911 = arith.andi %iota3A, %and3A_1910 : vector<64x128xi32>
    %ne3A_1912 = arith.constant 0 : i32
    %ne3A_1913 = vector.broadcast %ne3A_1912 : i32 to vector<64x128xi32>
    %ne3A_1914 = arith.cmpi ne, %and3A_1911, %ne3A_1913 : vector<64x128xi32>
    %select_n3A_1915 = arith.select %ne3A_1914, %concatenate3A_1908, %concatenate3A_1905 : vector<64x128xi1>, vector<64x128xi32>
    %and3A_1916 = arith.constant 8 : i32
    %and3A_1917 = vector.broadcast %and3A_1916 : i32 to vector<64x128xi32>
    %and3A_1918 = arith.andi %iota3A, %and3A_1917 : vector<64x128xi32>
    %ne3A_1919 = arith.constant 0 : i32
    %ne3A_1920 = vector.broadcast %ne3A_1919 : i32 to vector<64x128xi32>
    %ne3A_1921 = arith.cmpi ne, %and3A_1918, %ne3A_1920 : vector<64x128xi32>
    %gt3A_1922 = arith.cmpi sgt, %select_n3A_1888, %select_n3A_1902 : vector<64x128xi32>
    %eq3A_1923 = arith.cmpi eq, %select_n3A_1888, %select_n3A_1902 : vector<64x128xi32>
    %lt3A_1924 = arith.cmpi slt, %select_n3A_1889, %select_n3A_1915 : vector<64x128xi32>
    %and3A_1925 = arith.andi %eq3A_1923, %lt3A_1924 : vector<64x128xi1>
    %or3A_1926 = arith.ori %gt3A_1922, %and3A_1925 : vector<64x128xi1>
    %xor3A_1927 = arith.xori %or3A_1926, %ne3A_1901 : vector<64x128xi1>
    %xor3A_1928 = arith.xori %xor3A_1927, %ne3A_1921 : vector<64x128xi1>
    %select_n3A_1929 = arith.select %xor3A_1928, %select_n3A_1888, %select_n3A_1902 : vector<64x128xi1>, vector<64x128xi32>
    %select_n3A_1930 = arith.select %xor3A_1928, %select_n3A_1889, %select_n3A_1915 : vector<64x128xi1>, vector<64x128xi32>
    %slice3A_1931 = vector.extract_strided_slice %select_n3A_1929 {offsets = [1, 0], sizes = [63, 128], strides = [1, 1]} : vector<64x128xi32> to vector<63x128xi32>
    %slice3A_1932 = vector.extract_strided_slice %select_n3A_1929 {offsets = [0, 0], sizes = [1, 128], strides = [1, 1]} : vector<64x128xi32> to vector<1x128xi32>
    %concatenate3A_1933 = tpu.concatenate %slice3A_1931, %slice3A_1932 in 0 : vector<63x128xi32>, vector<1x128xi32> -> vector<64x128xi32>
    %slice3A_1934 = vector.extract_strided_slice %select_n3A_1929 {offsets = [63, 0], sizes = [1, 128], strides = [1, 1]} : vector<64x128xi32> to vector<1x128xi32>
    %slice3A_1935 = vector.extract_strided_slice %select_n3A_1929 {offsets = [0, 0], sizes = [63, 128], strides = [1, 1]} : vector<64x128xi32> to vector<63x128xi32>
    %concatenate3A_1936 = tpu.concatenate %slice3A_1934, %slice3A_1935 in 0 : vector<1x128xi32>, vector<63x128xi32> -> vector<64x128xi32>
    %and3A_1937 = arith.constant 1 : i32
    %and3A_1938 = vector.broadcast %and3A_1937 : i32 to vector<64x128xi32>
    %and3A_1939 = arith.andi %iota3A, %and3A_1938 : vector<64x128xi32>
    %ne3A_1940 = arith.constant 0 : i32
    %ne3A_1941 = vector.broadcast %ne3A_1940 : i32 to vector<64x128xi32>
    %ne3A_1942 = arith.cmpi ne, %and3A_1939, %ne3A_1941 : vector<64x128xi32>
    %select_n3A_1943 = arith.select %ne3A_1942, %concatenate3A_1936, %concatenate3A_1933 : vector<64x128xi1>, vector<64x128xi32>
    %slice3A_1944 = vector.extract_strided_slice %select_n3A_1930 {offsets = [1, 0], sizes = [63, 128], strides = [1, 1]} : vector<64x128xi32> to vector<63x128xi32>
    %slice3A_1945 = vector.extract_strided_slice %select_n3A_1930 {offsets = [0, 0], sizes = [1, 128], strides = [1, 1]} : vector<64x128xi32> to vector<1x128xi32>
    %concatenate3A_1946 = tpu.concatenate %slice3A_1944, %slice3A_1945 in 0 : vector<63x128xi32>, vector<1x128xi32> -> vector<64x128xi32>
    %slice3A_1947 = vector.extract_strided_slice %select_n3A_1930 {offsets = [63, 0], sizes = [1, 128], strides = [1, 1]} : vector<64x128xi32> to vector<1x128xi32>
    %slice3A_1948 = vector.extract_strided_slice %select_n3A_1930 {offsets = [0, 0], sizes = [63, 128], strides = [1, 1]} : vector<64x128xi32> to vector<63x128xi32>
    %concatenate3A_1949 = tpu.concatenate %slice3A_1947, %slice3A_1948 in 0 : vector<1x128xi32>, vector<63x128xi32> -> vector<64x128xi32>
    %and3A_1950 = arith.constant 1 : i32
    %and3A_1951 = vector.broadcast %and3A_1950 : i32 to vector<64x128xi32>
    %and3A_1952 = arith.andi %iota3A, %and3A_1951 : vector<64x128xi32>
    %ne3A_1953 = arith.constant 0 : i32
    %ne3A_1954 = vector.broadcast %ne3A_1953 : i32 to vector<64x128xi32>
    %ne3A_1955 = arith.cmpi ne, %and3A_1952, %ne3A_1954 : vector<64x128xi32>
    %select_n3A_1956 = arith.select %ne3A_1955, %concatenate3A_1949, %concatenate3A_1946 : vector<64x128xi1>, vector<64x128xi32>
    %and3A_1957 = arith.constant 8 : i32
    %and3A_1958 = vector.broadcast %and3A_1957 : i32 to vector<64x128xi32>
    %and3A_1959 = arith.andi %iota3A, %and3A_1958 : vector<64x128xi32>
    %ne3A_1960 = arith.constant 0 : i32
    %ne3A_1961 = vector.broadcast %ne3A_1960 : i32 to vector<64x128xi32>
    %ne3A_1962 = arith.cmpi ne, %and3A_1959, %ne3A_1961 : vector<64x128xi32>
    %gt3A_1963 = arith.cmpi sgt, %select_n3A_1929, %select_n3A_1943 : vector<64x128xi32>
    %eq3A_1964 = arith.cmpi eq, %select_n3A_1929, %select_n3A_1943 : vector<64x128xi32>
    %lt3A_1965 = arith.cmpi slt, %select_n3A_1930, %select_n3A_1956 : vector<64x128xi32>
    %and3A_1966 = arith.andi %eq3A_1964, %lt3A_1965 : vector<64x128xi1>
    %or3A_1967 = arith.ori %gt3A_1963, %and3A_1966 : vector<64x128xi1>
    %xor3A_1968 = arith.xori %or3A_1967, %ne3A_1942 : vector<64x128xi1>
    %xor3A_1969 = arith.xori %xor3A_1968, %ne3A_1962 : vector<64x128xi1>
    %select_n3A_1970 = arith.select %xor3A_1969, %select_n3A_1929, %select_n3A_1943 : vector<64x128xi1>, vector<64x128xi32>
    %select_n3A_1971 = arith.select %xor3A_1969, %select_n3A_1930, %select_n3A_1956 : vector<64x128xi1>, vector<64x128xi32>
    %slice3A_1972 = vector.extract_strided_slice %select_n3A_1970 {offsets = [0, 64], sizes = [64, 64], strides = [1, 1]} : vector<64x128xi32> to vector<64x64xi32>
    %slice3A_1973 = vector.extract_strided_slice %select_n3A_1970 {offsets = [0, 0], sizes = [64, 64], strides = [1, 1]} : vector<64x128xi32> to vector<64x64xi32>
    %concatenate3A_1974 = tpu.concatenate %slice3A_1972, %slice3A_1973 in 1 : vector<64x64xi32>, vector<64x64xi32> -> vector<64x128xi32>
    %slice3A_1975 = vector.extract_strided_slice %select_n3A_1970 {offsets = [0, 64], sizes = [64, 64], strides = [1, 1]} : vector<64x128xi32> to vector<64x64xi32>
    %slice3A_1976 = vector.extract_strided_slice %select_n3A_1970 {offsets = [0, 0], sizes = [64, 64], strides = [1, 1]} : vector<64x128xi32> to vector<64x64xi32>
    %concatenate3A_1977 = tpu.concatenate %slice3A_1975, %slice3A_1976 in 1 : vector<64x64xi32>, vector<64x64xi32> -> vector<64x128xi32>
    %and3A_1978 = arith.constant 64 : i32
    %and3A_1979 = vector.broadcast %and3A_1978 : i32 to vector<64x128xi32>
    %and3A_1980 = arith.andi %iota3A_4, %and3A_1979 : vector<64x128xi32>
    %ne3A_1981 = arith.constant 0 : i32
    %ne3A_1982 = vector.broadcast %ne3A_1981 : i32 to vector<64x128xi32>
    %ne3A_1983 = arith.cmpi ne, %and3A_1980, %ne3A_1982 : vector<64x128xi32>
    %select_n3A_1984 = arith.select %ne3A_1983, %concatenate3A_1977, %concatenate3A_1974 : vector<64x128xi1>, vector<64x128xi32>
    %slice3A_1985 = vector.extract_strided_slice %select_n3A_1971 {offsets = [0, 64], sizes = [64, 64], strides = [1, 1]} : vector<64x128xi32> to vector<64x64xi32>
    %slice3A_1986 = vector.extract_strided_slice %select_n3A_1971 {offsets = [0, 0], sizes = [64, 64], strides = [1, 1]} : vector<64x128xi32> to vector<64x64xi32>
    %concatenate3A_1987 = tpu.concatenate %slice3A_1985, %slice3A_1986 in 1 : vector<64x64xi32>, vector<64x64xi32> -> vector<64x128xi32>
    %slice3A_1988 = vector.extract_strided_slice %select_n3A_1971 {offsets = [0, 64], sizes = [64, 64], strides = [1, 1]} : vector<64x128xi32> to vector<64x64xi32>
    %slice3A_1989 = vector.extract_strided_slice %select_n3A_1971 {offsets = [0, 0], sizes = [64, 64], strides = [1, 1]} : vector<64x128xi32> to vector<64x64xi32>
    %concatenate3A_1990 = tpu.concatenate %slice3A_1988, %slice3A_1989 in 1 : vector<64x64xi32>, vector<64x64xi32> -> vector<64x128xi32>
    %and3A_1991 = arith.constant 64 : i32
    %and3A_1992 = vector.broadcast %and3A_1991 : i32 to vector<64x128xi32>
    %and3A_1993 = arith.andi %iota3A_4, %and3A_1992 : vector<64x128xi32>
    %ne3A_1994 = arith.constant 0 : i32
    %ne3A_1995 = vector.broadcast %ne3A_1994 : i32 to vector<64x128xi32>
    %ne3A_1996 = arith.cmpi ne, %and3A_1993, %ne3A_1995 : vector<64x128xi32>
    %select_n3A_1997 = arith.select %ne3A_1996, %concatenate3A_1990, %concatenate3A_1987 : vector<64x128xi1>, vector<64x128xi32>
    %and3A_1998 = arith.constant 8 : i32
    %and3A_1999 = vector.broadcast %and3A_1998 : i32 to vector<64x128xi32>
    %and3A_2000 = arith.andi %iota3A, %and3A_1999 : vector<64x128xi32>
    %ne3A_2001 = arith.constant 0 : i32
    %ne3A_2002 = vector.broadcast %ne3A_2001 : i32 to vector<64x128xi32>
    %ne3A_2003 = arith.cmpi ne, %and3A_2000, %ne3A_2002 : vector<64x128xi32>
    %gt3A_2004 = arith.cmpi sgt, %select_n3A_1970, %select_n3A_1984 : vector<64x128xi32>
    %eq3A_2005 = arith.cmpi eq, %select_n3A_1970, %select_n3A_1984 : vector<64x128xi32>
    %lt3A_2006 = arith.cmpi slt, %select_n3A_1971, %select_n3A_1997 : vector<64x128xi32>
    %and3A_2007 = arith.andi %eq3A_2005, %lt3A_2006 : vector<64x128xi1>
    %or3A_2008 = arith.ori %gt3A_2004, %and3A_2007 : vector<64x128xi1>
    %xor3A_2009 = arith.xori %or3A_2008, %ne3A_1983 : vector<64x128xi1>
    %xor3A_2010 = arith.xori %xor3A_2009, %ne3A_2003 : vector<64x128xi1>
    %select_n3A_2011 = arith.select %xor3A_2010, %select_n3A_1970, %select_n3A_1984 : vector<64x128xi1>, vector<64x128xi32>
    %select_n3A_2012 = arith.select %xor3A_2010, %select_n3A_1971, %select_n3A_1997 : vector<64x128xi1>, vector<64x128xi32>
    %slice3A_2013 = vector.extract_strided_slice %select_n3A_2011 {offsets = [0, 32], sizes = [64, 96], strides = [1, 1]} : vector<64x128xi32> to vector<64x96xi32>
    %slice3A_2014 = vector.extract_strided_slice %select_n3A_2011 {offsets = [0, 0], sizes = [64, 32], strides = [1, 1]} : vector<64x128xi32> to vector<64x32xi32>
    %concatenate3A_2015 = tpu.concatenate %slice3A_2013, %slice3A_2014 in 1 : vector<64x96xi32>, vector<64x32xi32> -> vector<64x128xi32>
    %slice3A_2016 = vector.extract_strided_slice %select_n3A_2011 {offsets = [0, 96], sizes = [64, 32], strides = [1, 1]} : vector<64x128xi32> to vector<64x32xi32>
    %slice3A_2017 = vector.extract_strided_slice %select_n3A_2011 {offsets = [0, 0], sizes = [64, 96], strides = [1, 1]} : vector<64x128xi32> to vector<64x96xi32>
    %concatenate3A_2018 = tpu.concatenate %slice3A_2016, %slice3A_2017 in 1 : vector<64x32xi32>, vector<64x96xi32> -> vector<64x128xi32>
    %and3A_2019 = arith.constant 32 : i32
    %and3A_2020 = vector.broadcast %and3A_2019 : i32 to vector<64x128xi32>
    %and3A_2021 = arith.andi %iota3A_4, %and3A_2020 : vector<64x128xi32>
    %ne3A_2022 = arith.constant 0 : i32
    %ne3A_2023 = vector.broadcast %ne3A_2022 : i32 to vector<64x128xi32>
    %ne3A_2024 = arith.cmpi ne, %and3A_2021, %ne3A_2023 : vector<64x128xi32>
    %select_n3A_2025 = arith.select %ne3A_2024, %concatenate3A_2018, %concatenate3A_2015 : vector<64x128xi1>, vector<64x128xi32>
    %slice3A_2026 = vector.extract_strided_slice %select_n3A_2012 {offsets = [0, 32], sizes = [64, 96], strides = [1, 1]} : vector<64x128xi32> to vector<64x96xi32>
    %slice3A_2027 = vector.extract_strided_slice %select_n3A_2012 {offsets = [0, 0], sizes = [64, 32], strides = [1, 1]} : vector<64x128xi32> to vector<64x32xi32>
    %concatenate3A_2028 = tpu.concatenate %slice3A_2026, %slice3A_2027 in 1 : vector<64x96xi32>, vector<64x32xi32> -> vector<64x128xi32>
    %slice3A_2029 = vector.extract_strided_slice %select_n3A_2012 {offsets = [0, 96], sizes = [64, 32], strides = [1, 1]} : vector<64x128xi32> to vector<64x32xi32>
    %slice3A_2030 = vector.extract_strided_slice %select_n3A_2012 {offsets = [0, 0], sizes = [64, 96], strides = [1, 1]} : vector<64x128xi32> to vector<64x96xi32>
    %concatenate3A_2031 = tpu.concatenate %slice3A_2029, %slice3A_2030 in 1 : vector<64x32xi32>, vector<64x96xi32> -> vector<64x128xi32>
    %and3A_2032 = arith.constant 32 : i32
    %and3A_2033 = vector.broadcast %and3A_2032 : i32 to vector<64x128xi32>
    %and3A_2034 = arith.andi %iota3A_4, %and3A_2033 : vector<64x128xi32>
    %ne3A_2035 = arith.constant 0 : i32
    %ne3A_2036 = vector.broadcast %ne3A_2035 : i32 to vector<64x128xi32>
    %ne3A_2037 = arith.cmpi ne, %and3A_2034, %ne3A_2036 : vector<64x128xi32>
    %select_n3A_2038 = arith.select %ne3A_2037, %concatenate3A_2031, %concatenate3A_2028 : vector<64x128xi1>, vector<64x128xi32>
    %and3A_2039 = arith.constant 8 : i32
    %and3A_2040 = vector.broadcast %and3A_2039 : i32 to vector<64x128xi32>
    %and3A_2041 = arith.andi %iota3A, %and3A_2040 : vector<64x128xi32>
    %ne3A_2042 = arith.constant 0 : i32
    %ne3A_2043 = vector.broadcast %ne3A_2042 : i32 to vector<64x128xi32>
    %ne3A_2044 = arith.cmpi ne, %and3A_2041, %ne3A_2043 : vector<64x128xi32>
    %gt3A_2045 = arith.cmpi sgt, %select_n3A_2011, %select_n3A_2025 : vector<64x128xi32>
    %eq3A_2046 = arith.cmpi eq, %select_n3A_2011, %select_n3A_2025 : vector<64x128xi32>
    %lt3A_2047 = arith.cmpi slt, %select_n3A_2012, %select_n3A_2038 : vector<64x128xi32>
    %and3A_2048 = arith.andi %eq3A_2046, %lt3A_2047 : vector<64x128xi1>
    %or3A_2049 = arith.ori %gt3A_2045, %and3A_2048 : vector<64x128xi1>
    %xor3A_2050 = arith.xori %or3A_2049, %ne3A_2024 : vector<64x128xi1>
    %xor3A_2051 = arith.xori %xor3A_2050, %ne3A_2044 : vector<64x128xi1>
    %select_n3A_2052 = arith.select %xor3A_2051, %select_n3A_2011, %select_n3A_2025 : vector<64x128xi1>, vector<64x128xi32>
    %select_n3A_2053 = arith.select %xor3A_2051, %select_n3A_2012, %select_n3A_2038 : vector<64x128xi1>, vector<64x128xi32>
    %slice3A_2054 = vector.extract_strided_slice %select_n3A_2052 {offsets = [0, 16], sizes = [64, 112], strides = [1, 1]} : vector<64x128xi32> to vector<64x112xi32>
    %slice3A_2055 = vector.extract_strided_slice %select_n3A_2052 {offsets = [0, 0], sizes = [64, 16], strides = [1, 1]} : vector<64x128xi32> to vector<64x16xi32>
    %concatenate3A_2056 = tpu.concatenate %slice3A_2054, %slice3A_2055 in 1 : vector<64x112xi32>, vector<64x16xi32> -> vector<64x128xi32>
    %slice3A_2057 = vector.extract_strided_slice %select_n3A_2052 {offsets = [0, 112], sizes = [64, 16], strides = [1, 1]} : vector<64x128xi32> to vector<64x16xi32>
    %slice3A_2058 = vector.extract_strided_slice %select_n3A_2052 {offsets = [0, 0], sizes = [64, 112], strides = [1, 1]} : vector<64x128xi32> to vector<64x112xi32>
    %concatenate3A_2059 = tpu.concatenate %slice3A_2057, %slice3A_2058 in 1 : vector<64x16xi32>, vector<64x112xi32> -> vector<64x128xi32>
    %and3A_2060 = arith.constant 16 : i32
    %and3A_2061 = vector.broadcast %and3A_2060 : i32 to vector<64x128xi32>
    %and3A_2062 = arith.andi %iota3A_4, %and3A_2061 : vector<64x128xi32>
    %ne3A_2063 = arith.constant 0 : i32
    %ne3A_2064 = vector.broadcast %ne3A_2063 : i32 to vector<64x128xi32>
    %ne3A_2065 = arith.cmpi ne, %and3A_2062, %ne3A_2064 : vector<64x128xi32>
    %select_n3A_2066 = arith.select %ne3A_2065, %concatenate3A_2059, %concatenate3A_2056 : vector<64x128xi1>, vector<64x128xi32>
    %slice3A_2067 = vector.extract_strided_slice %select_n3A_2053 {offsets = [0, 16], sizes = [64, 112], strides = [1, 1]} : vector<64x128xi32> to vector<64x112xi32>
    %slice3A_2068 = vector.extract_strided_slice %select_n3A_2053 {offsets = [0, 0], sizes = [64, 16], strides = [1, 1]} : vector<64x128xi32> to vector<64x16xi32>
    %concatenate3A_2069 = tpu.concatenate %slice3A_2067, %slice3A_2068 in 1 : vector<64x112xi32>, vector<64x16xi32> -> vector<64x128xi32>
    %slice3A_2070 = vector.extract_strided_slice %select_n3A_2053 {offsets = [0, 112], sizes = [64, 16], strides = [1, 1]} : vector<64x128xi32> to vector<64x16xi32>
    %slice3A_2071 = vector.extract_strided_slice %select_n3A_2053 {offsets = [0, 0], sizes = [64, 112], strides = [1, 1]} : vector<64x128xi32> to vector<64x112xi32>
    %concatenate3A_2072 = tpu.concatenate %slice3A_2070, %slice3A_2071 in 1 : vector<64x16xi32>, vector<64x112xi32> -> vector<64x128xi32>
    %and3A_2073 = arith.constant 16 : i32
    %and3A_2074 = vector.broadcast %and3A_2073 : i32 to vector<64x128xi32>
    %and3A_2075 = arith.andi %iota3A_4, %and3A_2074 : vector<64x128xi32>
    %ne3A_2076 = arith.constant 0 : i32
    %ne3A_2077 = vector.broadcast %ne3A_2076 : i32 to vector<64x128xi32>
    %ne3A_2078 = arith.cmpi ne, %and3A_2075, %ne3A_2077 : vector<64x128xi32>
    %select_n3A_2079 = arith.select %ne3A_2078, %concatenate3A_2072, %concatenate3A_2069 : vector<64x128xi1>, vector<64x128xi32>
    %and3A_2080 = arith.constant 8 : i32
    %and3A_2081 = vector.broadcast %and3A_2080 : i32 to vector<64x128xi32>
    %and3A_2082 = arith.andi %iota3A, %and3A_2081 : vector<64x128xi32>
    %ne3A_2083 = arith.constant 0 : i32
    %ne3A_2084 = vector.broadcast %ne3A_2083 : i32 to vector<64x128xi32>
    %ne3A_2085 = arith.cmpi ne, %and3A_2082, %ne3A_2084 : vector<64x128xi32>
    %gt3A_2086 = arith.cmpi sgt, %select_n3A_2052, %select_n3A_2066 : vector<64x128xi32>
    %eq3A_2087 = arith.cmpi eq, %select_n3A_2052, %select_n3A_2066 : vector<64x128xi32>
    %lt3A_2088 = arith.cmpi slt, %select_n3A_2053, %select_n3A_2079 : vector<64x128xi32>
    %and3A_2089 = arith.andi %eq3A_2087, %lt3A_2088 : vector<64x128xi1>
    %or3A_2090 = arith.ori %gt3A_2086, %and3A_2089 : vector<64x128xi1>
    %xor3A_2091 = arith.xori %or3A_2090, %ne3A_2065 : vector<64x128xi1>
    %xor3A_2092 = arith.xori %xor3A_2091, %ne3A_2085 : vector<64x128xi1>
    %select_n3A_2093 = arith.select %xor3A_2092, %select_n3A_2052, %select_n3A_2066 : vector<64x128xi1>, vector<64x128xi32>
    %select_n3A_2094 = arith.select %xor3A_2092, %select_n3A_2053, %select_n3A_2079 : vector<64x128xi1>, vector<64x128xi32>
    %slice3A_2095 = vector.extract_strided_slice %select_n3A_2093 {offsets = [0, 8], sizes = [64, 120], strides = [1, 1]} : vector<64x128xi32> to vector<64x120xi32>
    %slice3A_2096 = vector.extract_strided_slice %select_n3A_2093 {offsets = [0, 0], sizes = [64, 8], strides = [1, 1]} : vector<64x128xi32> to vector<64x8xi32>
    %concatenate3A_2097 = tpu.concatenate %slice3A_2095, %slice3A_2096 in 1 : vector<64x120xi32>, vector<64x8xi32> -> vector<64x128xi32>
    %slice3A_2098 = vector.extract_strided_slice %select_n3A_2093 {offsets = [0, 120], sizes = [64, 8], strides = [1, 1]} : vector<64x128xi32> to vector<64x8xi32>
    %slice3A_2099 = vector.extract_strided_slice %select_n3A_2093 {offsets = [0, 0], sizes = [64, 120], strides = [1, 1]} : vector<64x128xi32> to vector<64x120xi32>
    %concatenate3A_2100 = tpu.concatenate %slice3A_2098, %slice3A_2099 in 1 : vector<64x8xi32>, vector<64x120xi32> -> vector<64x128xi32>
    %and3A_2101 = arith.constant 8 : i32
    %and3A_2102 = vector.broadcast %and3A_2101 : i32 to vector<64x128xi32>
    %and3A_2103 = arith.andi %iota3A_4, %and3A_2102 : vector<64x128xi32>
    %ne3A_2104 = arith.constant 0 : i32
    %ne3A_2105 = vector.broadcast %ne3A_2104 : i32 to vector<64x128xi32>
    %ne3A_2106 = arith.cmpi ne, %and3A_2103, %ne3A_2105 : vector<64x128xi32>
    %select_n3A_2107 = arith.select %ne3A_2106, %concatenate3A_2100, %concatenate3A_2097 : vector<64x128xi1>, vector<64x128xi32>
    %slice3A_2108 = vector.extract_strided_slice %select_n3A_2094 {offsets = [0, 8], sizes = [64, 120], strides = [1, 1]} : vector<64x128xi32> to vector<64x120xi32>
    %slice3A_2109 = vector.extract_strided_slice %select_n3A_2094 {offsets = [0, 0], sizes = [64, 8], strides = [1, 1]} : vector<64x128xi32> to vector<64x8xi32>
    %concatenate3A_2110 = tpu.concatenate %slice3A_2108, %slice3A_2109 in 1 : vector<64x120xi32>, vector<64x8xi32> -> vector<64x128xi32>
    %slice3A_2111 = vector.extract_strided_slice %select_n3A_2094 {offsets = [0, 120], sizes = [64, 8], strides = [1, 1]} : vector<64x128xi32> to vector<64x8xi32>
    %slice3A_2112 = vector.extract_strided_slice %select_n3A_2094 {offsets = [0, 0], sizes = [64, 120], strides = [1, 1]} : vector<64x128xi32> to vector<64x120xi32>
    %concatenate3A_2113 = tpu.concatenate %slice3A_2111, %slice3A_2112 in 1 : vector<64x8xi32>, vector<64x120xi32> -> vector<64x128xi32>
    %and3A_2114 = arith.constant 8 : i32
    %and3A_2115 = vector.broadcast %and3A_2114 : i32 to vector<64x128xi32>
    %and3A_2116 = arith.andi %iota3A_4, %and3A_2115 : vector<64x128xi32>
    %ne3A_2117 = arith.constant 0 : i32
    %ne3A_2118 = vector.broadcast %ne3A_2117 : i32 to vector<64x128xi32>
    %ne3A_2119 = arith.cmpi ne, %and3A_2116, %ne3A_2118 : vector<64x128xi32>
    %select_n3A_2120 = arith.select %ne3A_2119, %concatenate3A_2113, %concatenate3A_2110 : vector<64x128xi1>, vector<64x128xi32>
    %and3A_2121 = arith.constant 8 : i32
    %and3A_2122 = vector.broadcast %and3A_2121 : i32 to vector<64x128xi32>
    %and3A_2123 = arith.andi %iota3A, %and3A_2122 : vector<64x128xi32>
    %ne3A_2124 = arith.constant 0 : i32
    %ne3A_2125 = vector.broadcast %ne3A_2124 : i32 to vector<64x128xi32>
    %ne3A_2126 = arith.cmpi ne, %and3A_2123, %ne3A_2125 : vector<64x128xi32>
    %gt3A_2127 = arith.cmpi sgt, %select_n3A_2093, %select_n3A_2107 : vector<64x128xi32>
    %eq3A_2128 = arith.cmpi eq, %select_n3A_2093, %select_n3A_2107 : vector<64x128xi32>
    %lt3A_2129 = arith.cmpi slt, %select_n3A_2094, %select_n3A_2120 : vector<64x128xi32>
    %and3A_2130 = arith.andi %eq3A_2128, %lt3A_2129 : vector<64x128xi1>
    %or3A_2131 = arith.ori %gt3A_2127, %and3A_2130 : vector<64x128xi1>
    %xor3A_2132 = arith.xori %or3A_2131, %ne3A_2106 : vector<64x128xi1>
    %xor3A_2133 = arith.xori %xor3A_2132, %ne3A_2126 : vector<64x128xi1>
    %select_n3A_2134 = arith.select %xor3A_2133, %select_n3A_2093, %select_n3A_2107 : vector<64x128xi1>, vector<64x128xi32>
    %select_n3A_2135 = arith.select %xor3A_2133, %select_n3A_2094, %select_n3A_2120 : vector<64x128xi1>, vector<64x128xi32>
    %slice3A_2136 = vector.extract_strided_slice %select_n3A_2134 {offsets = [0, 4], sizes = [64, 124], strides = [1, 1]} : vector<64x128xi32> to vector<64x124xi32>
    %slice3A_2137 = vector.extract_strided_slice %select_n3A_2134 {offsets = [0, 0], sizes = [64, 4], strides = [1, 1]} : vector<64x128xi32> to vector<64x4xi32>
    %concatenate3A_2138 = tpu.concatenate %slice3A_2136, %slice3A_2137 in 1 : vector<64x124xi32>, vector<64x4xi32> -> vector<64x128xi32>
    %slice3A_2139 = vector.extract_strided_slice %select_n3A_2134 {offsets = [0, 124], sizes = [64, 4], strides = [1, 1]} : vector<64x128xi32> to vector<64x4xi32>
    %slice3A_2140 = vector.extract_strided_slice %select_n3A_2134 {offsets = [0, 0], sizes = [64, 124], strides = [1, 1]} : vector<64x128xi32> to vector<64x124xi32>
    %concatenate3A_2141 = tpu.concatenate %slice3A_2139, %slice3A_2140 in 1 : vector<64x4xi32>, vector<64x124xi32> -> vector<64x128xi32>
    %and3A_2142 = arith.constant 4 : i32
    %and3A_2143 = vector.broadcast %and3A_2142 : i32 to vector<64x128xi32>
    %and3A_2144 = arith.andi %iota3A_4, %and3A_2143 : vector<64x128xi32>
    %ne3A_2145 = arith.constant 0 : i32
    %ne3A_2146 = vector.broadcast %ne3A_2145 : i32 to vector<64x128xi32>
    %ne3A_2147 = arith.cmpi ne, %and3A_2144, %ne3A_2146 : vector<64x128xi32>
    %select_n3A_2148 = arith.select %ne3A_2147, %concatenate3A_2141, %concatenate3A_2138 : vector<64x128xi1>, vector<64x128xi32>
    %slice3A_2149 = vector.extract_strided_slice %select_n3A_2135 {offsets = [0, 4], sizes = [64, 124], strides = [1, 1]} : vector<64x128xi32> to vector<64x124xi32>
    %slice3A_2150 = vector.extract_strided_slice %select_n3A_2135 {offsets = [0, 0], sizes = [64, 4], strides = [1, 1]} : vector<64x128xi32> to vector<64x4xi32>
    %concatenate3A_2151 = tpu.concatenate %slice3A_2149, %slice3A_2150 in 1 : vector<64x124xi32>, vector<64x4xi32> -> vector<64x128xi32>
    %slice3A_2152 = vector.extract_strided_slice %select_n3A_2135 {offsets = [0, 124], sizes = [64, 4], strides = [1, 1]} : vector<64x128xi32> to vector<64x4xi32>
    %slice3A_2153 = vector.extract_strided_slice %select_n3A_2135 {offsets = [0, 0], sizes = [64, 124], strides = [1, 1]} : vector<64x128xi32> to vector<64x124xi32>
    %concatenate3A_2154 = tpu.concatenate %slice3A_2152, %slice3A_2153 in 1 : vector<64x4xi32>, vector<64x124xi32> -> vector<64x128xi32>
    %and3A_2155 = arith.constant 4 : i32
    %and3A_2156 = vector.broadcast %and3A_2155 : i32 to vector<64x128xi32>
    %and3A_2157 = arith.andi %iota3A_4, %and3A_2156 : vector<64x128xi32>
    %ne3A_2158 = arith.constant 0 : i32
    %ne3A_2159 = vector.broadcast %ne3A_2158 : i32 to vector<64x128xi32>
    %ne3A_2160 = arith.cmpi ne, %and3A_2157, %ne3A_2159 : vector<64x128xi32>
    %select_n3A_2161 = arith.select %ne3A_2160, %concatenate3A_2154, %concatenate3A_2151 : vector<64x128xi1>, vector<64x128xi32>
    %and3A_2162 = arith.constant 8 : i32
    %and3A_2163 = vector.broadcast %and3A_2162 : i32 to vector<64x128xi32>
    %and3A_2164 = arith.andi %iota3A, %and3A_2163 : vector<64x128xi32>
    %ne3A_2165 = arith.constant 0 : i32
    %ne3A_2166 = vector.broadcast %ne3A_2165 : i32 to vector<64x128xi32>
    %ne3A_2167 = arith.cmpi ne, %and3A_2164, %ne3A_2166 : vector<64x128xi32>
    %gt3A_2168 = arith.cmpi sgt, %select_n3A_2134, %select_n3A_2148 : vector<64x128xi32>
    %eq3A_2169 = arith.cmpi eq, %select_n3A_2134, %select_n3A_2148 : vector<64x128xi32>
    %lt3A_2170 = arith.cmpi slt, %select_n3A_2135, %select_n3A_2161 : vector<64x128xi32>
    %and3A_2171 = arith.andi %eq3A_2169, %lt3A_2170 : vector<64x128xi1>
    %or3A_2172 = arith.ori %gt3A_2168, %and3A_2171 : vector<64x128xi1>
    %xor3A_2173 = arith.xori %or3A_2172, %ne3A_2147 : vector<64x128xi1>
    %xor3A_2174 = arith.xori %xor3A_2173, %ne3A_2167 : vector<64x128xi1>
    %select_n3A_2175 = arith.select %xor3A_2174, %select_n3A_2134, %select_n3A_2148 : vector<64x128xi1>, vector<64x128xi32>
    %select_n3A_2176 = arith.select %xor3A_2174, %select_n3A_2135, %select_n3A_2161 : vector<64x128xi1>, vector<64x128xi32>
    %slice3A_2177 = vector.extract_strided_slice %select_n3A_2175 {offsets = [0, 2], sizes = [64, 126], strides = [1, 1]} : vector<64x128xi32> to vector<64x126xi32>
    %slice3A_2178 = vector.extract_strided_slice %select_n3A_2175 {offsets = [0, 0], sizes = [64, 2], strides = [1, 1]} : vector<64x128xi32> to vector<64x2xi32>
    %concatenate3A_2179 = tpu.concatenate %slice3A_2177, %slice3A_2178 in 1 : vector<64x126xi32>, vector<64x2xi32> -> vector<64x128xi32>
    %slice3A_2180 = vector.extract_strided_slice %select_n3A_2175 {offsets = [0, 126], sizes = [64, 2], strides = [1, 1]} : vector<64x128xi32> to vector<64x2xi32>
    %slice3A_2181 = vector.extract_strided_slice %select_n3A_2175 {offsets = [0, 0], sizes = [64, 126], strides = [1, 1]} : vector<64x128xi32> to vector<64x126xi32>
    %concatenate3A_2182 = tpu.concatenate %slice3A_2180, %slice3A_2181 in 1 : vector<64x2xi32>, vector<64x126xi32> -> vector<64x128xi32>
    %and3A_2183 = arith.constant 2 : i32
    %and3A_2184 = vector.broadcast %and3A_2183 : i32 to vector<64x128xi32>
    %and3A_2185 = arith.andi %iota3A_4, %and3A_2184 : vector<64x128xi32>
    %ne3A_2186 = arith.constant 0 : i32
    %ne3A_2187 = vector.broadcast %ne3A_2186 : i32 to vector<64x128xi32>
    %ne3A_2188 = arith.cmpi ne, %and3A_2185, %ne3A_2187 : vector<64x128xi32>
    %select_n3A_2189 = arith.select %ne3A_2188, %concatenate3A_2182, %concatenate3A_2179 : vector<64x128xi1>, vector<64x128xi32>
    %slice3A_2190 = vector.extract_strided_slice %select_n3A_2176 {offsets = [0, 2], sizes = [64, 126], strides = [1, 1]} : vector<64x128xi32> to vector<64x126xi32>
    %slice3A_2191 = vector.extract_strided_slice %select_n3A_2176 {offsets = [0, 0], sizes = [64, 2], strides = [1, 1]} : vector<64x128xi32> to vector<64x2xi32>
    %concatenate3A_2192 = tpu.concatenate %slice3A_2190, %slice3A_2191 in 1 : vector<64x126xi32>, vector<64x2xi32> -> vector<64x128xi32>
    %slice3A_2193 = vector.extract_strided_slice %select_n3A_2176 {offsets = [0, 126], sizes = [64, 2], strides = [1, 1]} : vector<64x128xi32> to vector<64x2xi32>
    %slice3A_2194 = vector.extract_strided_slice %select_n3A_2176 {offsets = [0, 0], sizes = [64, 126], strides = [1, 1]} : vector<64x128xi32> to vector<64x126xi32>
    %concatenate3A_2195 = tpu.concatenate %slice3A_2193, %slice3A_2194 in 1 : vector<64x2xi32>, vector<64x126xi32> -> vector<64x128xi32>
    %and3A_2196 = arith.constant 2 : i32
    %and3A_2197 = vector.broadcast %and3A_2196 : i32 to vector<64x128xi32>
    %and3A_2198 = arith.andi %iota3A_4, %and3A_2197 : vector<64x128xi32>
    %ne3A_2199 = arith.constant 0 : i32
    %ne3A_2200 = vector.broadcast %ne3A_2199 : i32 to vector<64x128xi32>
    %ne3A_2201 = arith.cmpi ne, %and3A_2198, %ne3A_2200 : vector<64x128xi32>
    %select_n3A_2202 = arith.select %ne3A_2201, %concatenate3A_2195, %concatenate3A_2192 : vector<64x128xi1>, vector<64x128xi32>
    %and3A_2203 = arith.constant 8 : i32
    %and3A_2204 = vector.broadcast %and3A_2203 : i32 to vector<64x128xi32>
    %and3A_2205 = arith.andi %iota3A, %and3A_2204 : vector<64x128xi32>
    %ne3A_2206 = arith.constant 0 : i32
    %ne3A_2207 = vector.broadcast %ne3A_2206 : i32 to vector<64x128xi32>
    %ne3A_2208 = arith.cmpi ne, %and3A_2205, %ne3A_2207 : vector<64x128xi32>
    %gt3A_2209 = arith.cmpi sgt, %select_n3A_2175, %select_n3A_2189 : vector<64x128xi32>
    %eq3A_2210 = arith.cmpi eq, %select_n3A_2175, %select_n3A_2189 : vector<64x128xi32>
    %lt3A_2211 = arith.cmpi slt, %select_n3A_2176, %select_n3A_2202 : vector<64x128xi32>
    %and3A_2212 = arith.andi %eq3A_2210, %lt3A_2211 : vector<64x128xi1>
    %or3A_2213 = arith.ori %gt3A_2209, %and3A_2212 : vector<64x128xi1>
    %xor3A_2214 = arith.xori %or3A_2213, %ne3A_2188 : vector<64x128xi1>
    %xor3A_2215 = arith.xori %xor3A_2214, %ne3A_2208 : vector<64x128xi1>
    %select_n3A_2216 = arith.select %xor3A_2215, %select_n3A_2175, %select_n3A_2189 : vector<64x128xi1>, vector<64x128xi32>
    %select_n3A_2217 = arith.select %xor3A_2215, %select_n3A_2176, %select_n3A_2202 : vector<64x128xi1>, vector<64x128xi32>
    %slice3A_2218 = vector.extract_strided_slice %select_n3A_2216 {offsets = [0, 1], sizes = [64, 127], strides = [1, 1]} : vector<64x128xi32> to vector<64x127xi32>
    %slice3A_2219 = vector.extract_strided_slice %select_n3A_2216 {offsets = [0, 0], sizes = [64, 1], strides = [1, 1]} : vector<64x128xi32> to vector<64x1xi32>
    %concatenate3A_2220 = tpu.concatenate %slice3A_2218, %slice3A_2219 in 1 : vector<64x127xi32>, vector<64x1xi32> -> vector<64x128xi32>
    %slice3A_2221 = vector.extract_strided_slice %select_n3A_2216 {offsets = [0, 127], sizes = [64, 1], strides = [1, 1]} : vector<64x128xi32> to vector<64x1xi32>
    %slice3A_2222 = vector.extract_strided_slice %select_n3A_2216 {offsets = [0, 0], sizes = [64, 127], strides = [1, 1]} : vector<64x128xi32> to vector<64x127xi32>
    %concatenate3A_2223 = tpu.concatenate %slice3A_2221, %slice3A_2222 in 1 : vector<64x1xi32>, vector<64x127xi32> -> vector<64x128xi32>
    %and3A_2224 = arith.constant 1 : i32
    %and3A_2225 = vector.broadcast %and3A_2224 : i32 to vector<64x128xi32>
    %and3A_2226 = arith.andi %iota3A_4, %and3A_2225 : vector<64x128xi32>
    %ne3A_2227 = arith.constant 0 : i32
    %ne3A_2228 = vector.broadcast %ne3A_2227 : i32 to vector<64x128xi32>
    %ne3A_2229 = arith.cmpi ne, %and3A_2226, %ne3A_2228 : vector<64x128xi32>
    %select_n3A_2230 = arith.select %ne3A_2229, %concatenate3A_2223, %concatenate3A_2220 : vector<64x128xi1>, vector<64x128xi32>
    %slice3A_2231 = vector.extract_strided_slice %select_n3A_2217 {offsets = [0, 1], sizes = [64, 127], strides = [1, 1]} : vector<64x128xi32> to vector<64x127xi32>
    %slice3A_2232 = vector.extract_strided_slice %select_n3A_2217 {offsets = [0, 0], sizes = [64, 1], strides = [1, 1]} : vector<64x128xi32> to vector<64x1xi32>
    %concatenate3A_2233 = tpu.concatenate %slice3A_2231, %slice3A_2232 in 1 : vector<64x127xi32>, vector<64x1xi32> -> vector<64x128xi32>
    %slice3A_2234 = vector.extract_strided_slice %select_n3A_2217 {offsets = [0, 127], sizes = [64, 1], strides = [1, 1]} : vector<64x128xi32> to vector<64x1xi32>
    %slice3A_2235 = vector.extract_strided_slice %select_n3A_2217 {offsets = [0, 0], sizes = [64, 127], strides = [1, 1]} : vector<64x128xi32> to vector<64x127xi32>
    %concatenate3A_2236 = tpu.concatenate %slice3A_2234, %slice3A_2235 in 1 : vector<64x1xi32>, vector<64x127xi32> -> vector<64x128xi32>
    %and3A_2237 = arith.constant 1 : i32
    %and3A_2238 = vector.broadcast %and3A_2237 : i32 to vector<64x128xi32>
    %and3A_2239 = arith.andi %iota3A_4, %and3A_2238 : vector<64x128xi32>
    %ne3A_2240 = arith.constant 0 : i32
    %ne3A_2241 = vector.broadcast %ne3A_2240 : i32 to vector<64x128xi32>
    %ne3A_2242 = arith.cmpi ne, %and3A_2239, %ne3A_2241 : vector<64x128xi32>
    %select_n3A_2243 = arith.select %ne3A_2242, %concatenate3A_2236, %concatenate3A_2233 : vector<64x128xi1>, vector<64x128xi32>
    %and3A_2244 = arith.constant 8 : i32
    %and3A_2245 = vector.broadcast %and3A_2244 : i32 to vector<64x128xi32>
    %and3A_2246 = arith.andi %iota3A, %and3A_2245 : vector<64x128xi32>
    %ne3A_2247 = arith.constant 0 : i32
    %ne3A_2248 = vector.broadcast %ne3A_2247 : i32 to vector<64x128xi32>
    %ne3A_2249 = arith.cmpi ne, %and3A_2246, %ne3A_2248 : vector<64x128xi32>
    %gt3A_2250 = arith.cmpi sgt, %select_n3A_2216, %select_n3A_2230 : vector<64x128xi32>
    %eq3A_2251 = arith.cmpi eq, %select_n3A_2216, %select_n3A_2230 : vector<64x128xi32>
    %lt3A_2252 = arith.cmpi slt, %select_n3A_2217, %select_n3A_2243 : vector<64x128xi32>
    %and3A_2253 = arith.andi %eq3A_2251, %lt3A_2252 : vector<64x128xi1>
    %or3A_2254 = arith.ori %gt3A_2250, %and3A_2253 : vector<64x128xi1>
    %xor3A_2255 = arith.xori %or3A_2254, %ne3A_2229 : vector<64x128xi1>
    %xor3A_2256 = arith.xori %xor3A_2255, %ne3A_2249 : vector<64x128xi1>
    %select_n3A_2257 = arith.select %xor3A_2256, %select_n3A_2216, %select_n3A_2230 : vector<64x128xi1>, vector<64x128xi32>
    %select_n3A_2258 = arith.select %xor3A_2256, %select_n3A_2217, %select_n3A_2243 : vector<64x128xi1>, vector<64x128xi32>
    %slice3A_2259 = vector.extract_strided_slice %select_n3A_2257 {offsets = [8, 0], sizes = [56, 128], strides = [1, 1]} : vector<64x128xi32> to vector<56x128xi32>
    %slice3A_2260 = vector.extract_strided_slice %select_n3A_2257 {offsets = [0, 0], sizes = [8, 128], strides = [1, 1]} : vector<64x128xi32> to vector<8x128xi32>
    %concatenate3A_2261 = tpu.concatenate %slice3A_2259, %slice3A_2260 in 0 : vector<56x128xi32>, vector<8x128xi32> -> vector<64x128xi32>
    %slice3A_2262 = vector.extract_strided_slice %select_n3A_2257 {offsets = [56, 0], sizes = [8, 128], strides = [1, 1]} : vector<64x128xi32> to vector<8x128xi32>
    %slice3A_2263 = vector.extract_strided_slice %select_n3A_2257 {offsets = [0, 0], sizes = [56, 128], strides = [1, 1]} : vector<64x128xi32> to vector<56x128xi32>
    %concatenate3A_2264 = tpu.concatenate %slice3A_2262, %slice3A_2263 in 0 : vector<8x128xi32>, vector<56x128xi32> -> vector<64x128xi32>
    %and3A_2265 = arith.constant 8 : i32
    %and3A_2266 = vector.broadcast %and3A_2265 : i32 to vector<64x128xi32>
    %and3A_2267 = arith.andi %iota3A, %and3A_2266 : vector<64x128xi32>
    %ne3A_2268 = arith.constant 0 : i32
    %ne3A_2269 = vector.broadcast %ne3A_2268 : i32 to vector<64x128xi32>
    %ne3A_2270 = arith.cmpi ne, %and3A_2267, %ne3A_2269 : vector<64x128xi32>
    %select_n3A_2271 = arith.select %ne3A_2270, %concatenate3A_2264, %concatenate3A_2261 : vector<64x128xi1>, vector<64x128xi32>
    %slice3A_2272 = vector.extract_strided_slice %select_n3A_2258 {offsets = [8, 0], sizes = [56, 128], strides = [1, 1]} : vector<64x128xi32> to vector<56x128xi32>
    %slice3A_2273 = vector.extract_strided_slice %select_n3A_2258 {offsets = [0, 0], sizes = [8, 128], strides = [1, 1]} : vector<64x128xi32> to vector<8x128xi32>
    %concatenate3A_2274 = tpu.concatenate %slice3A_2272, %slice3A_2273 in 0 : vector<56x128xi32>, vector<8x128xi32> -> vector<64x128xi32>
    %slice3A_2275 = vector.extract_strided_slice %select_n3A_2258 {offsets = [56, 0], sizes = [8, 128], strides = [1, 1]} : vector<64x128xi32> to vector<8x128xi32>
    %slice3A_2276 = vector.extract_strided_slice %select_n3A_2258 {offsets = [0, 0], sizes = [56, 128], strides = [1, 1]} : vector<64x128xi32> to vector<56x128xi32>
    %concatenate3A_2277 = tpu.concatenate %slice3A_2275, %slice3A_2276 in 0 : vector<8x128xi32>, vector<56x128xi32> -> vector<64x128xi32>
    %and3A_2278 = arith.constant 8 : i32
    %and3A_2279 = vector.broadcast %and3A_2278 : i32 to vector<64x128xi32>
    %and3A_2280 = arith.andi %iota3A, %and3A_2279 : vector<64x128xi32>
    %ne3A_2281 = arith.constant 0 : i32
    %ne3A_2282 = vector.broadcast %ne3A_2281 : i32 to vector<64x128xi32>
    %ne3A_2283 = arith.cmpi ne, %and3A_2280, %ne3A_2282 : vector<64x128xi32>
    %select_n3A_2284 = arith.select %ne3A_2283, %concatenate3A_2277, %concatenate3A_2274 : vector<64x128xi1>, vector<64x128xi32>
    %and3A_2285 = arith.constant 16 : i32
    %and3A_2286 = vector.broadcast %and3A_2285 : i32 to vector<64x128xi32>
    %and3A_2287 = arith.andi %iota3A, %and3A_2286 : vector<64x128xi32>
    %ne3A_2288 = arith.constant 0 : i32
    %ne3A_2289 = vector.broadcast %ne3A_2288 : i32 to vector<64x128xi32>
    %ne3A_2290 = arith.cmpi ne, %and3A_2287, %ne3A_2289 : vector<64x128xi32>
    %gt3A_2291 = arith.cmpi sgt, %select_n3A_2257, %select_n3A_2271 : vector<64x128xi32>
    %eq3A_2292 = arith.cmpi eq, %select_n3A_2257, %select_n3A_2271 : vector<64x128xi32>
    %lt3A_2293 = arith.cmpi slt, %select_n3A_2258, %select_n3A_2284 : vector<64x128xi32>
    %and3A_2294 = arith.andi %eq3A_2292, %lt3A_2293 : vector<64x128xi1>
    %or3A_2295 = arith.ori %gt3A_2291, %and3A_2294 : vector<64x128xi1>
    %xor3A_2296 = arith.xori %or3A_2295, %ne3A_2270 : vector<64x128xi1>
    %xor3A_2297 = arith.xori %xor3A_2296, %ne3A_2290 : vector<64x128xi1>
    %select_n3A_2298 = arith.select %xor3A_2297, %select_n3A_2257, %select_n3A_2271 : vector<64x128xi1>, vector<64x128xi32>
    %select_n3A_2299 = arith.select %xor3A_2297, %select_n3A_2258, %select_n3A_2284 : vector<64x128xi1>, vector<64x128xi32>
    %slice3A_2300 = vector.extract_strided_slice %select_n3A_2298 {offsets = [4, 0], sizes = [60, 128], strides = [1, 1]} : vector<64x128xi32> to vector<60x128xi32>
    %slice3A_2301 = vector.extract_strided_slice %select_n3A_2298 {offsets = [0, 0], sizes = [4, 128], strides = [1, 1]} : vector<64x128xi32> to vector<4x128xi32>
    %concatenate3A_2302 = tpu.concatenate %slice3A_2300, %slice3A_2301 in 0 : vector<60x128xi32>, vector<4x128xi32> -> vector<64x128xi32>
    %slice3A_2303 = vector.extract_strided_slice %select_n3A_2298 {offsets = [60, 0], sizes = [4, 128], strides = [1, 1]} : vector<64x128xi32> to vector<4x128xi32>
    %slice3A_2304 = vector.extract_strided_slice %select_n3A_2298 {offsets = [0, 0], sizes = [60, 128], strides = [1, 1]} : vector<64x128xi32> to vector<60x128xi32>
    %concatenate3A_2305 = tpu.concatenate %slice3A_2303, %slice3A_2304 in 0 : vector<4x128xi32>, vector<60x128xi32> -> vector<64x128xi32>
    %and3A_2306 = arith.constant 4 : i32
    %and3A_2307 = vector.broadcast %and3A_2306 : i32 to vector<64x128xi32>
    %and3A_2308 = arith.andi %iota3A, %and3A_2307 : vector<64x128xi32>
    %ne3A_2309 = arith.constant 0 : i32
    %ne3A_2310 = vector.broadcast %ne3A_2309 : i32 to vector<64x128xi32>
    %ne3A_2311 = arith.cmpi ne, %and3A_2308, %ne3A_2310 : vector<64x128xi32>
    %select_n3A_2312 = arith.select %ne3A_2311, %concatenate3A_2305, %concatenate3A_2302 : vector<64x128xi1>, vector<64x128xi32>
    %slice3A_2313 = vector.extract_strided_slice %select_n3A_2299 {offsets = [4, 0], sizes = [60, 128], strides = [1, 1]} : vector<64x128xi32> to vector<60x128xi32>
    %slice3A_2314 = vector.extract_strided_slice %select_n3A_2299 {offsets = [0, 0], sizes = [4, 128], strides = [1, 1]} : vector<64x128xi32> to vector<4x128xi32>
    %concatenate3A_2315 = tpu.concatenate %slice3A_2313, %slice3A_2314 in 0 : vector<60x128xi32>, vector<4x128xi32> -> vector<64x128xi32>
    %slice3A_2316 = vector.extract_strided_slice %select_n3A_2299 {offsets = [60, 0], sizes = [4, 128], strides = [1, 1]} : vector<64x128xi32> to vector<4x128xi32>
    %slice3A_2317 = vector.extract_strided_slice %select_n3A_2299 {offsets = [0, 0], sizes = [60, 128], strides = [1, 1]} : vector<64x128xi32> to vector<60x128xi32>
    %concatenate3A_2318 = tpu.concatenate %slice3A_2316, %slice3A_2317 in 0 : vector<4x128xi32>, vector<60x128xi32> -> vector<64x128xi32>
    %and3A_2319 = arith.constant 4 : i32
    %and3A_2320 = vector.broadcast %and3A_2319 : i32 to vector<64x128xi32>
    %and3A_2321 = arith.andi %iota3A, %and3A_2320 : vector<64x128xi32>
    %ne3A_2322 = arith.constant 0 : i32
    %ne3A_2323 = vector.broadcast %ne3A_2322 : i32 to vector<64x128xi32>
    %ne3A_2324 = arith.cmpi ne, %and3A_2321, %ne3A_2323 : vector<64x128xi32>
    %select_n3A_2325 = arith.select %ne3A_2324, %concatenate3A_2318, %concatenate3A_2315 : vector<64x128xi1>, vector<64x128xi32>
    %and3A_2326 = arith.constant 16 : i32
    %and3A_2327 = vector.broadcast %and3A_2326 : i32 to vector<64x128xi32>
    %and3A_2328 = arith.andi %iota3A, %and3A_2327 : vector<64x128xi32>
    %ne3A_2329 = arith.constant 0 : i32
    %ne3A_2330 = vector.broadcast %ne3A_2329 : i32 to vector<64x128xi32>
    %ne3A_2331 = arith.cmpi ne, %and3A_2328, %ne3A_2330 : vector<64x128xi32>
    %gt3A_2332 = arith.cmpi sgt, %select_n3A_2298, %select_n3A_2312 : vector<64x128xi32>
    %eq3A_2333 = arith.cmpi eq, %select_n3A_2298, %select_n3A_2312 : vector<64x128xi32>
    %lt3A_2334 = arith.cmpi slt, %select_n3A_2299, %select_n3A_2325 : vector<64x128xi32>
    %and3A_2335 = arith.andi %eq3A_2333, %lt3A_2334 : vector<64x128xi1>
    %or3A_2336 = arith.ori %gt3A_2332, %and3A_2335 : vector<64x128xi1>
    %xor3A_2337 = arith.xori %or3A_2336, %ne3A_2311 : vector<64x128xi1>
    %xor3A_2338 = arith.xori %xor3A_2337, %ne3A_2331 : vector<64x128xi1>
    %select_n3A_2339 = arith.select %xor3A_2338, %select_n3A_2298, %select_n3A_2312 : vector<64x128xi1>, vector<64x128xi32>
    %select_n3A_2340 = arith.select %xor3A_2338, %select_n3A_2299, %select_n3A_2325 : vector<64x128xi1>, vector<64x128xi32>
    %slice3A_2341 = vector.extract_strided_slice %select_n3A_2339 {offsets = [2, 0], sizes = [62, 128], strides = [1, 1]} : vector<64x128xi32> to vector<62x128xi32>
    %slice3A_2342 = vector.extract_strided_slice %select_n3A_2339 {offsets = [0, 0], sizes = [2, 128], strides = [1, 1]} : vector<64x128xi32> to vector<2x128xi32>
    %concatenate3A_2343 = tpu.concatenate %slice3A_2341, %slice3A_2342 in 0 : vector<62x128xi32>, vector<2x128xi32> -> vector<64x128xi32>
    %slice3A_2344 = vector.extract_strided_slice %select_n3A_2339 {offsets = [62, 0], sizes = [2, 128], strides = [1, 1]} : vector<64x128xi32> to vector<2x128xi32>
    %slice3A_2345 = vector.extract_strided_slice %select_n3A_2339 {offsets = [0, 0], sizes = [62, 128], strides = [1, 1]} : vector<64x128xi32> to vector<62x128xi32>
    %concatenate3A_2346 = tpu.concatenate %slice3A_2344, %slice3A_2345 in 0 : vector<2x128xi32>, vector<62x128xi32> -> vector<64x128xi32>
    %and3A_2347 = arith.constant 2 : i32
    %and3A_2348 = vector.broadcast %and3A_2347 : i32 to vector<64x128xi32>
    %and3A_2349 = arith.andi %iota3A, %and3A_2348 : vector<64x128xi32>
    %ne3A_2350 = arith.constant 0 : i32
    %ne3A_2351 = vector.broadcast %ne3A_2350 : i32 to vector<64x128xi32>
    %ne3A_2352 = arith.cmpi ne, %and3A_2349, %ne3A_2351 : vector<64x128xi32>
    %select_n3A_2353 = arith.select %ne3A_2352, %concatenate3A_2346, %concatenate3A_2343 : vector<64x128xi1>, vector<64x128xi32>
    %slice3A_2354 = vector.extract_strided_slice %select_n3A_2340 {offsets = [2, 0], sizes = [62, 128], strides = [1, 1]} : vector<64x128xi32> to vector<62x128xi32>
    %slice3A_2355 = vector.extract_strided_slice %select_n3A_2340 {offsets = [0, 0], sizes = [2, 128], strides = [1, 1]} : vector<64x128xi32> to vector<2x128xi32>
    %concatenate3A_2356 = tpu.concatenate %slice3A_2354, %slice3A_2355 in 0 : vector<62x128xi32>, vector<2x128xi32> -> vector<64x128xi32>
    %slice3A_2357 = vector.extract_strided_slice %select_n3A_2340 {offsets = [62, 0], sizes = [2, 128], strides = [1, 1]} : vector<64x128xi32> to vector<2x128xi32>
    %slice3A_2358 = vector.extract_strided_slice %select_n3A_2340 {offsets = [0, 0], sizes = [62, 128], strides = [1, 1]} : vector<64x128xi32> to vector<62x128xi32>
    %concatenate3A_2359 = tpu.concatenate %slice3A_2357, %slice3A_2358 in 0 : vector<2x128xi32>, vector<62x128xi32> -> vector<64x128xi32>
    %and3A_2360 = arith.constant 2 : i32
    %and3A_2361 = vector.broadcast %and3A_2360 : i32 to vector<64x128xi32>
    %and3A_2362 = arith.andi %iota3A, %and3A_2361 : vector<64x128xi32>
    %ne3A_2363 = arith.constant 0 : i32
    %ne3A_2364 = vector.broadcast %ne3A_2363 : i32 to vector<64x128xi32>
    %ne3A_2365 = arith.cmpi ne, %and3A_2362, %ne3A_2364 : vector<64x128xi32>
    %select_n3A_2366 = arith.select %ne3A_2365, %concatenate3A_2359, %concatenate3A_2356 : vector<64x128xi1>, vector<64x128xi32>
    %and3A_2367 = arith.constant 16 : i32
    %and3A_2368 = vector.broadcast %and3A_2367 : i32 to vector<64x128xi32>
    %and3A_2369 = arith.andi %iota3A, %and3A_2368 : vector<64x128xi32>
    %ne3A_2370 = arith.constant 0 : i32
    %ne3A_2371 = vector.broadcast %ne3A_2370 : i32 to vector<64x128xi32>
    %ne3A_2372 = arith.cmpi ne, %and3A_2369, %ne3A_2371 : vector<64x128xi32>
    %gt3A_2373 = arith.cmpi sgt, %select_n3A_2339, %select_n3A_2353 : vector<64x128xi32>
    %eq3A_2374 = arith.cmpi eq, %select_n3A_2339, %select_n3A_2353 : vector<64x128xi32>
    %lt3A_2375 = arith.cmpi slt, %select_n3A_2340, %select_n3A_2366 : vector<64x128xi32>
    %and3A_2376 = arith.andi %eq3A_2374, %lt3A_2375 : vector<64x128xi1>
    %or3A_2377 = arith.ori %gt3A_2373, %and3A_2376 : vector<64x128xi1>
    %xor3A_2378 = arith.xori %or3A_2377, %ne3A_2352 : vector<64x128xi1>
    %xor3A_2379 = arith.xori %xor3A_2378, %ne3A_2372 : vector<64x128xi1>
    %select_n3A_2380 = arith.select %xor3A_2379, %select_n3A_2339, %select_n3A_2353 : vector<64x128xi1>, vector<64x128xi32>
    %select_n3A_2381 = arith.select %xor3A_2379, %select_n3A_2340, %select_n3A_2366 : vector<64x128xi1>, vector<64x128xi32>
    %slice3A_2382 = vector.extract_strided_slice %select_n3A_2380 {offsets = [1, 0], sizes = [63, 128], strides = [1, 1]} : vector<64x128xi32> to vector<63x128xi32>
    %slice3A_2383 = vector.extract_strided_slice %select_n3A_2380 {offsets = [0, 0], sizes = [1, 128], strides = [1, 1]} : vector<64x128xi32> to vector<1x128xi32>
    %concatenate3A_2384 = tpu.concatenate %slice3A_2382, %slice3A_2383 in 0 : vector<63x128xi32>, vector<1x128xi32> -> vector<64x128xi32>
    %slice3A_2385 = vector.extract_strided_slice %select_n3A_2380 {offsets = [63, 0], sizes = [1, 128], strides = [1, 1]} : vector<64x128xi32> to vector<1x128xi32>
    %slice3A_2386 = vector.extract_strided_slice %select_n3A_2380 {offsets = [0, 0], sizes = [63, 128], strides = [1, 1]} : vector<64x128xi32> to vector<63x128xi32>
    %concatenate3A_2387 = tpu.concatenate %slice3A_2385, %slice3A_2386 in 0 : vector<1x128xi32>, vector<63x128xi32> -> vector<64x128xi32>
    %and3A_2388 = arith.constant 1 : i32
    %and3A_2389 = vector.broadcast %and3A_2388 : i32 to vector<64x128xi32>
    %and3A_2390 = arith.andi %iota3A, %and3A_2389 : vector<64x128xi32>
    %ne3A_2391 = arith.constant 0 : i32
    %ne3A_2392 = vector.broadcast %ne3A_2391 : i32 to vector<64x128xi32>
    %ne3A_2393 = arith.cmpi ne, %and3A_2390, %ne3A_2392 : vector<64x128xi32>
    %select_n3A_2394 = arith.select %ne3A_2393, %concatenate3A_2387, %concatenate3A_2384 : vector<64x128xi1>, vector<64x128xi32>
    %slice3A_2395 = vector.extract_strided_slice %select_n3A_2381 {offsets = [1, 0], sizes = [63, 128], strides = [1, 1]} : vector<64x128xi32> to vector<63x128xi32>
    %slice3A_2396 = vector.extract_strided_slice %select_n3A_2381 {offsets = [0, 0], sizes = [1, 128], strides = [1, 1]} : vector<64x128xi32> to vector<1x128xi32>
    %concatenate3A_2397 = tpu.concatenate %slice3A_2395, %slice3A_2396 in 0 : vector<63x128xi32>, vector<1x128xi32> -> vector<64x128xi32>
    %slice3A_2398 = vector.extract_strided_slice %select_n3A_2381 {offsets = [63, 0], sizes = [1, 128], strides = [1, 1]} : vector<64x128xi32> to vector<1x128xi32>
    %slice3A_2399 = vector.extract_strided_slice %select_n3A_2381 {offsets = [0, 0], sizes = [63, 128], strides = [1, 1]} : vector<64x128xi32> to vector<63x128xi32>
    %concatenate3A_2400 = tpu.concatenate %slice3A_2398, %slice3A_2399 in 0 : vector<1x128xi32>, vector<63x128xi32> -> vector<64x128xi32>
    %and3A_2401 = arith.constant 1 : i32
    %and3A_2402 = vector.broadcast %and3A_2401 : i32 to vector<64x128xi32>
    %and3A_2403 = arith.andi %iota3A, %and3A_2402 : vector<64x128xi32>
    %ne3A_2404 = arith.constant 0 : i32
    %ne3A_2405 = vector.broadcast %ne3A_2404 : i32 to vector<64x128xi32>
    %ne3A_2406 = arith.cmpi ne, %and3A_2403, %ne3A_2405 : vector<64x128xi32>
    %select_n3A_2407 = arith.select %ne3A_2406, %concatenate3A_2400, %concatenate3A_2397 : vector<64x128xi1>, vector<64x128xi32>
    %and3A_2408 = arith.constant 16 : i32
    %and3A_2409 = vector.broadcast %and3A_2408 : i32 to vector<64x128xi32>
    %and3A_2410 = arith.andi %iota3A, %and3A_2409 : vector<64x128xi32>
    %ne3A_2411 = arith.constant 0 : i32
    %ne3A_2412 = vector.broadcast %ne3A_2411 : i32 to vector<64x128xi32>
    %ne3A_2413 = arith.cmpi ne, %and3A_2410, %ne3A_2412 : vector<64x128xi32>
    %gt3A_2414 = arith.cmpi sgt, %select_n3A_2380, %select_n3A_2394 : vector<64x128xi32>
    %eq3A_2415 = arith.cmpi eq, %select_n3A_2380, %select_n3A_2394 : vector<64x128xi32>
    %lt3A_2416 = arith.cmpi slt, %select_n3A_2381, %select_n3A_2407 : vector<64x128xi32>
    %and3A_2417 = arith.andi %eq3A_2415, %lt3A_2416 : vector<64x128xi1>
    %or3A_2418 = arith.ori %gt3A_2414, %and3A_2417 : vector<64x128xi1>
    %xor3A_2419 = arith.xori %or3A_2418, %ne3A_2393 : vector<64x128xi1>
    %xor3A_2420 = arith.xori %xor3A_2419, %ne3A_2413 : vector<64x128xi1>
    %select_n3A_2421 = arith.select %xor3A_2420, %select_n3A_2380, %select_n3A_2394 : vector<64x128xi1>, vector<64x128xi32>
    %select_n3A_2422 = arith.select %xor3A_2420, %select_n3A_2381, %select_n3A_2407 : vector<64x128xi1>, vector<64x128xi32>
    %slice3A_2423 = vector.extract_strided_slice %select_n3A_2421 {offsets = [0, 64], sizes = [64, 64], strides = [1, 1]} : vector<64x128xi32> to vector<64x64xi32>
    %slice3A_2424 = vector.extract_strided_slice %select_n3A_2421 {offsets = [0, 0], sizes = [64, 64], strides = [1, 1]} : vector<64x128xi32> to vector<64x64xi32>
    %concatenate3A_2425 = tpu.concatenate %slice3A_2423, %slice3A_2424 in 1 : vector<64x64xi32>, vector<64x64xi32> -> vector<64x128xi32>
    %slice3A_2426 = vector.extract_strided_slice %select_n3A_2421 {offsets = [0, 64], sizes = [64, 64], strides = [1, 1]} : vector<64x128xi32> to vector<64x64xi32>
    %slice3A_2427 = vector.extract_strided_slice %select_n3A_2421 {offsets = [0, 0], sizes = [64, 64], strides = [1, 1]} : vector<64x128xi32> to vector<64x64xi32>
    %concatenate3A_2428 = tpu.concatenate %slice3A_2426, %slice3A_2427 in 1 : vector<64x64xi32>, vector<64x64xi32> -> vector<64x128xi32>
    %and3A_2429 = arith.constant 64 : i32
    %and3A_2430 = vector.broadcast %and3A_2429 : i32 to vector<64x128xi32>
    %and3A_2431 = arith.andi %iota3A_4, %and3A_2430 : vector<64x128xi32>
    %ne3A_2432 = arith.constant 0 : i32
    %ne3A_2433 = vector.broadcast %ne3A_2432 : i32 to vector<64x128xi32>
    %ne3A_2434 = arith.cmpi ne, %and3A_2431, %ne3A_2433 : vector<64x128xi32>
    %select_n3A_2435 = arith.select %ne3A_2434, %concatenate3A_2428, %concatenate3A_2425 : vector<64x128xi1>, vector<64x128xi32>
    %slice3A_2436 = vector.extract_strided_slice %select_n3A_2422 {offsets = [0, 64], sizes = [64, 64], strides = [1, 1]} : vector<64x128xi32> to vector<64x64xi32>
    %slice3A_2437 = vector.extract_strided_slice %select_n3A_2422 {offsets = [0, 0], sizes = [64, 64], strides = [1, 1]} : vector<64x128xi32> to vector<64x64xi32>
    %concatenate3A_2438 = tpu.concatenate %slice3A_2436, %slice3A_2437 in 1 : vector<64x64xi32>, vector<64x64xi32> -> vector<64x128xi32>
    %slice3A_2439 = vector.extract_strided_slice %select_n3A_2422 {offsets = [0, 64], sizes = [64, 64], strides = [1, 1]} : vector<64x128xi32> to vector<64x64xi32>
    %slice3A_2440 = vector.extract_strided_slice %select_n3A_2422 {offsets = [0, 0], sizes = [64, 64], strides = [1, 1]} : vector<64x128xi32> to vector<64x64xi32>
    %concatenate3A_2441 = tpu.concatenate %slice3A_2439, %slice3A_2440 in 1 : vector<64x64xi32>, vector<64x64xi32> -> vector<64x128xi32>
    %and3A_2442 = arith.constant 64 : i32
    %and3A_2443 = vector.broadcast %and3A_2442 : i32 to vector<64x128xi32>
    %and3A_2444 = arith.andi %iota3A_4, %and3A_2443 : vector<64x128xi32>
    %ne3A_2445 = arith.constant 0 : i32
    %ne3A_2446 = vector.broadcast %ne3A_2445 : i32 to vector<64x128xi32>
    %ne3A_2447 = arith.cmpi ne, %and3A_2444, %ne3A_2446 : vector<64x128xi32>
    %select_n3A_2448 = arith.select %ne3A_2447, %concatenate3A_2441, %concatenate3A_2438 : vector<64x128xi1>, vector<64x128xi32>
    %and3A_2449 = arith.constant 16 : i32
    %and3A_2450 = vector.broadcast %and3A_2449 : i32 to vector<64x128xi32>
    %and3A_2451 = arith.andi %iota3A, %and3A_2450 : vector<64x128xi32>
    %ne3A_2452 = arith.constant 0 : i32
    %ne3A_2453 = vector.broadcast %ne3A_2452 : i32 to vector<64x128xi32>
    %ne3A_2454 = arith.cmpi ne, %and3A_2451, %ne3A_2453 : vector<64x128xi32>
    %gt3A_2455 = arith.cmpi sgt, %select_n3A_2421, %select_n3A_2435 : vector<64x128xi32>
    %eq3A_2456 = arith.cmpi eq, %select_n3A_2421, %select_n3A_2435 : vector<64x128xi32>
    %lt3A_2457 = arith.cmpi slt, %select_n3A_2422, %select_n3A_2448 : vector<64x128xi32>
    %and3A_2458 = arith.andi %eq3A_2456, %lt3A_2457 : vector<64x128xi1>
    %or3A_2459 = arith.ori %gt3A_2455, %and3A_2458 : vector<64x128xi1>
    %xor3A_2460 = arith.xori %or3A_2459, %ne3A_2434 : vector<64x128xi1>
    %xor3A_2461 = arith.xori %xor3A_2460, %ne3A_2454 : vector<64x128xi1>
    %select_n3A_2462 = arith.select %xor3A_2461, %select_n3A_2421, %select_n3A_2435 : vector<64x128xi1>, vector<64x128xi32>
    %select_n3A_2463 = arith.select %xor3A_2461, %select_n3A_2422, %select_n3A_2448 : vector<64x128xi1>, vector<64x128xi32>
    %slice3A_2464 = vector.extract_strided_slice %select_n3A_2462 {offsets = [0, 32], sizes = [64, 96], strides = [1, 1]} : vector<64x128xi32> to vector<64x96xi32>
    %slice3A_2465 = vector.extract_strided_slice %select_n3A_2462 {offsets = [0, 0], sizes = [64, 32], strides = [1, 1]} : vector<64x128xi32> to vector<64x32xi32>
    %concatenate3A_2466 = tpu.concatenate %slice3A_2464, %slice3A_2465 in 1 : vector<64x96xi32>, vector<64x32xi32> -> vector<64x128xi32>
    %slice3A_2467 = vector.extract_strided_slice %select_n3A_2462 {offsets = [0, 96], sizes = [64, 32], strides = [1, 1]} : vector<64x128xi32> to vector<64x32xi32>
    %slice3A_2468 = vector.extract_strided_slice %select_n3A_2462 {offsets = [0, 0], sizes = [64, 96], strides = [1, 1]} : vector<64x128xi32> to vector<64x96xi32>
    %concatenate3A_2469 = tpu.concatenate %slice3A_2467, %slice3A_2468 in 1 : vector<64x32xi32>, vector<64x96xi32> -> vector<64x128xi32>
    %and3A_2470 = arith.constant 32 : i32
    %and3A_2471 = vector.broadcast %and3A_2470 : i32 to vector<64x128xi32>
    %and3A_2472 = arith.andi %iota3A_4, %and3A_2471 : vector<64x128xi32>
    %ne3A_2473 = arith.constant 0 : i32
    %ne3A_2474 = vector.broadcast %ne3A_2473 : i32 to vector<64x128xi32>
    %ne3A_2475 = arith.cmpi ne, %and3A_2472, %ne3A_2474 : vector<64x128xi32>
    %select_n3A_2476 = arith.select %ne3A_2475, %concatenate3A_2469, %concatenate3A_2466 : vector<64x128xi1>, vector<64x128xi32>
    %slice3A_2477 = vector.extract_strided_slice %select_n3A_2463 {offsets = [0, 32], sizes = [64, 96], strides = [1, 1]} : vector<64x128xi32> to vector<64x96xi32>
    %slice3A_2478 = vector.extract_strided_slice %select_n3A_2463 {offsets = [0, 0], sizes = [64, 32], strides = [1, 1]} : vector<64x128xi32> to vector<64x32xi32>
    %concatenate3A_2479 = tpu.concatenate %slice3A_2477, %slice3A_2478 in 1 : vector<64x96xi32>, vector<64x32xi32> -> vector<64x128xi32>
    %slice3A_2480 = vector.extract_strided_slice %select_n3A_2463 {offsets = [0, 96], sizes = [64, 32], strides = [1, 1]} : vector<64x128xi32> to vector<64x32xi32>
    %slice3A_2481 = vector.extract_strided_slice %select_n3A_2463 {offsets = [0, 0], sizes = [64, 96], strides = [1, 1]} : vector<64x128xi32> to vector<64x96xi32>
    %concatenate3A_2482 = tpu.concatenate %slice3A_2480, %slice3A_2481 in 1 : vector<64x32xi32>, vector<64x96xi32> -> vector<64x128xi32>
    %and3A_2483 = arith.constant 32 : i32
    %and3A_2484 = vector.broadcast %and3A_2483 : i32 to vector<64x128xi32>
    %and3A_2485 = arith.andi %iota3A_4, %and3A_2484 : vector<64x128xi32>
    %ne3A_2486 = arith.constant 0 : i32
    %ne3A_2487 = vector.broadcast %ne3A_2486 : i32 to vector<64x128xi32>
    %ne3A_2488 = arith.cmpi ne, %and3A_2485, %ne3A_2487 : vector<64x128xi32>
    %select_n3A_2489 = arith.select %ne3A_2488, %concatenate3A_2482, %concatenate3A_2479 : vector<64x128xi1>, vector<64x128xi32>
    %and3A_2490 = arith.constant 16 : i32
    %and3A_2491 = vector.broadcast %and3A_2490 : i32 to vector<64x128xi32>
    %and3A_2492 = arith.andi %iota3A, %and3A_2491 : vector<64x128xi32>
    %ne3A_2493 = arith.constant 0 : i32
    %ne3A_2494 = vector.broadcast %ne3A_2493 : i32 to vector<64x128xi32>
    %ne3A_2495 = arith.cmpi ne, %and3A_2492, %ne3A_2494 : vector<64x128xi32>
    %gt3A_2496 = arith.cmpi sgt, %select_n3A_2462, %select_n3A_2476 : vector<64x128xi32>
    %eq3A_2497 = arith.cmpi eq, %select_n3A_2462, %select_n3A_2476 : vector<64x128xi32>
    %lt3A_2498 = arith.cmpi slt, %select_n3A_2463, %select_n3A_2489 : vector<64x128xi32>
    %and3A_2499 = arith.andi %eq3A_2497, %lt3A_2498 : vector<64x128xi1>
    %or3A_2500 = arith.ori %gt3A_2496, %and3A_2499 : vector<64x128xi1>
    %xor3A_2501 = arith.xori %or3A_2500, %ne3A_2475 : vector<64x128xi1>
    %xor3A_2502 = arith.xori %xor3A_2501, %ne3A_2495 : vector<64x128xi1>
    %select_n3A_2503 = arith.select %xor3A_2502, %select_n3A_2462, %select_n3A_2476 : vector<64x128xi1>, vector<64x128xi32>
    %select_n3A_2504 = arith.select %xor3A_2502, %select_n3A_2463, %select_n3A_2489 : vector<64x128xi1>, vector<64x128xi32>
    %slice3A_2505 = vector.extract_strided_slice %select_n3A_2503 {offsets = [0, 16], sizes = [64, 112], strides = [1, 1]} : vector<64x128xi32> to vector<64x112xi32>
    %slice3A_2506 = vector.extract_strided_slice %select_n3A_2503 {offsets = [0, 0], sizes = [64, 16], strides = [1, 1]} : vector<64x128xi32> to vector<64x16xi32>
    %concatenate3A_2507 = tpu.concatenate %slice3A_2505, %slice3A_2506 in 1 : vector<64x112xi32>, vector<64x16xi32> -> vector<64x128xi32>
    %slice3A_2508 = vector.extract_strided_slice %select_n3A_2503 {offsets = [0, 112], sizes = [64, 16], strides = [1, 1]} : vector<64x128xi32> to vector<64x16xi32>
    %slice3A_2509 = vector.extract_strided_slice %select_n3A_2503 {offsets = [0, 0], sizes = [64, 112], strides = [1, 1]} : vector<64x128xi32> to vector<64x112xi32>
    %concatenate3A_2510 = tpu.concatenate %slice3A_2508, %slice3A_2509 in 1 : vector<64x16xi32>, vector<64x112xi32> -> vector<64x128xi32>
    %and3A_2511 = arith.constant 16 : i32
    %and3A_2512 = vector.broadcast %and3A_2511 : i32 to vector<64x128xi32>
    %and3A_2513 = arith.andi %iota3A_4, %and3A_2512 : vector<64x128xi32>
    %ne3A_2514 = arith.constant 0 : i32
    %ne3A_2515 = vector.broadcast %ne3A_2514 : i32 to vector<64x128xi32>
    %ne3A_2516 = arith.cmpi ne, %and3A_2513, %ne3A_2515 : vector<64x128xi32>
    %select_n3A_2517 = arith.select %ne3A_2516, %concatenate3A_2510, %concatenate3A_2507 : vector<64x128xi1>, vector<64x128xi32>
    %slice3A_2518 = vector.extract_strided_slice %select_n3A_2504 {offsets = [0, 16], sizes = [64, 112], strides = [1, 1]} : vector<64x128xi32> to vector<64x112xi32>
    %slice3A_2519 = vector.extract_strided_slice %select_n3A_2504 {offsets = [0, 0], sizes = [64, 16], strides = [1, 1]} : vector<64x128xi32> to vector<64x16xi32>
    %concatenate3A_2520 = tpu.concatenate %slice3A_2518, %slice3A_2519 in 1 : vector<64x112xi32>, vector<64x16xi32> -> vector<64x128xi32>
    %slice3A_2521 = vector.extract_strided_slice %select_n3A_2504 {offsets = [0, 112], sizes = [64, 16], strides = [1, 1]} : vector<64x128xi32> to vector<64x16xi32>
    %slice3A_2522 = vector.extract_strided_slice %select_n3A_2504 {offsets = [0, 0], sizes = [64, 112], strides = [1, 1]} : vector<64x128xi32> to vector<64x112xi32>
    %concatenate3A_2523 = tpu.concatenate %slice3A_2521, %slice3A_2522 in 1 : vector<64x16xi32>, vector<64x112xi32> -> vector<64x128xi32>
    %and3A_2524 = arith.constant 16 : i32
    %and3A_2525 = vector.broadcast %and3A_2524 : i32 to vector<64x128xi32>
    %and3A_2526 = arith.andi %iota3A_4, %and3A_2525 : vector<64x128xi32>
    %ne3A_2527 = arith.constant 0 : i32
    %ne3A_2528 = vector.broadcast %ne3A_2527 : i32 to vector<64x128xi32>
    %ne3A_2529 = arith.cmpi ne, %and3A_2526, %ne3A_2528 : vector<64x128xi32>
    %select_n3A_2530 = arith.select %ne3A_2529, %concatenate3A_2523, %concatenate3A_2520 : vector<64x128xi1>, vector<64x128xi32>
    %and3A_2531 = arith.constant 16 : i32
    %and3A_2532 = vector.broadcast %and3A_2531 : i32 to vector<64x128xi32>
    %and3A_2533 = arith.andi %iota3A, %and3A_2532 : vector<64x128xi32>
    %ne3A_2534 = arith.constant 0 : i32
    %ne3A_2535 = vector.broadcast %ne3A_2534 : i32 to vector<64x128xi32>
    %ne3A_2536 = arith.cmpi ne, %and3A_2533, %ne3A_2535 : vector<64x128xi32>
    %gt3A_2537 = arith.cmpi sgt, %select_n3A_2503, %select_n3A_2517 : vector<64x128xi32>
    %eq3A_2538 = arith.cmpi eq, %select_n3A_2503, %select_n3A_2517 : vector<64x128xi32>
    %lt3A_2539 = arith.cmpi slt, %select_n3A_2504, %select_n3A_2530 : vector<64x128xi32>
    %and3A_2540 = arith.andi %eq3A_2538, %lt3A_2539 : vector<64x128xi1>
    %or3A_2541 = arith.ori %gt3A_2537, %and3A_2540 : vector<64x128xi1>
    %xor3A_2542 = arith.xori %or3A_2541, %ne3A_2516 : vector<64x128xi1>
    %xor3A_2543 = arith.xori %xor3A_2542, %ne3A_2536 : vector<64x128xi1>
    %select_n3A_2544 = arith.select %xor3A_2543, %select_n3A_2503, %select_n3A_2517 : vector<64x128xi1>, vector<64x128xi32>
    %select_n3A_2545 = arith.select %xor3A_2543, %select_n3A_2504, %select_n3A_2530 : vector<64x128xi1>, vector<64x128xi32>
    %slice3A_2546 = vector.extract_strided_slice %select_n3A_2544 {offsets = [0, 8], sizes = [64, 120], strides = [1, 1]} : vector<64x128xi32> to vector<64x120xi32>
    %slice3A_2547 = vector.extract_strided_slice %select_n3A_2544 {offsets = [0, 0], sizes = [64, 8], strides = [1, 1]} : vector<64x128xi32> to vector<64x8xi32>
    %concatenate3A_2548 = tpu.concatenate %slice3A_2546, %slice3A_2547 in 1 : vector<64x120xi32>, vector<64x8xi32> -> vector<64x128xi32>
    %slice3A_2549 = vector.extract_strided_slice %select_n3A_2544 {offsets = [0, 120], sizes = [64, 8], strides = [1, 1]} : vector<64x128xi32> to vector<64x8xi32>
    %slice3A_2550 = vector.extract_strided_slice %select_n3A_2544 {offsets = [0, 0], sizes = [64, 120], strides = [1, 1]} : vector<64x128xi32> to vector<64x120xi32>
    %concatenate3A_2551 = tpu.concatenate %slice3A_2549, %slice3A_2550 in 1 : vector<64x8xi32>, vector<64x120xi32> -> vector<64x128xi32>
    %and3A_2552 = arith.constant 8 : i32
    %and3A_2553 = vector.broadcast %and3A_2552 : i32 to vector<64x128xi32>
    %and3A_2554 = arith.andi %iota3A_4, %and3A_2553 : vector<64x128xi32>
    %ne3A_2555 = arith.constant 0 : i32
    %ne3A_2556 = vector.broadcast %ne3A_2555 : i32 to vector<64x128xi32>
    %ne3A_2557 = arith.cmpi ne, %and3A_2554, %ne3A_2556 : vector<64x128xi32>
    %select_n3A_2558 = arith.select %ne3A_2557, %concatenate3A_2551, %concatenate3A_2548 : vector<64x128xi1>, vector<64x128xi32>
    %slice3A_2559 = vector.extract_strided_slice %select_n3A_2545 {offsets = [0, 8], sizes = [64, 120], strides = [1, 1]} : vector<64x128xi32> to vector<64x120xi32>
    %slice3A_2560 = vector.extract_strided_slice %select_n3A_2545 {offsets = [0, 0], sizes = [64, 8], strides = [1, 1]} : vector<64x128xi32> to vector<64x8xi32>
    %concatenate3A_2561 = tpu.concatenate %slice3A_2559, %slice3A_2560 in 1 : vector<64x120xi32>, vector<64x8xi32> -> vector<64x128xi32>
    %slice3A_2562 = vector.extract_strided_slice %select_n3A_2545 {offsets = [0, 120], sizes = [64, 8], strides = [1, 1]} : vector<64x128xi32> to vector<64x8xi32>
    %slice3A_2563 = vector.extract_strided_slice %select_n3A_2545 {offsets = [0, 0], sizes = [64, 120], strides = [1, 1]} : vector<64x128xi32> to vector<64x120xi32>
    %concatenate3A_2564 = tpu.concatenate %slice3A_2562, %slice3A_2563 in 1 : vector<64x8xi32>, vector<64x120xi32> -> vector<64x128xi32>
    %and3A_2565 = arith.constant 8 : i32
    %and3A_2566 = vector.broadcast %and3A_2565 : i32 to vector<64x128xi32>
    %and3A_2567 = arith.andi %iota3A_4, %and3A_2566 : vector<64x128xi32>
    %ne3A_2568 = arith.constant 0 : i32
    %ne3A_2569 = vector.broadcast %ne3A_2568 : i32 to vector<64x128xi32>
    %ne3A_2570 = arith.cmpi ne, %and3A_2567, %ne3A_2569 : vector<64x128xi32>
    %select_n3A_2571 = arith.select %ne3A_2570, %concatenate3A_2564, %concatenate3A_2561 : vector<64x128xi1>, vector<64x128xi32>
    %and3A_2572 = arith.constant 16 : i32
    %and3A_2573 = vector.broadcast %and3A_2572 : i32 to vector<64x128xi32>
    %and3A_2574 = arith.andi %iota3A, %and3A_2573 : vector<64x128xi32>
    %ne3A_2575 = arith.constant 0 : i32
    %ne3A_2576 = vector.broadcast %ne3A_2575 : i32 to vector<64x128xi32>
    %ne3A_2577 = arith.cmpi ne, %and3A_2574, %ne3A_2576 : vector<64x128xi32>
    %gt3A_2578 = arith.cmpi sgt, %select_n3A_2544, %select_n3A_2558 : vector<64x128xi32>
    %eq3A_2579 = arith.cmpi eq, %select_n3A_2544, %select_n3A_2558 : vector<64x128xi32>
    %lt3A_2580 = arith.cmpi slt, %select_n3A_2545, %select_n3A_2571 : vector<64x128xi32>
    %and3A_2581 = arith.andi %eq3A_2579, %lt3A_2580 : vector<64x128xi1>
    %or3A_2582 = arith.ori %gt3A_2578, %and3A_2581 : vector<64x128xi1>
    %xor3A_2583 = arith.xori %or3A_2582, %ne3A_2557 : vector<64x128xi1>
    %xor3A_2584 = arith.xori %xor3A_2583, %ne3A_2577 : vector<64x128xi1>
    %select_n3A_2585 = arith.select %xor3A_2584, %select_n3A_2544, %select_n3A_2558 : vector<64x128xi1>, vector<64x128xi32>
    %select_n3A_2586 = arith.select %xor3A_2584, %select_n3A_2545, %select_n3A_2571 : vector<64x128xi1>, vector<64x128xi32>
    %slice3A_2587 = vector.extract_strided_slice %select_n3A_2585 {offsets = [0, 4], sizes = [64, 124], strides = [1, 1]} : vector<64x128xi32> to vector<64x124xi32>
    %slice3A_2588 = vector.extract_strided_slice %select_n3A_2585 {offsets = [0, 0], sizes = [64, 4], strides = [1, 1]} : vector<64x128xi32> to vector<64x4xi32>
    %concatenate3A_2589 = tpu.concatenate %slice3A_2587, %slice3A_2588 in 1 : vector<64x124xi32>, vector<64x4xi32> -> vector<64x128xi32>
    %slice3A_2590 = vector.extract_strided_slice %select_n3A_2585 {offsets = [0, 124], sizes = [64, 4], strides = [1, 1]} : vector<64x128xi32> to vector<64x4xi32>
    %slice3A_2591 = vector.extract_strided_slice %select_n3A_2585 {offsets = [0, 0], sizes = [64, 124], strides = [1, 1]} : vector<64x128xi32> to vector<64x124xi32>
    %concatenate3A_2592 = tpu.concatenate %slice3A_2590, %slice3A_2591 in 1 : vector<64x4xi32>, vector<64x124xi32> -> vector<64x128xi32>
    %and3A_2593 = arith.constant 4 : i32
    %and3A_2594 = vector.broadcast %and3A_2593 : i32 to vector<64x128xi32>
    %and3A_2595 = arith.andi %iota3A_4, %and3A_2594 : vector<64x128xi32>
    %ne3A_2596 = arith.constant 0 : i32
    %ne3A_2597 = vector.broadcast %ne3A_2596 : i32 to vector<64x128xi32>
    %ne3A_2598 = arith.cmpi ne, %and3A_2595, %ne3A_2597 : vector<64x128xi32>
    %select_n3A_2599 = arith.select %ne3A_2598, %concatenate3A_2592, %concatenate3A_2589 : vector<64x128xi1>, vector<64x128xi32>
    %slice3A_2600 = vector.extract_strided_slice %select_n3A_2586 {offsets = [0, 4], sizes = [64, 124], strides = [1, 1]} : vector<64x128xi32> to vector<64x124xi32>
    %slice3A_2601 = vector.extract_strided_slice %select_n3A_2586 {offsets = [0, 0], sizes = [64, 4], strides = [1, 1]} : vector<64x128xi32> to vector<64x4xi32>
    %concatenate3A_2602 = tpu.concatenate %slice3A_2600, %slice3A_2601 in 1 : vector<64x124xi32>, vector<64x4xi32> -> vector<64x128xi32>
    %slice3A_2603 = vector.extract_strided_slice %select_n3A_2586 {offsets = [0, 124], sizes = [64, 4], strides = [1, 1]} : vector<64x128xi32> to vector<64x4xi32>
    %slice3A_2604 = vector.extract_strided_slice %select_n3A_2586 {offsets = [0, 0], sizes = [64, 124], strides = [1, 1]} : vector<64x128xi32> to vector<64x124xi32>
    %concatenate3A_2605 = tpu.concatenate %slice3A_2603, %slice3A_2604 in 1 : vector<64x4xi32>, vector<64x124xi32> -> vector<64x128xi32>
    %and3A_2606 = arith.constant 4 : i32
    %and3A_2607 = vector.broadcast %and3A_2606 : i32 to vector<64x128xi32>
    %and3A_2608 = arith.andi %iota3A_4, %and3A_2607 : vector<64x128xi32>
    %ne3A_2609 = arith.constant 0 : i32
    %ne3A_2610 = vector.broadcast %ne3A_2609 : i32 to vector<64x128xi32>
    %ne3A_2611 = arith.cmpi ne, %and3A_2608, %ne3A_2610 : vector<64x128xi32>
    %select_n3A_2612 = arith.select %ne3A_2611, %concatenate3A_2605, %concatenate3A_2602 : vector<64x128xi1>, vector<64x128xi32>
    %and3A_2613 = arith.constant 16 : i32
    %and3A_2614 = vector.broadcast %and3A_2613 : i32 to vector<64x128xi32>
    %and3A_2615 = arith.andi %iota3A, %and3A_2614 : vector<64x128xi32>
    %ne3A_2616 = arith.constant 0 : i32
    %ne3A_2617 = vector.broadcast %ne3A_2616 : i32 to vector<64x128xi32>
    %ne3A_2618 = arith.cmpi ne, %and3A_2615, %ne3A_2617 : vector<64x128xi32>
    %gt3A_2619 = arith.cmpi sgt, %select_n3A_2585, %select_n3A_2599 : vector<64x128xi32>
    %eq3A_2620 = arith.cmpi eq, %select_n3A_2585, %select_n3A_2599 : vector<64x128xi32>
    %lt3A_2621 = arith.cmpi slt, %select_n3A_2586, %select_n3A_2612 : vector<64x128xi32>
    %and3A_2622 = arith.andi %eq3A_2620, %lt3A_2621 : vector<64x128xi1>
    %or3A_2623 = arith.ori %gt3A_2619, %and3A_2622 : vector<64x128xi1>
    %xor3A_2624 = arith.xori %or3A_2623, %ne3A_2598 : vector<64x128xi1>
    %xor3A_2625 = arith.xori %xor3A_2624, %ne3A_2618 : vector<64x128xi1>
    %select_n3A_2626 = arith.select %xor3A_2625, %select_n3A_2585, %select_n3A_2599 : vector<64x128xi1>, vector<64x128xi32>
    %select_n3A_2627 = arith.select %xor3A_2625, %select_n3A_2586, %select_n3A_2612 : vector<64x128xi1>, vector<64x128xi32>
    %slice3A_2628 = vector.extract_strided_slice %select_n3A_2626 {offsets = [0, 2], sizes = [64, 126], strides = [1, 1]} : vector<64x128xi32> to vector<64x126xi32>
    %slice3A_2629 = vector.extract_strided_slice %select_n3A_2626 {offsets = [0, 0], sizes = [64, 2], strides = [1, 1]} : vector<64x128xi32> to vector<64x2xi32>
    %concatenate3A_2630 = tpu.concatenate %slice3A_2628, %slice3A_2629 in 1 : vector<64x126xi32>, vector<64x2xi32> -> vector<64x128xi32>
    %slice3A_2631 = vector.extract_strided_slice %select_n3A_2626 {offsets = [0, 126], sizes = [64, 2], strides = [1, 1]} : vector<64x128xi32> to vector<64x2xi32>
    %slice3A_2632 = vector.extract_strided_slice %select_n3A_2626 {offsets = [0, 0], sizes = [64, 126], strides = [1, 1]} : vector<64x128xi32> to vector<64x126xi32>
    %concatenate3A_2633 = tpu.concatenate %slice3A_2631, %slice3A_2632 in 1 : vector<64x2xi32>, vector<64x126xi32> -> vector<64x128xi32>
    %and3A_2634 = arith.constant 2 : i32
    %and3A_2635 = vector.broadcast %and3A_2634 : i32 to vector<64x128xi32>
    %and3A_2636 = arith.andi %iota3A_4, %and3A_2635 : vector<64x128xi32>
    %ne3A_2637 = arith.constant 0 : i32
    %ne3A_2638 = vector.broadcast %ne3A_2637 : i32 to vector<64x128xi32>
    %ne3A_2639 = arith.cmpi ne, %and3A_2636, %ne3A_2638 : vector<64x128xi32>
    %select_n3A_2640 = arith.select %ne3A_2639, %concatenate3A_2633, %concatenate3A_2630 : vector<64x128xi1>, vector<64x128xi32>
    %slice3A_2641 = vector.extract_strided_slice %select_n3A_2627 {offsets = [0, 2], sizes = [64, 126], strides = [1, 1]} : vector<64x128xi32> to vector<64x126xi32>
    %slice3A_2642 = vector.extract_strided_slice %select_n3A_2627 {offsets = [0, 0], sizes = [64, 2], strides = [1, 1]} : vector<64x128xi32> to vector<64x2xi32>
    %concatenate3A_2643 = tpu.concatenate %slice3A_2641, %slice3A_2642 in 1 : vector<64x126xi32>, vector<64x2xi32> -> vector<64x128xi32>
    %slice3A_2644 = vector.extract_strided_slice %select_n3A_2627 {offsets = [0, 126], sizes = [64, 2], strides = [1, 1]} : vector<64x128xi32> to vector<64x2xi32>
    %slice3A_2645 = vector.extract_strided_slice %select_n3A_2627 {offsets = [0, 0], sizes = [64, 126], strides = [1, 1]} : vector<64x128xi32> to vector<64x126xi32>
    %concatenate3A_2646 = tpu.concatenate %slice3A_2644, %slice3A_2645 in 1 : vector<64x2xi32>, vector<64x126xi32> -> vector<64x128xi32>
    %and3A_2647 = arith.constant 2 : i32
    %and3A_2648 = vector.broadcast %and3A_2647 : i32 to vector<64x128xi32>
    %and3A_2649 = arith.andi %iota3A_4, %and3A_2648 : vector<64x128xi32>
    %ne3A_2650 = arith.constant 0 : i32
    %ne3A_2651 = vector.broadcast %ne3A_2650 : i32 to vector<64x128xi32>
    %ne3A_2652 = arith.cmpi ne, %and3A_2649, %ne3A_2651 : vector<64x128xi32>
    %select_n3A_2653 = arith.select %ne3A_2652, %concatenate3A_2646, %concatenate3A_2643 : vector<64x128xi1>, vector<64x128xi32>
    %and3A_2654 = arith.constant 16 : i32
    %and3A_2655 = vector.broadcast %and3A_2654 : i32 to vector<64x128xi32>
    %and3A_2656 = arith.andi %iota3A, %and3A_2655 : vector<64x128xi32>
    %ne3A_2657 = arith.constant 0 : i32
    %ne3A_2658 = vector.broadcast %ne3A_2657 : i32 to vector<64x128xi32>
    %ne3A_2659 = arith.cmpi ne, %and3A_2656, %ne3A_2658 : vector<64x128xi32>
    %gt3A_2660 = arith.cmpi sgt, %select_n3A_2626, %select_n3A_2640 : vector<64x128xi32>
    %eq3A_2661 = arith.cmpi eq, %select_n3A_2626, %select_n3A_2640 : vector<64x128xi32>
    %lt3A_2662 = arith.cmpi slt, %select_n3A_2627, %select_n3A_2653 : vector<64x128xi32>
    %and3A_2663 = arith.andi %eq3A_2661, %lt3A_2662 : vector<64x128xi1>
    %or3A_2664 = arith.ori %gt3A_2660, %and3A_2663 : vector<64x128xi1>
    %xor3A_2665 = arith.xori %or3A_2664, %ne3A_2639 : vector<64x128xi1>
    %xor3A_2666 = arith.xori %xor3A_2665, %ne3A_2659 : vector<64x128xi1>
    %select_n3A_2667 = arith.select %xor3A_2666, %select_n3A_2626, %select_n3A_2640 : vector<64x128xi1>, vector<64x128xi32>
    %select_n3A_2668 = arith.select %xor3A_2666, %select_n3A_2627, %select_n3A_2653 : vector<64x128xi1>, vector<64x128xi32>
    %slice3A_2669 = vector.extract_strided_slice %select_n3A_2667 {offsets = [0, 1], sizes = [64, 127], strides = [1, 1]} : vector<64x128xi32> to vector<64x127xi32>
    %slice3A_2670 = vector.extract_strided_slice %select_n3A_2667 {offsets = [0, 0], sizes = [64, 1], strides = [1, 1]} : vector<64x128xi32> to vector<64x1xi32>
    %concatenate3A_2671 = tpu.concatenate %slice3A_2669, %slice3A_2670 in 1 : vector<64x127xi32>, vector<64x1xi32> -> vector<64x128xi32>
    %slice3A_2672 = vector.extract_strided_slice %select_n3A_2667 {offsets = [0, 127], sizes = [64, 1], strides = [1, 1]} : vector<64x128xi32> to vector<64x1xi32>
    %slice3A_2673 = vector.extract_strided_slice %select_n3A_2667 {offsets = [0, 0], sizes = [64, 127], strides = [1, 1]} : vector<64x128xi32> to vector<64x127xi32>
    %concatenate3A_2674 = tpu.concatenate %slice3A_2672, %slice3A_2673 in 1 : vector<64x1xi32>, vector<64x127xi32> -> vector<64x128xi32>
    %and3A_2675 = arith.constant 1 : i32
    %and3A_2676 = vector.broadcast %and3A_2675 : i32 to vector<64x128xi32>
    %and3A_2677 = arith.andi %iota3A_4, %and3A_2676 : vector<64x128xi32>
    %ne3A_2678 = arith.constant 0 : i32
    %ne3A_2679 = vector.broadcast %ne3A_2678 : i32 to vector<64x128xi32>
    %ne3A_2680 = arith.cmpi ne, %and3A_2677, %ne3A_2679 : vector<64x128xi32>
    %select_n3A_2681 = arith.select %ne3A_2680, %concatenate3A_2674, %concatenate3A_2671 : vector<64x128xi1>, vector<64x128xi32>
    %slice3A_2682 = vector.extract_strided_slice %select_n3A_2668 {offsets = [0, 1], sizes = [64, 127], strides = [1, 1]} : vector<64x128xi32> to vector<64x127xi32>
    %slice3A_2683 = vector.extract_strided_slice %select_n3A_2668 {offsets = [0, 0], sizes = [64, 1], strides = [1, 1]} : vector<64x128xi32> to vector<64x1xi32>
    %concatenate3A_2684 = tpu.concatenate %slice3A_2682, %slice3A_2683 in 1 : vector<64x127xi32>, vector<64x1xi32> -> vector<64x128xi32>
    %slice3A_2685 = vector.extract_strided_slice %select_n3A_2668 {offsets = [0, 127], sizes = [64, 1], strides = [1, 1]} : vector<64x128xi32> to vector<64x1xi32>
    %slice3A_2686 = vector.extract_strided_slice %select_n3A_2668 {offsets = [0, 0], sizes = [64, 127], strides = [1, 1]} : vector<64x128xi32> to vector<64x127xi32>
    %concatenate3A_2687 = tpu.concatenate %slice3A_2685, %slice3A_2686 in 1 : vector<64x1xi32>, vector<64x127xi32> -> vector<64x128xi32>
    %and3A_2688 = arith.constant 1 : i32
    %and3A_2689 = vector.broadcast %and3A_2688 : i32 to vector<64x128xi32>
    %and3A_2690 = arith.andi %iota3A_4, %and3A_2689 : vector<64x128xi32>
    %ne3A_2691 = arith.constant 0 : i32
    %ne3A_2692 = vector.broadcast %ne3A_2691 : i32 to vector<64x128xi32>
    %ne3A_2693 = arith.cmpi ne, %and3A_2690, %ne3A_2692 : vector<64x128xi32>
    %select_n3A_2694 = arith.select %ne3A_2693, %concatenate3A_2687, %concatenate3A_2684 : vector<64x128xi1>, vector<64x128xi32>
    %and3A_2695 = arith.constant 16 : i32
    %and3A_2696 = vector.broadcast %and3A_2695 : i32 to vector<64x128xi32>
    %and3A_2697 = arith.andi %iota3A, %and3A_2696 : vector<64x128xi32>
    %ne3A_2698 = arith.constant 0 : i32
    %ne3A_2699 = vector.broadcast %ne3A_2698 : i32 to vector<64x128xi32>
    %ne3A_2700 = arith.cmpi ne, %and3A_2697, %ne3A_2699 : vector<64x128xi32>
    %gt3A_2701 = arith.cmpi sgt, %select_n3A_2667, %select_n3A_2681 : vector<64x128xi32>
    %eq3A_2702 = arith.cmpi eq, %select_n3A_2667, %select_n3A_2681 : vector<64x128xi32>
    %lt3A_2703 = arith.cmpi slt, %select_n3A_2668, %select_n3A_2694 : vector<64x128xi32>
    %and3A_2704 = arith.andi %eq3A_2702, %lt3A_2703 : vector<64x128xi1>
    %or3A_2705 = arith.ori %gt3A_2701, %and3A_2704 : vector<64x128xi1>
    %xor3A_2706 = arith.xori %or3A_2705, %ne3A_2680 : vector<64x128xi1>
    %xor3A_2707 = arith.xori %xor3A_2706, %ne3A_2700 : vector<64x128xi1>
    %select_n3A_2708 = arith.select %xor3A_2707, %select_n3A_2667, %select_n3A_2681 : vector<64x128xi1>, vector<64x128xi32>
    %select_n3A_2709 = arith.select %xor3A_2707, %select_n3A_2668, %select_n3A_2694 : vector<64x128xi1>, vector<64x128xi32>
    %slice3A_2710 = vector.extract_strided_slice %select_n3A_2708 {offsets = [16, 0], sizes = [48, 128], strides = [1, 1]} : vector<64x128xi32> to vector<48x128xi32>
    %slice3A_2711 = vector.extract_strided_slice %select_n3A_2708 {offsets = [0, 0], sizes = [16, 128], strides = [1, 1]} : vector<64x128xi32> to vector<16x128xi32>
    %concatenate3A_2712 = tpu.concatenate %slice3A_2710, %slice3A_2711 in 0 : vector<48x128xi32>, vector<16x128xi32> -> vector<64x128xi32>
    %slice3A_2713 = vector.extract_strided_slice %select_n3A_2708 {offsets = [48, 0], sizes = [16, 128], strides = [1, 1]} : vector<64x128xi32> to vector<16x128xi32>
    %slice3A_2714 = vector.extract_strided_slice %select_n3A_2708 {offsets = [0, 0], sizes = [48, 128], strides = [1, 1]} : vector<64x128xi32> to vector<48x128xi32>
    %concatenate3A_2715 = tpu.concatenate %slice3A_2713, %slice3A_2714 in 0 : vector<16x128xi32>, vector<48x128xi32> -> vector<64x128xi32>
    %and3A_2716 = arith.constant 16 : i32
    %and3A_2717 = vector.broadcast %and3A_2716 : i32 to vector<64x128xi32>
    %and3A_2718 = arith.andi %iota3A, %and3A_2717 : vector<64x128xi32>
    %ne3A_2719 = arith.constant 0 : i32
    %ne3A_2720 = vector.broadcast %ne3A_2719 : i32 to vector<64x128xi32>
    %ne3A_2721 = arith.cmpi ne, %and3A_2718, %ne3A_2720 : vector<64x128xi32>
    %select_n3A_2722 = arith.select %ne3A_2721, %concatenate3A_2715, %concatenate3A_2712 : vector<64x128xi1>, vector<64x128xi32>
    %slice3A_2723 = vector.extract_strided_slice %select_n3A_2709 {offsets = [16, 0], sizes = [48, 128], strides = [1, 1]} : vector<64x128xi32> to vector<48x128xi32>
    %slice3A_2724 = vector.extract_strided_slice %select_n3A_2709 {offsets = [0, 0], sizes = [16, 128], strides = [1, 1]} : vector<64x128xi32> to vector<16x128xi32>
    %concatenate3A_2725 = tpu.concatenate %slice3A_2723, %slice3A_2724 in 0 : vector<48x128xi32>, vector<16x128xi32> -> vector<64x128xi32>
    %slice3A_2726 = vector.extract_strided_slice %select_n3A_2709 {offsets = [48, 0], sizes = [16, 128], strides = [1, 1]} : vector<64x128xi32> to vector<16x128xi32>
    %slice3A_2727 = vector.extract_strided_slice %select_n3A_2709 {offsets = [0, 0], sizes = [48, 128], strides = [1, 1]} : vector<64x128xi32> to vector<48x128xi32>
    %concatenate3A_2728 = tpu.concatenate %slice3A_2726, %slice3A_2727 in 0 : vector<16x128xi32>, vector<48x128xi32> -> vector<64x128xi32>
    %and3A_2729 = arith.constant 16 : i32
    %and3A_2730 = vector.broadcast %and3A_2729 : i32 to vector<64x128xi32>
    %and3A_2731 = arith.andi %iota3A, %and3A_2730 : vector<64x128xi32>
    %ne3A_2732 = arith.constant 0 : i32
    %ne3A_2733 = vector.broadcast %ne3A_2732 : i32 to vector<64x128xi32>
    %ne3A_2734 = arith.cmpi ne, %and3A_2731, %ne3A_2733 : vector<64x128xi32>
    %select_n3A_2735 = arith.select %ne3A_2734, %concatenate3A_2728, %concatenate3A_2725 : vector<64x128xi1>, vector<64x128xi32>
    %and3A_2736 = arith.constant 32 : i32
    %and3A_2737 = vector.broadcast %and3A_2736 : i32 to vector<64x128xi32>
    %and3A_2738 = arith.andi %iota3A, %and3A_2737 : vector<64x128xi32>
    %ne3A_2739 = arith.constant 0 : i32
    %ne3A_2740 = vector.broadcast %ne3A_2739 : i32 to vector<64x128xi32>
    %ne3A_2741 = arith.cmpi ne, %and3A_2738, %ne3A_2740 : vector<64x128xi32>
    %gt3A_2742 = arith.cmpi sgt, %select_n3A_2708, %select_n3A_2722 : vector<64x128xi32>
    %eq3A_2743 = arith.cmpi eq, %select_n3A_2708, %select_n3A_2722 : vector<64x128xi32>
    %lt3A_2744 = arith.cmpi slt, %select_n3A_2709, %select_n3A_2735 : vector<64x128xi32>
    %and3A_2745 = arith.andi %eq3A_2743, %lt3A_2744 : vector<64x128xi1>
    %or3A_2746 = arith.ori %gt3A_2742, %and3A_2745 : vector<64x128xi1>
    %xor3A_2747 = arith.xori %or3A_2746, %ne3A_2721 : vector<64x128xi1>
    %xor3A_2748 = arith.xori %xor3A_2747, %ne3A_2741 : vector<64x128xi1>
    %select_n3A_2749 = arith.select %xor3A_2748, %select_n3A_2708, %select_n3A_2722 : vector<64x128xi1>, vector<64x128xi32>
    %select_n3A_2750 = arith.select %xor3A_2748, %select_n3A_2709, %select_n3A_2735 : vector<64x128xi1>, vector<64x128xi32>
    %slice3A_2751 = vector.extract_strided_slice %select_n3A_2749 {offsets = [8, 0], sizes = [56, 128], strides = [1, 1]} : vector<64x128xi32> to vector<56x128xi32>
    %slice3A_2752 = vector.extract_strided_slice %select_n3A_2749 {offsets = [0, 0], sizes = [8, 128], strides = [1, 1]} : vector<64x128xi32> to vector<8x128xi32>
    %concatenate3A_2753 = tpu.concatenate %slice3A_2751, %slice3A_2752 in 0 : vector<56x128xi32>, vector<8x128xi32> -> vector<64x128xi32>
    %slice3A_2754 = vector.extract_strided_slice %select_n3A_2749 {offsets = [56, 0], sizes = [8, 128], strides = [1, 1]} : vector<64x128xi32> to vector<8x128xi32>
    %slice3A_2755 = vector.extract_strided_slice %select_n3A_2749 {offsets = [0, 0], sizes = [56, 128], strides = [1, 1]} : vector<64x128xi32> to vector<56x128xi32>
    %concatenate3A_2756 = tpu.concatenate %slice3A_2754, %slice3A_2755 in 0 : vector<8x128xi32>, vector<56x128xi32> -> vector<64x128xi32>
    %and3A_2757 = arith.constant 8 : i32
    %and3A_2758 = vector.broadcast %and3A_2757 : i32 to vector<64x128xi32>
    %and3A_2759 = arith.andi %iota3A, %and3A_2758 : vector<64x128xi32>
    %ne3A_2760 = arith.constant 0 : i32
    %ne3A_2761 = vector.broadcast %ne3A_2760 : i32 to vector<64x128xi32>
    %ne3A_2762 = arith.cmpi ne, %and3A_2759, %ne3A_2761 : vector<64x128xi32>
    %select_n3A_2763 = arith.select %ne3A_2762, %concatenate3A_2756, %concatenate3A_2753 : vector<64x128xi1>, vector<64x128xi32>
    %slice3A_2764 = vector.extract_strided_slice %select_n3A_2750 {offsets = [8, 0], sizes = [56, 128], strides = [1, 1]} : vector<64x128xi32> to vector<56x128xi32>
    %slice3A_2765 = vector.extract_strided_slice %select_n3A_2750 {offsets = [0, 0], sizes = [8, 128], strides = [1, 1]} : vector<64x128xi32> to vector<8x128xi32>
    %concatenate3A_2766 = tpu.concatenate %slice3A_2764, %slice3A_2765 in 0 : vector<56x128xi32>, vector<8x128xi32> -> vector<64x128xi32>
    %slice3A_2767 = vector.extract_strided_slice %select_n3A_2750 {offsets = [56, 0], sizes = [8, 128], strides = [1, 1]} : vector<64x128xi32> to vector<8x128xi32>
    %slice3A_2768 = vector.extract_strided_slice %select_n3A_2750 {offsets = [0, 0], sizes = [56, 128], strides = [1, 1]} : vector<64x128xi32> to vector<56x128xi32>
    %concatenate3A_2769 = tpu.concatenate %slice3A_2767, %slice3A_2768 in 0 : vector<8x128xi32>, vector<56x128xi32> -> vector<64x128xi32>
    %and3A_2770 = arith.constant 8 : i32
    %and3A_2771 = vector.broadcast %and3A_2770 : i32 to vector<64x128xi32>
    %and3A_2772 = arith.andi %iota3A, %and3A_2771 : vector<64x128xi32>
    %ne3A_2773 = arith.constant 0 : i32
    %ne3A_2774 = vector.broadcast %ne3A_2773 : i32 to vector<64x128xi32>
    %ne3A_2775 = arith.cmpi ne, %and3A_2772, %ne3A_2774 : vector<64x128xi32>
    %select_n3A_2776 = arith.select %ne3A_2775, %concatenate3A_2769, %concatenate3A_2766 : vector<64x128xi1>, vector<64x128xi32>
    %and3A_2777 = arith.constant 32 : i32
    %and3A_2778 = vector.broadcast %and3A_2777 : i32 to vector<64x128xi32>
    %and3A_2779 = arith.andi %iota3A, %and3A_2778 : vector<64x128xi32>
    %ne3A_2780 = arith.constant 0 : i32
    %ne3A_2781 = vector.broadcast %ne3A_2780 : i32 to vector<64x128xi32>
    %ne3A_2782 = arith.cmpi ne, %and3A_2779, %ne3A_2781 : vector<64x128xi32>
    %gt3A_2783 = arith.cmpi sgt, %select_n3A_2749, %select_n3A_2763 : vector<64x128xi32>
    %eq3A_2784 = arith.cmpi eq, %select_n3A_2749, %select_n3A_2763 : vector<64x128xi32>
    %lt3A_2785 = arith.cmpi slt, %select_n3A_2750, %select_n3A_2776 : vector<64x128xi32>
    %and3A_2786 = arith.andi %eq3A_2784, %lt3A_2785 : vector<64x128xi1>
    %or3A_2787 = arith.ori %gt3A_2783, %and3A_2786 : vector<64x128xi1>
    %xor3A_2788 = arith.xori %or3A_2787, %ne3A_2762 : vector<64x128xi1>
    %xor3A_2789 = arith.xori %xor3A_2788, %ne3A_2782 : vector<64x128xi1>
    %select_n3A_2790 = arith.select %xor3A_2789, %select_n3A_2749, %select_n3A_2763 : vector<64x128xi1>, vector<64x128xi32>
    %select_n3A_2791 = arith.select %xor3A_2789, %select_n3A_2750, %select_n3A_2776 : vector<64x128xi1>, vector<64x128xi32>
    %slice3A_2792 = vector.extract_strided_slice %select_n3A_2790 {offsets = [4, 0], sizes = [60, 128], strides = [1, 1]} : vector<64x128xi32> to vector<60x128xi32>
    %slice3A_2793 = vector.extract_strided_slice %select_n3A_2790 {offsets = [0, 0], sizes = [4, 128], strides = [1, 1]} : vector<64x128xi32> to vector<4x128xi32>
    %concatenate3A_2794 = tpu.concatenate %slice3A_2792, %slice3A_2793 in 0 : vector<60x128xi32>, vector<4x128xi32> -> vector<64x128xi32>
    %slice3A_2795 = vector.extract_strided_slice %select_n3A_2790 {offsets = [60, 0], sizes = [4, 128], strides = [1, 1]} : vector<64x128xi32> to vector<4x128xi32>
    %slice3A_2796 = vector.extract_strided_slice %select_n3A_2790 {offsets = [0, 0], sizes = [60, 128], strides = [1, 1]} : vector<64x128xi32> to vector<60x128xi32>
    %concatenate3A_2797 = tpu.concatenate %slice3A_2795, %slice3A_2796 in 0 : vector<4x128xi32>, vector<60x128xi32> -> vector<64x128xi32>
    %and3A_2798 = arith.constant 4 : i32
    %and3A_2799 = vector.broadcast %and3A_2798 : i32 to vector<64x128xi32>
    %and3A_2800 = arith.andi %iota3A, %and3A_2799 : vector<64x128xi32>
    %ne3A_2801 = arith.constant 0 : i32
    %ne3A_2802 = vector.broadcast %ne3A_2801 : i32 to vector<64x128xi32>
    %ne3A_2803 = arith.cmpi ne, %and3A_2800, %ne3A_2802 : vector<64x128xi32>
    %select_n3A_2804 = arith.select %ne3A_2803, %concatenate3A_2797, %concatenate3A_2794 : vector<64x128xi1>, vector<64x128xi32>
    %slice3A_2805 = vector.extract_strided_slice %select_n3A_2791 {offsets = [4, 0], sizes = [60, 128], strides = [1, 1]} : vector<64x128xi32> to vector<60x128xi32>
    %slice3A_2806 = vector.extract_strided_slice %select_n3A_2791 {offsets = [0, 0], sizes = [4, 128], strides = [1, 1]} : vector<64x128xi32> to vector<4x128xi32>
    %concatenate3A_2807 = tpu.concatenate %slice3A_2805, %slice3A_2806 in 0 : vector<60x128xi32>, vector<4x128xi32> -> vector<64x128xi32>
    %slice3A_2808 = vector.extract_strided_slice %select_n3A_2791 {offsets = [60, 0], sizes = [4, 128], strides = [1, 1]} : vector<64x128xi32> to vector<4x128xi32>
    %slice3A_2809 = vector.extract_strided_slice %select_n3A_2791 {offsets = [0, 0], sizes = [60, 128], strides = [1, 1]} : vector<64x128xi32> to vector<60x128xi32>
    %concatenate3A_2810 = tpu.concatenate %slice3A_2808, %slice3A_2809 in 0 : vector<4x128xi32>, vector<60x128xi32> -> vector<64x128xi32>
    %and3A_2811 = arith.constant 4 : i32
    %and3A_2812 = vector.broadcast %and3A_2811 : i32 to vector<64x128xi32>
    %and3A_2813 = arith.andi %iota3A, %and3A_2812 : vector<64x128xi32>
    %ne3A_2814 = arith.constant 0 : i32
    %ne3A_2815 = vector.broadcast %ne3A_2814 : i32 to vector<64x128xi32>
    %ne3A_2816 = arith.cmpi ne, %and3A_2813, %ne3A_2815 : vector<64x128xi32>
    %select_n3A_2817 = arith.select %ne3A_2816, %concatenate3A_2810, %concatenate3A_2807 : vector<64x128xi1>, vector<64x128xi32>
    %and3A_2818 = arith.constant 32 : i32
    %and3A_2819 = vector.broadcast %and3A_2818 : i32 to vector<64x128xi32>
    %and3A_2820 = arith.andi %iota3A, %and3A_2819 : vector<64x128xi32>
    %ne3A_2821 = arith.constant 0 : i32
    %ne3A_2822 = vector.broadcast %ne3A_2821 : i32 to vector<64x128xi32>
    %ne3A_2823 = arith.cmpi ne, %and3A_2820, %ne3A_2822 : vector<64x128xi32>
    %gt3A_2824 = arith.cmpi sgt, %select_n3A_2790, %select_n3A_2804 : vector<64x128xi32>
    %eq3A_2825 = arith.cmpi eq, %select_n3A_2790, %select_n3A_2804 : vector<64x128xi32>
    %lt3A_2826 = arith.cmpi slt, %select_n3A_2791, %select_n3A_2817 : vector<64x128xi32>
    %and3A_2827 = arith.andi %eq3A_2825, %lt3A_2826 : vector<64x128xi1>
    %or3A_2828 = arith.ori %gt3A_2824, %and3A_2827 : vector<64x128xi1>
    %xor3A_2829 = arith.xori %or3A_2828, %ne3A_2803 : vector<64x128xi1>
    %xor3A_2830 = arith.xori %xor3A_2829, %ne3A_2823 : vector<64x128xi1>
    %select_n3A_2831 = arith.select %xor3A_2830, %select_n3A_2790, %select_n3A_2804 : vector<64x128xi1>, vector<64x128xi32>
    %select_n3A_2832 = arith.select %xor3A_2830, %select_n3A_2791, %select_n3A_2817 : vector<64x128xi1>, vector<64x128xi32>
    %slice3A_2833 = vector.extract_strided_slice %select_n3A_2831 {offsets = [2, 0], sizes = [62, 128], strides = [1, 1]} : vector<64x128xi32> to vector<62x128xi32>
    %slice3A_2834 = vector.extract_strided_slice %select_n3A_2831 {offsets = [0, 0], sizes = [2, 128], strides = [1, 1]} : vector<64x128xi32> to vector<2x128xi32>
    %concatenate3A_2835 = tpu.concatenate %slice3A_2833, %slice3A_2834 in 0 : vector<62x128xi32>, vector<2x128xi32> -> vector<64x128xi32>
    %slice3A_2836 = vector.extract_strided_slice %select_n3A_2831 {offsets = [62, 0], sizes = [2, 128], strides = [1, 1]} : vector<64x128xi32> to vector<2x128xi32>
    %slice3A_2837 = vector.extract_strided_slice %select_n3A_2831 {offsets = [0, 0], sizes = [62, 128], strides = [1, 1]} : vector<64x128xi32> to vector<62x128xi32>
    %concatenate3A_2838 = tpu.concatenate %slice3A_2836, %slice3A_2837 in 0 : vector<2x128xi32>, vector<62x128xi32> -> vector<64x128xi32>
    %and3A_2839 = arith.constant 2 : i32
    %and3A_2840 = vector.broadcast %and3A_2839 : i32 to vector<64x128xi32>
    %and3A_2841 = arith.andi %iota3A, %and3A_2840 : vector<64x128xi32>
    %ne3A_2842 = arith.constant 0 : i32
    %ne3A_2843 = vector.broadcast %ne3A_2842 : i32 to vector<64x128xi32>
    %ne3A_2844 = arith.cmpi ne, %and3A_2841, %ne3A_2843 : vector<64x128xi32>
    %select_n3A_2845 = arith.select %ne3A_2844, %concatenate3A_2838, %concatenate3A_2835 : vector<64x128xi1>, vector<64x128xi32>
    %slice3A_2846 = vector.extract_strided_slice %select_n3A_2832 {offsets = [2, 0], sizes = [62, 128], strides = [1, 1]} : vector<64x128xi32> to vector<62x128xi32>
    %slice3A_2847 = vector.extract_strided_slice %select_n3A_2832 {offsets = [0, 0], sizes = [2, 128], strides = [1, 1]} : vector<64x128xi32> to vector<2x128xi32>
    %concatenate3A_2848 = tpu.concatenate %slice3A_2846, %slice3A_2847 in 0 : vector<62x128xi32>, vector<2x128xi32> -> vector<64x128xi32>
    %slice3A_2849 = vector.extract_strided_slice %select_n3A_2832 {offsets = [62, 0], sizes = [2, 128], strides = [1, 1]} : vector<64x128xi32> to vector<2x128xi32>
    %slice3A_2850 = vector.extract_strided_slice %select_n3A_2832 {offsets = [0, 0], sizes = [62, 128], strides = [1, 1]} : vector<64x128xi32> to vector<62x128xi32>
    %concatenate3A_2851 = tpu.concatenate %slice3A_2849, %slice3A_2850 in 0 : vector<2x128xi32>, vector<62x128xi32> -> vector<64x128xi32>
    %and3A_2852 = arith.constant 2 : i32
    %and3A_2853 = vector.broadcast %and3A_2852 : i32 to vector<64x128xi32>
    %and3A_2854 = arith.andi %iota3A, %and3A_2853 : vector<64x128xi32>
    %ne3A_2855 = arith.constant 0 : i32
    %ne3A_2856 = vector.broadcast %ne3A_2855 : i32 to vector<64x128xi32>
    %ne3A_2857 = arith.cmpi ne, %and3A_2854, %ne3A_2856 : vector<64x128xi32>
    %select_n3A_2858 = arith.select %ne3A_2857, %concatenate3A_2851, %concatenate3A_2848 : vector<64x128xi1>, vector<64x128xi32>
    %and3A_2859 = arith.constant 32 : i32
    %and3A_2860 = vector.broadcast %and3A_2859 : i32 to vector<64x128xi32>
    %and3A_2861 = arith.andi %iota3A, %and3A_2860 : vector<64x128xi32>
    %ne3A_2862 = arith.constant 0 : i32
    %ne3A_2863 = vector.broadcast %ne3A_2862 : i32 to vector<64x128xi32>
    %ne3A_2864 = arith.cmpi ne, %and3A_2861, %ne3A_2863 : vector<64x128xi32>
    %gt3A_2865 = arith.cmpi sgt, %select_n3A_2831, %select_n3A_2845 : vector<64x128xi32>
    %eq3A_2866 = arith.cmpi eq, %select_n3A_2831, %select_n3A_2845 : vector<64x128xi32>
    %lt3A_2867 = arith.cmpi slt, %select_n3A_2832, %select_n3A_2858 : vector<64x128xi32>
    %and3A_2868 = arith.andi %eq3A_2866, %lt3A_2867 : vector<64x128xi1>
    %or3A_2869 = arith.ori %gt3A_2865, %and3A_2868 : vector<64x128xi1>
    %xor3A_2870 = arith.xori %or3A_2869, %ne3A_2844 : vector<64x128xi1>
    %xor3A_2871 = arith.xori %xor3A_2870, %ne3A_2864 : vector<64x128xi1>
    %select_n3A_2872 = arith.select %xor3A_2871, %select_n3A_2831, %select_n3A_2845 : vector<64x128xi1>, vector<64x128xi32>
    %select_n3A_2873 = arith.select %xor3A_2871, %select_n3A_2832, %select_n3A_2858 : vector<64x128xi1>, vector<64x128xi32>
    %slice3A_2874 = vector.extract_strided_slice %select_n3A_2872 {offsets = [1, 0], sizes = [63, 128], strides = [1, 1]} : vector<64x128xi32> to vector<63x128xi32>
    %slice3A_2875 = vector.extract_strided_slice %select_n3A_2872 {offsets = [0, 0], sizes = [1, 128], strides = [1, 1]} : vector<64x128xi32> to vector<1x128xi32>
    %concatenate3A_2876 = tpu.concatenate %slice3A_2874, %slice3A_2875 in 0 : vector<63x128xi32>, vector<1x128xi32> -> vector<64x128xi32>
    %slice3A_2877 = vector.extract_strided_slice %select_n3A_2872 {offsets = [63, 0], sizes = [1, 128], strides = [1, 1]} : vector<64x128xi32> to vector<1x128xi32>
    %slice3A_2878 = vector.extract_strided_slice %select_n3A_2872 {offsets = [0, 0], sizes = [63, 128], strides = [1, 1]} : vector<64x128xi32> to vector<63x128xi32>
    %concatenate3A_2879 = tpu.concatenate %slice3A_2877, %slice3A_2878 in 0 : vector<1x128xi32>, vector<63x128xi32> -> vector<64x128xi32>
    %and3A_2880 = arith.constant 1 : i32
    %and3A_2881 = vector.broadcast %and3A_2880 : i32 to vector<64x128xi32>
    %and3A_2882 = arith.andi %iota3A, %and3A_2881 : vector<64x128xi32>
    %ne3A_2883 = arith.constant 0 : i32
    %ne3A_2884 = vector.broadcast %ne3A_2883 : i32 to vector<64x128xi32>
    %ne3A_2885 = arith.cmpi ne, %and3A_2882, %ne3A_2884 : vector<64x128xi32>
    %select_n3A_2886 = arith.select %ne3A_2885, %concatenate3A_2879, %concatenate3A_2876 : vector<64x128xi1>, vector<64x128xi32>
    %slice3A_2887 = vector.extract_strided_slice %select_n3A_2873 {offsets = [1, 0], sizes = [63, 128], strides = [1, 1]} : vector<64x128xi32> to vector<63x128xi32>
    %slice3A_2888 = vector.extract_strided_slice %select_n3A_2873 {offsets = [0, 0], sizes = [1, 128], strides = [1, 1]} : vector<64x128xi32> to vector<1x128xi32>
    %concatenate3A_2889 = tpu.concatenate %slice3A_2887, %slice3A_2888 in 0 : vector<63x128xi32>, vector<1x128xi32> -> vector<64x128xi32>
    %slice3A_2890 = vector.extract_strided_slice %select_n3A_2873 {offsets = [63, 0], sizes = [1, 128], strides = [1, 1]} : vector<64x128xi32> to vector<1x128xi32>
    %slice3A_2891 = vector.extract_strided_slice %select_n3A_2873 {offsets = [0, 0], sizes = [63, 128], strides = [1, 1]} : vector<64x128xi32> to vector<63x128xi32>
    %concatenate3A_2892 = tpu.concatenate %slice3A_2890, %slice3A_2891 in 0 : vector<1x128xi32>, vector<63x128xi32> -> vector<64x128xi32>
    %and3A_2893 = arith.constant 1 : i32
    %and3A_2894 = vector.broadcast %and3A_2893 : i32 to vector<64x128xi32>
    %and3A_2895 = arith.andi %iota3A, %and3A_2894 : vector<64x128xi32>
    %ne3A_2896 = arith.constant 0 : i32
    %ne3A_2897 = vector.broadcast %ne3A_2896 : i32 to vector<64x128xi32>
    %ne3A_2898 = arith.cmpi ne, %and3A_2895, %ne3A_2897 : vector<64x128xi32>
    %select_n3A_2899 = arith.select %ne3A_2898, %concatenate3A_2892, %concatenate3A_2889 : vector<64x128xi1>, vector<64x128xi32>
    %and3A_2900 = arith.constant 32 : i32
    %and3A_2901 = vector.broadcast %and3A_2900 : i32 to vector<64x128xi32>
    %and3A_2902 = arith.andi %iota3A, %and3A_2901 : vector<64x128xi32>
    %ne3A_2903 = arith.constant 0 : i32
    %ne3A_2904 = vector.broadcast %ne3A_2903 : i32 to vector<64x128xi32>
    %ne3A_2905 = arith.cmpi ne, %and3A_2902, %ne3A_2904 : vector<64x128xi32>
    %gt3A_2906 = arith.cmpi sgt, %select_n3A_2872, %select_n3A_2886 : vector<64x128xi32>
    %eq3A_2907 = arith.cmpi eq, %select_n3A_2872, %select_n3A_2886 : vector<64x128xi32>
    %lt3A_2908 = arith.cmpi slt, %select_n3A_2873, %select_n3A_2899 : vector<64x128xi32>
    %and3A_2909 = arith.andi %eq3A_2907, %lt3A_2908 : vector<64x128xi1>
    %or3A_2910 = arith.ori %gt3A_2906, %and3A_2909 : vector<64x128xi1>
    %xor3A_2911 = arith.xori %or3A_2910, %ne3A_2885 : vector<64x128xi1>
    %xor3A_2912 = arith.xori %xor3A_2911, %ne3A_2905 : vector<64x128xi1>
    %select_n3A_2913 = arith.select %xor3A_2912, %select_n3A_2872, %select_n3A_2886 : vector<64x128xi1>, vector<64x128xi32>
    %select_n3A_2914 = arith.select %xor3A_2912, %select_n3A_2873, %select_n3A_2899 : vector<64x128xi1>, vector<64x128xi32>
    %slice3A_2915 = vector.extract_strided_slice %select_n3A_2913 {offsets = [0, 64], sizes = [64, 64], strides = [1, 1]} : vector<64x128xi32> to vector<64x64xi32>
    %slice3A_2916 = vector.extract_strided_slice %select_n3A_2913 {offsets = [0, 0], sizes = [64, 64], strides = [1, 1]} : vector<64x128xi32> to vector<64x64xi32>
    %concatenate3A_2917 = tpu.concatenate %slice3A_2915, %slice3A_2916 in 1 : vector<64x64xi32>, vector<64x64xi32> -> vector<64x128xi32>
    %slice3A_2918 = vector.extract_strided_slice %select_n3A_2913 {offsets = [0, 64], sizes = [64, 64], strides = [1, 1]} : vector<64x128xi32> to vector<64x64xi32>
    %slice3A_2919 = vector.extract_strided_slice %select_n3A_2913 {offsets = [0, 0], sizes = [64, 64], strides = [1, 1]} : vector<64x128xi32> to vector<64x64xi32>
    %concatenate3A_2920 = tpu.concatenate %slice3A_2918, %slice3A_2919 in 1 : vector<64x64xi32>, vector<64x64xi32> -> vector<64x128xi32>
    %and3A_2921 = arith.constant 64 : i32
    %and3A_2922 = vector.broadcast %and3A_2921 : i32 to vector<64x128xi32>
    %and3A_2923 = arith.andi %iota3A_4, %and3A_2922 : vector<64x128xi32>
    %ne3A_2924 = arith.constant 0 : i32
    %ne3A_2925 = vector.broadcast %ne3A_2924 : i32 to vector<64x128xi32>
    %ne3A_2926 = arith.cmpi ne, %and3A_2923, %ne3A_2925 : vector<64x128xi32>
    %select_n3A_2927 = arith.select %ne3A_2926, %concatenate3A_2920, %concatenate3A_2917 : vector<64x128xi1>, vector<64x128xi32>
    %slice3A_2928 = vector.extract_strided_slice %select_n3A_2914 {offsets = [0, 64], sizes = [64, 64], strides = [1, 1]} : vector<64x128xi32> to vector<64x64xi32>
    %slice3A_2929 = vector.extract_strided_slice %select_n3A_2914 {offsets = [0, 0], sizes = [64, 64], strides = [1, 1]} : vector<64x128xi32> to vector<64x64xi32>
    %concatenate3A_2930 = tpu.concatenate %slice3A_2928, %slice3A_2929 in 1 : vector<64x64xi32>, vector<64x64xi32> -> vector<64x128xi32>
    %slice3A_2931 = vector.extract_strided_slice %select_n3A_2914 {offsets = [0, 64], sizes = [64, 64], strides = [1, 1]} : vector<64x128xi32> to vector<64x64xi32>
    %slice3A_2932 = vector.extract_strided_slice %select_n3A_2914 {offsets = [0, 0], sizes = [64, 64], strides = [1, 1]} : vector<64x128xi32> to vector<64x64xi32>
    %concatenate3A_2933 = tpu.concatenate %slice3A_2931, %slice3A_2932 in 1 : vector<64x64xi32>, vector<64x64xi32> -> vector<64x128xi32>
    %and3A_2934 = arith.constant 64 : i32
    %and3A_2935 = vector.broadcast %and3A_2934 : i32 to vector<64x128xi32>
    %and3A_2936 = arith.andi %iota3A_4, %and3A_2935 : vector<64x128xi32>
    %ne3A_2937 = arith.constant 0 : i32
    %ne3A_2938 = vector.broadcast %ne3A_2937 : i32 to vector<64x128xi32>
    %ne3A_2939 = arith.cmpi ne, %and3A_2936, %ne3A_2938 : vector<64x128xi32>
    %select_n3A_2940 = arith.select %ne3A_2939, %concatenate3A_2933, %concatenate3A_2930 : vector<64x128xi1>, vector<64x128xi32>
    %and3A_2941 = arith.constant 32 : i32
    %and3A_2942 = vector.broadcast %and3A_2941 : i32 to vector<64x128xi32>
    %and3A_2943 = arith.andi %iota3A, %and3A_2942 : vector<64x128xi32>
    %ne3A_2944 = arith.constant 0 : i32
    %ne3A_2945 = vector.broadcast %ne3A_2944 : i32 to vector<64x128xi32>
    %ne3A_2946 = arith.cmpi ne, %and3A_2943, %ne3A_2945 : vector<64x128xi32>
    %gt3A_2947 = arith.cmpi sgt, %select_n3A_2913, %select_n3A_2927 : vector<64x128xi32>
    %eq3A_2948 = arith.cmpi eq, %select_n3A_2913, %select_n3A_2927 : vector<64x128xi32>
    %lt3A_2949 = arith.cmpi slt, %select_n3A_2914, %select_n3A_2940 : vector<64x128xi32>
    %and3A_2950 = arith.andi %eq3A_2948, %lt3A_2949 : vector<64x128xi1>
    %or3A_2951 = arith.ori %gt3A_2947, %and3A_2950 : vector<64x128xi1>
    %xor3A_2952 = arith.xori %or3A_2951, %ne3A_2926 : vector<64x128xi1>
    %xor3A_2953 = arith.xori %xor3A_2952, %ne3A_2946 : vector<64x128xi1>
    %select_n3A_2954 = arith.select %xor3A_2953, %select_n3A_2913, %select_n3A_2927 : vector<64x128xi1>, vector<64x128xi32>
    %select_n3A_2955 = arith.select %xor3A_2953, %select_n3A_2914, %select_n3A_2940 : vector<64x128xi1>, vector<64x128xi32>
    %slice3A_2956 = vector.extract_strided_slice %select_n3A_2954 {offsets = [0, 32], sizes = [64, 96], strides = [1, 1]} : vector<64x128xi32> to vector<64x96xi32>
    %slice3A_2957 = vector.extract_strided_slice %select_n3A_2954 {offsets = [0, 0], sizes = [64, 32], strides = [1, 1]} : vector<64x128xi32> to vector<64x32xi32>
    %concatenate3A_2958 = tpu.concatenate %slice3A_2956, %slice3A_2957 in 1 : vector<64x96xi32>, vector<64x32xi32> -> vector<64x128xi32>
    %slice3A_2959 = vector.extract_strided_slice %select_n3A_2954 {offsets = [0, 96], sizes = [64, 32], strides = [1, 1]} : vector<64x128xi32> to vector<64x32xi32>
    %slice3A_2960 = vector.extract_strided_slice %select_n3A_2954 {offsets = [0, 0], sizes = [64, 96], strides = [1, 1]} : vector<64x128xi32> to vector<64x96xi32>
    %concatenate3A_2961 = tpu.concatenate %slice3A_2959, %slice3A_2960 in 1 : vector<64x32xi32>, vector<64x96xi32> -> vector<64x128xi32>
    %and3A_2962 = arith.constant 32 : i32
    %and3A_2963 = vector.broadcast %and3A_2962 : i32 to vector<64x128xi32>
    %and3A_2964 = arith.andi %iota3A_4, %and3A_2963 : vector<64x128xi32>
    %ne3A_2965 = arith.constant 0 : i32
    %ne3A_2966 = vector.broadcast %ne3A_2965 : i32 to vector<64x128xi32>
    %ne3A_2967 = arith.cmpi ne, %and3A_2964, %ne3A_2966 : vector<64x128xi32>
    %select_n3A_2968 = arith.select %ne3A_2967, %concatenate3A_2961, %concatenate3A_2958 : vector<64x128xi1>, vector<64x128xi32>
    %slice3A_2969 = vector.extract_strided_slice %select_n3A_2955 {offsets = [0, 32], sizes = [64, 96], strides = [1, 1]} : vector<64x128xi32> to vector<64x96xi32>
    %slice3A_2970 = vector.extract_strided_slice %select_n3A_2955 {offsets = [0, 0], sizes = [64, 32], strides = [1, 1]} : vector<64x128xi32> to vector<64x32xi32>
    %concatenate3A_2971 = tpu.concatenate %slice3A_2969, %slice3A_2970 in 1 : vector<64x96xi32>, vector<64x32xi32> -> vector<64x128xi32>
    %slice3A_2972 = vector.extract_strided_slice %select_n3A_2955 {offsets = [0, 96], sizes = [64, 32], strides = [1, 1]} : vector<64x128xi32> to vector<64x32xi32>
    %slice3A_2973 = vector.extract_strided_slice %select_n3A_2955 {offsets = [0, 0], sizes = [64, 96], strides = [1, 1]} : vector<64x128xi32> to vector<64x96xi32>
    %concatenate3A_2974 = tpu.concatenate %slice3A_2972, %slice3A_2973 in 1 : vector<64x32xi32>, vector<64x96xi32> -> vector<64x128xi32>
    %and3A_2975 = arith.constant 32 : i32
    %and3A_2976 = vector.broadcast %and3A_2975 : i32 to vector<64x128xi32>
    %and3A_2977 = arith.andi %iota3A_4, %and3A_2976 : vector<64x128xi32>
    %ne3A_2978 = arith.constant 0 : i32
    %ne3A_2979 = vector.broadcast %ne3A_2978 : i32 to vector<64x128xi32>
    %ne3A_2980 = arith.cmpi ne, %and3A_2977, %ne3A_2979 : vector<64x128xi32>
    %select_n3A_2981 = arith.select %ne3A_2980, %concatenate3A_2974, %concatenate3A_2971 : vector<64x128xi1>, vector<64x128xi32>
    %and3A_2982 = arith.constant 32 : i32
    %and3A_2983 = vector.broadcast %and3A_2982 : i32 to vector<64x128xi32>
    %and3A_2984 = arith.andi %iota3A, %and3A_2983 : vector<64x128xi32>
    %ne3A_2985 = arith.constant 0 : i32
    %ne3A_2986 = vector.broadcast %ne3A_2985 : i32 to vector<64x128xi32>
    %ne3A_2987 = arith.cmpi ne, %and3A_2984, %ne3A_2986 : vector<64x128xi32>
    %gt3A_2988 = arith.cmpi sgt, %select_n3A_2954, %select_n3A_2968 : vector<64x128xi32>
    %eq3A_2989 = arith.cmpi eq, %select_n3A_2954, %select_n3A_2968 : vector<64x128xi32>
    %lt3A_2990 = arith.cmpi slt, %select_n3A_2955, %select_n3A_2981 : vector<64x128xi32>
    %and3A_2991 = arith.andi %eq3A_2989, %lt3A_2990 : vector<64x128xi1>
    %or3A_2992 = arith.ori %gt3A_2988, %and3A_2991 : vector<64x128xi1>
    %xor3A_2993 = arith.xori %or3A_2992, %ne3A_2967 : vector<64x128xi1>
    %xor3A_2994 = arith.xori %xor3A_2993, %ne3A_2987 : vector<64x128xi1>
    %select_n3A_2995 = arith.select %xor3A_2994, %select_n3A_2954, %select_n3A_2968 : vector<64x128xi1>, vector<64x128xi32>
    %select_n3A_2996 = arith.select %xor3A_2994, %select_n3A_2955, %select_n3A_2981 : vector<64x128xi1>, vector<64x128xi32>
    %slice3A_2997 = vector.extract_strided_slice %select_n3A_2995 {offsets = [0, 16], sizes = [64, 112], strides = [1, 1]} : vector<64x128xi32> to vector<64x112xi32>
    %slice3A_2998 = vector.extract_strided_slice %select_n3A_2995 {offsets = [0, 0], sizes = [64, 16], strides = [1, 1]} : vector<64x128xi32> to vector<64x16xi32>
    %concatenate3A_2999 = tpu.concatenate %slice3A_2997, %slice3A_2998 in 1 : vector<64x112xi32>, vector<64x16xi32> -> vector<64x128xi32>
    %slice3A_3000 = vector.extract_strided_slice %select_n3A_2995 {offsets = [0, 112], sizes = [64, 16], strides = [1, 1]} : vector<64x128xi32> to vector<64x16xi32>
    %slice3A_3001 = vector.extract_strided_slice %select_n3A_2995 {offsets = [0, 0], sizes = [64, 112], strides = [1, 1]} : vector<64x128xi32> to vector<64x112xi32>
    %concatenate3A_3002 = tpu.concatenate %slice3A_3000, %slice3A_3001 in 1 : vector<64x16xi32>, vector<64x112xi32> -> vector<64x128xi32>
    %and3A_3003 = arith.constant 16 : i32
    %and3A_3004 = vector.broadcast %and3A_3003 : i32 to vector<64x128xi32>
    %and3A_3005 = arith.andi %iota3A_4, %and3A_3004 : vector<64x128xi32>
    %ne3A_3006 = arith.constant 0 : i32
    %ne3A_3007 = vector.broadcast %ne3A_3006 : i32 to vector<64x128xi32>
    %ne3A_3008 = arith.cmpi ne, %and3A_3005, %ne3A_3007 : vector<64x128xi32>
    %select_n3A_3009 = arith.select %ne3A_3008, %concatenate3A_3002, %concatenate3A_2999 : vector<64x128xi1>, vector<64x128xi32>
    %slice3A_3010 = vector.extract_strided_slice %select_n3A_2996 {offsets = [0, 16], sizes = [64, 112], strides = [1, 1]} : vector<64x128xi32> to vector<64x112xi32>
    %slice3A_3011 = vector.extract_strided_slice %select_n3A_2996 {offsets = [0, 0], sizes = [64, 16], strides = [1, 1]} : vector<64x128xi32> to vector<64x16xi32>
    %concatenate3A_3012 = tpu.concatenate %slice3A_3010, %slice3A_3011 in 1 : vector<64x112xi32>, vector<64x16xi32> -> vector<64x128xi32>
    %slice3A_3013 = vector.extract_strided_slice %select_n3A_2996 {offsets = [0, 112], sizes = [64, 16], strides = [1, 1]} : vector<64x128xi32> to vector<64x16xi32>
    %slice3A_3014 = vector.extract_strided_slice %select_n3A_2996 {offsets = [0, 0], sizes = [64, 112], strides = [1, 1]} : vector<64x128xi32> to vector<64x112xi32>
    %concatenate3A_3015 = tpu.concatenate %slice3A_3013, %slice3A_3014 in 1 : vector<64x16xi32>, vector<64x112xi32> -> vector<64x128xi32>
    %and3A_3016 = arith.constant 16 : i32
    %and3A_3017 = vector.broadcast %and3A_3016 : i32 to vector<64x128xi32>
    %and3A_3018 = arith.andi %iota3A_4, %and3A_3017 : vector<64x128xi32>
    %ne3A_3019 = arith.constant 0 : i32
    %ne3A_3020 = vector.broadcast %ne3A_3019 : i32 to vector<64x128xi32>
    %ne3A_3021 = arith.cmpi ne, %and3A_3018, %ne3A_3020 : vector<64x128xi32>
    %select_n3A_3022 = arith.select %ne3A_3021, %concatenate3A_3015, %concatenate3A_3012 : vector<64x128xi1>, vector<64x128xi32>
    %and3A_3023 = arith.constant 32 : i32
    %and3A_3024 = vector.broadcast %and3A_3023 : i32 to vector<64x128xi32>
    %and3A_3025 = arith.andi %iota3A, %and3A_3024 : vector<64x128xi32>
    %ne3A_3026 = arith.constant 0 : i32
    %ne3A_3027 = vector.broadcast %ne3A_3026 : i32 to vector<64x128xi32>
    %ne3A_3028 = arith.cmpi ne, %and3A_3025, %ne3A_3027 : vector<64x128xi32>
    %gt3A_3029 = arith.cmpi sgt, %select_n3A_2995, %select_n3A_3009 : vector<64x128xi32>
    %eq3A_3030 = arith.cmpi eq, %select_n3A_2995, %select_n3A_3009 : vector<64x128xi32>
    %lt3A_3031 = arith.cmpi slt, %select_n3A_2996, %select_n3A_3022 : vector<64x128xi32>
    %and3A_3032 = arith.andi %eq3A_3030, %lt3A_3031 : vector<64x128xi1>
    %or3A_3033 = arith.ori %gt3A_3029, %and3A_3032 : vector<64x128xi1>
    %xor3A_3034 = arith.xori %or3A_3033, %ne3A_3008 : vector<64x128xi1>
    %xor3A_3035 = arith.xori %xor3A_3034, %ne3A_3028 : vector<64x128xi1>
    %select_n3A_3036 = arith.select %xor3A_3035, %select_n3A_2995, %select_n3A_3009 : vector<64x128xi1>, vector<64x128xi32>
    %select_n3A_3037 = arith.select %xor3A_3035, %select_n3A_2996, %select_n3A_3022 : vector<64x128xi1>, vector<64x128xi32>
    %slice3A_3038 = vector.extract_strided_slice %select_n3A_3036 {offsets = [0, 8], sizes = [64, 120], strides = [1, 1]} : vector<64x128xi32> to vector<64x120xi32>
    %slice3A_3039 = vector.extract_strided_slice %select_n3A_3036 {offsets = [0, 0], sizes = [64, 8], strides = [1, 1]} : vector<64x128xi32> to vector<64x8xi32>
    %concatenate3A_3040 = tpu.concatenate %slice3A_3038, %slice3A_3039 in 1 : vector<64x120xi32>, vector<64x8xi32> -> vector<64x128xi32>
    %slice3A_3041 = vector.extract_strided_slice %select_n3A_3036 {offsets = [0, 120], sizes = [64, 8], strides = [1, 1]} : vector<64x128xi32> to vector<64x8xi32>
    %slice3A_3042 = vector.extract_strided_slice %select_n3A_3036 {offsets = [0, 0], sizes = [64, 120], strides = [1, 1]} : vector<64x128xi32> to vector<64x120xi32>
    %concatenate3A_3043 = tpu.concatenate %slice3A_3041, %slice3A_3042 in 1 : vector<64x8xi32>, vector<64x120xi32> -> vector<64x128xi32>
    %and3A_3044 = arith.constant 8 : i32
    %and3A_3045 = vector.broadcast %and3A_3044 : i32 to vector<64x128xi32>
    %and3A_3046 = arith.andi %iota3A_4, %and3A_3045 : vector<64x128xi32>
    %ne3A_3047 = arith.constant 0 : i32
    %ne3A_3048 = vector.broadcast %ne3A_3047 : i32 to vector<64x128xi32>
    %ne3A_3049 = arith.cmpi ne, %and3A_3046, %ne3A_3048 : vector<64x128xi32>
    %select_n3A_3050 = arith.select %ne3A_3049, %concatenate3A_3043, %concatenate3A_3040 : vector<64x128xi1>, vector<64x128xi32>
    %slice3A_3051 = vector.extract_strided_slice %select_n3A_3037 {offsets = [0, 8], sizes = [64, 120], strides = [1, 1]} : vector<64x128xi32> to vector<64x120xi32>
    %slice3A_3052 = vector.extract_strided_slice %select_n3A_3037 {offsets = [0, 0], sizes = [64, 8], strides = [1, 1]} : vector<64x128xi32> to vector<64x8xi32>
    %concatenate3A_3053 = tpu.concatenate %slice3A_3051, %slice3A_3052 in 1 : vector<64x120xi32>, vector<64x8xi32> -> vector<64x128xi32>
    %slice3A_3054 = vector.extract_strided_slice %select_n3A_3037 {offsets = [0, 120], sizes = [64, 8], strides = [1, 1]} : vector<64x128xi32> to vector<64x8xi32>
    %slice3A_3055 = vector.extract_strided_slice %select_n3A_3037 {offsets = [0, 0], sizes = [64, 120], strides = [1, 1]} : vector<64x128xi32> to vector<64x120xi32>
    %concatenate3A_3056 = tpu.concatenate %slice3A_3054, %slice3A_3055 in 1 : vector<64x8xi32>, vector<64x120xi32> -> vector<64x128xi32>
    %and3A_3057 = arith.constant 8 : i32
    %and3A_3058 = vector.broadcast %and3A_3057 : i32 to vector<64x128xi32>
    %and3A_3059 = arith.andi %iota3A_4, %and3A_3058 : vector<64x128xi32>
    %ne3A_3060 = arith.constant 0 : i32
    %ne3A_3061 = vector.broadcast %ne3A_3060 : i32 to vector<64x128xi32>
    %ne3A_3062 = arith.cmpi ne, %and3A_3059, %ne3A_3061 : vector<64x128xi32>
    %select_n3A_3063 = arith.select %ne3A_3062, %concatenate3A_3056, %concatenate3A_3053 : vector<64x128xi1>, vector<64x128xi32>
    %and3A_3064 = arith.constant 32 : i32
    %and3A_3065 = vector.broadcast %and3A_3064 : i32 to vector<64x128xi32>
    %and3A_3066 = arith.andi %iota3A, %and3A_3065 : vector<64x128xi32>
    %ne3A_3067 = arith.constant 0 : i32
    %ne3A_3068 = vector.broadcast %ne3A_3067 : i32 to vector<64x128xi32>
    %ne3A_3069 = arith.cmpi ne, %and3A_3066, %ne3A_3068 : vector<64x128xi32>
    %gt3A_3070 = arith.cmpi sgt, %select_n3A_3036, %select_n3A_3050 : vector<64x128xi32>
    %eq3A_3071 = arith.cmpi eq, %select_n3A_3036, %select_n3A_3050 : vector<64x128xi32>
    %lt3A_3072 = arith.cmpi slt, %select_n3A_3037, %select_n3A_3063 : vector<64x128xi32>
    %and3A_3073 = arith.andi %eq3A_3071, %lt3A_3072 : vector<64x128xi1>
    %or3A_3074 = arith.ori %gt3A_3070, %and3A_3073 : vector<64x128xi1>
    %xor3A_3075 = arith.xori %or3A_3074, %ne3A_3049 : vector<64x128xi1>
    %xor3A_3076 = arith.xori %xor3A_3075, %ne3A_3069 : vector<64x128xi1>
    %select_n3A_3077 = arith.select %xor3A_3076, %select_n3A_3036, %select_n3A_3050 : vector<64x128xi1>, vector<64x128xi32>
    %select_n3A_3078 = arith.select %xor3A_3076, %select_n3A_3037, %select_n3A_3063 : vector<64x128xi1>, vector<64x128xi32>
    %slice3A_3079 = vector.extract_strided_slice %select_n3A_3077 {offsets = [0, 4], sizes = [64, 124], strides = [1, 1]} : vector<64x128xi32> to vector<64x124xi32>
    %slice3A_3080 = vector.extract_strided_slice %select_n3A_3077 {offsets = [0, 0], sizes = [64, 4], strides = [1, 1]} : vector<64x128xi32> to vector<64x4xi32>
    %concatenate3A_3081 = tpu.concatenate %slice3A_3079, %slice3A_3080 in 1 : vector<64x124xi32>, vector<64x4xi32> -> vector<64x128xi32>
    %slice3A_3082 = vector.extract_strided_slice %select_n3A_3077 {offsets = [0, 124], sizes = [64, 4], strides = [1, 1]} : vector<64x128xi32> to vector<64x4xi32>
    %slice3A_3083 = vector.extract_strided_slice %select_n3A_3077 {offsets = [0, 0], sizes = [64, 124], strides = [1, 1]} : vector<64x128xi32> to vector<64x124xi32>
    %concatenate3A_3084 = tpu.concatenate %slice3A_3082, %slice3A_3083 in 1 : vector<64x4xi32>, vector<64x124xi32> -> vector<64x128xi32>
    %and3A_3085 = arith.constant 4 : i32
    %and3A_3086 = vector.broadcast %and3A_3085 : i32 to vector<64x128xi32>
    %and3A_3087 = arith.andi %iota3A_4, %and3A_3086 : vector<64x128xi32>
    %ne3A_3088 = arith.constant 0 : i32
    %ne3A_3089 = vector.broadcast %ne3A_3088 : i32 to vector<64x128xi32>
    %ne3A_3090 = arith.cmpi ne, %and3A_3087, %ne3A_3089 : vector<64x128xi32>
    %select_n3A_3091 = arith.select %ne3A_3090, %concatenate3A_3084, %concatenate3A_3081 : vector<64x128xi1>, vector<64x128xi32>
    %slice3A_3092 = vector.extract_strided_slice %select_n3A_3078 {offsets = [0, 4], sizes = [64, 124], strides = [1, 1]} : vector<64x128xi32> to vector<64x124xi32>
    %slice3A_3093 = vector.extract_strided_slice %select_n3A_3078 {offsets = [0, 0], sizes = [64, 4], strides = [1, 1]} : vector<64x128xi32> to vector<64x4xi32>
    %concatenate3A_3094 = tpu.concatenate %slice3A_3092, %slice3A_3093 in 1 : vector<64x124xi32>, vector<64x4xi32> -> vector<64x128xi32>
    %slice3A_3095 = vector.extract_strided_slice %select_n3A_3078 {offsets = [0, 124], sizes = [64, 4], strides = [1, 1]} : vector<64x128xi32> to vector<64x4xi32>
    %slice3A_3096 = vector.extract_strided_slice %select_n3A_3078 {offsets = [0, 0], sizes = [64, 124], strides = [1, 1]} : vector<64x128xi32> to vector<64x124xi32>
    %concatenate3A_3097 = tpu.concatenate %slice3A_3095, %slice3A_3096 in 1 : vector<64x4xi32>, vector<64x124xi32> -> vector<64x128xi32>
    %and3A_3098 = arith.constant 4 : i32
    %and3A_3099 = vector.broadcast %and3A_3098 : i32 to vector<64x128xi32>
    %and3A_3100 = arith.andi %iota3A_4, %and3A_3099 : vector<64x128xi32>
    %ne3A_3101 = arith.constant 0 : i32
    %ne3A_3102 = vector.broadcast %ne3A_3101 : i32 to vector<64x128xi32>
    %ne3A_3103 = arith.cmpi ne, %and3A_3100, %ne3A_3102 : vector<64x128xi32>
    %select_n3A_3104 = arith.select %ne3A_3103, %concatenate3A_3097, %concatenate3A_3094 : vector<64x128xi1>, vector<64x128xi32>
    %and3A_3105 = arith.constant 32 : i32
    %and3A_3106 = vector.broadcast %and3A_3105 : i32 to vector<64x128xi32>
    %and3A_3107 = arith.andi %iota3A, %and3A_3106 : vector<64x128xi32>
    %ne3A_3108 = arith.constant 0 : i32
    %ne3A_3109 = vector.broadcast %ne3A_3108 : i32 to vector<64x128xi32>
    %ne3A_3110 = arith.cmpi ne, %and3A_3107, %ne3A_3109 : vector<64x128xi32>
    %gt3A_3111 = arith.cmpi sgt, %select_n3A_3077, %select_n3A_3091 : vector<64x128xi32>
    %eq3A_3112 = arith.cmpi eq, %select_n3A_3077, %select_n3A_3091 : vector<64x128xi32>
    %lt3A_3113 = arith.cmpi slt, %select_n3A_3078, %select_n3A_3104 : vector<64x128xi32>
    %and3A_3114 = arith.andi %eq3A_3112, %lt3A_3113 : vector<64x128xi1>
    %or3A_3115 = arith.ori %gt3A_3111, %and3A_3114 : vector<64x128xi1>
    %xor3A_3116 = arith.xori %or3A_3115, %ne3A_3090 : vector<64x128xi1>
    %xor3A_3117 = arith.xori %xor3A_3116, %ne3A_3110 : vector<64x128xi1>
    %select_n3A_3118 = arith.select %xor3A_3117, %select_n3A_3077, %select_n3A_3091 : vector<64x128xi1>, vector<64x128xi32>
    %select_n3A_3119 = arith.select %xor3A_3117, %select_n3A_3078, %select_n3A_3104 : vector<64x128xi1>, vector<64x128xi32>
    %slice3A_3120 = vector.extract_strided_slice %select_n3A_3118 {offsets = [0, 2], sizes = [64, 126], strides = [1, 1]} : vector<64x128xi32> to vector<64x126xi32>
    %slice3A_3121 = vector.extract_strided_slice %select_n3A_3118 {offsets = [0, 0], sizes = [64, 2], strides = [1, 1]} : vector<64x128xi32> to vector<64x2xi32>
    %concatenate3A_3122 = tpu.concatenate %slice3A_3120, %slice3A_3121 in 1 : vector<64x126xi32>, vector<64x2xi32> -> vector<64x128xi32>
    %slice3A_3123 = vector.extract_strided_slice %select_n3A_3118 {offsets = [0, 126], sizes = [64, 2], strides = [1, 1]} : vector<64x128xi32> to vector<64x2xi32>
    %slice3A_3124 = vector.extract_strided_slice %select_n3A_3118 {offsets = [0, 0], sizes = [64, 126], strides = [1, 1]} : vector<64x128xi32> to vector<64x126xi32>
    %concatenate3A_3125 = tpu.concatenate %slice3A_3123, %slice3A_3124 in 1 : vector<64x2xi32>, vector<64x126xi32> -> vector<64x128xi32>
    %and3A_3126 = arith.constant 2 : i32
    %and3A_3127 = vector.broadcast %and3A_3126 : i32 to vector<64x128xi32>
    %and3A_3128 = arith.andi %iota3A_4, %and3A_3127 : vector<64x128xi32>
    %ne3A_3129 = arith.constant 0 : i32
    %ne3A_3130 = vector.broadcast %ne3A_3129 : i32 to vector<64x128xi32>
    %ne3A_3131 = arith.cmpi ne, %and3A_3128, %ne3A_3130 : vector<64x128xi32>
    %select_n3A_3132 = arith.select %ne3A_3131, %concatenate3A_3125, %concatenate3A_3122 : vector<64x128xi1>, vector<64x128xi32>
    %slice3A_3133 = vector.extract_strided_slice %select_n3A_3119 {offsets = [0, 2], sizes = [64, 126], strides = [1, 1]} : vector<64x128xi32> to vector<64x126xi32>
    %slice3A_3134 = vector.extract_strided_slice %select_n3A_3119 {offsets = [0, 0], sizes = [64, 2], strides = [1, 1]} : vector<64x128xi32> to vector<64x2xi32>
    %concatenate3A_3135 = tpu.concatenate %slice3A_3133, %slice3A_3134 in 1 : vector<64x126xi32>, vector<64x2xi32> -> vector<64x128xi32>
    %slice3A_3136 = vector.extract_strided_slice %select_n3A_3119 {offsets = [0, 126], sizes = [64, 2], strides = [1, 1]} : vector<64x128xi32> to vector<64x2xi32>
    %slice3A_3137 = vector.extract_strided_slice %select_n3A_3119 {offsets = [0, 0], sizes = [64, 126], strides = [1, 1]} : vector<64x128xi32> to vector<64x126xi32>
    %concatenate3A_3138 = tpu.concatenate %slice3A_3136, %slice3A_3137 in 1 : vector<64x2xi32>, vector<64x126xi32> -> vector<64x128xi32>
    %and3A_3139 = arith.constant 2 : i32
    %and3A_3140 = vector.broadcast %and3A_3139 : i32 to vector<64x128xi32>
    %and3A_3141 = arith.andi %iota3A_4, %and3A_3140 : vector<64x128xi32>
    %ne3A_3142 = arith.constant 0 : i32
    %ne3A_3143 = vector.broadcast %ne3A_3142 : i32 to vector<64x128xi32>
    %ne3A_3144 = arith.cmpi ne, %and3A_3141, %ne3A_3143 : vector<64x128xi32>
    %select_n3A_3145 = arith.select %ne3A_3144, %concatenate3A_3138, %concatenate3A_3135 : vector<64x128xi1>, vector<64x128xi32>
    %and3A_3146 = arith.constant 32 : i32
    %and3A_3147 = vector.broadcast %and3A_3146 : i32 to vector<64x128xi32>
    %and3A_3148 = arith.andi %iota3A, %and3A_3147 : vector<64x128xi32>
    %ne3A_3149 = arith.constant 0 : i32
    %ne3A_3150 = vector.broadcast %ne3A_3149 : i32 to vector<64x128xi32>
    %ne3A_3151 = arith.cmpi ne, %and3A_3148, %ne3A_3150 : vector<64x128xi32>
    %gt3A_3152 = arith.cmpi sgt, %select_n3A_3118, %select_n3A_3132 : vector<64x128xi32>
    %eq3A_3153 = arith.cmpi eq, %select_n3A_3118, %select_n3A_3132 : vector<64x128xi32>
    %lt3A_3154 = arith.cmpi slt, %select_n3A_3119, %select_n3A_3145 : vector<64x128xi32>
    %and3A_3155 = arith.andi %eq3A_3153, %lt3A_3154 : vector<64x128xi1>
    %or3A_3156 = arith.ori %gt3A_3152, %and3A_3155 : vector<64x128xi1>
    %xor3A_3157 = arith.xori %or3A_3156, %ne3A_3131 : vector<64x128xi1>
    %xor3A_3158 = arith.xori %xor3A_3157, %ne3A_3151 : vector<64x128xi1>
    %select_n3A_3159 = arith.select %xor3A_3158, %select_n3A_3118, %select_n3A_3132 : vector<64x128xi1>, vector<64x128xi32>
    %select_n3A_3160 = arith.select %xor3A_3158, %select_n3A_3119, %select_n3A_3145 : vector<64x128xi1>, vector<64x128xi32>
    %slice3A_3161 = vector.extract_strided_slice %select_n3A_3159 {offsets = [0, 1], sizes = [64, 127], strides = [1, 1]} : vector<64x128xi32> to vector<64x127xi32>
    %slice3A_3162 = vector.extract_strided_slice %select_n3A_3159 {offsets = [0, 0], sizes = [64, 1], strides = [1, 1]} : vector<64x128xi32> to vector<64x1xi32>
    %concatenate3A_3163 = tpu.concatenate %slice3A_3161, %slice3A_3162 in 1 : vector<64x127xi32>, vector<64x1xi32> -> vector<64x128xi32>
    %slice3A_3164 = vector.extract_strided_slice %select_n3A_3159 {offsets = [0, 127], sizes = [64, 1], strides = [1, 1]} : vector<64x128xi32> to vector<64x1xi32>
    %slice3A_3165 = vector.extract_strided_slice %select_n3A_3159 {offsets = [0, 0], sizes = [64, 127], strides = [1, 1]} : vector<64x128xi32> to vector<64x127xi32>
    %concatenate3A_3166 = tpu.concatenate %slice3A_3164, %slice3A_3165 in 1 : vector<64x1xi32>, vector<64x127xi32> -> vector<64x128xi32>
    %and3A_3167 = arith.constant 1 : i32
    %and3A_3168 = vector.broadcast %and3A_3167 : i32 to vector<64x128xi32>
    %and3A_3169 = arith.andi %iota3A_4, %and3A_3168 : vector<64x128xi32>
    %ne3A_3170 = arith.constant 0 : i32
    %ne3A_3171 = vector.broadcast %ne3A_3170 : i32 to vector<64x128xi32>
    %ne3A_3172 = arith.cmpi ne, %and3A_3169, %ne3A_3171 : vector<64x128xi32>
    %select_n3A_3173 = arith.select %ne3A_3172, %concatenate3A_3166, %concatenate3A_3163 : vector<64x128xi1>, vector<64x128xi32>
    %slice3A_3174 = vector.extract_strided_slice %select_n3A_3160 {offsets = [0, 1], sizes = [64, 127], strides = [1, 1]} : vector<64x128xi32> to vector<64x127xi32>
    %slice3A_3175 = vector.extract_strided_slice %select_n3A_3160 {offsets = [0, 0], sizes = [64, 1], strides = [1, 1]} : vector<64x128xi32> to vector<64x1xi32>
    %concatenate3A_3176 = tpu.concatenate %slice3A_3174, %slice3A_3175 in 1 : vector<64x127xi32>, vector<64x1xi32> -> vector<64x128xi32>
    %slice3A_3177 = vector.extract_strided_slice %select_n3A_3160 {offsets = [0, 127], sizes = [64, 1], strides = [1, 1]} : vector<64x128xi32> to vector<64x1xi32>
    %slice3A_3178 = vector.extract_strided_slice %select_n3A_3160 {offsets = [0, 0], sizes = [64, 127], strides = [1, 1]} : vector<64x128xi32> to vector<64x127xi32>
    %concatenate3A_3179 = tpu.concatenate %slice3A_3177, %slice3A_3178 in 1 : vector<64x1xi32>, vector<64x127xi32> -> vector<64x128xi32>
    %and3A_3180 = arith.constant 1 : i32
    %and3A_3181 = vector.broadcast %and3A_3180 : i32 to vector<64x128xi32>
    %and3A_3182 = arith.andi %iota3A_4, %and3A_3181 : vector<64x128xi32>
    %ne3A_3183 = arith.constant 0 : i32
    %ne3A_3184 = vector.broadcast %ne3A_3183 : i32 to vector<64x128xi32>
    %ne3A_3185 = arith.cmpi ne, %and3A_3182, %ne3A_3184 : vector<64x128xi32>
    %select_n3A_3186 = arith.select %ne3A_3185, %concatenate3A_3179, %concatenate3A_3176 : vector<64x128xi1>, vector<64x128xi32>
    %and3A_3187 = arith.constant 32 : i32
    %and3A_3188 = vector.broadcast %and3A_3187 : i32 to vector<64x128xi32>
    %and3A_3189 = arith.andi %iota3A, %and3A_3188 : vector<64x128xi32>
    %ne3A_3190 = arith.constant 0 : i32
    %ne3A_3191 = vector.broadcast %ne3A_3190 : i32 to vector<64x128xi32>
    %ne3A_3192 = arith.cmpi ne, %and3A_3189, %ne3A_3191 : vector<64x128xi32>
    %gt3A_3193 = arith.cmpi sgt, %select_n3A_3159, %select_n3A_3173 : vector<64x128xi32>
    %eq3A_3194 = arith.cmpi eq, %select_n3A_3159, %select_n3A_3173 : vector<64x128xi32>
    %lt3A_3195 = arith.cmpi slt, %select_n3A_3160, %select_n3A_3186 : vector<64x128xi32>
    %and3A_3196 = arith.andi %eq3A_3194, %lt3A_3195 : vector<64x128xi1>
    %or3A_3197 = arith.ori %gt3A_3193, %and3A_3196 : vector<64x128xi1>
    %xor3A_3198 = arith.xori %or3A_3197, %ne3A_3172 : vector<64x128xi1>
    %xor3A_3199 = arith.xori %xor3A_3198, %ne3A_3192 : vector<64x128xi1>
    %select_n3A_3200 = arith.select %xor3A_3199, %select_n3A_3159, %select_n3A_3173 : vector<64x128xi1>, vector<64x128xi32>
    %select_n3A_3201 = arith.select %xor3A_3199, %select_n3A_3160, %select_n3A_3186 : vector<64x128xi1>, vector<64x128xi32>
    %slice3A_3202 = vector.extract_strided_slice %select_n3A_3200 {offsets = [32, 0], sizes = [32, 128], strides = [1, 1]} : vector<64x128xi32> to vector<32x128xi32>
    %slice3A_3203 = vector.extract_strided_slice %select_n3A_3200 {offsets = [0, 0], sizes = [32, 128], strides = [1, 1]} : vector<64x128xi32> to vector<32x128xi32>
    %concatenate3A_3204 = tpu.concatenate %slice3A_3202, %slice3A_3203 in 0 : vector<32x128xi32>, vector<32x128xi32> -> vector<64x128xi32>
    %slice3A_3205 = vector.extract_strided_slice %select_n3A_3200 {offsets = [32, 0], sizes = [32, 128], strides = [1, 1]} : vector<64x128xi32> to vector<32x128xi32>
    %slice3A_3206 = vector.extract_strided_slice %select_n3A_3200 {offsets = [0, 0], sizes = [32, 128], strides = [1, 1]} : vector<64x128xi32> to vector<32x128xi32>
    %concatenate3A_3207 = tpu.concatenate %slice3A_3205, %slice3A_3206 in 0 : vector<32x128xi32>, vector<32x128xi32> -> vector<64x128xi32>
    %and3A_3208 = arith.constant 32 : i32
    %and3A_3209 = vector.broadcast %and3A_3208 : i32 to vector<64x128xi32>
    %and3A_3210 = arith.andi %iota3A, %and3A_3209 : vector<64x128xi32>
    %ne3A_3211 = arith.constant 0 : i32
    %ne3A_3212 = vector.broadcast %ne3A_3211 : i32 to vector<64x128xi32>
    %ne3A_3213 = arith.cmpi ne, %and3A_3210, %ne3A_3212 : vector<64x128xi32>
    %select_n3A_3214 = arith.select %ne3A_3213, %concatenate3A_3207, %concatenate3A_3204 : vector<64x128xi1>, vector<64x128xi32>
    %slice3A_3215 = vector.extract_strided_slice %select_n3A_3201 {offsets = [32, 0], sizes = [32, 128], strides = [1, 1]} : vector<64x128xi32> to vector<32x128xi32>
    %slice3A_3216 = vector.extract_strided_slice %select_n3A_3201 {offsets = [0, 0], sizes = [32, 128], strides = [1, 1]} : vector<64x128xi32> to vector<32x128xi32>
    %concatenate3A_3217 = tpu.concatenate %slice3A_3215, %slice3A_3216 in 0 : vector<32x128xi32>, vector<32x128xi32> -> vector<64x128xi32>
    %slice3A_3218 = vector.extract_strided_slice %select_n3A_3201 {offsets = [32, 0], sizes = [32, 128], strides = [1, 1]} : vector<64x128xi32> to vector<32x128xi32>
    %slice3A_3219 = vector.extract_strided_slice %select_n3A_3201 {offsets = [0, 0], sizes = [32, 128], strides = [1, 1]} : vector<64x128xi32> to vector<32x128xi32>
    %concatenate3A_3220 = tpu.concatenate %slice3A_3218, %slice3A_3219 in 0 : vector<32x128xi32>, vector<32x128xi32> -> vector<64x128xi32>
    %and3A_3221 = arith.constant 32 : i32
    %and3A_3222 = vector.broadcast %and3A_3221 : i32 to vector<64x128xi32>
    %and3A_3223 = arith.andi %iota3A, %and3A_3222 : vector<64x128xi32>
    %ne3A_3224 = arith.constant 0 : i32
    %ne3A_3225 = vector.broadcast %ne3A_3224 : i32 to vector<64x128xi32>
    %ne3A_3226 = arith.cmpi ne, %and3A_3223, %ne3A_3225 : vector<64x128xi32>
    %select_n3A_3227 = arith.select %ne3A_3226, %concatenate3A_3220, %concatenate3A_3217 : vector<64x128xi1>, vector<64x128xi32>
    %broadcast_in_dim3A = arith.constant false
    %broadcast_in_dim3A_3228 = vector.broadcast %broadcast_in_dim3A : i1 to vector<64x128xi1>
    %gt3A_3229 = arith.cmpi sgt, %select_n3A_3200, %select_n3A_3214 : vector<64x128xi32>
    %eq3A_3230 = arith.cmpi eq, %select_n3A_3200, %select_n3A_3214 : vector<64x128xi32>
    %lt3A_3231 = arith.cmpi slt, %select_n3A_3201, %select_n3A_3227 : vector<64x128xi32>
    %and3A_3232 = arith.andi %eq3A_3230, %lt3A_3231 : vector<64x128xi1>
    %or3A_3233 = arith.ori %gt3A_3229, %and3A_3232 : vector<64x128xi1>
    %xor3A_3234 = arith.xori %or3A_3233, %ne3A_3213 : vector<64x128xi1>
    %xor3A_3235 = arith.xori %xor3A_3234, %broadcast_in_dim3A_3228 : vector<64x128xi1>
    %select_n3A_3236 = arith.select %xor3A_3235, %select_n3A_3200, %select_n3A_3214 : vector<64x128xi1>, vector<64x128xi32>
    %select_n3A_3237 = arith.select %xor3A_3235, %select_n3A_3201, %select_n3A_3227 : vector<64x128xi1>, vector<64x128xi32>
    %slice3A_3238 = vector.extract_strided_slice %select_n3A_3236 {offsets = [16, 0], sizes = [48, 128], strides = [1, 1]} : vector<64x128xi32> to vector<48x128xi32>
    %slice3A_3239 = vector.extract_strided_slice %select_n3A_3236 {offsets = [0, 0], sizes = [16, 128], strides = [1, 1]} : vector<64x128xi32> to vector<16x128xi32>
    %concatenate3A_3240 = tpu.concatenate %slice3A_3238, %slice3A_3239 in 0 : vector<48x128xi32>, vector<16x128xi32> -> vector<64x128xi32>
    %slice3A_3241 = vector.extract_strided_slice %select_n3A_3236 {offsets = [48, 0], sizes = [16, 128], strides = [1, 1]} : vector<64x128xi32> to vector<16x128xi32>
    %slice3A_3242 = vector.extract_strided_slice %select_n3A_3236 {offsets = [0, 0], sizes = [48, 128], strides = [1, 1]} : vector<64x128xi32> to vector<48x128xi32>
    %concatenate3A_3243 = tpu.concatenate %slice3A_3241, %slice3A_3242 in 0 : vector<16x128xi32>, vector<48x128xi32> -> vector<64x128xi32>
    %and3A_3244 = arith.constant 16 : i32
    %and3A_3245 = vector.broadcast %and3A_3244 : i32 to vector<64x128xi32>
    %and3A_3246 = arith.andi %iota3A, %and3A_3245 : vector<64x128xi32>
    %ne3A_3247 = arith.constant 0 : i32
    %ne3A_3248 = vector.broadcast %ne3A_3247 : i32 to vector<64x128xi32>
    %ne3A_3249 = arith.cmpi ne, %and3A_3246, %ne3A_3248 : vector<64x128xi32>
    %select_n3A_3250 = arith.select %ne3A_3249, %concatenate3A_3243, %concatenate3A_3240 : vector<64x128xi1>, vector<64x128xi32>
    %slice3A_3251 = vector.extract_strided_slice %select_n3A_3237 {offsets = [16, 0], sizes = [48, 128], strides = [1, 1]} : vector<64x128xi32> to vector<48x128xi32>
    %slice3A_3252 = vector.extract_strided_slice %select_n3A_3237 {offsets = [0, 0], sizes = [16, 128], strides = [1, 1]} : vector<64x128xi32> to vector<16x128xi32>
    %concatenate3A_3253 = tpu.concatenate %slice3A_3251, %slice3A_3252 in 0 : vector<48x128xi32>, vector<16x128xi32> -> vector<64x128xi32>
    %slice3A_3254 = vector.extract_strided_slice %select_n3A_3237 {offsets = [48, 0], sizes = [16, 128], strides = [1, 1]} : vector<64x128xi32> to vector<16x128xi32>
    %slice3A_3255 = vector.extract_strided_slice %select_n3A_3237 {offsets = [0, 0], sizes = [48, 128], strides = [1, 1]} : vector<64x128xi32> to vector<48x128xi32>
    %concatenate3A_3256 = tpu.concatenate %slice3A_3254, %slice3A_3255 in 0 : vector<16x128xi32>, vector<48x128xi32> -> vector<64x128xi32>
    %and3A_3257 = arith.constant 16 : i32
    %and3A_3258 = vector.broadcast %and3A_3257 : i32 to vector<64x128xi32>
    %and3A_3259 = arith.andi %iota3A, %and3A_3258 : vector<64x128xi32>
    %ne3A_3260 = arith.constant 0 : i32
    %ne3A_3261 = vector.broadcast %ne3A_3260 : i32 to vector<64x128xi32>
    %ne3A_3262 = arith.cmpi ne, %and3A_3259, %ne3A_3261 : vector<64x128xi32>
    %select_n3A_3263 = arith.select %ne3A_3262, %concatenate3A_3256, %concatenate3A_3253 : vector<64x128xi1>, vector<64x128xi32>
    %broadcast_in_dim3A_3264 = arith.constant false
    %broadcast_in_dim3A_3265 = vector.broadcast %broadcast_in_dim3A_3264 : i1 to vector<64x128xi1>
    %gt3A_3266 = arith.cmpi sgt, %select_n3A_3236, %select_n3A_3250 : vector<64x128xi32>
    %eq3A_3267 = arith.cmpi eq, %select_n3A_3236, %select_n3A_3250 : vector<64x128xi32>
    %lt3A_3268 = arith.cmpi slt, %select_n3A_3237, %select_n3A_3263 : vector<64x128xi32>
    %and3A_3269 = arith.andi %eq3A_3267, %lt3A_3268 : vector<64x128xi1>
    %or3A_3270 = arith.ori %gt3A_3266, %and3A_3269 : vector<64x128xi1>
    %xor3A_3271 = arith.xori %or3A_3270, %ne3A_3249 : vector<64x128xi1>
    %xor3A_3272 = arith.xori %xor3A_3271, %broadcast_in_dim3A_3265 : vector<64x128xi1>
    %select_n3A_3273 = arith.select %xor3A_3272, %select_n3A_3236, %select_n3A_3250 : vector<64x128xi1>, vector<64x128xi32>
    %select_n3A_3274 = arith.select %xor3A_3272, %select_n3A_3237, %select_n3A_3263 : vector<64x128xi1>, vector<64x128xi32>
    %slice3A_3275 = vector.extract_strided_slice %select_n3A_3273 {offsets = [8, 0], sizes = [56, 128], strides = [1, 1]} : vector<64x128xi32> to vector<56x128xi32>
    %slice3A_3276 = vector.extract_strided_slice %select_n3A_3273 {offsets = [0, 0], sizes = [8, 128], strides = [1, 1]} : vector<64x128xi32> to vector<8x128xi32>
    %concatenate3A_3277 = tpu.concatenate %slice3A_3275, %slice3A_3276 in 0 : vector<56x128xi32>, vector<8x128xi32> -> vector<64x128xi32>
    %slice3A_3278 = vector.extract_strided_slice %select_n3A_3273 {offsets = [56, 0], sizes = [8, 128], strides = [1, 1]} : vector<64x128xi32> to vector<8x128xi32>
    %slice3A_3279 = vector.extract_strided_slice %select_n3A_3273 {offsets = [0, 0], sizes = [56, 128], strides = [1, 1]} : vector<64x128xi32> to vector<56x128xi32>
    %concatenate3A_3280 = tpu.concatenate %slice3A_3278, %slice3A_3279 in 0 : vector<8x128xi32>, vector<56x128xi32> -> vector<64x128xi32>
    %and3A_3281 = arith.constant 8 : i32
    %and3A_3282 = vector.broadcast %and3A_3281 : i32 to vector<64x128xi32>
    %and3A_3283 = arith.andi %iota3A, %and3A_3282 : vector<64x128xi32>
    %ne3A_3284 = arith.constant 0 : i32
    %ne3A_3285 = vector.broadcast %ne3A_3284 : i32 to vector<64x128xi32>
    %ne3A_3286 = arith.cmpi ne, %and3A_3283, %ne3A_3285 : vector<64x128xi32>
    %select_n3A_3287 = arith.select %ne3A_3286, %concatenate3A_3280, %concatenate3A_3277 : vector<64x128xi1>, vector<64x128xi32>
    %slice3A_3288 = vector.extract_strided_slice %select_n3A_3274 {offsets = [8, 0], sizes = [56, 128], strides = [1, 1]} : vector<64x128xi32> to vector<56x128xi32>
    %slice3A_3289 = vector.extract_strided_slice %select_n3A_3274 {offsets = [0, 0], sizes = [8, 128], strides = [1, 1]} : vector<64x128xi32> to vector<8x128xi32>
    %concatenate3A_3290 = tpu.concatenate %slice3A_3288, %slice3A_3289 in 0 : vector<56x128xi32>, vector<8x128xi32> -> vector<64x128xi32>
    %slice3A_3291 = vector.extract_strided_slice %select_n3A_3274 {offsets = [56, 0], sizes = [8, 128], strides = [1, 1]} : vector<64x128xi32> to vector<8x128xi32>
    %slice3A_3292 = vector.extract_strided_slice %select_n3A_3274 {offsets = [0, 0], sizes = [56, 128], strides = [1, 1]} : vector<64x128xi32> to vector<56x128xi32>
    %concatenate3A_3293 = tpu.concatenate %slice3A_3291, %slice3A_3292 in 0 : vector<8x128xi32>, vector<56x128xi32> -> vector<64x128xi32>
    %and3A_3294 = arith.constant 8 : i32
    %and3A_3295 = vector.broadcast %and3A_3294 : i32 to vector<64x128xi32>
    %and3A_3296 = arith.andi %iota3A, %and3A_3295 : vector<64x128xi32>
    %ne3A_3297 = arith.constant 0 : i32
    %ne3A_3298 = vector.broadcast %ne3A_3297 : i32 to vector<64x128xi32>
    %ne3A_3299 = arith.cmpi ne, %and3A_3296, %ne3A_3298 : vector<64x128xi32>
    %select_n3A_3300 = arith.select %ne3A_3299, %concatenate3A_3293, %concatenate3A_3290 : vector<64x128xi1>, vector<64x128xi32>
    %broadcast_in_dim3A_3301 = arith.constant false
    %broadcast_in_dim3A_3302 = vector.broadcast %broadcast_in_dim3A_3301 : i1 to vector<64x128xi1>
    %gt3A_3303 = arith.cmpi sgt, %select_n3A_3273, %select_n3A_3287 : vector<64x128xi32>
    %eq3A_3304 = arith.cmpi eq, %select_n3A_3273, %select_n3A_3287 : vector<64x128xi32>
    %lt3A_3305 = arith.cmpi slt, %select_n3A_3274, %select_n3A_3300 : vector<64x128xi32>
    %and3A_3306 = arith.andi %eq3A_3304, %lt3A_3305 : vector<64x128xi1>
    %or3A_3307 = arith.ori %gt3A_3303, %and3A_3306 : vector<64x128xi1>
    %xor3A_3308 = arith.xori %or3A_3307, %ne3A_3286 : vector<64x128xi1>
    %xor3A_3309 = arith.xori %xor3A_3308, %broadcast_in_dim3A_3302 : vector<64x128xi1>
    %select_n3A_3310 = arith.select %xor3A_3309, %select_n3A_3273, %select_n3A_3287 : vector<64x128xi1>, vector<64x128xi32>
    %select_n3A_3311 = arith.select %xor3A_3309, %select_n3A_3274, %select_n3A_3300 : vector<64x128xi1>, vector<64x128xi32>
    %slice3A_3312 = vector.extract_strided_slice %select_n3A_3310 {offsets = [4, 0], sizes = [60, 128], strides = [1, 1]} : vector<64x128xi32> to vector<60x128xi32>
    %slice3A_3313 = vector.extract_strided_slice %select_n3A_3310 {offsets = [0, 0], sizes = [4, 128], strides = [1, 1]} : vector<64x128xi32> to vector<4x128xi32>
    %concatenate3A_3314 = tpu.concatenate %slice3A_3312, %slice3A_3313 in 0 : vector<60x128xi32>, vector<4x128xi32> -> vector<64x128xi32>
    %slice3A_3315 = vector.extract_strided_slice %select_n3A_3310 {offsets = [60, 0], sizes = [4, 128], strides = [1, 1]} : vector<64x128xi32> to vector<4x128xi32>
    %slice3A_3316 = vector.extract_strided_slice %select_n3A_3310 {offsets = [0, 0], sizes = [60, 128], strides = [1, 1]} : vector<64x128xi32> to vector<60x128xi32>
    %concatenate3A_3317 = tpu.concatenate %slice3A_3315, %slice3A_3316 in 0 : vector<4x128xi32>, vector<60x128xi32> -> vector<64x128xi32>
    %and3A_3318 = arith.constant 4 : i32
    %and3A_3319 = vector.broadcast %and3A_3318 : i32 to vector<64x128xi32>
    %and3A_3320 = arith.andi %iota3A, %and3A_3319 : vector<64x128xi32>
    %ne3A_3321 = arith.constant 0 : i32
    %ne3A_3322 = vector.broadcast %ne3A_3321 : i32 to vector<64x128xi32>
    %ne3A_3323 = arith.cmpi ne, %and3A_3320, %ne3A_3322 : vector<64x128xi32>
    %select_n3A_3324 = arith.select %ne3A_3323, %concatenate3A_3317, %concatenate3A_3314 : vector<64x128xi1>, vector<64x128xi32>
    %slice3A_3325 = vector.extract_strided_slice %select_n3A_3311 {offsets = [4, 0], sizes = [60, 128], strides = [1, 1]} : vector<64x128xi32> to vector<60x128xi32>
    %slice3A_3326 = vector.extract_strided_slice %select_n3A_3311 {offsets = [0, 0], sizes = [4, 128], strides = [1, 1]} : vector<64x128xi32> to vector<4x128xi32>
    %concatenate3A_3327 = tpu.concatenate %slice3A_3325, %slice3A_3326 in 0 : vector<60x128xi32>, vector<4x128xi32> -> vector<64x128xi32>
    %slice3A_3328 = vector.extract_strided_slice %select_n3A_3311 {offsets = [60, 0], sizes = [4, 128], strides = [1, 1]} : vector<64x128xi32> to vector<4x128xi32>
    %slice3A_3329 = vector.extract_strided_slice %select_n3A_3311 {offsets = [0, 0], sizes = [60, 128], strides = [1, 1]} : vector<64x128xi32> to vector<60x128xi32>
    %concatenate3A_3330 = tpu.concatenate %slice3A_3328, %slice3A_3329 in 0 : vector<4x128xi32>, vector<60x128xi32> -> vector<64x128xi32>
    %and3A_3331 = arith.constant 4 : i32
    %and3A_3332 = vector.broadcast %and3A_3331 : i32 to vector<64x128xi32>
    %and3A_3333 = arith.andi %iota3A, %and3A_3332 : vector<64x128xi32>
    %ne3A_3334 = arith.constant 0 : i32
    %ne3A_3335 = vector.broadcast %ne3A_3334 : i32 to vector<64x128xi32>
    %ne3A_3336 = arith.cmpi ne, %and3A_3333, %ne3A_3335 : vector<64x128xi32>
    %select_n3A_3337 = arith.select %ne3A_3336, %concatenate3A_3330, %concatenate3A_3327 : vector<64x128xi1>, vector<64x128xi32>
    %broadcast_in_dim3A_3338 = arith.constant false
    %broadcast_in_dim3A_3339 = vector.broadcast %broadcast_in_dim3A_3338 : i1 to vector<64x128xi1>
    %gt3A_3340 = arith.cmpi sgt, %select_n3A_3310, %select_n3A_3324 : vector<64x128xi32>
    %eq3A_3341 = arith.cmpi eq, %select_n3A_3310, %select_n3A_3324 : vector<64x128xi32>
    %lt3A_3342 = arith.cmpi slt, %select_n3A_3311, %select_n3A_3337 : vector<64x128xi32>
    %and3A_3343 = arith.andi %eq3A_3341, %lt3A_3342 : vector<64x128xi1>
    %or3A_3344 = arith.ori %gt3A_3340, %and3A_3343 : vector<64x128xi1>
    %xor3A_3345 = arith.xori %or3A_3344, %ne3A_3323 : vector<64x128xi1>
    %xor3A_3346 = arith.xori %xor3A_3345, %broadcast_in_dim3A_3339 : vector<64x128xi1>
    %select_n3A_3347 = arith.select %xor3A_3346, %select_n3A_3310, %select_n3A_3324 : vector<64x128xi1>, vector<64x128xi32>
    %select_n3A_3348 = arith.select %xor3A_3346, %select_n3A_3311, %select_n3A_3337 : vector<64x128xi1>, vector<64x128xi32>
    %slice3A_3349 = vector.extract_strided_slice %select_n3A_3347 {offsets = [2, 0], sizes = [62, 128], strides = [1, 1]} : vector<64x128xi32> to vector<62x128xi32>
    %slice3A_3350 = vector.extract_strided_slice %select_n3A_3347 {offsets = [0, 0], sizes = [2, 128], strides = [1, 1]} : vector<64x128xi32> to vector<2x128xi32>
    %concatenate3A_3351 = tpu.concatenate %slice3A_3349, %slice3A_3350 in 0 : vector<62x128xi32>, vector<2x128xi32> -> vector<64x128xi32>
    %slice3A_3352 = vector.extract_strided_slice %select_n3A_3347 {offsets = [62, 0], sizes = [2, 128], strides = [1, 1]} : vector<64x128xi32> to vector<2x128xi32>
    %slice3A_3353 = vector.extract_strided_slice %select_n3A_3347 {offsets = [0, 0], sizes = [62, 128], strides = [1, 1]} : vector<64x128xi32> to vector<62x128xi32>
    %concatenate3A_3354 = tpu.concatenate %slice3A_3352, %slice3A_3353 in 0 : vector<2x128xi32>, vector<62x128xi32> -> vector<64x128xi32>
    %and3A_3355 = arith.constant 2 : i32
    %and3A_3356 = vector.broadcast %and3A_3355 : i32 to vector<64x128xi32>
    %and3A_3357 = arith.andi %iota3A, %and3A_3356 : vector<64x128xi32>
    %ne3A_3358 = arith.constant 0 : i32
    %ne3A_3359 = vector.broadcast %ne3A_3358 : i32 to vector<64x128xi32>
    %ne3A_3360 = arith.cmpi ne, %and3A_3357, %ne3A_3359 : vector<64x128xi32>
    %select_n3A_3361 = arith.select %ne3A_3360, %concatenate3A_3354, %concatenate3A_3351 : vector<64x128xi1>, vector<64x128xi32>
    %slice3A_3362 = vector.extract_strided_slice %select_n3A_3348 {offsets = [2, 0], sizes = [62, 128], strides = [1, 1]} : vector<64x128xi32> to vector<62x128xi32>
    %slice3A_3363 = vector.extract_strided_slice %select_n3A_3348 {offsets = [0, 0], sizes = [2, 128], strides = [1, 1]} : vector<64x128xi32> to vector<2x128xi32>
    %concatenate3A_3364 = tpu.concatenate %slice3A_3362, %slice3A_3363 in 0 : vector<62x128xi32>, vector<2x128xi32> -> vector<64x128xi32>
    %slice3A_3365 = vector.extract_strided_slice %select_n3A_3348 {offsets = [62, 0], sizes = [2, 128], strides = [1, 1]} : vector<64x128xi32> to vector<2x128xi32>
    %slice3A_3366 = vector.extract_strided_slice %select_n3A_3348 {offsets = [0, 0], sizes = [62, 128], strides = [1, 1]} : vector<64x128xi32> to vector<62x128xi32>
    %concatenate3A_3367 = tpu.concatenate %slice3A_3365, %slice3A_3366 in 0 : vector<2x128xi32>, vector<62x128xi32> -> vector<64x128xi32>
    %and3A_3368 = arith.constant 2 : i32
    %and3A_3369 = vector.broadcast %and3A_3368 : i32 to vector<64x128xi32>
    %and3A_3370 = arith.andi %iota3A, %and3A_3369 : vector<64x128xi32>
    %ne3A_3371 = arith.constant 0 : i32
    %ne3A_3372 = vector.broadcast %ne3A_3371 : i32 to vector<64x128xi32>
    %ne3A_3373 = arith.cmpi ne, %and3A_3370, %ne3A_3372 : vector<64x128xi32>
    %select_n3A_3374 = arith.select %ne3A_3373, %concatenate3A_3367, %concatenate3A_3364 : vector<64x128xi1>, vector<64x128xi32>
    %broadcast_in_dim3A_3375 = arith.constant false
    %broadcast_in_dim3A_3376 = vector.broadcast %broadcast_in_dim3A_3375 : i1 to vector<64x128xi1>
    %gt3A_3377 = arith.cmpi sgt, %select_n3A_3347, %select_n3A_3361 : vector<64x128xi32>
    %eq3A_3378 = arith.cmpi eq, %select_n3A_3347, %select_n3A_3361 : vector<64x128xi32>
    %lt3A_3379 = arith.cmpi slt, %select_n3A_3348, %select_n3A_3374 : vector<64x128xi32>
    %and3A_3380 = arith.andi %eq3A_3378, %lt3A_3379 : vector<64x128xi1>
    %or3A_3381 = arith.ori %gt3A_3377, %and3A_3380 : vector<64x128xi1>
    %xor3A_3382 = arith.xori %or3A_3381, %ne3A_3360 : vector<64x128xi1>
    %xor3A_3383 = arith.xori %xor3A_3382, %broadcast_in_dim3A_3376 : vector<64x128xi1>
    %select_n3A_3384 = arith.select %xor3A_3383, %select_n3A_3347, %select_n3A_3361 : vector<64x128xi1>, vector<64x128xi32>
    %select_n3A_3385 = arith.select %xor3A_3383, %select_n3A_3348, %select_n3A_3374 : vector<64x128xi1>, vector<64x128xi32>
    %slice3A_3386 = vector.extract_strided_slice %select_n3A_3384 {offsets = [1, 0], sizes = [63, 128], strides = [1, 1]} : vector<64x128xi32> to vector<63x128xi32>
    %slice3A_3387 = vector.extract_strided_slice %select_n3A_3384 {offsets = [0, 0], sizes = [1, 128], strides = [1, 1]} : vector<64x128xi32> to vector<1x128xi32>
    %concatenate3A_3388 = tpu.concatenate %slice3A_3386, %slice3A_3387 in 0 : vector<63x128xi32>, vector<1x128xi32> -> vector<64x128xi32>
    %slice3A_3389 = vector.extract_strided_slice %select_n3A_3384 {offsets = [63, 0], sizes = [1, 128], strides = [1, 1]} : vector<64x128xi32> to vector<1x128xi32>
    %slice3A_3390 = vector.extract_strided_slice %select_n3A_3384 {offsets = [0, 0], sizes = [63, 128], strides = [1, 1]} : vector<64x128xi32> to vector<63x128xi32>
    %concatenate3A_3391 = tpu.concatenate %slice3A_3389, %slice3A_3390 in 0 : vector<1x128xi32>, vector<63x128xi32> -> vector<64x128xi32>
    %and3A_3392 = arith.constant 1 : i32
    %and3A_3393 = vector.broadcast %and3A_3392 : i32 to vector<64x128xi32>
    %and3A_3394 = arith.andi %iota3A, %and3A_3393 : vector<64x128xi32>
    %ne3A_3395 = arith.constant 0 : i32
    %ne3A_3396 = vector.broadcast %ne3A_3395 : i32 to vector<64x128xi32>
    %ne3A_3397 = arith.cmpi ne, %and3A_3394, %ne3A_3396 : vector<64x128xi32>
    %select_n3A_3398 = arith.select %ne3A_3397, %concatenate3A_3391, %concatenate3A_3388 : vector<64x128xi1>, vector<64x128xi32>
    %slice3A_3399 = vector.extract_strided_slice %select_n3A_3385 {offsets = [1, 0], sizes = [63, 128], strides = [1, 1]} : vector<64x128xi32> to vector<63x128xi32>
    %slice3A_3400 = vector.extract_strided_slice %select_n3A_3385 {offsets = [0, 0], sizes = [1, 128], strides = [1, 1]} : vector<64x128xi32> to vector<1x128xi32>
    %concatenate3A_3401 = tpu.concatenate %slice3A_3399, %slice3A_3400 in 0 : vector<63x128xi32>, vector<1x128xi32> -> vector<64x128xi32>
    %slice3A_3402 = vector.extract_strided_slice %select_n3A_3385 {offsets = [63, 0], sizes = [1, 128], strides = [1, 1]} : vector<64x128xi32> to vector<1x128xi32>
    %slice3A_3403 = vector.extract_strided_slice %select_n3A_3385 {offsets = [0, 0], sizes = [63, 128], strides = [1, 1]} : vector<64x128xi32> to vector<63x128xi32>
    %concatenate3A_3404 = tpu.concatenate %slice3A_3402, %slice3A_3403 in 0 : vector<1x128xi32>, vector<63x128xi32> -> vector<64x128xi32>
    %and3A_3405 = arith.constant 1 : i32
    %and3A_3406 = vector.broadcast %and3A_3405 : i32 to vector<64x128xi32>
    %and3A_3407 = arith.andi %iota3A, %and3A_3406 : vector<64x128xi32>
    %ne3A_3408 = arith.constant 0 : i32
    %ne3A_3409 = vector.broadcast %ne3A_3408 : i32 to vector<64x128xi32>
    %ne3A_3410 = arith.cmpi ne, %and3A_3407, %ne3A_3409 : vector<64x128xi32>
    %select_n3A_3411 = arith.select %ne3A_3410, %concatenate3A_3404, %concatenate3A_3401 : vector<64x128xi1>, vector<64x128xi32>
    %broadcast_in_dim3A_3412 = arith.constant false
    %broadcast_in_dim3A_3413 = vector.broadcast %broadcast_in_dim3A_3412 : i1 to vector<64x128xi1>
    %gt3A_3414 = arith.cmpi sgt, %select_n3A_3384, %select_n3A_3398 : vector<64x128xi32>
    %eq3A_3415 = arith.cmpi eq, %select_n3A_3384, %select_n3A_3398 : vector<64x128xi32>
    %lt3A_3416 = arith.cmpi slt, %select_n3A_3385, %select_n3A_3411 : vector<64x128xi32>
    %and3A_3417 = arith.andi %eq3A_3415, %lt3A_3416 : vector<64x128xi1>
    %or3A_3418 = arith.ori %gt3A_3414, %and3A_3417 : vector<64x128xi1>
    %xor3A_3419 = arith.xori %or3A_3418, %ne3A_3397 : vector<64x128xi1>
    %xor3A_3420 = arith.xori %xor3A_3419, %broadcast_in_dim3A_3413 : vector<64x128xi1>
    %select_n3A_3421 = arith.select %xor3A_3420, %select_n3A_3384, %select_n3A_3398 : vector<64x128xi1>, vector<64x128xi32>
    %select_n3A_3422 = arith.select %xor3A_3420, %select_n3A_3385, %select_n3A_3411 : vector<64x128xi1>, vector<64x128xi32>
    %slice3A_3423 = vector.extract_strided_slice %select_n3A_3421 {offsets = [0, 64], sizes = [64, 64], strides = [1, 1]} : vector<64x128xi32> to vector<64x64xi32>
    %slice3A_3424 = vector.extract_strided_slice %select_n3A_3421 {offsets = [0, 0], sizes = [64, 64], strides = [1, 1]} : vector<64x128xi32> to vector<64x64xi32>
    %concatenate3A_3425 = tpu.concatenate %slice3A_3423, %slice3A_3424 in 1 : vector<64x64xi32>, vector<64x64xi32> -> vector<64x128xi32>
    %slice3A_3426 = vector.extract_strided_slice %select_n3A_3421 {offsets = [0, 64], sizes = [64, 64], strides = [1, 1]} : vector<64x128xi32> to vector<64x64xi32>
    %slice3A_3427 = vector.extract_strided_slice %select_n3A_3421 {offsets = [0, 0], sizes = [64, 64], strides = [1, 1]} : vector<64x128xi32> to vector<64x64xi32>
    %concatenate3A_3428 = tpu.concatenate %slice3A_3426, %slice3A_3427 in 1 : vector<64x64xi32>, vector<64x64xi32> -> vector<64x128xi32>
    %and3A_3429 = arith.constant 64 : i32
    %and3A_3430 = vector.broadcast %and3A_3429 : i32 to vector<64x128xi32>
    %and3A_3431 = arith.andi %iota3A_4, %and3A_3430 : vector<64x128xi32>
    %ne3A_3432 = arith.constant 0 : i32
    %ne3A_3433 = vector.broadcast %ne3A_3432 : i32 to vector<64x128xi32>
    %ne3A_3434 = arith.cmpi ne, %and3A_3431, %ne3A_3433 : vector<64x128xi32>
    %select_n3A_3435 = arith.select %ne3A_3434, %concatenate3A_3428, %concatenate3A_3425 : vector<64x128xi1>, vector<64x128xi32>
    %slice3A_3436 = vector.extract_strided_slice %select_n3A_3422 {offsets = [0, 64], sizes = [64, 64], strides = [1, 1]} : vector<64x128xi32> to vector<64x64xi32>
    %slice3A_3437 = vector.extract_strided_slice %select_n3A_3422 {offsets = [0, 0], sizes = [64, 64], strides = [1, 1]} : vector<64x128xi32> to vector<64x64xi32>
    %concatenate3A_3438 = tpu.concatenate %slice3A_3436, %slice3A_3437 in 1 : vector<64x64xi32>, vector<64x64xi32> -> vector<64x128xi32>
    %slice3A_3439 = vector.extract_strided_slice %select_n3A_3422 {offsets = [0, 64], sizes = [64, 64], strides = [1, 1]} : vector<64x128xi32> to vector<64x64xi32>
    %slice3A_3440 = vector.extract_strided_slice %select_n3A_3422 {offsets = [0, 0], sizes = [64, 64], strides = [1, 1]} : vector<64x128xi32> to vector<64x64xi32>
    %concatenate3A_3441 = tpu.concatenate %slice3A_3439, %slice3A_3440 in 1 : vector<64x64xi32>, vector<64x64xi32> -> vector<64x128xi32>
    %and3A_3442 = arith.constant 64 : i32
    %and3A_3443 = vector.broadcast %and3A_3442 : i32 to vector<64x128xi32>
    %and3A_3444 = arith.andi %iota3A_4, %and3A_3443 : vector<64x128xi32>
    %ne3A_3445 = arith.constant 0 : i32
    %ne3A_3446 = vector.broadcast %ne3A_3445 : i32 to vector<64x128xi32>
    %ne3A_3447 = arith.cmpi ne, %and3A_3444, %ne3A_3446 : vector<64x128xi32>
    %select_n3A_3448 = arith.select %ne3A_3447, %concatenate3A_3441, %concatenate3A_3438 : vector<64x128xi1>, vector<64x128xi32>
    %broadcast_in_dim3A_3449 = arith.constant false
    %broadcast_in_dim3A_3450 = vector.broadcast %broadcast_in_dim3A_3449 : i1 to vector<64x128xi1>
    %gt3A_3451 = arith.cmpi sgt, %select_n3A_3421, %select_n3A_3435 : vector<64x128xi32>
    %eq3A_3452 = arith.cmpi eq, %select_n3A_3421, %select_n3A_3435 : vector<64x128xi32>
    %lt3A_3453 = arith.cmpi slt, %select_n3A_3422, %select_n3A_3448 : vector<64x128xi32>
    %and3A_3454 = arith.andi %eq3A_3452, %lt3A_3453 : vector<64x128xi1>
    %or3A_3455 = arith.ori %gt3A_3451, %and3A_3454 : vector<64x128xi1>
    %xor3A_3456 = arith.xori %or3A_3455, %ne3A_3434 : vector<64x128xi1>
    %xor3A_3457 = arith.xori %xor3A_3456, %broadcast_in_dim3A_3450 : vector<64x128xi1>
    %select_n3A_3458 = arith.select %xor3A_3457, %select_n3A_3421, %select_n3A_3435 : vector<64x128xi1>, vector<64x128xi32>
    %select_n3A_3459 = arith.select %xor3A_3457, %select_n3A_3422, %select_n3A_3448 : vector<64x128xi1>, vector<64x128xi32>
    %slice3A_3460 = vector.extract_strided_slice %select_n3A_3458 {offsets = [0, 32], sizes = [64, 96], strides = [1, 1]} : vector<64x128xi32> to vector<64x96xi32>
    %slice3A_3461 = vector.extract_strided_slice %select_n3A_3458 {offsets = [0, 0], sizes = [64, 32], strides = [1, 1]} : vector<64x128xi32> to vector<64x32xi32>
    %concatenate3A_3462 = tpu.concatenate %slice3A_3460, %slice3A_3461 in 1 : vector<64x96xi32>, vector<64x32xi32> -> vector<64x128xi32>
    %slice3A_3463 = vector.extract_strided_slice %select_n3A_3458 {offsets = [0, 96], sizes = [64, 32], strides = [1, 1]} : vector<64x128xi32> to vector<64x32xi32>
    %slice3A_3464 = vector.extract_strided_slice %select_n3A_3458 {offsets = [0, 0], sizes = [64, 96], strides = [1, 1]} : vector<64x128xi32> to vector<64x96xi32>
    %concatenate3A_3465 = tpu.concatenate %slice3A_3463, %slice3A_3464 in 1 : vector<64x32xi32>, vector<64x96xi32> -> vector<64x128xi32>
    %and3A_3466 = arith.constant 32 : i32
    %and3A_3467 = vector.broadcast %and3A_3466 : i32 to vector<64x128xi32>
    %and3A_3468 = arith.andi %iota3A_4, %and3A_3467 : vector<64x128xi32>
    %ne3A_3469 = arith.constant 0 : i32
    %ne3A_3470 = vector.broadcast %ne3A_3469 : i32 to vector<64x128xi32>
    %ne3A_3471 = arith.cmpi ne, %and3A_3468, %ne3A_3470 : vector<64x128xi32>
    %select_n3A_3472 = arith.select %ne3A_3471, %concatenate3A_3465, %concatenate3A_3462 : vector<64x128xi1>, vector<64x128xi32>
    %slice3A_3473 = vector.extract_strided_slice %select_n3A_3459 {offsets = [0, 32], sizes = [64, 96], strides = [1, 1]} : vector<64x128xi32> to vector<64x96xi32>
    %slice3A_3474 = vector.extract_strided_slice %select_n3A_3459 {offsets = [0, 0], sizes = [64, 32], strides = [1, 1]} : vector<64x128xi32> to vector<64x32xi32>
    %concatenate3A_3475 = tpu.concatenate %slice3A_3473, %slice3A_3474 in 1 : vector<64x96xi32>, vector<64x32xi32> -> vector<64x128xi32>
    %slice3A_3476 = vector.extract_strided_slice %select_n3A_3459 {offsets = [0, 96], sizes = [64, 32], strides = [1, 1]} : vector<64x128xi32> to vector<64x32xi32>
    %slice3A_3477 = vector.extract_strided_slice %select_n3A_3459 {offsets = [0, 0], sizes = [64, 96], strides = [1, 1]} : vector<64x128xi32> to vector<64x96xi32>
    %concatenate3A_3478 = tpu.concatenate %slice3A_3476, %slice3A_3477 in 1 : vector<64x32xi32>, vector<64x96xi32> -> vector<64x128xi32>
    %and3A_3479 = arith.constant 32 : i32
    %and3A_3480 = vector.broadcast %and3A_3479 : i32 to vector<64x128xi32>
    %and3A_3481 = arith.andi %iota3A_4, %and3A_3480 : vector<64x128xi32>
    %ne3A_3482 = arith.constant 0 : i32
    %ne3A_3483 = vector.broadcast %ne3A_3482 : i32 to vector<64x128xi32>
    %ne3A_3484 = arith.cmpi ne, %and3A_3481, %ne3A_3483 : vector<64x128xi32>
    %select_n3A_3485 = arith.select %ne3A_3484, %concatenate3A_3478, %concatenate3A_3475 : vector<64x128xi1>, vector<64x128xi32>
    %broadcast_in_dim3A_3486 = arith.constant false
    %broadcast_in_dim3A_3487 = vector.broadcast %broadcast_in_dim3A_3486 : i1 to vector<64x128xi1>
    %gt3A_3488 = arith.cmpi sgt, %select_n3A_3458, %select_n3A_3472 : vector<64x128xi32>
    %eq3A_3489 = arith.cmpi eq, %select_n3A_3458, %select_n3A_3472 : vector<64x128xi32>
    %lt3A_3490 = arith.cmpi slt, %select_n3A_3459, %select_n3A_3485 : vector<64x128xi32>
    %and3A_3491 = arith.andi %eq3A_3489, %lt3A_3490 : vector<64x128xi1>
    %or3A_3492 = arith.ori %gt3A_3488, %and3A_3491 : vector<64x128xi1>
    %xor3A_3493 = arith.xori %or3A_3492, %ne3A_3471 : vector<64x128xi1>
    %xor3A_3494 = arith.xori %xor3A_3493, %broadcast_in_dim3A_3487 : vector<64x128xi1>
    %select_n3A_3495 = arith.select %xor3A_3494, %select_n3A_3458, %select_n3A_3472 : vector<64x128xi1>, vector<64x128xi32>
    %select_n3A_3496 = arith.select %xor3A_3494, %select_n3A_3459, %select_n3A_3485 : vector<64x128xi1>, vector<64x128xi32>
    %slice3A_3497 = vector.extract_strided_slice %select_n3A_3495 {offsets = [0, 16], sizes = [64, 112], strides = [1, 1]} : vector<64x128xi32> to vector<64x112xi32>
    %slice3A_3498 = vector.extract_strided_slice %select_n3A_3495 {offsets = [0, 0], sizes = [64, 16], strides = [1, 1]} : vector<64x128xi32> to vector<64x16xi32>
    %concatenate3A_3499 = tpu.concatenate %slice3A_3497, %slice3A_3498 in 1 : vector<64x112xi32>, vector<64x16xi32> -> vector<64x128xi32>
    %slice3A_3500 = vector.extract_strided_slice %select_n3A_3495 {offsets = [0, 112], sizes = [64, 16], strides = [1, 1]} : vector<64x128xi32> to vector<64x16xi32>
    %slice3A_3501 = vector.extract_strided_slice %select_n3A_3495 {offsets = [0, 0], sizes = [64, 112], strides = [1, 1]} : vector<64x128xi32> to vector<64x112xi32>
    %concatenate3A_3502 = tpu.concatenate %slice3A_3500, %slice3A_3501 in 1 : vector<64x16xi32>, vector<64x112xi32> -> vector<64x128xi32>
    %and3A_3503 = arith.constant 16 : i32
    %and3A_3504 = vector.broadcast %and3A_3503 : i32 to vector<64x128xi32>
    %and3A_3505 = arith.andi %iota3A_4, %and3A_3504 : vector<64x128xi32>
    %ne3A_3506 = arith.constant 0 : i32
    %ne3A_3507 = vector.broadcast %ne3A_3506 : i32 to vector<64x128xi32>
    %ne3A_3508 = arith.cmpi ne, %and3A_3505, %ne3A_3507 : vector<64x128xi32>
    %select_n3A_3509 = arith.select %ne3A_3508, %concatenate3A_3502, %concatenate3A_3499 : vector<64x128xi1>, vector<64x128xi32>
    %slice3A_3510 = vector.extract_strided_slice %select_n3A_3496 {offsets = [0, 16], sizes = [64, 112], strides = [1, 1]} : vector<64x128xi32> to vector<64x112xi32>
    %slice3A_3511 = vector.extract_strided_slice %select_n3A_3496 {offsets = [0, 0], sizes = [64, 16], strides = [1, 1]} : vector<64x128xi32> to vector<64x16xi32>
    %concatenate3A_3512 = tpu.concatenate %slice3A_3510, %slice3A_3511 in 1 : vector<64x112xi32>, vector<64x16xi32> -> vector<64x128xi32>
    %slice3A_3513 = vector.extract_strided_slice %select_n3A_3496 {offsets = [0, 112], sizes = [64, 16], strides = [1, 1]} : vector<64x128xi32> to vector<64x16xi32>
    %slice3A_3514 = vector.extract_strided_slice %select_n3A_3496 {offsets = [0, 0], sizes = [64, 112], strides = [1, 1]} : vector<64x128xi32> to vector<64x112xi32>
    %concatenate3A_3515 = tpu.concatenate %slice3A_3513, %slice3A_3514 in 1 : vector<64x16xi32>, vector<64x112xi32> -> vector<64x128xi32>
    %and3A_3516 = arith.constant 16 : i32
    %and3A_3517 = vector.broadcast %and3A_3516 : i32 to vector<64x128xi32>
    %and3A_3518 = arith.andi %iota3A_4, %and3A_3517 : vector<64x128xi32>
    %ne3A_3519 = arith.constant 0 : i32
    %ne3A_3520 = vector.broadcast %ne3A_3519 : i32 to vector<64x128xi32>
    %ne3A_3521 = arith.cmpi ne, %and3A_3518, %ne3A_3520 : vector<64x128xi32>
    %select_n3A_3522 = arith.select %ne3A_3521, %concatenate3A_3515, %concatenate3A_3512 : vector<64x128xi1>, vector<64x128xi32>
    %broadcast_in_dim3A_3523 = arith.constant false
    %broadcast_in_dim3A_3524 = vector.broadcast %broadcast_in_dim3A_3523 : i1 to vector<64x128xi1>
    %gt3A_3525 = arith.cmpi sgt, %select_n3A_3495, %select_n3A_3509 : vector<64x128xi32>
    %eq3A_3526 = arith.cmpi eq, %select_n3A_3495, %select_n3A_3509 : vector<64x128xi32>
    %lt3A_3527 = arith.cmpi slt, %select_n3A_3496, %select_n3A_3522 : vector<64x128xi32>
    %and3A_3528 = arith.andi %eq3A_3526, %lt3A_3527 : vector<64x128xi1>
    %or3A_3529 = arith.ori %gt3A_3525, %and3A_3528 : vector<64x128xi1>
    %xor3A_3530 = arith.xori %or3A_3529, %ne3A_3508 : vector<64x128xi1>
    %xor3A_3531 = arith.xori %xor3A_3530, %broadcast_in_dim3A_3524 : vector<64x128xi1>
    %select_n3A_3532 = arith.select %xor3A_3531, %select_n3A_3495, %select_n3A_3509 : vector<64x128xi1>, vector<64x128xi32>
    %select_n3A_3533 = arith.select %xor3A_3531, %select_n3A_3496, %select_n3A_3522 : vector<64x128xi1>, vector<64x128xi32>
    %slice3A_3534 = vector.extract_strided_slice %select_n3A_3532 {offsets = [0, 8], sizes = [64, 120], strides = [1, 1]} : vector<64x128xi32> to vector<64x120xi32>
    %slice3A_3535 = vector.extract_strided_slice %select_n3A_3532 {offsets = [0, 0], sizes = [64, 8], strides = [1, 1]} : vector<64x128xi32> to vector<64x8xi32>
    %concatenate3A_3536 = tpu.concatenate %slice3A_3534, %slice3A_3535 in 1 : vector<64x120xi32>, vector<64x8xi32> -> vector<64x128xi32>
    %slice3A_3537 = vector.extract_strided_slice %select_n3A_3532 {offsets = [0, 120], sizes = [64, 8], strides = [1, 1]} : vector<64x128xi32> to vector<64x8xi32>
    %slice3A_3538 = vector.extract_strided_slice %select_n3A_3532 {offsets = [0, 0], sizes = [64, 120], strides = [1, 1]} : vector<64x128xi32> to vector<64x120xi32>
    %concatenate3A_3539 = tpu.concatenate %slice3A_3537, %slice3A_3538 in 1 : vector<64x8xi32>, vector<64x120xi32> -> vector<64x128xi32>
    %and3A_3540 = arith.constant 8 : i32
    %and3A_3541 = vector.broadcast %and3A_3540 : i32 to vector<64x128xi32>
    %and3A_3542 = arith.andi %iota3A_4, %and3A_3541 : vector<64x128xi32>
    %ne3A_3543 = arith.constant 0 : i32
    %ne3A_3544 = vector.broadcast %ne3A_3543 : i32 to vector<64x128xi32>
    %ne3A_3545 = arith.cmpi ne, %and3A_3542, %ne3A_3544 : vector<64x128xi32>
    %select_n3A_3546 = arith.select %ne3A_3545, %concatenate3A_3539, %concatenate3A_3536 : vector<64x128xi1>, vector<64x128xi32>
    %slice3A_3547 = vector.extract_strided_slice %select_n3A_3533 {offsets = [0, 8], sizes = [64, 120], strides = [1, 1]} : vector<64x128xi32> to vector<64x120xi32>
    %slice3A_3548 = vector.extract_strided_slice %select_n3A_3533 {offsets = [0, 0], sizes = [64, 8], strides = [1, 1]} : vector<64x128xi32> to vector<64x8xi32>
    %concatenate3A_3549 = tpu.concatenate %slice3A_3547, %slice3A_3548 in 1 : vector<64x120xi32>, vector<64x8xi32> -> vector<64x128xi32>
    %slice3A_3550 = vector.extract_strided_slice %select_n3A_3533 {offsets = [0, 120], sizes = [64, 8], strides = [1, 1]} : vector<64x128xi32> to vector<64x8xi32>
    %slice3A_3551 = vector.extract_strided_slice %select_n3A_3533 {offsets = [0, 0], sizes = [64, 120], strides = [1, 1]} : vector<64x128xi32> to vector<64x120xi32>
    %concatenate3A_3552 = tpu.concatenate %slice3A_3550, %slice3A_3551 in 1 : vector<64x8xi32>, vector<64x120xi32> -> vector<64x128xi32>
    %and3A_3553 = arith.constant 8 : i32
    %and3A_3554 = vector.broadcast %and3A_3553 : i32 to vector<64x128xi32>
    %and3A_3555 = arith.andi %iota3A_4, %and3A_3554 : vector<64x128xi32>
    %ne3A_3556 = arith.constant 0 : i32
    %ne3A_3557 = vector.broadcast %ne3A_3556 : i32 to vector<64x128xi32>
    %ne3A_3558 = arith.cmpi ne, %and3A_3555, %ne3A_3557 : vector<64x128xi32>
    %select_n3A_3559 = arith.select %ne3A_3558, %concatenate3A_3552, %concatenate3A_3549 : vector<64x128xi1>, vector<64x128xi32>
    %broadcast_in_dim3A_3560 = arith.constant false
    %broadcast_in_dim3A_3561 = vector.broadcast %broadcast_in_dim3A_3560 : i1 to vector<64x128xi1>
    %gt3A_3562 = arith.cmpi sgt, %select_n3A_3532, %select_n3A_3546 : vector<64x128xi32>
    %eq3A_3563 = arith.cmpi eq, %select_n3A_3532, %select_n3A_3546 : vector<64x128xi32>
    %lt3A_3564 = arith.cmpi slt, %select_n3A_3533, %select_n3A_3559 : vector<64x128xi32>
    %and3A_3565 = arith.andi %eq3A_3563, %lt3A_3564 : vector<64x128xi1>
    %or3A_3566 = arith.ori %gt3A_3562, %and3A_3565 : vector<64x128xi1>
    %xor3A_3567 = arith.xori %or3A_3566, %ne3A_3545 : vector<64x128xi1>
    %xor3A_3568 = arith.xori %xor3A_3567, %broadcast_in_dim3A_3561 : vector<64x128xi1>
    %select_n3A_3569 = arith.select %xor3A_3568, %select_n3A_3532, %select_n3A_3546 : vector<64x128xi1>, vector<64x128xi32>
    %select_n3A_3570 = arith.select %xor3A_3568, %select_n3A_3533, %select_n3A_3559 : vector<64x128xi1>, vector<64x128xi32>
    %slice3A_3571 = vector.extract_strided_slice %select_n3A_3569 {offsets = [0, 4], sizes = [64, 124], strides = [1, 1]} : vector<64x128xi32> to vector<64x124xi32>
    %slice3A_3572 = vector.extract_strided_slice %select_n3A_3569 {offsets = [0, 0], sizes = [64, 4], strides = [1, 1]} : vector<64x128xi32> to vector<64x4xi32>
    %concatenate3A_3573 = tpu.concatenate %slice3A_3571, %slice3A_3572 in 1 : vector<64x124xi32>, vector<64x4xi32> -> vector<64x128xi32>
    %slice3A_3574 = vector.extract_strided_slice %select_n3A_3569 {offsets = [0, 124], sizes = [64, 4], strides = [1, 1]} : vector<64x128xi32> to vector<64x4xi32>
    %slice3A_3575 = vector.extract_strided_slice %select_n3A_3569 {offsets = [0, 0], sizes = [64, 124], strides = [1, 1]} : vector<64x128xi32> to vector<64x124xi32>
    %concatenate3A_3576 = tpu.concatenate %slice3A_3574, %slice3A_3575 in 1 : vector<64x4xi32>, vector<64x124xi32> -> vector<64x128xi32>
    %and3A_3577 = arith.constant 4 : i32
    %and3A_3578 = vector.broadcast %and3A_3577 : i32 to vector<64x128xi32>
    %and3A_3579 = arith.andi %iota3A_4, %and3A_3578 : vector<64x128xi32>
    %ne3A_3580 = arith.constant 0 : i32
    %ne3A_3581 = vector.broadcast %ne3A_3580 : i32 to vector<64x128xi32>
    %ne3A_3582 = arith.cmpi ne, %and3A_3579, %ne3A_3581 : vector<64x128xi32>
    %select_n3A_3583 = arith.select %ne3A_3582, %concatenate3A_3576, %concatenate3A_3573 : vector<64x128xi1>, vector<64x128xi32>
    %slice3A_3584 = vector.extract_strided_slice %select_n3A_3570 {offsets = [0, 4], sizes = [64, 124], strides = [1, 1]} : vector<64x128xi32> to vector<64x124xi32>
    %slice3A_3585 = vector.extract_strided_slice %select_n3A_3570 {offsets = [0, 0], sizes = [64, 4], strides = [1, 1]} : vector<64x128xi32> to vector<64x4xi32>
    %concatenate3A_3586 = tpu.concatenate %slice3A_3584, %slice3A_3585 in 1 : vector<64x124xi32>, vector<64x4xi32> -> vector<64x128xi32>
    %slice3A_3587 = vector.extract_strided_slice %select_n3A_3570 {offsets = [0, 124], sizes = [64, 4], strides = [1, 1]} : vector<64x128xi32> to vector<64x4xi32>
    %slice3A_3588 = vector.extract_strided_slice %select_n3A_3570 {offsets = [0, 0], sizes = [64, 124], strides = [1, 1]} : vector<64x128xi32> to vector<64x124xi32>
    %concatenate3A_3589 = tpu.concatenate %slice3A_3587, %slice3A_3588 in 1 : vector<64x4xi32>, vector<64x124xi32> -> vector<64x128xi32>
    %and3A_3590 = arith.constant 4 : i32
    %and3A_3591 = vector.broadcast %and3A_3590 : i32 to vector<64x128xi32>
    %and3A_3592 = arith.andi %iota3A_4, %and3A_3591 : vector<64x128xi32>
    %ne3A_3593 = arith.constant 0 : i32
    %ne3A_3594 = vector.broadcast %ne3A_3593 : i32 to vector<64x128xi32>
    %ne3A_3595 = arith.cmpi ne, %and3A_3592, %ne3A_3594 : vector<64x128xi32>
    %select_n3A_3596 = arith.select %ne3A_3595, %concatenate3A_3589, %concatenate3A_3586 : vector<64x128xi1>, vector<64x128xi32>
    %broadcast_in_dim3A_3597 = arith.constant false
    %broadcast_in_dim3A_3598 = vector.broadcast %broadcast_in_dim3A_3597 : i1 to vector<64x128xi1>
    %gt3A_3599 = arith.cmpi sgt, %select_n3A_3569, %select_n3A_3583 : vector<64x128xi32>
    %eq3A_3600 = arith.cmpi eq, %select_n3A_3569, %select_n3A_3583 : vector<64x128xi32>
    %lt3A_3601 = arith.cmpi slt, %select_n3A_3570, %select_n3A_3596 : vector<64x128xi32>
    %and3A_3602 = arith.andi %eq3A_3600, %lt3A_3601 : vector<64x128xi1>
    %or3A_3603 = arith.ori %gt3A_3599, %and3A_3602 : vector<64x128xi1>
    %xor3A_3604 = arith.xori %or3A_3603, %ne3A_3582 : vector<64x128xi1>
    %xor3A_3605 = arith.xori %xor3A_3604, %broadcast_in_dim3A_3598 : vector<64x128xi1>
    %select_n3A_3606 = arith.select %xor3A_3605, %select_n3A_3569, %select_n3A_3583 : vector<64x128xi1>, vector<64x128xi32>
    %select_n3A_3607 = arith.select %xor3A_3605, %select_n3A_3570, %select_n3A_3596 : vector<64x128xi1>, vector<64x128xi32>
    %slice3A_3608 = vector.extract_strided_slice %select_n3A_3606 {offsets = [0, 2], sizes = [64, 126], strides = [1, 1]} : vector<64x128xi32> to vector<64x126xi32>
    %slice3A_3609 = vector.extract_strided_slice %select_n3A_3606 {offsets = [0, 0], sizes = [64, 2], strides = [1, 1]} : vector<64x128xi32> to vector<64x2xi32>
    %concatenate3A_3610 = tpu.concatenate %slice3A_3608, %slice3A_3609 in 1 : vector<64x126xi32>, vector<64x2xi32> -> vector<64x128xi32>
    %slice3A_3611 = vector.extract_strided_slice %select_n3A_3606 {offsets = [0, 126], sizes = [64, 2], strides = [1, 1]} : vector<64x128xi32> to vector<64x2xi32>
    %slice3A_3612 = vector.extract_strided_slice %select_n3A_3606 {offsets = [0, 0], sizes = [64, 126], strides = [1, 1]} : vector<64x128xi32> to vector<64x126xi32>
    %concatenate3A_3613 = tpu.concatenate %slice3A_3611, %slice3A_3612 in 1 : vector<64x2xi32>, vector<64x126xi32> -> vector<64x128xi32>
    %and3A_3614 = arith.constant 2 : i32
    %and3A_3615 = vector.broadcast %and3A_3614 : i32 to vector<64x128xi32>
    %and3A_3616 = arith.andi %iota3A_4, %and3A_3615 : vector<64x128xi32>
    %ne3A_3617 = arith.constant 0 : i32
    %ne3A_3618 = vector.broadcast %ne3A_3617 : i32 to vector<64x128xi32>
    %ne3A_3619 = arith.cmpi ne, %and3A_3616, %ne3A_3618 : vector<64x128xi32>
    %select_n3A_3620 = arith.select %ne3A_3619, %concatenate3A_3613, %concatenate3A_3610 : vector<64x128xi1>, vector<64x128xi32>
    %slice3A_3621 = vector.extract_strided_slice %select_n3A_3607 {offsets = [0, 2], sizes = [64, 126], strides = [1, 1]} : vector<64x128xi32> to vector<64x126xi32>
    %slice3A_3622 = vector.extract_strided_slice %select_n3A_3607 {offsets = [0, 0], sizes = [64, 2], strides = [1, 1]} : vector<64x128xi32> to vector<64x2xi32>
    %concatenate3A_3623 = tpu.concatenate %slice3A_3621, %slice3A_3622 in 1 : vector<64x126xi32>, vector<64x2xi32> -> vector<64x128xi32>
    %slice3A_3624 = vector.extract_strided_slice %select_n3A_3607 {offsets = [0, 126], sizes = [64, 2], strides = [1, 1]} : vector<64x128xi32> to vector<64x2xi32>
    %slice3A_3625 = vector.extract_strided_slice %select_n3A_3607 {offsets = [0, 0], sizes = [64, 126], strides = [1, 1]} : vector<64x128xi32> to vector<64x126xi32>
    %concatenate3A_3626 = tpu.concatenate %slice3A_3624, %slice3A_3625 in 1 : vector<64x2xi32>, vector<64x126xi32> -> vector<64x128xi32>
    %and3A_3627 = arith.constant 2 : i32
    %and3A_3628 = vector.broadcast %and3A_3627 : i32 to vector<64x128xi32>
    %and3A_3629 = arith.andi %iota3A_4, %and3A_3628 : vector<64x128xi32>
    %ne3A_3630 = arith.constant 0 : i32
    %ne3A_3631 = vector.broadcast %ne3A_3630 : i32 to vector<64x128xi32>
    %ne3A_3632 = arith.cmpi ne, %and3A_3629, %ne3A_3631 : vector<64x128xi32>
    %select_n3A_3633 = arith.select %ne3A_3632, %concatenate3A_3626, %concatenate3A_3623 : vector<64x128xi1>, vector<64x128xi32>
    %broadcast_in_dim3A_3634 = arith.constant false
    %broadcast_in_dim3A_3635 = vector.broadcast %broadcast_in_dim3A_3634 : i1 to vector<64x128xi1>
    %gt3A_3636 = arith.cmpi sgt, %select_n3A_3606, %select_n3A_3620 : vector<64x128xi32>
    %eq3A_3637 = arith.cmpi eq, %select_n3A_3606, %select_n3A_3620 : vector<64x128xi32>
    %lt3A_3638 = arith.cmpi slt, %select_n3A_3607, %select_n3A_3633 : vector<64x128xi32>
    %and3A_3639 = arith.andi %eq3A_3637, %lt3A_3638 : vector<64x128xi1>
    %or3A_3640 = arith.ori %gt3A_3636, %and3A_3639 : vector<64x128xi1>
    %xor3A_3641 = arith.xori %or3A_3640, %ne3A_3619 : vector<64x128xi1>
    %xor3A_3642 = arith.xori %xor3A_3641, %broadcast_in_dim3A_3635 : vector<64x128xi1>
    %select_n3A_3643 = arith.select %xor3A_3642, %select_n3A_3606, %select_n3A_3620 : vector<64x128xi1>, vector<64x128xi32>
    %select_n3A_3644 = arith.select %xor3A_3642, %select_n3A_3607, %select_n3A_3633 : vector<64x128xi1>, vector<64x128xi32>
    %slice3A_3645 = vector.extract_strided_slice %select_n3A_3643 {offsets = [0, 1], sizes = [64, 127], strides = [1, 1]} : vector<64x128xi32> to vector<64x127xi32>
    %slice3A_3646 = vector.extract_strided_slice %select_n3A_3643 {offsets = [0, 0], sizes = [64, 1], strides = [1, 1]} : vector<64x128xi32> to vector<64x1xi32>
    %concatenate3A_3647 = tpu.concatenate %slice3A_3645, %slice3A_3646 in 1 : vector<64x127xi32>, vector<64x1xi32> -> vector<64x128xi32>
    %slice3A_3648 = vector.extract_strided_slice %select_n3A_3643 {offsets = [0, 127], sizes = [64, 1], strides = [1, 1]} : vector<64x128xi32> to vector<64x1xi32>
    %slice3A_3649 = vector.extract_strided_slice %select_n3A_3643 {offsets = [0, 0], sizes = [64, 127], strides = [1, 1]} : vector<64x128xi32> to vector<64x127xi32>
    %concatenate3A_3650 = tpu.concatenate %slice3A_3648, %slice3A_3649 in 1 : vector<64x1xi32>, vector<64x127xi32> -> vector<64x128xi32>
    %and3A_3651 = arith.constant 1 : i32
    %and3A_3652 = vector.broadcast %and3A_3651 : i32 to vector<64x128xi32>
    %and3A_3653 = arith.andi %iota3A_4, %and3A_3652 : vector<64x128xi32>
    %ne3A_3654 = arith.constant 0 : i32
    %ne3A_3655 = vector.broadcast %ne3A_3654 : i32 to vector<64x128xi32>
    %ne3A_3656 = arith.cmpi ne, %and3A_3653, %ne3A_3655 : vector<64x128xi32>
    %select_n3A_3657 = arith.select %ne3A_3656, %concatenate3A_3650, %concatenate3A_3647 : vector<64x128xi1>, vector<64x128xi32>
    %slice3A_3658 = vector.extract_strided_slice %select_n3A_3644 {offsets = [0, 1], sizes = [64, 127], strides = [1, 1]} : vector<64x128xi32> to vector<64x127xi32>
    %slice3A_3659 = vector.extract_strided_slice %select_n3A_3644 {offsets = [0, 0], sizes = [64, 1], strides = [1, 1]} : vector<64x128xi32> to vector<64x1xi32>
    %concatenate3A_3660 = tpu.concatenate %slice3A_3658, %slice3A_3659 in 1 : vector<64x127xi32>, vector<64x1xi32> -> vector<64x128xi32>
    %slice3A_3661 = vector.extract_strided_slice %select_n3A_3644 {offsets = [0, 127], sizes = [64, 1], strides = [1, 1]} : vector<64x128xi32> to vector<64x1xi32>
    %slice3A_3662 = vector.extract_strided_slice %select_n3A_3644 {offsets = [0, 0], sizes = [64, 127], strides = [1, 1]} : vector<64x128xi32> to vector<64x127xi32>
    %concatenate3A_3663 = tpu.concatenate %slice3A_3661, %slice3A_3662 in 1 : vector<64x1xi32>, vector<64x127xi32> -> vector<64x128xi32>
    %and3A_3664 = arith.constant 1 : i32
    %and3A_3665 = vector.broadcast %and3A_3664 : i32 to vector<64x128xi32>
    %and3A_3666 = arith.andi %iota3A_4, %and3A_3665 : vector<64x128xi32>
    %ne3A_3667 = arith.constant 0 : i32
    %ne3A_3668 = vector.broadcast %ne3A_3667 : i32 to vector<64x128xi32>
    %ne3A_3669 = arith.cmpi ne, %and3A_3666, %ne3A_3668 : vector<64x128xi32>
    %select_n3A_3670 = arith.select %ne3A_3669, %concatenate3A_3663, %concatenate3A_3660 : vector<64x128xi1>, vector<64x128xi32>
    %broadcast_in_dim3A_3671 = arith.constant false
    %broadcast_in_dim3A_3672 = vector.broadcast %broadcast_in_dim3A_3671 : i1 to vector<64x128xi1>
    %gt3A_3673 = arith.cmpi sgt, %select_n3A_3643, %select_n3A_3657 : vector<64x128xi32>
    %eq3A_3674 = arith.cmpi eq, %select_n3A_3643, %select_n3A_3657 : vector<64x128xi32>
    %lt3A_3675 = arith.cmpi slt, %select_n3A_3644, %select_n3A_3670 : vector<64x128xi32>
    %and3A_3676 = arith.andi %eq3A_3674, %lt3A_3675 : vector<64x128xi1>
    %or3A_3677 = arith.ori %gt3A_3673, %and3A_3676 : vector<64x128xi1>
    %xor3A_3678 = arith.xori %or3A_3677, %ne3A_3656 : vector<64x128xi1>
    %xor3A_3679 = arith.xori %xor3A_3678, %broadcast_in_dim3A_3672 : vector<64x128xi1>
    %select_n3A_3680 = arith.select %xor3A_3679, %select_n3A_3644, %select_n3A_3670 : vector<64x128xi1>, vector<64x128xi32>
    %slice3A_3681 = vector.extract_strided_slice %select_n3A_3680 {offsets = [0, 0], sizes = [32, 128], strides = [1, 1]} : vector<64x128xi32> to vector<32x128xi32>
    %swap3A = arith.constant 0 : index
    %swap3A_3682 = arith.constant 0 : index
    %swap3A_3683 = arith.constant 0 : index
    %swap3A_3684 = vector.load %arg2[%swap3A, %swap3A_3682, %swap3A_3683] : memref<1x32x128xi32, #tpu.memory_space<vmem>>, vector<1x32x128xi32>
    %swap3A_3685 = vector.shape_cast %swap3A_3684 : vector<1x32x128xi32> to vector<32x128xi32>
    %swap3A_3686 = vector.shape_cast %slice3A_3681 : vector<32x128xi32> to vector<1x32x128xi32>
    tpu.vector_store %arg2[%swap3A, %swap3A_3682, %swap3A_3683], %swap3A_3686 {strides = array<i32>} : memref<1x32x128xi32, #tpu.memory_space<vmem>>, vector<1x32x128xi32>,
    %slice3A_3687 = vector.extract_strided_slice %select_n3A_3680 {offsets = [0, 0], sizes = [32, 128], strides = [1, 1]} : vector<64x128xi32> to vector<32x128xi32>
    %mul3A_3688 = arith.constant 8192 : i32
    %mul3A_3689 = arith.muli %arg0, %mul3A_3688 : i32
    %add3A_3690 = vector.broadcast %mul3A_3689 : i32 to vector<32x128xi32>
    %add3A_3691 = arith.addi %slice3A_3687, %add3A_3690 : vector<32x128xi32>
    %swap3A_3692 = arith.constant 0 : index
    %swap3A_3693 = arith.constant 0 : index
    %swap3A_3694 = arith.constant 0 : index
    %swap3A_3695 = vector.load %arg3[%swap3A_3692, %swap3A_3693, %swap3A_3694] : memref<1x32x128xi32, #tpu.memory_space<vmem>>, vector<1x32x128xi32>
    %swap3A_3696 = vector.shape_cast %swap3A_3695 : vector<1x32x128xi32> to vector<32x128xi32>
    %swap3A_3697 = vector.shape_cast %add3A_3691 : vector<32x128xi32> to vector<1x32x128xi32>
    tpu.vector_store %arg3[%swap3A_3692, %swap3A_3693, %swap3A_3694], %swap3A_3697 {strides = array<i32>} : memref<1x32x128xi32, #tpu.memory_space<vmem>>, vector<1x32x128xi32>,
    return
  }
  func.func @transform_0(%arg0: i32) -> (i32, i32, i32) {
    %c0_i32 = arith.constant 0 : i32
    %c0_i32_0 = arith.constant 0 : i32
    %c0_i32_1 = arith.constant 0 : i32
    return %arg0, %c0_i32, %c0_i32_0 : i32, i32, i32
  }
  func.func @transform_1(%arg0: i32) -> (i32, i32, i32) {
    %c0_i32 = arith.constant 0 : i32
    %c0_i32_0 = arith.constant 0 : i32
    %c0_i32_1 = arith.constant 0 : i32
    return %arg0, %c0_i32, %c0_i32_0 : i32, i32, i32
  }
  func.func @transform_2(%arg0: i32) -> (i32, i32, i32) {
    %c0_i32 = arith.constant 0 : i32
    %c0_i32_0 = arith.constant 0 : i32
    %c0_i32_1 = arith.constant 0 : i32
    return %arg0, %c0_i32, %c0_i32_0 : i32, i32, i32
  }
}

</mosaic_0001>

<sc_bundles>
// kernel: kernel.4.cloned.1.call-start
scs
__scs_entry_jumppad:
0x0: {  	(pc) =	sbr.rel $0x88, $3  }
0x1: {  	(tag) =	ssettag $0x0;
	lr =	simm.s32 $0x1  }
0x2: {  	[smem:$0x3F9C] =	sst lr;
	_ =	strace $0xD0000000  }
0x3: {  	_ = 	snop  }
0x4: {  	_ = 	snop  }
0x5: {  	_ = 	snop  }
0x6: {  	_ = 	snop  }
0x7: {  	_ = 	snop  }
__scs_overlays_trampoline_lowered:
0x8: {  	[smem:$0x3FAB] =	sst s0  }
0x9: {  	[smem:$0x3FAC] =	sst s1  }
0xa: {  	[smem:$0x3FAD] =	sst s2  }
0xb: {  	[smem:$0x3FAE] =	sst s3  }
0xc: {  	[smem:$0x3FAF] =	sst s4  }
0xd: {  	[smem:$0x3FB0] =	sst s5  }
0xe: {  	[smem:$0x3FB1] =	sst s6  }
0xf: {  	[smem:$0x3FB2] =	sst s7  }
0x10: {  	[smem:$0x3FB3] =	sst s8  }
0x11: {  	[smem:$0x3FB4] =	sst s9;
	s0 =	simm.s32 @!p0 $0x0  }
0x12: {  	s1 =	sld [smem:$0x3F9A];
	s0 =	simm.s32 @p0 $0x1  }
0x13: {  	[smem:$0x3FB5] =	sst s0;
	s0 =	simm.s32 @!p1 $0x0  }
0x14: {  	s2 =	sld [smem:$0x3F99];
	s0 =	simm.s32 @p1 $0x1  }
0x15: {  	[smem:$0x3FB6] =	sst s0;
	s0 =	simm.s32 @!p2 $0x0  }
0x16: {  	s3 =	sld [smem:$0x3FDB];
	s0 =	simm.s32 @p2 $0x1  }
0x17: {  	s4 =	simm.s32 $0x1BF5;
	[smem:$0x3FB8] =	sst s0  }
0x18: {  	s0 =	sld [smem:$0x3F9B];
	_ =	swait.ge [sflag:s4], $0x0  }
0x19: {  	s7 =	sld [smem:$0x3F9C]  }
0x1a: {  	s8 =	sadd.s32 $0xFFFFE003, lr  }
0x1b: {  	s9 =	sadd.s32 $0xFFFFFEF7, lr;
	s5 =	simm.s32 $0xFFFFFFFF;
	p2 =	slt.u32 s8, $0xFFFFF086  }
0x1c: {  	p1 =	slt.u32 s9, $0xF7A;
	s5 =	simm.s32 @!p2 $0x0  }
0x1d: {  	s5 =	simm.s32 @p1 $0x1;
	p0 =	seq.s32 s7, s2  }
0x1e: {  	s7 =	smul.u32 @!p0 $0xF7A, s2;
	p2 =	seq.s32 @!p0 s5, $0x0  }
0x1f: {  	s9 =	smul.u32 $0xF7A, s1;
	s8 =	simm.s32 @!p0 $0x1BF5;
	p2 =	por !p2, p0  }
0x20: {  	[sflag:s8] =	ssyncset.s32 @!p0 $0xFFFFF086;
	s6 =	sadd.s32 @!p0 s3, s7;
	s7 =	simm.s32 @!p0 $0x108  }
0x21: {  	s3 =	sadd.s32 s3, s9;
	s6 =	sadd.s32 @!p0 $0x88, s6;
	s7 =	simm.s32 @p2 $0x1082  }
0x22: {  	[simem:s7], [sflag:s8] =	dma.local @!p0 [hbm:s6], $0xF7A  }
0x23: {  	s9 =	sor.u32 $0xD0000000, s2;
	s6 =	simm.s32 $0x108;
	_ =	swait.ge @!p0 [sflag:s8], $0x0  }
0x24: {  	s3 =	sadd.s32 $0x88, s3;
	s6 =	simm.s32 @!p1 $0x1082;
	[sflag:s4] =	ssyncset.s32 $0xFFFFF086  }
0x25: {  	[simem:s6], [sflag:s4] =	dma.local [hbm:s3], $0xF7A  }
0x26: {  	[smem:$0x3F9C] =	sst s1;
	(tag) =	ssettag s2;
	_ =	strace s9  }
0x27: {  	s1 =	sld [smem:$0x3FAC]  }
0x28: {  	s2 =	sld [smem:$0x3FAD]  }
0x29: {  	s4 =	sld [smem:$0x3FAF]  }
0x2a: {  	p0 =	seq.s32 s5, $0x0;
	s5 =	sld [smem:$0x3FB0]  }
0x2b: {  	s6 =	sld [smem:$0x3FB1]  }
0x2c: {  	s7 =	sld [smem:$0x3FB2]  }
0x2d: {  	s3 =	simm.s32 $0x108;
	s8 =	sld [smem:$0x3FB3]  }
0x2e: {  	s3 =	simm.s32 @!p0 $0x1082;
	s9 =	sld [smem:$0x3FB4]  }
0x2f: {  	lr =	sadd.s32 s0, s3;
	s0 =	sld [smem:$0x3FAB]  }
0x30: {  	s3 =	sld [smem:$0x3FAE]  }
0x31: {  	[smem:$0x3FB7] =	sst s10  }
0x32: {  	s10 =	sld [smem:$0x3FB5];
	_ =	sdelay $0x3  }
0x33: {  	p0 =	seq.s32 s10, $0x1;
	s10 =	sld [smem:$0x3FB7];
	_ =	sdelay $0x3  }
0x34: {  	[smem:$0x3FB7] =	sst s10  }
0x35: {  	s10 =	sld [smem:$0x3FB6];
	_ =	sdelay $0x3  }
0x36: {  	p1 =	seq.s32 s10, $0x1;
	s10 =	sld [smem:$0x3FB7];
	_ =	sdelay $0x3  }
0x37: {  	[smem:$0x3FB7] =	sst s10  }
0x38: {  	s10 =	sld [smem:$0x3FB8]  }
0x39: {  	_ = 	snop;
	(pc) =	sbr.ind lr, $3  }
0x3a: {  	_ = 	snop  }
0x3b: {  	_ = 	snop  }
0x3c: {  	p2 =	seq.s32 s10, $0x1;
	s10 =	sld [smem:$0x3FB7]  }
0x3d: {  	_ =	shalt  }
0x3e: {  	_ =	shalt  }
0x3f: {  	_ =	shalt  }
0x40: {  	_ =	shalt  }
0x41: {  	_ =	shalt  }
0x42: {  	_ =	shalt  }
0x43: {  	_ =	shalt  }
0x44: {  	_ =	shalt  }
0x45: {  	_ =	shalt  }
0x46: {  	_ =	shalt  }
0x47: {  	_ =	shalt  }
0x48: {  	_ =	shalt  }
0x49: {  	_ =	shalt  }
0x4a: {  	_ =	shalt  }
0x4b: {  	_ =	shalt  }
0x4c: {  	_ =	shalt  }
0x4d: {  	_ =	shalt  }
0x4e: {  	_ =	shalt  }
0x4f: {  	_ =	shalt  }
0x50: {  	_ =	shalt  }
0x51: {  	_ =	shalt  }
0x52: {  	_ =	shalt  }
0x53: {  	_ =	shalt  }
0x54: {  	_ =	shalt  }
0x55: {  	_ =	shalt  }
0x56: {  	_ =	shalt  }
0x57: {  	_ =	shalt  }
0x58: {  	_ =	shalt  }
0x59: {  	_ =	shalt  }
0x5a: {  	_ =	shalt  }
0x5b: {  	_ =	shalt  }
0x5c: {  	_ =	shalt  }
0x5d: {  	_ =	shalt  }
0x5e: {  	_ =	shalt  }
0x5f: {  	_ =	shalt  }
0x60: {  	_ =	shalt  }
0x61: {  	_ =	shalt  }
0x62: {  	_ =	shalt  }
0x63: {  	_ =	shalt  }
0x64: {  	_ =	shalt  }
0x65: {  	_ =	shalt  }
0x66: {  	_ =	shalt  }
0x67: {  	_ =	shalt  }
0x68: {  	_ =	shalt  }
0x69: {  	_ =	shalt  }
0x6a: {  	_ =	shalt  }
0x6b: {  	_ =	shalt  }
0x6c: {  	_ =	shalt  }
0x6d: {  	_ =	shalt  }
0x6e: {  	_ =	shalt  }
0x6f: {  	_ =	shalt  }
0x70: {  	_ =	shalt  }
0x71: {  	_ =	shalt  }
0x72: {  	_ =	shalt  }
0x73: {  	_ =	shalt  }
0x74: {  	_ =	shalt  }
0x75: {  	_ =	shalt  }
0x76: {  	_ =	shalt  }
0x77: {  	_ =	shalt  }
0x78: {  	_ =	shalt  }
0x79: {  	_ =	shalt  }
0x7a: {  	_ =	shalt  }
0x7b: {  	_ =	shalt  }
0x7c: {  	_ =	shalt  }
0x7d: {  	_ =	shalt  }
0x7e: {  	_ =	shalt  }
0x7f: {  	_ =	shalt  }
0x80: {  	_ =	shalt  }
0x81: {  	_ =	shalt  }
0x82: {  	_ =	shalt  }
0x83: {  	_ =	shalt  }
0x84: {  	_ =	shalt  }
0x85: {  	_ =	shalt  }
0x86: {  	_ =	shalt  }
0x87: {  	_ =	shalt  }
.Lfunc_end0:
.L_simem_size_0:
called_computation_lowered:
.L_overlay_start_0:
0x88: {  	s2 =	sld [smem:$0x3FD9]  }
0x89: {  	s3 =	sld [smem:$0x3FFE];
	_ =	sdelay $0x1  }
0x8a: {  	s1 =	srdreg.scid  }
0x8b: {  	s0 =	sand.u32 $0x1, s1  }
0x8c: {  	s14 =	sshll.u32 s0, $0xA;
	s2 =	sadd.s32 s3, s2  }
0x8d: {  	s2 =	sadd.s32 s2, s14  }
0x8e: {  	[smem:$0x3FC3] =	sst s2  }
0x8f: {  	_ = 	snop  }
0x90: {  	s2 =	sld [smem:$0x3FD0];
	_ =	sdelay $0x2  }
0x91: {  	s4 =	simm.s32 $0xA;
	s5 =	simm.s32 $0x10;
	s15 =	sld [smem:$0x3FC9]  }
0x92: {  	[smem:s5], [sflag:s4] =	dma.local [hbm:s2], $0x1  }
0x93: {  	_ =	swait.eq [sflag:s4], $0x1  }
0x94: {  	[sflag:s4] =	ssyncset.done $0x0  }
0x95: {  	[sflag:s4] =	ssyncadd.s32 $0xFFFFFFFF  }
0x96: {  	s16 =	sld [smem:$0x10];
	(tm) =	ssettm $0x1  }
0x97: {  	s17 =	sld [smem:$0x3FFB];
	_ =	sdelay $0x3  }
0x98: {  	_ =	strace s17  }
0x99: {  	s4 =	sld [smem:$0x3FFC];
	_ =	sdelay $0x3  }
0x9a: {  	_ =	strace s4  }
0x9b: {  	s4 =	sld [smem:$0x3FFD];
	_ =	sdelay $0x3  }
0x9c: {  	_ =	strace s4  }
0x9d: {  	_ =	strace $0x8FFFFFFF  }
0x9e: {  	s18 =	sld [smem:$0x3FDB];
	_ =	sdelay $0x1  }
0x9f: {  	s19 =	simm.s32 $_scs_section_size  }
0xa0: {  	s6 =	simm.s32 $_size__tile_overlayer_lowered;
	s7 =	simm.s32 $_tile_overlayer_lowered  }
0xa1: {  	s22 =	simm.s32 $0x1BFF;
	s21 =	sshll.u32 s7, $0x1;
	s4 =	sadd.s32 s19, s18  }
0xa2: {  	s8 =	simm.s32 $0x0;
	s20 =	sshll.u32 s6, $0x1;
	s6 =	sadd.s32 s21, s4  }
0xa3: {  	[timem:s8], [sflag:s22] =	dma.local [hbm:s6], s20  }
0xa4: {  	_ =	swait.ge [sflag:s22], s20  }
0xa5: {  	s5 =	ssub.s32 $0x0, s20;
	[sflag:s22] =	ssyncset.done $0x0  }
0xa6: {  	[sflag:s22] =	ssyncadd.s32 s5;
	_ =	sdelay $0x1  }
0xa7: {  	s23 =	simm.s32 $0x1B8B  }
0xa8: {  	_ =	swait.ge [sflag:s23], $0x1  }
0xa9: {  	[sflag:s23] =	ssyncset.done $0x0  }
0xaa: {  	s25 =	simm.s32 $0x1B8E;
	s24 =	sld [smem:$0x3FFE];
	[sflag:s23] =	ssyncadd.s32 $0xFFFFFFFF  }
0xab: {  	s26 =	simm.s32 $execute0_lowered;
	[smem:$0x3FD2] =	sst s25  }
0xac: {  	s6 =	sshll.u32 s26, $0x1;
	_ =	strace $0x80000046;
	[dreg:$0x1] =	wrdreg $0xFFFFFFFF  }
0xad: {  	s28 =	simm.s32 $_size_execute0_lowered;
	s4 =	sadd.s32 s4, s6;
	[dreg:$0x0] =	wrdreg $0x0  }
0xae: {  	s6 =	sshll.u32 s28, $0x1;
	[dreg:$0x2] =	wrdreg s4  }
0xaf: {  	[dreg:$0x3] =	wrdreg s6  }
0xb0: {  	[dreg:$0x4] =	wrdreg $0xC0  }
0xb1: {  	_ =	task [dreg:s8], $0x5FFFF  }
0xb2: {  	[dreg:$0x1] =	wrdreg $0xFFFFFFFF  }
0xb3: {  	[dreg:$0x0] =	wrdreg $0x60  }
0xb4: {  	[dreg:$0x2] =	wrdreg s15  }
0xb5: {  	[dreg:$0x3] =	wrdreg s24  }
0xb6: {  	[dreg:$0x4] =	wrdreg s16  }
0xb7: {  	[dreg:$0x5] =	wrdreg $0x9  }
0xb8: {  	_ =	task.clear_ibuf [dreg:s8], $0x6FFFF;
	_ =	strace $0x90000046  }
0xb9: {  	s29 =	simm.s32 $0x9;
	_ =	strace $0x80000048  }
0xba: {  	_ =	swait.ge [sflag:s29], $0x1  }
0xbb: {  	[sflag:s29] =	ssyncadd.s32 $0xFFFFFFFF  }
0xbc: {  	_ =	strace $0x90000048  }
0xbd: {  	_ =	sfence  }
0xbe: {  	s30 =	sld [smem:$0x0];
	_ =	sdelay $0x2  }
0xbf: {  	s31 =	sshll.u32 s1, $0xD;
	s1 =	sshrl.u32 s1, $0x2  }
0xc0: {  	s3 =	sand.u32 $0x4000, s31;
	s1 =	sadd.s32 s1, s30  }
0xc1: {  	s0 =	sor.u32 s3, s0;
	s1 =	sshll.u32 s1, $0x11  }
0xc2: {  	s0 =	sor.u32 s1, s0  }
0xc3: {  	s0 =	sadd.s32 $0x8F2B, s0  }
0xc4: {  	[sflag:s0] =	ssyncadd.remote.s32 $0x1  }
0xc5: {  	_ =	sfence.sel $0xFFFF  }
0xc6: {  	[dreg:$0x0] =	wrdreg $0xFFFFFFFF;
	(pc) =	sbr.abs _section_cstart, $3  }
0xc7: {  	[dreg:$0x1] =	wrdreg $0xFFFFFFFF  }
0xc8: {  	_ =	task.clear_ibuf [dreg:s8], $0x2FFFF;
	_ =	strace $0x9FFFFFFF  }
0xc9: {  	(tm) =	ssettm $0x7FFFFFFF  }
tec
execute0_lowered:
.L_overlay_start_1:
0x0: {  	(tag) =	ssettag $0x1  }
0x1: {  	s1 =	rddreg [dreg:$0x0]  }
0x2: {  	s0 =	srdreg.scid;
	s2 =	rddreg [dreg:$0x1]  }
0x3: {  	s3 =	stileid.u32;
	s5 =	rddreg [dreg:$0x2];
	s0 =	sand.u32 $0x1, s0  }
0x4: {  	s13 =	simm.s32 $0x200;
	s3 =	sshll.u32 s3, $0x7;
	s4 =	sshll.u32 s0, $0x6  }
0x5: {  	s8 =	simm.s32 $0x2;
	s0 =	ssub.s32 $0x2, s0;
	s4 =	sor.u32 s4, s3  }
0x6: {  	s3 =	simm.s32 $0x0;
	s6 =	smul.u32 $0x300, s4;
	s2 =	sadd.s32 s4, s2  }
0x7: {  	[smem:$0x7FF] =	sst s3;
	s4 =	smul.u32 $0x1800, s4;
	s2 =	sadd.s32 $0xC00, s2  }
0x8: {  	_ =	strace $0x80000047;
	s6 =	sadd.s32 s5, s6;
	[dreg:$0x4] =	wrdreg s2  }
0x9: {  	s4 =	sshrl.u32 s4, $0x3;
	s23 =	sadd.s32 $0x1800, s6;
	[dreg:$0xc] =	wrdreg s6  }
0xa: {  	s24 =	sadd.s32 $0x3000, s6;
	s4 =	sadd.s32 s5, s4;
	[dreg:$0x5] =	wrdreg s23  }
0xb: {  	s28 =	sshrl.u32 s0, $0x1;
	[dreg:$0x6] =	wrdreg s24;
	s25 =	sadd.s32 $0x4800, s4  }
0xc: {  	s0 =	ssub.s32 s0, s28;
	s26 =	sadd.s32 $0x6000, s4;
	[dreg:$0x7] =	wrdreg s25  }
0xd: {  	s7 =	smax.u32 s0, $0x1;
	s29 =	sadd.s32 $0x7800, s4;
	[dreg:$0x8] =	wrdreg s26  }
0xe: {  	v2 =	vlaneseq.u32;
	s0 =	simm.s32 $0x1;
	s30 =	sadd.s32 $0x9000, s4;
	[dreg:$0x9] =	wrdreg s29  }
0xf: {  	vm0 =	vmmov $0xffff;
	v1 =	vshrl.u32 v2, $0x3;
	s5 =	sadd.s32 $0x100, s1;
	s31 =	sadd.s32 $0xA800, s4;
	[dreg:$0xa] =	wrdreg s30  }
0x10: {  	v0 =	vand.u32 $0x7, v2;
	v2 =	vor.u32 $0x8, v2;
	v1 =	vmul.u32 $0x8, v1;
	s6 =	sadd.s32 $0x200, s1;
	s4 =	simm.s32 $0xC200;
	[dreg:$0xb] =	wrdreg s31  }
.LBB2_1:
0x11: {  	s10 =	rddreg [dreg:$0x4];
	s12 =	simm.s32 $0x3  }
0x12: {  	[tilespmem:s3], [sflag:$0x3] =	stream.linear.gather [hbm4b:s10+s3], $0x200, $0x38;
	[tilespmem:$0x18200] =	vst v63  }
0x13: {  	_ =	swait.ge [sflag:s12], $0x200  }
0x14: {  	[sflag:s12] =	ssyncset.done $0x0  }
0x15: {  	[sflag:s12] =	ssyncadd.s32 $0xFFFFFE00  }
0x16: {  	v3 =	vld [tilespmem:$0x0];
	_ =	sdelay $0x4  }
0x17: {  	v4 =	vshrl.u32 v3, $0x3  }
0x18: {  	v4 =	vmul.u32 $0x30, v4  }
0x19: {  	v3 =	vand.u32 $0x7, v3  }
0x1a: {  	v3 =	vor.u32 v3, v4  }
0x1b: {  	v4 =	vperm.xlane v3, v0;
	_ =	sdelay $0x1  }
0x1c: {  	v4 =	vadd.s32 v1, v4;
	_ =	sdelay $0x3  }
0x1d: {  	v3 =	vperm.xlane v3, v2  }
0x1e: {  	[tilespmem:s13], [sflag:$0x1] =	stream.indirect_vreg.gather [hbm4b:s1+s3], $0x80, v4, vm0, $0xb8;
	[tilespmem:$0x18200] =	vst v63  }
0x1f: {  	s2 =	simm.s32 $0xA00;
	v3 =	vadd.s32 v1, v3  }
0x20: {  	[tilespmem:s2], [sflag:$0x1] =	stream.indirect_vreg.gather [hbm4b:s5+s3], $0x80, v4, vm0, $0xb8;
	[tilespmem:$0x18200] =	vst v63  }
0x21: {  	s14 =	simm.s32 $0x1200  }
0x22: {  	[tilespmem:s14], [sflag:$0x1] =	stream.indirect_vreg.gather [hbm4b:s6+s3], $0x80, v4, vm0, $0xb8;
	[tilespmem:$0x18200] =	vst v63  }
0x23: {  	s15 =	simm.s32 $0x1A00  }
0x24: {  	[tilespmem:s15], [sflag:$0x1] =	stream.indirect_vreg.gather [hbm4b:s1+s3], $0x80, v3, vm0, $0xb8;
	[tilespmem:$0x18200] =	vst v63  }
0x25: {  	s16 =	simm.s32 $0x2200  }
0x26: {  	[tilespmem:s16], [sflag:$0x1] =	stream.indirect_vreg.gather [hbm4b:s5+s3], $0x80, v3, vm0, $0xb8;
	[tilespmem:$0x18200] =	vst v63  }
0x27: {  	s17 =	simm.s32 $0x2A00  }
0x28: {  	[tilespmem:s17], [sflag:$0x1] =	stream.indirect_vreg.gather [hbm4b:s6+s3], $0x80, v3, vm0, $0xb8;
	[tilespmem:$0x18200] =	vst v63  }
0x29: {  	v3 =	vld [tilespmem:$0x10];
	_ =	sdelay $0x4  }
0x2a: {  	v33 =	vshrl.u32 v3, $0x3  }
0x2b: {  	v4 =	vmul.u32 $0x30, v33  }
0x2c: {  	v3 =	vand.u32 $0x7, v3  }
0x2d: {  	v3 =	vor.u32 v3, v4  }
0x2e: {  	v4 =	vperm.xlane v3, v0;
	_ =	sdelay $0x1  }
0x2f: {  	v4 =	vadd.s32 v1, v4;
	_ =	sdelay $0x3  }
0x30: {  	s18 =	simm.s32 $0x3200;
	v3 =	vperm.xlane v3, v2  }
0x31: {  	[tilespmem:s18], [sflag:$0x1] =	stream.indirect_vreg.gather [hbm4b:s1+s3], $0x80, v4, vm0, $0xb8;
	[tilespmem:$0x18200] =	vst v63  }
0x32: {  	s19 =	simm.s32 $0x3A00;
	v3 =	vadd.s32 v1, v3  }
0x33: {  	[tilespmem:s19], [sflag:$0x1] =	stream.indirect_vreg.gather [hbm4b:s5+s3], $0x80, v4, vm0, $0xb8;
	[tilespmem:$0x18200] =	vst v63  }
0x34: {  	s21 =	simm.s32 $0x4200  }
0x35: {  	[tilespmem:s21], [sflag:$0x1] =	stream.indirect_vreg.gather [hbm4b:s6+s3], $0x80, v4, vm0, $0xb8;
	[tilespmem:$0x18200] =	vst v63  }
0x36: {  	s22 =	simm.s32 $0x4A00  }
0x37: {  	[tilespmem:s22], [sflag:$0x1] =	stream.indirect_vreg.gather [hbm4b:s1+s3], $0x80, v3, vm0, $0xb8;
	[tilespmem:$0x18200] =	vst v63  }
0x38: {  	s23 =	simm.s32 $0x5200  }
0x39: {  	[tilespmem:s23], [sflag:$0x1] =	stream.indirect_vreg.gather [hbm4b:s5+s3], $0x80, v3, vm0, $0xb8;
	[tilespmem:$0x18200] =	vst v63  }
0x3a: {  	s24 =	simm.s32 $0x5A00  }
0x3b: {  	[tilespmem:s24], [sflag:$0x1] =	stream.indirect_vreg.gather [hbm4b:s6+s3], $0x80, v3, vm0, $0xb8;
	[tilespmem:$0x18200] =	vst v63  }
0x3c: {  	v3 =	vld [tilespmem:$0x20];
	_ =	sdelay $0x4  }
0x3d: {  	v34 =	vshrl.u32 v3, $0x3  }
0x3e: {  	v4 =	vmul.u32 $0x30, v34  }
0x3f: {  	v3 =	vand.u32 $0x7, v3  }
0x40: {  	v3 =	vor.u32 v3, v4  }
0x41: {  	v4 =	vperm.xlane v3, v0;
	_ =	sdelay $0x1  }
0x42: {  	v4 =	vadd.s32 v1, v4;
	_ =	sdelay $0x3  }
0x43: {  	s25 =	simm.s32 $0x6200;
	v3 =	vperm.xlane v3, v2  }
0x44: {  	[tilespmem:s25], [sflag:$0x1] =	stream.indirect_vreg.gather [hbm4b:s1+s3], $0x80, v4, vm0, $0xb8;
	[tilespmem:$0x18200] =	vst v63  }
0x45: {  	s26 =	simm.s32 $0x6A00;
	v3 =	vadd.s32 v1, v3  }
0x46: {  	[tilespmem:s26], [sflag:$0x1] =	stream.indirect_vreg.gather [hbm4b:s5+s3], $0x80, v4, vm0, $0xb8;
	[tilespmem:$0x18200] =	vst v63  }
0x47: {  	s28 =	simm.s32 $0x7200  }
0x48: {  	[tilespmem:s28], [sflag:$0x1] =	stream.indirect_vreg.gather [hbm4b:s6+s3], $0x80, v4, vm0, $0xb8;
	[tilespmem:$0x18200] =	vst v63  }
0x49: {  	s29 =	simm.s32 $0x7A00  }
0x4a: {  	[tilespmem:s29], [sflag:$0x1] =	stream.indirect_vreg.gather [hbm4b:s1+s3], $0x80, v3, vm0, $0xb8;
	[tilespmem:$0x18200] =	vst v63  }
0x4b: {  	s30 =	simm.s32 $0x8200  }
0x4c: {  	[tilespmem:s30], [sflag:$0x1] =	stream.indirect_vreg.gather [hbm4b:s5+s3], $0x80, v3, vm0, $0xb8;
	[tilespmem:$0x18200] =	vst v63  }
0x4d: {  	s31 =	simm.s32 $0x8A00  }
0x4e: {  	[tilespmem:s31], [sflag:$0x1] =	stream.indirect_vreg.gather [hbm4b:s6+s3], $0x80, v3, vm0, $0xb8;
	[tilespmem:$0x18200] =	vst v63  }
0x4f: {  	v3 =	vld [tilespmem:$0x30];
	_ =	sdelay $0x4  }
0x50: {  	v35 =	vshrl.u32 v3, $0x3  }
0x51: {  	v4 =	vmul.u32 $0x30, v35  }
0x52: {  	v3 =	vand.u32 $0x7, v3  }
0x53: {  	v3 =	vor.u32 v3, v4  }
0x54: {  	v4 =	vperm.xlane v3, v0;
	_ =	sdelay $0x1  }
0x55: {  	v4 =	vadd.s32 v1, v4;
	_ =	sdelay $0x3  }
0x56: {  	s9 =	simm.s32 $0x9200;
	v3 =	vperm.xlane v3, v2  }
0x57: {  	[tilespmem:s9], [sflag:$0x1] =	stream.indirect_vreg.gather [hbm4b:s1+s3], $0x80, v4, vm0, $0xb8;
	[tilespmem:$0x18200] =	vst v63  }
0x58: {  	s10 =	simm.s32 $0x9A00;
	v3 =	vadd.s32 v1, v3  }
0x59: {  	[tilespmem:s10], [sflag:$0x1] =	stream.indirect_vreg.gather [hbm4b:s5+s3], $0x80, v4, vm0, $0xb8;
	[tilespmem:$0x18200] =	vst v63  }
0x5a: {  	s12 =	simm.s32 $0xA200  }
0x5b: {  	[tilespmem:s12], [sflag:$0x1] =	stream.indirect_vreg.gather [hbm4b:s6+s3], $0x80, v4, vm0, $0xb8;
	[tilespmem:$0x18200] =	vst v63  }
0x5c: {  	s14 =	simm.s32 $0xAA00  }
0x5d: {  	[tilespmem:s14], [sflag:$0x1] =	stream.indirect_vreg.gather [hbm4b:s1+s3], $0x80, v3, vm0, $0xb8;
	[tilespmem:$0x18200] =	vst v63  }
0x5e: {  	s15 =	simm.s32 $0xB200  }
0x5f: {  	[tilespmem:s15], [sflag:$0x1] =	stream.indirect_vreg.gather [hbm4b:s5+s3], $0x80, v3, vm0, $0xb8;
	[tilespmem:$0x18200] =	vst v63  }
0x60: {  	s16 =	simm.s32 $0xBA00  }
0x61: {  	[tilespmem:s16], [sflag:$0x1] =	stream.indirect_vreg.gather [hbm4b:s6+s3], $0x80, v3, vm0, $0xb8;
	[tilespmem:$0x18200] =	vst v63  }
0x62: {  	v3 =	vld [tilespmem:$0x40];
	_ =	sdelay $0x4  }
0x63: {  	v36 =	vshrl.u32 v3, $0x3  }
0x64: {  	v4 =	vmul.u32 $0x30, v36  }
0x65: {  	v3 =	vand.u32 $0x7, v3  }
0x66: {  	v3 =	vor.u32 v3, v4  }
0x67: {  	v4 =	vperm.xlane v3, v0;
	_ =	sdelay $0x1  }
0x68: {  	v4 =	vadd.s32 v1, v4;
	_ =	sdelay $0x3  }
0x69: {  	v3 =	vperm.xlane v3, v2  }
0x6a: {  	[tilespmem:s4], [sflag:$0x1] =	stream.indirect_vreg.gather [hbm4b:s1+s3], $0x80, v4, vm0, $0xb8;
	[tilespmem:$0x18200] =	vst v63  }
0x6b: {  	s17 =	simm.s32 $0xCA00;
	v3 =	vadd.s32 v1, v3  }
0x6c: {  	[tilespmem:s17], [sflag:$0x1] =	stream.indirect_vreg.gather [hbm4b:s5+s3], $0x80, v4, vm0, $0xb8;
	[tilespmem:$0x18200] =	vst v63  }
0x6d: {  	s18 =	simm.s32 $0xD200  }
0x6e: {  	[tilespmem:s18], [sflag:$0x1] =	stream.indirect_vreg.gather [hbm4b:s6+s3], $0x80, v4, vm0, $0xb8;
	[tilespmem:$0x18200] =	vst v63  }
0x6f: {  	s19 =	simm.s32 $0xDA00  }
0x70: {  	[tilespmem:s19], [sflag:$0x1] =	stream.indirect_vreg.gather [hbm4b:s1+s3], $0x80, v3, vm0, $0xb8;
	[tilespmem:$0x18200] =	vst v63  }
0x71: {  	s21 =	simm.s32 $0xE200  }
0x72: {  	[tilespmem:s21], [sflag:$0x1] =	stream.indirect_vreg.gather [hbm4b:s5+s3], $0x80, v3, vm0, $0xb8;
	[tilespmem:$0x18200] =	vst v63  }
0x73: {  	s22 =	simm.s32 $0xEA00  }
0x74: {  	[tilespmem:s22], [sflag:$0x1] =	stream.indirect_vreg.gather [hbm4b:s6+s3], $0x80, v3, vm0, $0xb8;
	[tilespmem:$0x18200] =	vst v63  }
0x75: {  	v3 =	vld [tilespmem:$0x50];
	_ =	sdelay $0x4  }
0x76: {  	v37 =	vshrl.u32 v3, $0x3  }
0x77: {  	v4 =	vmul.u32 $0x30, v37  }
0x78: {  	v3 =	vand.u32 $0x7, v3  }
0x79: {  	v3 =	vor.u32 v3, v4  }
0x7a: {  	v4 =	vperm.xlane v3, v0;
	_ =	sdelay $0x1  }
0x7b: {  	v4 =	vadd.s32 v1, v4;
	_ =	sdelay $0x3  }
0x7c: {  	s23 =	simm.s32 $0xF200;
	v3 =	vperm.xlane v3, v2  }
0x7d: {  	[tilespmem:s23], [sflag:$0x1] =	stream.indirect_vreg.gather [hbm4b:s1+s3], $0x80, v4, vm0, $0xb8;
	[tilespmem:$0x18200] =	vst v63  }
0x7e: {  	s26 =	simm.s32 $0xFA00;
	v3 =	vadd.s32 v1, v3  }
0x7f: {  	[tilespmem:s26], [sflag:$0x1] =	stream.indirect_vreg.gather [hbm4b:s5+s3], $0x80, v4, vm0, $0xb8;
	[tilespmem:$0x18200] =	vst v63  }
0x80: {  	s28 =	simm.s32 $0x10200  }
0x81: {  	[tilespmem:s28], [sflag:$0x1] =	stream.indirect_vreg.gather [hbm4b:s6+s3], $0x80, v4, vm0, $0xb8;
	[tilespmem:$0x18200] =	vst v63  }
0x82: {  	s31 =	simm.s32 $0x10A00  }
0x83: {  	[tilespmem:s31], [sflag:$0x1] =	stream.indirect_vreg.gather [hbm4b:s1+s3], $0x80, v3, vm0, $0xb8;
	[tilespmem:$0x18200] =	vst v63  }
0x84: {  	s2 =	simm.s32 $0x11200  }
0x85: {  	[tilespmem:s2], [sflag:$0x1] =	stream.indirect_vreg.gather [hbm4b:s5+s3], $0x80, v3, vm0, $0xb8;
	[tilespmem:$0x18200] =	vst v63  }
0x86: {  	s9 =	simm.s32 $0x11A00  }
0x87: {  	[tilespmem:s9], [sflag:$0x1] =	stream.indirect_vreg.gather [hbm4b:s6+s3], $0x80, v3, vm0, $0xb8;
	[tilespmem:$0x18200] =	vst v63  }
0x88: {  	v3 =	vld [tilespmem:$0x60];
	_ =	sdelay $0x4  }
0x89: {  	v38 =	vshrl.u32 v3, $0x3  }
0x8a: {  	v4 =	vmul.u32 $0x30, v38  }
0x8b: {  	v3 =	vand.u32 $0x7, v3  }
0x8c: {  	v3 =	vor.u32 v3, v4  }
0x8d: {  	v4 =	vperm.xlane v3, v0;
	_ =	sdelay $0x1  }
0x8e: {  	v4 =	vadd.s32 v1, v4;
	_ =	sdelay $0x3  }
0x8f: {  	s14 =	simm.s32 $0x12200;
	v3 =	vperm.xlane v3, v2  }
0x90: {  	[tilespmem:s14], [sflag:$0x1] =	stream.indirect_vreg.gather [hbm4b:s1+s3], $0x80, v4, vm0, $0xb8;
	[tilespmem:$0x18200] =	vst v63  }
0x91: {  	s15 =	simm.s32 $0x12A00;
	v3 =	vadd.s32 v1, v3  }
0x92: {  	[tilespmem:s15], [sflag:$0x1] =	stream.indirect_vreg.gather [hbm4b:s5+s3], $0x80, v4, vm0, $0xb8;
	[tilespmem:$0x18200] =	vst v63  }
0x93: {  	s16 =	simm.s32 $0x13200  }
0x94: {  	[tilespmem:s16], [sflag:$0x1] =	stream.indirect_vreg.gather [hbm4b:s6+s3], $0x80, v4, vm0, $0xb8;
	[tilespmem:$0x18200] =	vst v63  }
0x95: {  	s18 =	simm.s32 $0x13A00  }
0x96: {  	[tilespmem:s18], [sflag:$0x1] =	stream.indirect_vreg.gather [hbm4b:s1+s3], $0x80, v3, vm0, $0xb8;
	[tilespmem:$0x18200] =	vst v63  }
0x97: {  	s19 =	simm.s32 $0x14200  }
0x98: {  	[tilespmem:s19], [sflag:$0x1] =	stream.indirect_vreg.gather [hbm4b:s5+s3], $0x80, v3, vm0, $0xb8;
	[tilespmem:$0x18200] =	vst v63  }
0x99: {  	s21 =	simm.s32 $0x14A00  }
0x9a: {  	[tilespmem:s21], [sflag:$0x1] =	stream.indirect_vreg.gather [hbm4b:s6+s3], $0x80, v3, vm0, $0xb8;
	[tilespmem:$0x18200] =	vst v63  }
0x9b: {  	v3 =	vld [tilespmem:$0x70];
	_ =	sdelay $0x4  }
0x9c: {  	v39 =	vshrl.u32 v3, $0x3  }
0x9d: {  	v4 =	vmul.u32 $0x30, v39  }
0x9e: {  	v3 =	vand.u32 $0x7, v3  }
0x9f: {  	v3 =	vor.u32 v3, v4  }
0xa0: {  	v4 =	vperm.xlane v3, v0;
	_ =	sdelay $0x1  }
0xa1: {  	v4 =	vadd.s32 v1, v4;
	_ =	sdelay $0x3  }
0xa2: {  	s22 =	simm.s32 $0x15200;
	v3 =	vperm.xlane v3, v2  }
0xa3: {  	[tilespmem:s22], [sflag:$0x1] =	stream.indirect_vreg.gather [hbm4b:s1+s3], $0x80, v4, vm0, $0xb8;
	[tilespmem:$0x18200] =	vst v63  }
0xa4: {  	s23 =	simm.s32 $0x15A00;
	v3 =	vadd.s32 v1, v3  }
0xa5: {  	[tilespmem:s23], [sflag:$0x1] =	stream.indirect_vreg.gather [hbm4b:s5+s3], $0x80, v4, vm0, $0xb8;
	[tilespmem:$0x18200] =	vst v63  }
0xa6: {  	s26 =	simm.s32 $0x16200  }
0xa7: {  	[tilespmem:s26], [sflag:$0x1] =	stream.indirect_vreg.gather [hbm4b:s6+s3], $0x80, v4, vm0, $0xb8;
	[tilespmem:$0x18200] =	vst v63  }
0xa8: {  	s28 =	simm.s32 $0x16A00  }
0xa9: {  	[tilespmem:s28], [sflag:$0x1] =	stream.indirect_vreg.gather [hbm4b:s1+s3], $0x80, v3, vm0, $0xb8;
	[tilespmem:$0x18200] =	vst v63  }
0xaa: {  	s31 =	simm.s32 $0x17200  }
0xab: {  	[tilespmem:s31], [sflag:$0x1] =	stream.indirect_vreg.gather [hbm4b:s5+s3], $0x80, v3, vm0, $0xb8;
	[tilespmem:$0x18200] =	vst v63  }
0xac: {  	s2 =	simm.s32 $0x17A00  }
0xad: {  	[tilespmem:s2], [sflag:$0x1] =	stream.indirect_vreg.gather [hbm4b:s6+s3], $0x80, v3, vm0, $0xb8;
	[tilespmem:$0x18200] =	vst v63  }
0xae: {  	_ =	swait.ge [sflag:s0], $0xC000  }
0xaf: {  	[sflag:s0] =	ssyncset.done $0x0  }
0xb0: {  	s9 =	rddreg [dreg:$0xc];
	[sflag:s0] =	ssyncadd.s32 $0xFFFF4000  }
0xb1: {  	[hbm4b:s9+s3] =	stream.linear.scatter [tilespmem:s13], [sflag:$0x2], $0xC000, $0x38;
	[tilespmem:$0x18200] =	vst v63  }
0xb2: {  	_ =	swait.ge [sflag:s8], $0xC000  }
0xb3: {  	[sflag:s8] =	ssyncset.done $0x0  }
0xb4: {  	[sflag:s8] =	ssyncadd.s32 $0xFFFF4000  }
0xb5: {  	v3 =	vld [tilespmem:$0x80];
	_ =	sdelay $0x4  }
0xb6: {  	v40 =	vshrl.u32 v3, $0x3  }
0xb7: {  	v4 =	vmul.u32 $0x30, v40  }
0xb8: {  	v3 =	vand.u32 $0x7, v3  }
0xb9: {  	v3 =	vor.u32 v3, v4  }
0xba: {  	v4 =	vperm.xlane v3, v0;
	_ =	sdelay $0x1  }
0xbb: {  	v4 =	vadd.s32 v1, v4;
	_ =	sdelay $0x3  }
0xbc: {  	v3 =	vperm.xlane v3, v2  }
0xbd: {  	[tilespmem:s13], [sflag:$0x1] =	stream.indirect_vreg.gather [hbm4b:s1+s3], $0x80, v4, vm0, $0xb8;
	[tilespmem:$0x18200] =	vst v63  }
0xbe: {  	s2 =	simm.s32 $0xA00;
	v3 =	vadd.s32 v1, v3  }
0xbf: {  	[tilespmem:s2], [sflag:$0x1] =	stream.indirect_vreg.gather [hbm4b:s5+s3], $0x80, v4, vm0, $0xb8;
	[tilespmem:$0x18200] =	vst v63  }
0xc0: {  	s9 =	simm.s32 $0x1200  }
0xc1: {  	[tilespmem:s9], [sflag:$0x1] =	stream.indirect_vreg.gather [hbm4b:s6+s3], $0x80, v4, vm0, $0xb8;
	[tilespmem:$0x18200] =	vst v63  }
0xc2: {  	s18 =	simm.s32 $0x1A00  }
0xc3: {  	[tilespmem:s18], [sflag:$0x1] =	stream.indirect_vreg.gather [hbm4b:s1+s3], $0x80, v3, vm0, $0xb8;
	[tilespmem:$0x18200] =	vst v63  }
0xc4: {  	s19 =	simm.s32 $0x2200  }
0xc5: {  	[tilespmem:s19], [sflag:$0x1] =	stream.indirect_vreg.gather [hbm4b:s5+s3], $0x80, v3, vm0, $0xb8;
	[tilespmem:$0x18200] =	vst v63  }
0xc6: {  	s11 =	simm.s32 $0x2A00  }
0xc7: {  	[tilespmem:s11], [sflag:$0x1] =	stream.indirect_vreg.gather [hbm4b:s6+s3], $0x80, v3, vm0, $0xb8;
	[tilespmem:$0x18200] =	vst v63  }
0xc8: {  	v3 =	vld [tilespmem:$0x90];
	_ =	sdelay $0x4  }
0xc9: {  	v41 =	vshrl.u32 v3, $0x3  }
0xca: {  	v4 =	vmul.u32 $0x30, v41  }
0xcb: {  	v3 =	vand.u32 $0x7, v3  }
0xcc: {  	v3 =	vor.u32 v3, v4  }
0xcd: {  	v4 =	vperm.xlane v3, v0;
	_ =	sdelay $0x1  }
0xce: {  	v4 =	vadd.s32 v1, v4;
	_ =	sdelay $0x3  }
0xcf: {  	s20 =	simm.s32 $0x3200;
	v3 =	vperm.xlane v3, v2  }
0xd0: {  	[tilespmem:s20], [sflag:$0x1] =	stream.indirect_vreg.gather [hbm4b:s1+s3], $0x80, v4, vm0, $0xb8;
	[tilespmem:$0x18200] =	vst v63  }
0xd1: {  	v3 =	vadd.s32 v1, v3;
	s20 =	simm.s32 $0x3A00  }
0xd2: {  	[tilespmem:s20], [sflag:$0x1] =	stream.indirect_vreg.gather [hbm4b:s5+s3], $0x80, v4, vm0, $0xb8;
	[tilespmem:$0x18200] =	vst v63  }
0xd3: {  	s21 =	simm.s32 $0x4200  }
0xd4: {  	[tilespmem:s21], [sflag:$0x1] =	stream.indirect_vreg.gather [hbm4b:s6+s3], $0x80, v4, vm0, $0xb8;
	[tilespmem:$0x18200] =	vst v63  }
0xd5: {  	s22 =	simm.s32 $0x4A00  }
0xd6: {  	[tilespmem:s22], [sflag:$0x1] =	stream.indirect_vreg.gather [hbm4b:s1+s3], $0x80, v3, vm0, $0xb8;
	[tilespmem:$0x18200] =	vst v63  }
0xd7: {  	s23 =	simm.s32 $0x5200  }
0xd8: {  	[tilespmem:s23], [sflag:$0x1] =	stream.indirect_vreg.gather [hbm4b:s5+s3], $0x80, v3, vm0, $0xb8;
	[tilespmem:$0x18200] =	vst v63  }
0xd9: {  	s24 =	simm.s32 $0x5A00  }
0xda: {  	[tilespmem:s24], [sflag:$0x1] =	stream.indirect_vreg.gather [hbm4b:s6+s3], $0x80, v3, vm0, $0xb8;
	[tilespmem:$0x18200] =	vst v63  }
0xdb: {  	v3 =	vld [tilespmem:$0xA0];
	_ =	sdelay $0x4  }
0xdc: {  	v42 =	vshrl.u32 v3, $0x3  }
0xdd: {  	v4 =	vmul.u32 $0x30, v42  }
0xde: {  	v3 =	vand.u32 $0x7, v3  }
0xdf: {  	v3 =	vor.u32 v3, v4  }
0xe0: {  	v4 =	vperm.xlane v3, v0;
	_ =	sdelay $0x1  }
0xe1: {  	v4 =	vadd.s32 v1, v4;
	_ =	sdelay $0x3  }
0xe2: {  	s25 =	simm.s32 $0x6200;
	v3 =	vperm.xlane v3, v2  }
0xe3: {  	[tilespmem:s25], [sflag:$0x1] =	stream.indirect_vreg.gather [hbm4b:s1+s3], $0x80, v4, vm0, $0xb8;
	[tilespmem:$0x18200] =	vst v63  }
0xe4: {  	s24 =	simm.s32 $0x6A00;
	v3 =	vadd.s32 v1, v3  }
0xe5: {  	[tilespmem:s24], [sflag:$0x1] =	stream.indirect_vreg.gather [hbm4b:s5+s3], $0x80, v4, vm0, $0xb8;
	[tilespmem:$0x18200] =	vst v63  }
0xe6: {  	s25 =	simm.s32 $0x7200  }
0xe7: {  	[tilespmem:s25], [sflag:$0x1] =	stream.indirect_vreg.gather [hbm4b:s6+s3], $0x80, v4, vm0, $0xb8;
	[tilespmem:$0x18200] =	vst v63  }
0xe8: {  	s26 =	simm.s32 $0x7A00  }
0xe9: {  	[tilespmem:s26], [sflag:$0x1] =	stream.indirect_vreg.gather [hbm4b:s1+s3], $0x80, v3, vm0, $0xb8;
	[tilespmem:$0x18200] =	vst v63  }
0xea: {  	s28 =	simm.s32 $0x8200  }
0xeb: {  	[tilespmem:s28], [sflag:$0x1] =	stream.indirect_vreg.gather [hbm4b:s5+s3], $0x80, v3, vm0, $0xb8;
	[tilespmem:$0x18200] =	vst v63  }
0xec: {  	s29 =	simm.s32 $0x8A00  }
0xed: {  	[tilespmem:s29], [sflag:$0x1] =	stream.indirect_vreg.gather [hbm4b:s6+s3], $0x80, v3, vm0, $0xb8;
	[tilespmem:$0x18200] =	vst v63  }
0xee: {  	v3 =	vld [tilespmem:$0xB0];
	_ =	sdelay $0x4  }
0xef: {  	v43 =	vshrl.u32 v3, $0x3  }
0xf0: {  	v4 =	vmul.u32 $0x30, v43  }
0xf1: {  	v3 =	vand.u32 $0x7, v3  }
0xf2: {  	v3 =	vor.u32 v3, v4  }
0xf3: {  	v4 =	vperm.xlane v3, v0;
	_ =	sdelay $0x1  }
0xf4: {  	v4 =	vadd.s32 v1, v4;
	_ =	sdelay $0x3  }
0xf5: {  	s30 =	simm.s32 $0x9200;
	v3 =	vperm.xlane v3, v2  }
0xf6: {  	[tilespmem:s30], [sflag:$0x1] =	stream.indirect_vreg.gather [hbm4b:s1+s3], $0x80, v4, vm0, $0xb8;
	[tilespmem:$0x18200] =	vst v63  }
0xf7: {  	s29 =	simm.s32 $0x9A00;
	v3 =	vadd.s32 v1, v3  }
0xf8: {  	[tilespmem:s29], [sflag:$0x1] =	stream.indirect_vreg.gather [hbm4b:s5+s3], $0x80, v4, vm0, $0xb8;
	[tilespmem:$0x18200] =	vst v63  }
0xf9: {  	s30 =	simm.s32 $0xA200  }
0xfa: {  	[tilespmem:s30], [sflag:$0x1] =	stream.indirect_vreg.gather [hbm4b:s6+s3], $0x80, v4, vm0, $0xb8;
	[tilespmem:$0x18200] =	vst v63  }
0xfb: {  	s31 =	simm.s32 $0xAA00  }
0xfc: {  	[tilespmem:s31], [sflag:$0x1] =	stream.indirect_vreg.gather [hbm4b:s1+s3], $0x80, v3, vm0, $0xb8;
	[tilespmem:$0x18200] =	vst v63  }
0xfd: {  	s11 =	simm.s32 $0xB200  }
0xfe: {  	[tilespmem:s11], [sflag:$0x1] =	stream.indirect_vreg.gather [hbm4b:s5+s3], $0x80, v3, vm0, $0xb8;
	[tilespmem:$0x18200] =	vst v63  }
0xff: {  	s12 =	simm.s32 $0xBA00  }
0x100: {  	[tilespmem:s12], [sflag:$0x1] =	stream.indirect_vreg.gather [hbm4b:s6+s3], $0x80, v3, vm0, $0xb8;
	[tilespmem:$0x18200] =	vst v63  }
0x101: {  	_ =	swait.ge [sflag:s0], $0xC000  }
0x102: {  	[sflag:s0] =	ssyncset.done $0x0  }
0x103: {  	s12 =	rddreg [dreg:$0x5];
	[sflag:s0] =	ssyncadd.s32 $0xFFFF4000  }
0x104: {  	[hbm4b:s12+s3] =	stream.linear.scatter [tilespmem:s4], [sflag:$0x2], $0xC000, $0x38;
	[tilespmem:$0x18200] =	vst v63  }
0x105: {  	_ =	swait.ge [sflag:s8], $0xC000  }
0x106: {  	[sflag:s8] =	ssyncset.done $0x0  }
0x107: {  	[sflag:s8] =	ssyncadd.s32 $0xFFFF4000  }
0x108: {  	v3 =	vld [tilespmem:$0xC0];
	_ =	sdelay $0x4  }
0x109: {  	v44 =	vshrl.u32 v3, $0x3  }
0x10a: {  	v4 =	vmul.u32 $0x30, v44  }
0x10b: {  	v3 =	vand.u32 $0x7, v3  }
0x10c: {  	v3 =	vor.u32 v3, v4  }
0x10d: {  	v4 =	vperm.xlane v3, v0;
	_ =	sdelay $0x1  }
0x10e: {  	v4 =	vadd.s32 v1, v4;
	_ =	sdelay $0x3  }
0x10f: {  	v3 =	vperm.xlane v3, v2  }
0x110: {  	[tilespmem:s4], [sflag:$0x1] =	stream.indirect_vreg.gather [hbm4b:s1+s3], $0x80, v4, vm0, $0xb8;
	[tilespmem:$0x18200] =	vst v63  }
0x111: {  	s12 =	simm.s32 $0xCA00;
	v3 =	vadd.s32 v1, v3  }
0x112: {  	[tilespmem:s12], [sflag:$0x1] =	stream.indirect_vreg.gather [hbm4b:s5+s3], $0x80, v4, vm0, $0xb8;
	[tilespmem:$0x18200] =	vst v63  }
0x113: {  	s10 =	simm.s32 $0xD200  }
0x114: {  	[tilespmem:s10], [sflag:$0x1] =	stream.indirect_vreg.gather [hbm4b:s6+s3], $0x80, v4, vm0, $0xb8;
	[tilespmem:$0x18200] =	vst v63  }
0x115: {  	s10 =	simm.s32 $0xDA00  }
0x116: {  	[tilespmem:s10], [sflag:$0x1] =	stream.indirect_vreg.gather [hbm4b:s1+s3], $0x80, v3, vm0, $0xb8;
	[tilespmem:$0x18200] =	vst v63  }
0x117: {  	s10 =	simm.s32 $0xE200  }
0x118: {  	[tilespmem:s10], [sflag:$0x1] =	stream.indirect_vreg.gather [hbm4b:s5+s3], $0x80, v3, vm0, $0xb8;
	[tilespmem:$0x18200] =	vst v63  }
0x119: {  	s17 =	simm.s32 $0xEA00  }
0x11a: {  	[tilespmem:s17], [sflag:$0x1] =	stream.indirect_vreg.gather [hbm4b:s6+s3], $0x80, v3, vm0, $0xb8;
	[tilespmem:$0x18200] =	vst v63  }
0x11b: {  	v3 =	vld [tilespmem:$0xD0];
	_ =	sdelay $0x4  }
0x11c: {  	v45 =	vshrl.u32 v3, $0x3  }
0x11d: {  	v4 =	vmul.u32 $0x30, v45  }
0x11e: {  	v3 =	vand.u32 $0x7, v3  }
0x11f: {  	v3 =	vor.u32 v3, v4  }
0x120: {  	v4 =	vperm.xlane v3, v0;
	_ =	sdelay $0x1  }
0x121: {  	v4 =	vadd.s32 v1, v4;
	_ =	sdelay $0x3  }
0x122: {  	s17 =	simm.s32 $0xF200;
	v3 =	vperm.xlane v3, v2  }
0x123: {  	[tilespmem:s17], [sflag:$0x1] =	stream.indirect_vreg.gather [hbm4b:s1+s3], $0x80, v4, vm0, $0xb8;
	[tilespmem:$0x18200] =	vst v63  }
0x124: {  	v3 =	vadd.s32 v1, v3;
	s17 =	simm.s32 $0xFA00  }
0x125: {  	[tilespmem:s17], [sflag:$0x1] =	stream.indirect_vreg.gather [hbm4b:s5+s3], $0x80, v4, vm0, $0xb8;
	[tilespmem:$0x18200] =	vst v63  }
0x126: {  	s10 =	simm.s32 $0x10200  }
0x127: {  	[tilespmem:s10], [sflag:$0x1] =	stream.indirect_vreg.gather [hbm4b:s6+s3], $0x80, v4, vm0, $0xb8;
	[tilespmem:$0x18200] =	vst v63  }
0x128: {  	s10 =	simm.s32 $0x10A00  }
0x129: {  	[tilespmem:s10], [sflag:$0x1] =	stream.indirect_vreg.gather [hbm4b:s1+s3], $0x80, v3, vm0, $0xb8;
	[tilespmem:$0x18200] =	vst v63  }
0x12a: {  	s10 =	simm.s32 $0x11200  }
0x12b: {  	[tilespmem:s10], [sflag:$0x1] =	stream.indirect_vreg.gather [hbm4b:s5+s3], $0x80, v3, vm0, $0xb8;
	[tilespmem:$0x18200] =	vst v63  }
0x12c: {  	s10 =	simm.s32 $0x11A00  }
0x12d: {  	[tilespmem:s10], [sflag:$0x1] =	stream.indirect_vreg.gather [hbm4b:s6+s3], $0x80, v3, vm0, $0xb8;
	[tilespmem:$0x18200] =	vst v63  }
0x12e: {  	v3 =	vld [tilespmem:$0xE0];
	_ =	sdelay $0x4  }
0x12f: {  	v46 =	vshrl.u32 v3, $0x3  }
0x130: {  	v4 =	vmul.u32 $0x30, v46  }
0x131: {  	v3 =	vand.u32 $0x7, v3  }
0x132: {  	v3 =	vor.u32 v3, v4  }
0x133: {  	v4 =	vperm.xlane v3, v0;
	_ =	sdelay $0x1  }
0x134: {  	v4 =	vadd.s32 v1, v4;
	_ =	sdelay $0x3  }
0x135: {  	s10 =	simm.s32 $0x12200;
	v3 =	vperm.xlane v3, v2  }
0x136: {  	[tilespmem:s10], [sflag:$0x1] =	stream.indirect_vreg.gather [hbm4b:s1+s3], $0x80, v4, vm0, $0xb8;
	[tilespmem:$0x18200] =	vst v63  }
0x137: {  	v3 =	vadd.s32 v1, v3;
	s10 =	simm.s32 $0x12A00  }
0x138: {  	[tilespmem:s10], [sflag:$0x1] =	stream.indirect_vreg.gather [hbm4b:s5+s3], $0x80, v4, vm0, $0xb8;
	[tilespmem:$0x18200] =	vst v63  }
0x139: {  	s10 =	simm.s32 $0x13200  }
0x13a: {  	[tilespmem:s10], [sflag:$0x1] =	stream.indirect_vreg.gather [hbm4b:s6+s3], $0x80, v4, vm0, $0xb8;
	[tilespmem:$0x18200] =	vst v63  }
0x13b: {  	s10 =	simm.s32 $0x13A00  }
0x13c: {  	[tilespmem:s10], [sflag:$0x1] =	stream.indirect_vreg.gather [hbm4b:s1+s3], $0x80, v3, vm0, $0xb8;
	[tilespmem:$0x18200] =	vst v63  }
0x13d: {  	s10 =	simm.s32 $0x14200  }
0x13e: {  	[tilespmem:s10], [sflag:$0x1] =	stream.indirect_vreg.gather [hbm4b:s5+s3], $0x80, v3, vm0, $0xb8;
	[tilespmem:$0x18200] =	vst v63  }
0x13f: {  	s14 =	simm.s32 $0x14A00  }
0x140: {  	[tilespmem:s14], [sflag:$0x1] =	stream.indirect_vreg.gather [hbm4b:s6+s3], $0x80, v3, vm0, $0xb8;
	[tilespmem:$0x18200] =	vst v63  }
0x141: {  	v3 =	vld [tilespmem:$0xF0];
	_ =	sdelay $0x4  }
0x142: {  	v47 =	vshrl.u32 v3, $0x3  }
0x143: {  	v4 =	vmul.u32 $0x30, v47  }
0x144: {  	v3 =	vand.u32 $0x7, v3  }
0x145: {  	v3 =	vor.u32 v3, v4  }
0x146: {  	v4 =	vperm.xlane v3, v0;
	_ =	sdelay $0x1  }
0x147: {  	v4 =	vadd.s32 v1, v4;
	_ =	sdelay $0x3  }
0x148: {  	s15 =	simm.s32 $0x15200;
	v3 =	vperm.xlane v3, v2  }
0x149: {  	[tilespmem:s15], [sflag:$0x1] =	stream.indirect_vreg.gather [hbm4b:s1+s3], $0x80, v4, vm0, $0xb8;
	[tilespmem:$0x18200] =	vst v63  }
0x14a: {  	s14 =	simm.s32 $0x15A00;
	v3 =	vadd.s32 v1, v3  }
0x14b: {  	[tilespmem:s14], [sflag:$0x1] =	stream.indirect_vreg.gather [hbm4b:s5+s3], $0x80, v4, vm0, $0xb8;
	[tilespmem:$0x18200] =	vst v63  }
0x14c: {  	s15 =	simm.s32 $0x16200  }
0x14d: {  	[tilespmem:s15], [sflag:$0x1] =	stream.indirect_vreg.gather [hbm4b:s6+s3], $0x80, v4, vm0, $0xb8;
	[tilespmem:$0x18200] =	vst v63  }
0x14e: {  	s14 =	simm.s32 $0x16A00  }
0x14f: {  	[tilespmem:s14], [sflag:$0x1] =	stream.indirect_vreg.gather [hbm4b:s1+s3], $0x80, v3, vm0, $0xb8;
	[tilespmem:$0x18200] =	vst v63  }
0x150: {  	s15 =	simm.s32 $0x17200  }
0x151: {  	[tilespmem:s15], [sflag:$0x1] =	stream.indirect_vreg.gather [hbm4b:s5+s3], $0x80, v3, vm0, $0xb8;
	[tilespmem:$0x18200] =	vst v63  }
0x152: {  	s16 =	simm.s32 $0x17A00  }
0x153: {  	[tilespmem:s16], [sflag:$0x1] =	stream.indirect_vreg.gather [hbm4b:s6+s3], $0x80, v3, vm0, $0xb8;
	[tilespmem:$0x18200] =	vst v63  }
0x154: {  	_ =	swait.ge [sflag:s0], $0xC000  }
0x155: {  	[sflag:s0] =	ssyncset.done $0x0  }
0x156: {  	s16 =	rddreg [dreg:$0x6];
	[sflag:s0] =	ssyncadd.s32 $0xFFFF4000  }
0x157: {  	[hbm4b:s16+s3] =	stream.linear.scatter [tilespmem:s13], [sflag:$0x2], $0xC000, $0x38;
	[tilespmem:$0x18200] =	vst v63  }
0x158: {  	_ =	swait.ge [sflag:s8], $0xC000  }
0x159: {  	[sflag:s8] =	ssyncset.done $0x0  }
0x15a: {  	[sflag:s8] =	ssyncadd.s32 $0xFFFF4000  }
0x15b: {  	v3 =	vld [tilespmem:$0x100];
	_ =	sdelay $0x4  }
0x15c: {  	v48 =	vshrl.u32 v3, $0x3  }
0x15d: {  	v4 =	vmul.u32 $0x30, v48  }
0x15e: {  	v3 =	vand.u32 $0x7, v3  }
0x15f: {  	v3 =	vor.u32 v3, v4  }
0x160: {  	v4 =	vperm.xlane v3, v0;
	_ =	sdelay $0x1  }
0x161: {  	v4 =	vadd.s32 v1, v4;
	_ =	sdelay $0x3  }
0x162: {  	v3 =	vperm.xlane v3, v2  }
0x163: {  	[tilespmem:s13], [sflag:$0x1] =	stream.indirect_vreg.gather [hbm4b:s1+s3], $0x80, v4, vm0, $0xb8;
	[tilespmem:$0x18200] =	vst v63  }
0x164: {  	v3 =	vadd.s32 v1, v3  }
0x165: {  	[tilespmem:s2], [sflag:$0x1] =	stream.indirect_vreg.gather [hbm4b:s5+s3], $0x80, v4, vm0, $0xb8;
	[tilespmem:$0x18200] =	vst v63  }
0x166: {  	_ = 	snop  }
0x167: {  	[tilespmem:s9], [sflag:$0x1] =	stream.indirect_vreg.gather [hbm4b:s6+s3], $0x80, v4, vm0, $0xb8;
	[tilespmem:$0x18200] =	vst v63  }
0x168: {  	_ = 	snop  }
0x169: {  	[tilespmem:s18], [sflag:$0x1] =	stream.indirect_vreg.gather [hbm4b:s1+s3], $0x80, v3, vm0, $0xb8;
	[tilespmem:$0x18200] =	vst v63  }
0x16a: {  	_ = 	snop  }
0x16b: {  	[tilespmem:s19], [sflag:$0x1] =	stream.indirect_vreg.gather [hbm4b:s5+s3], $0x80, v3, vm0, $0xb8;
	[tilespmem:$0x18200] =	vst v63  }
0x16c: {  	s19 =	simm.s32 $0x2A00  }
0x16d: {  	[tilespmem:s19], [sflag:$0x1] =	stream.indirect_vreg.gather [hbm4b:s6+s3], $0x80, v3, vm0, $0xb8;
	[tilespmem:$0x18200] =	vst v63  }
0x16e: {  	v3 =	vld [tilespmem:$0x110];
	_ =	sdelay $0x4  }
0x16f: {  	v49 =	vshrl.u32 v3, $0x3  }
0x170: {  	v4 =	vmul.u32 $0x30, v49  }
0x171: {  	v3 =	vand.u32 $0x7, v3  }
0x172: {  	v3 =	vor.u32 v3, v4  }
0x173: {  	v4 =	vperm.xlane v3, v0;
	_ =	sdelay $0x1  }
0x174: {  	v4 =	vadd.s32 v1, v4;
	_ =	sdelay $0x3  }
0x175: {  	s14 =	simm.s32 $0x3200;
	v3 =	vperm.xlane v3, v2  }
0x176: {  	[tilespmem:s14], [sflag:$0x1] =	stream.indirect_vreg.gather [hbm4b:s1+s3], $0x80, v4, vm0, $0xb8;
	[tilespmem:$0x18200] =	vst v63  }
0x177: {  	v3 =	vadd.s32 v1, v3  }
0x178: {  	[tilespmem:s20], [sflag:$0x1] =	stream.indirect_vreg.gather [hbm4b:s5+s3], $0x80, v4, vm0, $0xb8;
	[tilespmem:$0x18200] =	vst v63  }
0x179: {  	_ = 	snop  }
0x17a: {  	[tilespmem:s21], [sflag:$0x1] =	stream.indirect_vreg.gather [hbm4b:s6+s3], $0x80, v4, vm0, $0xb8;
	[tilespmem:$0x18200] =	vst v63  }
0x17b: {  	_ = 	snop  }
0x17c: {  	[tilespmem:s22], [sflag:$0x1] =	stream.indirect_vreg.gather [hbm4b:s1+s3], $0x80, v3, vm0, $0xb8;
	[tilespmem:$0x18200] =	vst v63  }
0x17d: {  	_ = 	snop  }
0x17e: {  	[tilespmem:s23], [sflag:$0x1] =	stream.indirect_vreg.gather [hbm4b:s5+s3], $0x80, v3, vm0, $0xb8;
	[tilespmem:$0x18200] =	vst v63  }
0x17f: {  	s15 =	simm.s32 $0x5A00  }
0x180: {  	[tilespmem:s15], [sflag:$0x1] =	stream.indirect_vreg.gather [hbm4b:s6+s3], $0x80, v3, vm0, $0xb8;
	[tilespmem:$0x18200] =	vst v63  }
0x181: {  	v3 =	vld [tilespmem:$0x120];
	_ =	sdelay $0x4  }
0x182: {  	v50 =	vshrl.u32 v3, $0x3  }
0x183: {  	v4 =	vmul.u32 $0x30, v50  }
0x184: {  	v3 =	vand.u32 $0x7, v3  }
0x185: {  	v3 =	vor.u32 v3, v4  }
0x186: {  	v4 =	vperm.xlane v3, v0;
	_ =	sdelay $0x1  }
0x187: {  	v4 =	vadd.s32 v1, v4;
	_ =	sdelay $0x3  }
0x188: {  	s23 =	simm.s32 $0x6200;
	v3 =	vperm.xlane v3, v2  }
0x189: {  	[tilespmem:s23], [sflag:$0x1] =	stream.indirect_vreg.gather [hbm4b:s1+s3], $0x80, v4, vm0, $0xb8;
	[tilespmem:$0x18200] =	vst v63  }
0x18a: {  	v3 =	vadd.s32 v1, v3  }
0x18b: {  	[tilespmem:s24], [sflag:$0x1] =	stream.indirect_vreg.gather [hbm4b:s5+s3], $0x80, v4, vm0, $0xb8;
	[tilespmem:$0x18200] =	vst v63  }
0x18c: {  	_ = 	snop  }
0x18d: {  	[tilespmem:s25], [sflag:$0x1] =	stream.indirect_vreg.gather [hbm4b:s6+s3], $0x80, v4, vm0, $0xb8;
	[tilespmem:$0x18200] =	vst v63  }
0x18e: {  	_ = 	snop  }
0x18f: {  	[tilespmem:s26], [sflag:$0x1] =	stream.indirect_vreg.gather [hbm4b:s1+s3], $0x80, v3, vm0, $0xb8;
	[tilespmem:$0x18200] =	vst v63  }
0x190: {  	_ = 	snop  }
0x191: {  	[tilespmem:s28], [sflag:$0x1] =	stream.indirect_vreg.gather [hbm4b:s5+s3], $0x80, v3, vm0, $0xb8;
	[tilespmem:$0x18200] =	vst v63  }
0x192: {  	s28 =	simm.s32 $0x8A00  }
0x193: {  	[tilespmem:s28], [sflag:$0x1] =	stream.indirect_vreg.gather [hbm4b:s6+s3], $0x80, v3, vm0, $0xb8;
	[tilespmem:$0x18200] =	vst v63  }
0x194: {  	v3 =	vld [tilespmem:$0x130];
	_ =	sdelay $0x4  }
0x195: {  	v51 =	vshrl.u32 v3, $0x3  }
0x196: {  	v4 =	vmul.u32 $0x30, v51  }
0x197: {  	v3 =	vand.u32 $0x7, v3  }
0x198: {  	v3 =	vor.u32 v3, v4  }
0x199: {  	v4 =	vperm.xlane v3, v0;
	_ =	sdelay $0x1  }
0x19a: {  	v4 =	vadd.s32 v1, v4;
	_ =	sdelay $0x3  }
0x19b: {  	s14 =	simm.s32 $0x9200;
	v3 =	vperm.xlane v3, v2  }
0x19c: {  	[tilespmem:s14], [sflag:$0x1] =	stream.indirect_vreg.gather [hbm4b:s1+s3], $0x80, v4, vm0, $0xb8;
	[tilespmem:$0x18200] =	vst v63  }
0x19d: {  	v3 =	vadd.s32 v1, v3  }
0x19e: {  	[tilespmem:s29], [sflag:$0x1] =	stream.indirect_vreg.gather [hbm4b:s5+s3], $0x80, v4, vm0, $0xb8;
	[tilespmem:$0x18200] =	vst v63  }
0x19f: {  	_ = 	snop  }
0x1a0: {  	[tilespmem:s30], [sflag:$0x1] =	stream.indirect_vreg.gather [hbm4b:s6+s3], $0x80, v4, vm0, $0xb8;
	[tilespmem:$0x18200] =	vst v63  }
0x1a1: {  	_ = 	snop  }
0x1a2: {  	[tilespmem:s31], [sflag:$0x1] =	stream.indirect_vreg.gather [hbm4b:s1+s3], $0x80, v3, vm0, $0xb8;
	[tilespmem:$0x18200] =	vst v63  }
0x1a3: {  	_ = 	snop  }
0x1a4: {  	[tilespmem:s11], [sflag:$0x1] =	stream.indirect_vreg.gather [hbm4b:s5+s3], $0x80, v3, vm0, $0xb8;
	[tilespmem:$0x18200] =	vst v63  }
0x1a5: {  	s15 =	simm.s32 $0xBA00  }
0x1a6: {  	[tilespmem:s15], [sflag:$0x1] =	stream.indirect_vreg.gather [hbm4b:s6+s3], $0x80, v3, vm0, $0xb8;
	[tilespmem:$0x18200] =	vst v63  }
0x1a7: {  	_ =	swait.ge [sflag:s0], $0xC000  }
0x1a8: {  	[sflag:s0] =	ssyncset.done $0x0  }
0x1a9: {  	s31 =	rddreg [dreg:$0x7];
	[sflag:s0] =	ssyncadd.s32 $0xFFFF4000  }
0x1aa: {  	[hbm4b:s31+s3] =	stream.linear.scatter [tilespmem:s4], [sflag:$0x2], $0xC000, $0x38;
	[tilespmem:$0x18200] =	vst v63  }
0x1ab: {  	_ =	swait.ge [sflag:s8], $0xC000  }
0x1ac: {  	[sflag:s8] =	ssyncset.done $0x0  }
0x1ad: {  	[sflag:s8] =	ssyncadd.s32 $0xFFFF4000  }
0x1ae: {  	v3 =	vld [tilespmem:$0x140];
	_ =	sdelay $0x4  }
0x1af: {  	v52 =	vshrl.u32 v3, $0x3  }
0x1b0: {  	v4 =	vmul.u32 $0x30, v52  }
0x1b1: {  	v3 =	vand.u32 $0x7, v3  }
0x1b2: {  	v3 =	vor.u32 v3, v4  }
0x1b3: {  	v4 =	vperm.xlane v3, v0;
	_ =	sdelay $0x1  }
0x1b4: {  	v4 =	vadd.s32 v1, v4;
	_ =	sdelay $0x3  }
0x1b5: {  	v3 =	vperm.xlane v3, v2  }
0x1b6: {  	[tilespmem:s4], [sflag:$0x1] =	stream.indirect_vreg.gather [hbm4b:s1+s3], $0x80, v4, vm0, $0xb8;
	[tilespmem:$0x18200] =	vst v63  }
0x1b7: {  	s12 =	simm.s32 $0xCA00;
	v3 =	vadd.s32 v1, v3  }
0x1b8: {  	[tilespmem:s12], [sflag:$0x1] =	stream.indirect_vreg.gather [hbm4b:s5+s3], $0x80, v4, vm0, $0xb8;
	[tilespmem:$0x18200] =	vst v63  }
0x1b9: {  	s12 =	simm.s32 $0xD200  }
0x1ba: {  	[tilespmem:s12], [sflag:$0x1] =	stream.indirect_vreg.gather [hbm4b:s6+s3], $0x80, v4, vm0, $0xb8;
	[tilespmem:$0x18200] =	vst v63  }
0x1bb: {  	s14 =	simm.s32 $0xDA00  }
0x1bc: {  	[tilespmem:s14], [sflag:$0x1] =	stream.indirect_vreg.gather [hbm4b:s1+s3], $0x80, v3, vm0, $0xb8;
	[tilespmem:$0x18200] =	vst v63  }
0x1bd: {  	s15 =	simm.s32 $0xE200  }
0x1be: {  	[tilespmem:s15], [sflag:$0x1] =	stream.indirect_vreg.gather [hbm4b:s5+s3], $0x80, v3, vm0, $0xb8;
	[tilespmem:$0x18200] =	vst v63  }
0x1bf: {  	s10 =	simm.s32 $0xEA00  }
0x1c0: {  	[tilespmem:s10], [sflag:$0x1] =	stream.indirect_vreg.gather [hbm4b:s6+s3], $0x80, v3, vm0, $0xb8;
	[tilespmem:$0x18200] =	vst v63  }
0x1c1: {  	v3 =	vld [tilespmem:$0x150];
	_ =	sdelay $0x4  }
0x1c2: {  	v53 =	vshrl.u32 v3, $0x3  }
0x1c3: {  	v4 =	vmul.u32 $0x30, v53  }
0x1c4: {  	v3 =	vand.u32 $0x7, v3  }
0x1c5: {  	v3 =	vor.u32 v3, v4  }
0x1c6: {  	v4 =	vperm.xlane v3, v0;
	_ =	sdelay $0x1  }
0x1c7: {  	v4 =	vadd.s32 v1, v4;
	_ =	sdelay $0x3  }
0x1c8: {  	s10 =	simm.s32 $0xF200;
	v3 =	vperm.xlane v3, v2  }
0x1c9: {  	[tilespmem:s10], [sflag:$0x1] =	stream.indirect_vreg.gather [hbm4b:s1+s3], $0x80, v4, vm0, $0xb8;
	[tilespmem:$0x18200] =	vst v63  }
0x1ca: {  	s17 =	simm.s32 $0xFA00;
	v3 =	vadd.s32 v1, v3  }
0x1cb: {  	[tilespmem:s17], [sflag:$0x1] =	stream.indirect_vreg.gather [hbm4b:s5+s3], $0x80, v4, vm0, $0xb8;
	[tilespmem:$0x18200] =	vst v63  }
0x1cc: {  	s10 =	simm.s32 $0x10200  }
0x1cd: {  	[tilespmem:s10], [sflag:$0x1] =	stream.indirect_vreg.gather [hbm4b:s6+s3], $0x80, v4, vm0, $0xb8;
	[tilespmem:$0x18200] =	vst v63  }
0x1ce: {  	s10 =	simm.s32 $0x10A00  }
0x1cf: {  	[tilespmem:s10], [sflag:$0x1] =	stream.indirect_vreg.gather [hbm4b:s1+s3], $0x80, v3, vm0, $0xb8;
	[tilespmem:$0x18200] =	vst v63  }
0x1d0: {  	s10 =	simm.s32 $0x11200  }
0x1d1: {  	[tilespmem:s10], [sflag:$0x1] =	stream.indirect_vreg.gather [hbm4b:s5+s3], $0x80, v3, vm0, $0xb8;
	[tilespmem:$0x18200] =	vst v63  }
0x1d2: {  	s10 =	simm.s32 $0x11A00  }
0x1d3: {  	[tilespmem:s10], [sflag:$0x1] =	stream.indirect_vreg.gather [hbm4b:s6+s3], $0x80, v3, vm0, $0xb8;
	[tilespmem:$0x18200] =	vst v63  }
0x1d4: {  	v3 =	vld [tilespmem:$0x160];
	_ =	sdelay $0x4  }
0x1d5: {  	v54 =	vshrl.u32 v3, $0x3  }
0x1d6: {  	v4 =	vmul.u32 $0x30, v54  }
0x1d7: {  	v3 =	vand.u32 $0x7, v3  }
0x1d8: {  	v3 =	vor.u32 v3, v4  }
0x1d9: {  	v4 =	vperm.xlane v3, v0;
	_ =	sdelay $0x1  }
0x1da: {  	v4 =	vadd.s32 v1, v4;
	_ =	sdelay $0x3  }
0x1db: {  	s10 =	simm.s32 $0x12200;
	v3 =	vperm.xlane v3, v2  }
0x1dc: {  	[tilespmem:s10], [sflag:$0x1] =	stream.indirect_vreg.gather [hbm4b:s1+s3], $0x80, v4, vm0, $0xb8;
	[tilespmem:$0x18200] =	vst v63  }
0x1dd: {  	v3 =	vadd.s32 v1, v3;
	s10 =	simm.s32 $0x12A00  }
0x1de: {  	[tilespmem:s10], [sflag:$0x1] =	stream.indirect_vreg.gather [hbm4b:s5+s3], $0x80, v4, vm0, $0xb8;
	[tilespmem:$0x18200] =	vst v63  }
0x1df: {  	s10 =	simm.s32 $0x13200  }
0x1e0: {  	[tilespmem:s10], [sflag:$0x1] =	stream.indirect_vreg.gather [hbm4b:s6+s3], $0x80, v4, vm0, $0xb8;
	[tilespmem:$0x18200] =	vst v63  }
0x1e1: {  	s10 =	simm.s32 $0x13A00  }
0x1e2: {  	[tilespmem:s10], [sflag:$0x1] =	stream.indirect_vreg.gather [hbm4b:s1+s3], $0x80, v3, vm0, $0xb8;
	[tilespmem:$0x18200] =	vst v63  }
0x1e3: {  	s10 =	simm.s32 $0x14200  }
0x1e4: {  	[tilespmem:s10], [sflag:$0x1] =	stream.indirect_vreg.gather [hbm4b:s5+s3], $0x80, v3, vm0, $0xb8;
	[tilespmem:$0x18200] =	vst v63  }
0x1e5: {  	s10 =	simm.s32 $0x14A00  }
0x1e6: {  	[tilespmem:s10], [sflag:$0x1] =	stream.indirect_vreg.gather [hbm4b:s6+s3], $0x80, v3, vm0, $0xb8;
	[tilespmem:$0x18200] =	vst v63  }
0x1e7: {  	v3 =	vld [tilespmem:$0x170];
	_ =	sdelay $0x4  }
0x1e8: {  	v55 =	vshrl.u32 v3, $0x3  }
0x1e9: {  	v4 =	vmul.u32 $0x30, v55  }
0x1ea: {  	v3 =	vand.u32 $0x7, v3  }
0x1eb: {  	v3 =	vor.u32 v3, v4  }
0x1ec: {  	v4 =	vperm.xlane v3, v0;
	_ =	sdelay $0x1  }
0x1ed: {  	v4 =	vadd.s32 v1, v4;
	_ =	sdelay $0x3  }
0x1ee: {  	s10 =	simm.s32 $0x15200;
	v3 =	vperm.xlane v3, v2  }
0x1ef: {  	[tilespmem:s10], [sflag:$0x1] =	stream.indirect_vreg.gather [hbm4b:s1+s3], $0x80, v4, vm0, $0xb8;
	[tilespmem:$0x18200] =	vst v63  }
0x1f0: {  	v3 =	vadd.s32 v1, v3;
	s10 =	simm.s32 $0x15A00  }
0x1f1: {  	[tilespmem:s10], [sflag:$0x1] =	stream.indirect_vreg.gather [hbm4b:s5+s3], $0x80, v4, vm0, $0xb8;
	[tilespmem:$0x18200] =	vst v63  }
0x1f2: {  	s10 =	simm.s32 $0x16200  }
0x1f3: {  	[tilespmem:s10], [sflag:$0x1] =	stream.indirect_vreg.gather [hbm4b:s6+s3], $0x80, v4, vm0, $0xb8;
	[tilespmem:$0x18200] =	vst v63  }
0x1f4: {  	s10 =	simm.s32 $0x16A00  }
0x1f5: {  	[tilespmem:s10], [sflag:$0x1] =	stream.indirect_vreg.gather [hbm4b:s1+s3], $0x80, v3, vm0, $0xb8;
	[tilespmem:$0x18200] =	vst v63  }
0x1f6: {  	s10 =	simm.s32 $0x17200  }
0x1f7: {  	[tilespmem:s10], [sflag:$0x1] =	stream.indirect_vreg.gather [hbm4b:s5+s3], $0x80, v3, vm0, $0xb8;
	[tilespmem:$0x18200] =	vst v63  }
0x1f8: {  	s10 =	simm.s32 $0x17A00  }
0x1f9: {  	[tilespmem:s10], [sflag:$0x1] =	stream.indirect_vreg.gather [hbm4b:s6+s3], $0x80, v3, vm0, $0xb8;
	[tilespmem:$0x18200] =	vst v63  }
0x1fa: {  	_ =	swait.ge [sflag:s0], $0xC000  }
0x1fb: {  	[sflag:s0] =	ssyncset.done $0x0  }
0x1fc: {  	s10 =	rddreg [dreg:$0x8];
	[sflag:s0] =	ssyncadd.s32 $0xFFFF4000  }
0x1fd: {  	[hbm4b:s10+s3] =	stream.linear.scatter [tilespmem:s13], [sflag:$0x2], $0xC000, $0x38;
	[tilespmem:$0x18200] =	vst v63  }
0x1fe: {  	_ =	swait.ge [sflag:s8], $0xC000  }
0x1ff: {  	[sflag:s8] =	ssyncset.done $0x0  }
0x200: {  	[sflag:s8] =	ssyncadd.s32 $0xFFFF4000  }
0x201: {  	v3 =	vld [tilespmem:$0x180];
	_ =	sdelay $0x4  }
0x202: {  	v56 =	vshrl.u32 v3, $0x3  }
0x203: {  	v4 =	vmul.u32 $0x30, v56  }
0x204: {  	v3 =	vand.u32 $0x7, v3  }
0x205: {  	v3 =	vor.u32 v3, v4  }
0x206: {  	v4 =	vperm.xlane v3, v0;
	_ =	sdelay $0x1  }
0x207: {  	v4 =	vadd.s32 v1, v4;
	_ =	sdelay $0x3  }
0x208: {  	v3 =	vperm.xlane v3, v2  }
0x209: {  	[tilespmem:s13], [sflag:$0x1] =	stream.indirect_vreg.gather [hbm4b:s1+s3], $0x80, v4, vm0, $0xb8;
	[tilespmem:$0x18200] =	vst v63  }
0x20a: {  	s2 =	simm.s32 $0xA00;
	v3 =	vadd.s32 v1, v3  }
0x20b: {  	[tilespmem:s2], [sflag:$0x1] =	stream.indirect_vreg.gather [hbm4b:s5+s3], $0x80, v4, vm0, $0xb8;
	[tilespmem:$0x18200] =	vst v63  }
0x20c: {  	s9 =	simm.s32 $0x1200  }
0x20d: {  	[tilespmem:s9], [sflag:$0x1] =	stream.indirect_vreg.gather [hbm4b:s6+s3], $0x80, v4, vm0, $0xb8;
	[tilespmem:$0x18200] =	vst v63  }
0x20e: {  	s16 =	simm.s32 $0x1A00  }
0x20f: {  	[tilespmem:s16], [sflag:$0x1] =	stream.indirect_vreg.gather [hbm4b:s1+s3], $0x80, v3, vm0, $0xb8;
	[tilespmem:$0x18200] =	vst v63  }
0x210: {  	s18 =	simm.s32 $0x2200  }
0x211: {  	[tilespmem:s18], [sflag:$0x1] =	stream.indirect_vreg.gather [hbm4b:s5+s3], $0x80, v3, vm0, $0xb8;
	[tilespmem:$0x18200] =	vst v63  }
0x212: {  	s16 =	simm.s32 $0x2A00  }
0x213: {  	[tilespmem:s16], [sflag:$0x1] =	stream.indirect_vreg.gather [hbm4b:s6+s3], $0x80, v3, vm0, $0xb8;
	[tilespmem:$0x18200] =	vst v63  }
0x214: {  	v3 =	vld [tilespmem:$0x190];
	_ =	sdelay $0x4  }
0x215: {  	v57 =	vshrl.u32 v3, $0x3  }
0x216: {  	v4 =	vmul.u32 $0x30, v57  }
0x217: {  	v3 =	vand.u32 $0x7, v3  }
0x218: {  	v3 =	vor.u32 v3, v4  }
0x219: {  	v4 =	vperm.xlane v3, v0;
	_ =	sdelay $0x1  }
0x21a: {  	v4 =	vadd.s32 v1, v4;
	_ =	sdelay $0x3  }
0x21b: {  	s18 =	simm.s32 $0x3200;
	v3 =	vperm.xlane v3, v2  }
0x21c: {  	[tilespmem:s18], [sflag:$0x1] =	stream.indirect_vreg.gather [hbm4b:s1+s3], $0x80, v4, vm0, $0xb8;
	[tilespmem:$0x18200] =	vst v63  }
0x21d: {  	s19 =	simm.s32 $0x3A00;
	v3 =	vadd.s32 v1, v3  }
0x21e: {  	[tilespmem:s19], [sflag:$0x1] =	stream.indirect_vreg.gather [hbm4b:s5+s3], $0x80, v4, vm0, $0xb8;
	[tilespmem:$0x18200] =	vst v63  }
0x21f: {  	s20 =	simm.s32 $0x4200  }
0x220: {  	[tilespmem:s20], [sflag:$0x1] =	stream.indirect_vreg.gather [hbm4b:s6+s3], $0x80, v4, vm0, $0xb8;
	[tilespmem:$0x18200] =	vst v63  }
0x221: {  	s21 =	simm.s32 $0x4A00  }
0x222: {  	[tilespmem:s21], [sflag:$0x1] =	stream.indirect_vreg.gather [hbm4b:s1+s3], $0x80, v3, vm0, $0xb8;
	[tilespmem:$0x18200] =	vst v63  }
0x223: {  	s22 =	simm.s32 $0x5200  }
0x224: {  	[tilespmem:s22], [sflag:$0x1] =	stream.indirect_vreg.gather [hbm4b:s5+s3], $0x80, v3, vm0, $0xb8;
	[tilespmem:$0x18200] =	vst v63  }
0x225: {  	s21 =	simm.s32 $0x5A00  }
0x226: {  	[tilespmem:s21], [sflag:$0x1] =	stream.indirect_vreg.gather [hbm4b:s6+s3], $0x80, v3, vm0, $0xb8;
	[tilespmem:$0x18200] =	vst v63  }
0x227: {  	v3 =	vld [tilespmem:$0x1A0];
	_ =	sdelay $0x4  }
0x228: {  	v58 =	vshrl.u32 v3, $0x3  }
0x229: {  	v4 =	vmul.u32 $0x30, v58  }
0x22a: {  	v3 =	vand.u32 $0x7, v3  }
0x22b: {  	v3 =	vor.u32 v3, v4  }
0x22c: {  	v4 =	vperm.xlane v3, v0;
	_ =	sdelay $0x1  }
0x22d: {  	v4 =	vadd.s32 v1, v4;
	_ =	sdelay $0x3  }
0x22e: {  	s22 =	simm.s32 $0x6200;
	v3 =	vperm.xlane v3, v2  }
0x22f: {  	[tilespmem:s22], [sflag:$0x1] =	stream.indirect_vreg.gather [hbm4b:s1+s3], $0x80, v4, vm0, $0xb8;
	[tilespmem:$0x18200] =	vst v63  }
0x230: {  	s23 =	simm.s32 $0x6A00;
	v3 =	vadd.s32 v1, v3  }
0x231: {  	[tilespmem:s23], [sflag:$0x1] =	stream.indirect_vreg.gather [hbm4b:s5+s3], $0x80, v4, vm0, $0xb8;
	[tilespmem:$0x18200] =	vst v63  }
0x232: {  	s24 =	simm.s32 $0x7200  }
0x233: {  	[tilespmem:s24], [sflag:$0x1] =	stream.indirect_vreg.gather [hbm4b:s6+s3], $0x80, v4, vm0, $0xb8;
	[tilespmem:$0x18200] =	vst v63  }
0x234: {  	s25 =	simm.s32 $0x7A00  }
0x235: {  	[tilespmem:s25], [sflag:$0x1] =	stream.indirect_vreg.gather [hbm4b:s1+s3], $0x80, v3, vm0, $0xb8;
	[tilespmem:$0x18200] =	vst v63  }
0x236: {  	s26 =	simm.s32 $0x8200  }
0x237: {  	[tilespmem:s26], [sflag:$0x1] =	stream.indirect_vreg.gather [hbm4b:s5+s3], $0x80, v3, vm0, $0xb8;
	[tilespmem:$0x18200] =	vst v63  }
0x238: {  	s25 =	simm.s32 $0x8A00  }
0x239: {  	[tilespmem:s25], [sflag:$0x1] =	stream.indirect_vreg.gather [hbm4b:s6+s3], $0x80, v3, vm0, $0xb8;
	[tilespmem:$0x18200] =	vst v63  }
0x23a: {  	v3 =	vld [tilespmem:$0x1B0];
	_ =	sdelay $0x4  }
0x23b: {  	v59 =	vshrl.u32 v3, $0x3  }
0x23c: {  	v4 =	vmul.u32 $0x30, v59  }
0x23d: {  	v3 =	vand.u32 $0x7, v3  }
0x23e: {  	v3 =	vor.u32 v3, v4  }
0x23f: {  	v4 =	vperm.xlane v3, v0;
	_ =	sdelay $0x1  }
0x240: {  	v4 =	vadd.s32 v1, v4;
	_ =	sdelay $0x3  }
0x241: {  	s26 =	simm.s32 $0x9200;
	v3 =	vperm.xlane v3, v2  }
0x242: {  	[tilespmem:s26], [sflag:$0x1] =	stream.indirect_vreg.gather [hbm4b:s1+s3], $0x80, v4, vm0, $0xb8;
	[tilespmem:$0x18200] =	vst v63  }
0x243: {  	s28 =	simm.s32 $0x9A00;
	v3 =	vadd.s32 v1, v3  }
0x244: {  	[tilespmem:s28], [sflag:$0x1] =	stream.indirect_vreg.gather [hbm4b:s5+s3], $0x80, v4, vm0, $0xb8;
	[tilespmem:$0x18200] =	vst v63  }
0x245: {  	s29 =	simm.s32 $0xA200  }
0x246: {  	[tilespmem:s29], [sflag:$0x1] =	stream.indirect_vreg.gather [hbm4b:s6+s3], $0x80, v4, vm0, $0xb8;
	[tilespmem:$0x18200] =	vst v63  }
0x247: {  	s30 =	simm.s32 $0xAA00  }
0x248: {  	[tilespmem:s30], [sflag:$0x1] =	stream.indirect_vreg.gather [hbm4b:s1+s3], $0x80, v3, vm0, $0xb8;
	[tilespmem:$0x18200] =	vst v63  }
0x249: {  	s11 =	simm.s32 $0xB200  }
0x24a: {  	[tilespmem:s11], [sflag:$0x1] =	stream.indirect_vreg.gather [hbm4b:s5+s3], $0x80, v3, vm0, $0xb8;
	[tilespmem:$0x18200] =	vst v63  }
0x24b: {  	s30 =	simm.s32 $0xBA00  }
0x24c: {  	[tilespmem:s30], [sflag:$0x1] =	stream.indirect_vreg.gather [hbm4b:s6+s3], $0x80, v3, vm0, $0xb8;
	[tilespmem:$0x18200] =	vst v63  }
0x24d: {  	_ =	swait.ge [sflag:s0], $0xC000  }
0x24e: {  	[sflag:s0] =	ssyncset.done $0x0  }
0x24f: {  	s9 =	rddreg [dreg:$0x9];
	[sflag:s0] =	ssyncadd.s32 $0xFFFF4000  }
0x250: {  	[hbm4b:s9+s3] =	stream.linear.scatter [tilespmem:s4], [sflag:$0x2], $0xC000, $0x38;
	[tilespmem:$0x18200] =	vst v63  }
0x251: {  	_ =	swait.ge [sflag:s8], $0xC000  }
0x252: {  	[sflag:s8] =	ssyncset.done $0x0  }
0x253: {  	[sflag:s8] =	ssyncadd.s32 $0xFFFF4000  }
0x254: {  	v3 =	vld [tilespmem:$0x1C0];
	_ =	sdelay $0x4  }
0x255: {  	v60 =	vshrl.u32 v3, $0x3  }
0x256: {  	v4 =	vmul.u32 $0x30, v60  }
0x257: {  	v3 =	vand.u32 $0x7, v3  }
0x258: {  	v3 =	vor.u32 v3, v4  }
0x259: {  	v4 =	vperm.xlane v3, v0;
	_ =	sdelay $0x1  }
0x25a: {  	v4 =	vadd.s32 v1, v4;
	_ =	sdelay $0x3  }
0x25b: {  	v3 =	vperm.xlane v3, v2  }
0x25c: {  	[tilespmem:s4], [sflag:$0x1] =	stream.indirect_vreg.gather [hbm4b:s1+s3], $0x80, v4, vm0, $0xb8;
	[tilespmem:$0x18200] =	vst v63  }
0x25d: {  	s31 =	simm.s32 $0xCA00;
	v3 =	vadd.s32 v1, v3  }
0x25e: {  	[tilespmem:s31], [sflag:$0x1] =	stream.indirect_vreg.gather [hbm4b:s5+s3], $0x80, v4, vm0, $0xb8;
	[tilespmem:$0x18200] =	vst v63  }
0x25f: {  	s12 =	simm.s32 $0xD200  }
0x260: {  	[tilespmem:s12], [sflag:$0x1] =	stream.indirect_vreg.gather [hbm4b:s6+s3], $0x80, v4, vm0, $0xb8;
	[tilespmem:$0x18200] =	vst v63  }
0x261: {  	s14 =	simm.s32 $0xDA00  }
0x262: {  	[tilespmem:s14], [sflag:$0x1] =	stream.indirect_vreg.gather [hbm4b:s1+s3], $0x80, v3, vm0, $0xb8;
	[tilespmem:$0x18200] =	vst v63  }
0x263: {  	s15 =	simm.s32 $0xE200  }
0x264: {  	[tilespmem:s15], [sflag:$0x1] =	stream.indirect_vreg.gather [hbm4b:s5+s3], $0x80, v3, vm0, $0xb8;
	[tilespmem:$0x18200] =	vst v63  }
0x265: {  	s10 =	simm.s32 $0xEA00  }
0x266: {  	[tilespmem:s10], [sflag:$0x1] =	stream.indirect_vreg.gather [hbm4b:s6+s3], $0x80, v3, vm0, $0xb8;
	[tilespmem:$0x18200] =	vst v63  }
0x267: {  	v3 =	vld [tilespmem:$0x1D0];
	_ =	sdelay $0x4  }
0x268: {  	v61 =	vshrl.u32 v3, $0x3  }
0x269: {  	v4 =	vmul.u32 $0x30, v61  }
0x26a: {  	v3 =	vand.u32 $0x7, v3  }
0x26b: {  	v3 =	vor.u32 v3, v4  }
0x26c: {  	v4 =	vperm.xlane v3, v0;
	_ =	sdelay $0x1  }
0x26d: {  	v4 =	vadd.s32 v1, v4;
	_ =	sdelay $0x3  }
0x26e: {  	s11 =	simm.s32 $0xF200;
	v3 =	vperm.xlane v3, v2  }
0x26f: {  	[tilespmem:s11], [sflag:$0x1] =	stream.indirect_vreg.gather [hbm4b:s1+s3], $0x80, v4, vm0, $0xb8;
	[tilespmem:$0x18200] =	vst v63  }
0x270: {  	s17 =	simm.s32 $0xFA00;
	v3 =	vadd.s32 v1, v3  }
0x271: {  	[tilespmem:s17], [sflag:$0x1] =	stream.indirect_vreg.gather [hbm4b:s5+s3], $0x80, v4, vm0, $0xb8;
	[tilespmem:$0x18200] =	vst v63  }
0x272: {  	s12 =	simm.s32 $0x10200  }
0x273: {  	[tilespmem:s12], [sflag:$0x1] =	stream.indirect_vreg.gather [hbm4b:s6+s3], $0x80, v4, vm0, $0xb8;
	[tilespmem:$0x18200] =	vst v63  }
0x274: {  	s14 =	simm.s32 $0x10A00  }
0x275: {  	[tilespmem:s14], [sflag:$0x1] =	stream.indirect_vreg.gather [hbm4b:s1+s3], $0x80, v3, vm0, $0xb8;
	[tilespmem:$0x18200] =	vst v63  }
0x276: {  	s15 =	simm.s32 $0x11200  }
0x277: {  	[tilespmem:s15], [sflag:$0x1] =	stream.indirect_vreg.gather [hbm4b:s5+s3], $0x80, v3, vm0, $0xb8;
	[tilespmem:$0x18200] =	vst v63  }
0x278: {  	s16 =	simm.s32 $0x11A00  }
0x279: {  	[tilespmem:s16], [sflag:$0x1] =	stream.indirect_vreg.gather [hbm4b:s6+s3], $0x80, v3, vm0, $0xb8;
	[tilespmem:$0x18200] =	vst v63  }
0x27a: {  	v3 =	vld [tilespmem:$0x1E0];
	_ =	sdelay $0x4  }
0x27b: {  	v62 =	vshrl.u32 v3, $0x3  }
0x27c: {  	v4 =	vmul.u32 $0x30, v62  }
0x27d: {  	v3 =	vand.u32 $0x7, v3  }
0x27e: {  	v3 =	vor.u32 v3, v4  }
0x27f: {  	v4 =	vperm.xlane v3, v0;
	_ =	sdelay $0x1  }
0x280: {  	v4 =	vadd.s32 v1, v4;
	_ =	sdelay $0x3  }
0x281: {  	s17 =	simm.s32 $0x12200;
	v3 =	vperm.xlane v3, v2  }
0x282: {  	[tilespmem:s17], [sflag:$0x1] =	stream.indirect_vreg.gather [hbm4b:s1+s3], $0x80, v4, vm0, $0xb8;
	[tilespmem:$0x18200] =	vst v63  }
0x283: {  	s18 =	simm.s32 $0x12A00;
	v3 =	vadd.s32 v1, v3  }
0x284: {  	[tilespmem:s18], [sflag:$0x1] =	stream.indirect_vreg.gather [hbm4b:s5+s3], $0x80, v4, vm0, $0xb8;
	[tilespmem:$0x18200] =	vst v63  }
0x285: {  	s19 =	simm.s32 $0x13200  }
0x286: {  	[tilespmem:s19], [sflag:$0x1] =	stream.indirect_vreg.gather [hbm4b:s6+s3], $0x80, v4, vm0, $0xb8;
	[tilespmem:$0x18200] =	vst v63  }
0x287: {  	s20 =	simm.s32 $0x13A00  }
0x288: {  	[tilespmem:s20], [sflag:$0x1] =	stream.indirect_vreg.gather [hbm4b:s1+s3], $0x80, v3, vm0, $0xb8;
	[tilespmem:$0x18200] =	vst v63  }
0x289: {  	s21 =	simm.s32 $0x14200  }
0x28a: {  	[tilespmem:s21], [sflag:$0x1] =	stream.indirect_vreg.gather [hbm4b:s5+s3], $0x80, v3, vm0, $0xb8;
	[tilespmem:$0x18200] =	vst v63  }
0x28b: {  	s22 =	simm.s32 $0x14A00  }
0x28c: {  	[tilespmem:s22], [sflag:$0x1] =	stream.indirect_vreg.gather [hbm4b:s6+s3], $0x80, v3, vm0, $0xb8;
	[tilespmem:$0x18200] =	vst v63  }
0x28d: {  	v3 =	vld [tilespmem:$0x1F0];
	_ =	sdelay $0x4  }
0x28e: {  	v63 =	vshrl.u32 v3, $0x3  }
0x28f: {  	v4 =	vmul.u32 $0x30, v63  }
0x290: {  	v3 =	vand.u32 $0x7, v3  }
0x291: {  	v3 =	vor.u32 v3, v4  }
0x292: {  	v4 =	vperm.xlane v3, v0;
	_ =	sdelay $0x1  }
0x293: {  	v4 =	vadd.s32 v1, v4;
	_ =	sdelay $0x3  }
0x294: {  	s23 =	simm.s32 $0x15200;
	v3 =	vperm.xlane v3, v2  }
0x295: {  	[tilespmem:s23], [sflag:$0x1] =	stream.indirect_vreg.gather [hbm4b:s1+s3], $0x80, v4, vm0, $0xb8;
	[tilespmem:$0x18200] =	vst v63  }
0x296: {  	s24 =	simm.s32 $0x15A00;
	v3 =	vadd.s32 v1, v3  }
0x297: {  	[tilespmem:s24], [sflag:$0x1] =	stream.indirect_vreg.gather [hbm4b:s5+s3], $0x80, v4, vm0, $0xb8;
	[tilespmem:$0x18200] =	vst v63  }
0x298: {  	s25 =	simm.s32 $0x16200  }
0x299: {  	[tilespmem:s25], [sflag:$0x1] =	stream.indirect_vreg.gather [hbm4b:s6+s3], $0x80, v4, vm0, $0xb8;
	[tilespmem:$0x18200] =	vst v63  }
0x29a: {  	s26 =	simm.s32 $0x16A00  }
0x29b: {  	[tilespmem:s26], [sflag:$0x1] =	stream.indirect_vreg.gather [hbm4b:s1+s3], $0x80, v3, vm0, $0xb8;
	[tilespmem:$0x18200] =	vst v63  }
0x29c: {  	s28 =	simm.s32 $0x17200  }
0x29d: {  	[tilespmem:s28], [sflag:$0x1] =	stream.indirect_vreg.gather [hbm4b:s5+s3], $0x80, v3, vm0, $0xb8;
	[tilespmem:$0x18200] =	vst v63  }
0x29e: {  	s29 =	simm.s32 $0x17A00  }
0x29f: {  	[tilespmem:s29], [sflag:$0x1] =	stream.indirect_vreg.gather [hbm4b:s6+s3], $0x80, v3, vm0, $0xb8;
	[tilespmem:$0x18200] =	vst v63  }
0x2a0: {  	_ =	swait.ge [sflag:s0], $0xC000  }
0x2a1: {  	[sflag:s0] =	ssyncset.done $0x0  }
0x2a2: {  	s30 =	rddreg [dreg:$0xa];
	[sflag:s0] =	ssyncadd.s32 $0xFFFF4000  }
0x2a3: {  	[hbm4b:s30+s3] =	stream.linear.scatter [tilespmem:s13], [sflag:$0x2], $0xC000, $0x38;
	[tilespmem:$0x18200] =	vst v63  }
0x2a4: {  	_ =	swait.ge [sflag:s0], $0xC000  }
0x2a5: {  	[sflag:s0] =	ssyncset.done $0x0  }
0x2a6: {  	s31 =	rddreg [dreg:$0xb];
	[sflag:s0] =	ssyncadd.s32 $0xFFFF4000  }
0x2a7: {  	[hbm4b:s31+s3] =	stream.linear.scatter [tilespmem:s4], [sflag:$0x2], $0xC000, $0x38;
	[tilespmem:$0x18200] =	vst v63  }
0x2a8: {  	p0 =	sne.s32 s7, $0x1;
	_ =	swait.ge [sflag:s8], $0xC000  }
.Ltmp0:
0x2a9: {  	[sflag:s8] =	ssyncset.done $0x0;
	(pc) =	sbr.rel @p0 .LBB2_1-.Ltmp0, $4  }
0x2aa: {  	[sflag:s8] =	ssyncadd.s32 $0xFFFF4000  }
0x2ab: {  	_ =	swait.ge [sflag:s8], $0xC000  }
0x2ac: {  	[sflag:s8] =	ssyncset.done $0x0  }
0x2ad: {  	s7 =	sadd.s32 $0xFFFFFFFF, s7;
	[sflag:s8] =	ssyncadd.s32 $0xFFFF4000  }
0x2ae: {  	_ =	sfence.sel $0x180000  }
0x2af: {  	[bflag:$0x0] =	sbarrier.arrive $0xFFFF  }
0x2b0: {  	_ =	strace $0x90000047  }
0x2b1: {  	s0 =	stileid.u32;
	[bflag:$0x2] =	sbarrier.arrive $0xFFFF  }
0x2b2: {  	p0 =	sne.s32 s0, $0x0;
	s0 =	rddreg [dreg:$0x3]  }
0x2b3: {  	s0 =	sadd.s32 @!p0 $0x100000, s0  }
0x2b4: {  	[sflag:s0] =	ssyncadd.tile.s32 @!p0 $0x1;
	_ =	shalt  }
.Lfunc_end2:
_tile_overlayer_lowered:
.L_overlay_start_2:
0x2b5: {  	(tag) =	ssettag $0x2  }
0x2b6: {  	s0 =	rddreg [dreg:$0x0];
	s2 =	stileid.u32  }
0x2b7: {  	s1 =	rddreg [dreg:$0x1];
	p0 =	sne.s32 s2, $0x0  }
0x2b8: {  	s3 =	rddreg [dreg:$0x2];
	[bflag:$0x3] =	sbarrier.arrive $0xFFFF;
	s2 =	simm.s32 @!p0 $0x1C03  }
0x2b9: {  	[timem:s3], [sflag:s2] =	dma.local @!p0 [hbm:s0], s1  }
0x2ba: {  	s0 =	simm.s32 @!p0 $0x3  }
0x2bb: {  	_ =	swait.ge @!p0 [sflag:s0], s1  }
0x2bc: {  	s1 =	ssub.s32 @!p0 $0x0, s1;
	[sflag:s0] =	ssyncset.done @!p0 $0x0  }
0x2bd: {  	[sflag:s0] =	ssyncadd.s32 @!p0 s1  }
0x2be: {  	[bflag:$0x3] =	sbarrier.arrive $0xFFFF  }
0x2bf: {  	_ =	shalt  }

</sc_bundles>
